<compile_context>
chip_gen: v7x
topology: tpu7x:2x2x1
jax: 0.10.2.dev20260603
libtpu: 0.0.44.dev20260713+nightly
codegen_flags: <defaults>
</compile_context>

<pallas_src>
import functools

import jax
import jax.numpy as jnp
from jax import lax
from jax.experimental import pallas as pl
from jax.experimental.pallas import tpu as pltpu
from jax.experimental.pallas import tpu_sc as plsc

K = 128
ROWS_PER_BLK = 8

SC_CORES = 2
SC_SUBCORES = 16
NW = SC_CORES * SC_SUBCORES
CH = 10000
CAP = 26624
OUTCAP = 256
RESEL_TRIG = 4096
BISECT_ITERS = 21
WIN = 2048
UNROLL = 25


def _stats_body(x_ref, t_ref, m_ref, z_ref):
    x = x_ref[...]
    y = x / t_ref[...]
    m = jnp.max(y, axis=1, keepdims=True)
    e = jnp.exp(y - m)
    z = jnp.sum(e, axis=1, keepdims=True)
    m_ref[...] = m
    z_ref[...] = z


def _sc_select(logits):
    B, C = logits.shape
    rows_per_w = B // NW
    npairs = C // (2 * CH)
    mesh = plsc.VectorSubcoreMesh(
        core_axis_name="c", subcore_axis_name="s",
        num_cores=SC_CORES, num_subcores=SC_SUBCORES)
    neg_inf = jnp.float32(-jnp.inf)

    @functools.partial(
        pl.kernel,
        out_type=[jax.ShapeDtypeStruct((B * OUTCAP,), jnp.float32),
                  jax.ShapeDtypeStruct((B * OUTCAP,), jnp.int32)],
        mesh=mesh,
        compiler_params=pltpu.CompilerParams(needs_layout_passes=False),
        scratch_types=[
            pltpu.VMEM((2 * CH,), jnp.float32),
            pltpu.VMEM((CAP,), jnp.float32),
            pltpu.VMEM((CAP,), jnp.int32),
            pltpu.VMEM((OUTCAP,), jnp.float32),
            pltpu.VMEM((OUTCAP,), jnp.int32),
            pltpu.SemaphoreType.DMA,
            pltpu.SemaphoreType.DMA,
        ],
    )
    def sel(x_hbm, outv_hbm, outi_hbm, buf, cv, ci, sv, si, sem0, sem1):
        wid = lax.axis_index("s") * SC_CORES + lax.axis_index("c")
        lane = lax.iota(jnp.int32, 16)

        def count_gt_win(u, nc):
            def cb(j, acc):
                for t in range(4):
                    v = cv[pl.ds((j * 4 + t) * 16, 16)]
                    valid = ((j * 4 + t) * 16 + lane) < nc
                    acc = acc + jnp.where((v > u) & valid, 1, 0)
                return acc
            acc = lax.fori_loop(0, WIN // 64, cb, jnp.zeros((16,), jnp.int32))
            return jnp.sum(acc)

        def count_gt_full(u, nc):
            def cb(j, acc):
                for t in range(4):
                    v = cv[pl.ds((j * 4 + t) * 16, 16)]
                    valid = ((j * 4 + t) * 16 + lane) < nc
                    acc = acc + jnp.where((v > u) & valid, 1, 0)
                return acc
            acc = lax.fori_loop(0, (nc + 63) // 64, cb,
                                jnp.zeros((16,), jnp.int32))
            return jnp.sum(acc)

        def bisect(nc, counter):
            def bb(_, lohi):
                lo, hi = lohi
                mid = jnp.float32(0.5) * (lo + hi)
                good = counter(mid, nc) >= K
                return (jnp.where(good, mid, lo), jnp.where(good, hi, mid))
            lo, _ = lax.fori_loop(0, BISECT_ITERS, bb,
                                  (jnp.float32(-64.0), jnp.float32(64.0)))
            return lo

        def reselect(thr, nc):
            nv = (nc + 15) // 16
            def rb(j, run):
                v = cv[pl.ds(j * 16, 16)]
                ii = ci[pl.ds(j * 16, 16)]
                valid = (j * 16 + lane) < nc
                msk = (v > thr) & valid
                mi = msk.astype(jnp.int32)
                pc = plsc.cumsum(mi)
                pos = run + (pc - mi)
                plsc.store_scatter(cv, [pos], v, mask=msk)
                plsc.store_scatter(ci, [pos], ii, mask=msk)
                return run + plsc.all_reduce_population_count(msk)
            run = lax.fori_loop(0, nv, rb, jnp.zeros((16,), jnp.int32))
            return jnp.max(run)

        def buf_bisect(thr):
            def cg(u):
                def cb(j, acc):
                    for t in range(4):
                        v = buf[pl.ds((j * 4 + t) * 16, 16)]
                        acc = acc + jnp.where(v > u, 1, 0)
                    return acc
                acc = lax.fori_loop(0, WIN // 64, cb,
                                    jnp.zeros((16,), jnp.int32))
                return jnp.sum(acc)
            def bb(_, lohi):
                lo, hi = lohi
                mid = jnp.float32(0.5) * (lo + hi)
                good = cg(mid) >= K
                return (jnp.where(good, mid, lo), jnp.where(good, hi, mid))
            lo, _ = lax.fori_loop(0, BISECT_ITERS, bb,
                                  (jnp.float32(-64.0), jnp.float32(64.0)))
            return jnp.maximum(thr, lo)

        def maybe_retighten(thr, nc, trig, counter):
            def yes(args):
                thr0, nc0 = args
                lo = jnp.maximum(thr0, bisect(nc0, counter))
                return lo, reselect(lo, nc0)
            return lax.cond(nc > trig, yes, lambda a: a, (thr, nc))

        def process_chunk(base_off, col0, thr, nc):
            def fb(i, run):
                for t in range(UNROLL):
                    k = i * UNROLL + t
                    v = buf[pl.ds(base_off + k * 16, 16)]
                    msk = v > thr
                    mi = msk.astype(jnp.int32)
                    pc = plsc.cumsum(mi)
                    pos = jnp.minimum(run + (pc - mi), CAP - 1)
                    plsc.store_scatter(cv, [pos], v, mask=msk)
                    plsc.store_scatter(ci, [pos], col0 + k * 16 + lane,
                                       mask=msk)
                    run = run + plsc.all_reduce_population_count(msk)
                return run
            run0 = jnp.zeros((16,), jnp.int32) + nc
            run = lax.fori_loop(0, CH // (16 * UNROLL), fb, run0)
            return jnp.max(run)

        def row_fn(q, _):
            row = wid * rows_per_w + q
            rbase = row * C
            pltpu.make_async_copy(
                x_hbm.at[pl.ds(rbase, CH)], buf.at[pl.ds(0, CH)], sem0).start()
            thr = neg_inf
            nc = jnp.int32(0)

            def pair_body(p, carry):
                thr, nc = carry
                k0 = 2 * p
                pltpu.make_async_copy(
                    x_hbm.at[pl.ds(rbase + (k0 + 1) * CH, CH)],
                    buf.at[pl.ds(CH, CH)], sem1).start()
                pltpu.make_async_copy(
                    x_hbm.at[pl.ds(rbase + k0 * CH, CH)],
                    buf.at[pl.ds(0, CH)], sem0).wait()
                thr = lax.cond(p == 0, buf_bisect, lambda t: t, thr)
                nc = process_chunk(0, k0 * CH, thr, nc)
                thr, nc = maybe_retighten(thr, nc, RESEL_TRIG, count_gt_win)

                @pl.when(p < npairs - 1)
                def _():
                    pltpu.make_async_copy(
                        x_hbm.at[pl.ds(rbase + (k0 + 2) * CH, CH)],
                        buf.at[pl.ds(0, CH)], sem0).start()
                pltpu.make_async_copy(
                    x_hbm.at[pl.ds(rbase + (k0 + 1) * CH, CH)],
                    buf.at[pl.ds(CH, CH)], sem1).wait()
                nc = process_chunk(CH, (k0 + 1) * CH, thr, nc)
                thr, nc = maybe_retighten(thr, nc, RESEL_TRIG, count_gt_win)
                return thr, nc

            thr, nc = lax.fori_loop(0, npairs, pair_body, (thr, nc))
            thr, nc = maybe_retighten(thr, nc, OUTCAP, count_gt_full)
            ncf = jnp.minimum(nc, OUTCAP)
            for t in range(OUTCAP // 16):
                g = (t * 16 + lane) < ncf
                sv[pl.ds(t * 16, 16)] = jnp.where(g, cv[pl.ds(t * 16, 16)],
                                                  neg_inf)
                si[pl.ds(t * 16, 16)] = jnp.where(g, ci[pl.ds(t * 16, 16)], 0)
            pltpu.sync_copy(sv, outv_hbm.at[pl.ds(row * OUTCAP, OUTCAP)])
            pltpu.sync_copy(si, outi_hbm.at[pl.ds(row * OUTCAP, OUTCAP)])
            return 0

        lax.fori_loop(0, rows_per_w, row_fn, 0)

    fv, fi = sel(logits.reshape(-1))
    return fv.reshape(B, OUTCAP), fi.reshape(B, OUTCAP)


def _fused_body(x_ref, v_ref, i_ref, pc_ref, t_ref, q_ref,
                mask_ref, copy_ref):
    x = x_ref[...]
    yx = x / t_ref[...]
    m_ref_v = jnp.max(yx, axis=1, keepdims=True)
    z_ref_v = jnp.sum(jnp.exp(yx - m_ref_v), axis=1, keepdims=True)

    v = v_ref[...]
    ii = i_ref[...]
    gt = (v[:, None, :] > v[:, :, None]) | (
        (v[:, None, :] == v[:, :, None]) & (ii[:, None, :] < ii[:, :, None]))
    rank = jnp.sum(gt.astype(jnp.int32), axis=2)
    oh = rank[:, :, None] == lax.broadcasted_iota(
        jnp.int32, (v.shape[0], OUTCAP, K), 2)
    sv = jnp.sum(jnp.where(oh, v[:, :, None], 0.0), axis=1)
    si = jnp.sum(jnp.where(oh, ii[:, :, None], 0), axis=1)

    y = sv / t_ref[...]
    s = jnp.exp(y - m_ref_v) / z_ref_v
    c = s
    d = 1
    while d < K:
        c = c + jnp.concatenate(
            [jnp.zeros((c.shape[0], d), c.dtype), c[:, :K - d]], axis=1)
        d *= 2
    f = c + pc_ref[...]
    cnt = jnp.sum((f <= q_ref[...]).astype(jnp.int32), axis=1, keepdims=True)
    sizes = jnp.minimum(cnt + 1, K)
    col = lax.broadcasted_iota(jnp.int32, sv.shape, 1)
    oh2 = col == (sizes - 1)
    t = jnp.sum(jnp.where(oh2, sv, 0.0), axis=1, keepdims=True)
    b = jnp.sum(jnp.where(oh2, si, 0), axis=1, keepdims=True)

    colx = lax.broadcasted_iota(jnp.int32, x.shape, 1)
    keep = (x > t) | ((x == t) & (colx <= b))
    mask_ref[...] = keep.astype(jnp.float32)
    copy_ref[...] = x


def kernel(logits, T, penalties, Qhat):
    B, C = logits.shape
    f32 = jnp.float32
    T2 = jnp.asarray(T, f32).reshape(1, 1)
    Q2 = jnp.asarray(Qhat, f32).reshape(1, 1)
    nblk = B // ROWS_PER_BLK

    candv, candi = _sc_select(logits)

    pcK = jnp.cumsum(penalties, axis=1)[:, :K]

    mask, xcopy = pl.pallas_call(
        _fused_body,
        grid=(nblk,),
        in_specs=[pl.BlockSpec((ROWS_PER_BLK, C), lambda i: (i, 0)),
                  pl.BlockSpec((ROWS_PER_BLK, OUTCAP), lambda i: (i, 0)),
                  pl.BlockSpec((ROWS_PER_BLK, OUTCAP), lambda i: (i, 0)),
                  pl.BlockSpec((1, K), lambda i: (0, 0)),
                  pl.BlockSpec((1, 1), lambda i: (0, 0)),
                  pl.BlockSpec((1, 1), lambda i: (0, 0))],
        out_specs=[pl.BlockSpec((ROWS_PER_BLK, C), lambda i: (i, 0)),
                   pl.BlockSpec((ROWS_PER_BLK, C), lambda i: (i, 0))],
        out_shape=[jax.ShapeDtypeStruct((B, C), f32),
                   jax.ShapeDtypeStruct((B, C), f32)],
    )(logits, candv, candi, pcK, T2, Q2)

    return (xcopy, mask)

# --- scband reference (transcript-rebuilt; emitter-appended) ---
"""Pipeline reference for scband-conformal-model-logits-2980707304085 (READ-ONLY COPY).

The authoritative reference and input builder live on the scoring server;
editing this copy changes nothing except your own understanding.
"""

import jax, jax.numpy as jnp
import numpy as np

B = 128
C = 100000
ALPHA = 0.1
KREG = 5
LAMDA = 0.01


def setup_inputs(seed: int = 0) -> dict:
    key = jax.random.key(seed)
    logits = jax.random.normal(key, (B, C), dtype=jnp.float32) * 2.0
    # Platt temperature (would come from platt_logits calibration)
    T = jnp.float32(1.3)
    # RAPS penalties: zeros with lamda added from index kreg onward
    penalties = jnp.zeros((1, C), dtype=jnp.float32).at[:, KREG:].add(LAMDA)
    # Calibrated conformal quantile (would come from conformal_calibration_logits)
    Qhat = jnp.float32(0.93)
    return {"logits": logits, "T": T, "penalties": penalties, "Qhat": Qhat}


def reference(logits, T, penalties, Qhat):
    # forward: temperature-scaled softmax
    scores = jax.nn.softmax(logits / T, axis=1)
    # sort_sum: I (desc indices), ordered (desc probs), cumsum
    order = jnp.argsort(-scores, axis=1)                 # I, [B, C]
    ordered = jnp.take_along_axis(scores, order, axis=1)  # [B, C]
    cumsum = jnp.cumsum(ordered, axis=1)                 # [B, C]
    # gcq (randomized=False path): set sizes from threshold Qhat
    pen_cumsum = jnp.cumsum(penalties, axis=1)           # [1, C]
    sizes = jnp.sum((cumsum + pen_cumsum <= Qhat).astype(jnp.int32), axis=1) + 1
    sizes = jnp.minimum(sizes, C)
    # allow_zero_sets=False -> sizes of 0 become 1
    sizes = jnp.where(sizes == 0, 1, sizes)
    # S[i] = I[i, :sizes[i]] represented as a dense membership mask [B, C]
    rank = jnp.argsort(order, axis=1)                    # rank of each class in desc order
    mask = (rank < sizes[:, None]).astype(jnp.float32)
    return (logits, mask)

if __name__ == "__main__":
    import jax
    _d = setup_inputs()
    print(jax.jit(kernel)(*tuple(_d.values())))

</pallas_src>

<mosaic_0001>
#map = affine_map<(d0, d1) -> (0)>
module attributes {stable_mosaic.version = 14 : i64} {
  func.func @_rewritten_body(%arg0: i32, %arg1: i32, %arg2: memref<12800000xf32, #tpu.memory_space<hbm>>, %arg3: memref<1xf32, #tpu.memory_space<hbm>>, %arg4: memref<32768xf32, #tpu.memory_space<hbm>>, %arg5: memref<32768xi32, #tpu.memory_space<hbm>>, %arg6: memref<20000xf32, #tpu.memory_space<vmem>>, %arg7: memref<26624xf32, #tpu.memory_space<vmem>>, %arg8: memref<26624xi32, #tpu.memory_space<vmem>>, %arg9: memref<256xf32, #tpu.memory_space<vmem>>, %arg10: memref<256xi32, #tpu.memory_space<vmem>>, %arg11: memref<!tpu.dma_semaphore, #tpu.memory_space<semaphore_mem>>, %arg12: memref<!tpu.dma_semaphore, #tpu.memory_space<semaphore_mem>>) attributes {dimension_semantics = [#tpu.dimension_semantics<core_parallel>, #tpu.dimension_semantics<subcore_parallel>], iteration_bounds = array<i64: 2, 16>, scalar_prefetch = 0 : i64, scratch_operands = 7 : i64, tpu.core_type = #tpu.core_type<sc_vector_subcore>, window_params = [{transform_indices = #map}, {transform_indices = #map}, {transform_indices = #map}, {transform_indices = #map}]} {
    %empty_ref3A = memref.alloca() : memref<16xf32, #tpu.memory_space<vmem>>
    "tpu.region"() ({
      %run_scoped3A = tpu.sem_alloc : memref<!tpu.dma_semaphore, #tpu.memory_space<semaphore_mem>>
      %dma_start3A = arith.constant 0 : i32
      %dma_start3A_8 = tpu.memref_slice %empty_ref3A[%dma_start3A] : memref<16xf32, #tpu.memory_space<vmem>> -> memref<1xf32, #tpu.memory_space<vmem>>
      %dma_start3A_9 = arith.constant 0 : i32
      %dma_start3A_10 = tpu.memref_slice %empty_ref3A[%dma_start3A_9] : memref<16xf32, #tpu.memory_space<vmem>> -> memref<1xf32, #tpu.memory_space<vmem>>
      tpu.enqueue_dma source(%arg3 : memref<1xf32, #tpu.memory_space<hbm>>) target(%dma_start3A_10 : memref<1xf32, #tpu.memory_space<vmem>>) target_semaphore(%run_scoped3A : memref<!tpu.dma_semaphore, #tpu.memory_space<semaphore_mem>>)
      %dma_wait3A = arith.constant 0 : i32
      %dma_wait3A_11 = tpu.memref_slice %empty_ref3A[%dma_wait3A] : memref<16xf32, #tpu.memory_space<vmem>> -> memref<1xf32, #tpu.memory_space<vmem>>
      %dma_wait3A_12 = arith.constant 0 : i32
      %dma_wait3A_13 = tpu.memref_slice %empty_ref3A[%dma_wait3A_12] : memref<16xf32, #tpu.memory_space<vmem>> -> memref<1xf32, #tpu.memory_space<vmem>>
      tpu.wait_dma2 semaphore(%run_scoped3A : memref<!tpu.dma_semaphore, #tpu.memory_space<semaphore_mem>>) src(%arg3 : memref<1xf32, #tpu.memory_space<hbm>>) dst(%dma_wait3A_13 : memref<1xf32, #tpu.memory_space<vmem>>)
      tpu.yield
    }) : () -> ()
    %get3A = arith.constant 0 : index
    %get3A_0 = tpu.vector_load %empty_ref3A[%get3A] {strides = array<i32>} : memref<16xf32, #tpu.memory_space<vmem>>, vector<16xf32>,
    %slice3A = vector.extract_strided_slice %get3A_0 {offsets = [0], sizes = [1], strides = [1]} : vector<16xf32> to vector<1xf32>
    %squeeze3A = vector.extract %slice3A[0] : f32 from vector<1xf32>
    %mul3A = arith.constant 2 : i32
    %mul3A_1 = arith.muli %arg1, %mul3A : i32
    %add3A = arith.addi %mul3A_1, %arg0 : i32
    %iota3A = tpu.iota {dimensions = array<i32: 0>} : vector<16xi32>
    %scan3A = arith.constant 0 : i32
    %scan3A_2 = arith.constant 0 : i32
    %scan3A_3 = arith.constant 4 : i32
    %scan3A_4 = arith.addi %scan3A_2, %scan3A_3 : i32
    %scan3A_5 = arith.constant 1 : i32
    %scan3A_6 = scf.for %scan3A_8 = %scan3A_2 to %scan3A_4 step %scan3A_5 iter_args(%scan3A_9 = %scan3A) -> (i32)  : i32 {
      %mul3A_10 = arith.constant 4 : i32
      %mul3A_11 = arith.muli %add3A, %mul3A_10 : i32
      %add3A_12 = arith.addi %mul3A_11, %scan3A_8 : i32
      %mul3A_13 = arith.constant 100000 : i32
      %mul3A_14 = arith.muli %add3A_12, %mul3A_13 : i32
      %dma_start3A = arith.constant 0 : i32
      %dma_start3A_15 = tpu.memref_slice %arg6[%dma_start3A] : memref<20000xf32, #tpu.memory_space<vmem>> -> memref<10000xf32, #tpu.memory_space<vmem>>
      %dma_start3A_16 = tpu.memref_slice %arg2[%mul3A_14] : memref<12800000xf32, #tpu.memory_space<hbm>> -> memref<10000xf32, #tpu.memory_space<hbm>>
      %dma_start3A_17 = arith.constant 0 : i32
      %dma_start3A_18 = tpu.memref_slice %arg6[%dma_start3A_17] : memref<20000xf32, #tpu.memory_space<vmem>> -> memref<10000xf32, #tpu.memory_space<vmem>>
      %dma_start3A_19 = tpu.memref_slice %arg2[%mul3A_14] : memref<12800000xf32, #tpu.memory_space<hbm>> -> memref<10000xf32, #tpu.memory_space<hbm>>
      tpu.enqueue_dma source(%dma_start3A_19 : memref<10000xf32, #tpu.memory_space<hbm>>) target(%dma_start3A_18 : memref<10000xf32, #tpu.memory_space<vmem>>) target_semaphore(%arg11 : memref<!tpu.dma_semaphore, #tpu.memory_space<semaphore_mem>>)
      %scan3A_20 = arith.constant 0 : i32
      %scan3A_21 = arith.constant 0 : i32
      %scan3A_22 = arith.constant 5 : i32
      %scan3A_23 = arith.addi %scan3A_21, %scan3A_22 : i32
      %scan3A_24 = arith.constant 1 : i32
      %scan3A_25:2 = scf.for %scan3A_319 = %scan3A_21 to %scan3A_23 step %scan3A_24 iter_args(%scan3A_320 = %squeeze3A, %scan3A_321 = %scan3A_20) -> (f32, i32)  : i32 {
        %mul3A_322 = arith.constant 2 : i32
        %mul3A_323 = arith.muli %mul3A_322, %scan3A_319 : i32
        %add3A_324 = arith.constant 1 : i32
        %add3A_325 = arith.addi %mul3A_323, %add3A_324 : i32
        %mul3A_326 = arith.constant 10000 : i32
        %mul3A_327 = arith.muli %add3A_325, %mul3A_326 : i32
        %add3A_328 = arith.addi %mul3A_14, %mul3A_327 : i32
        %dma_start3A_329 = arith.constant 10000 : i32
        %dma_start3A_330 = tpu.memref_slice %arg6[%dma_start3A_329] : memref<20000xf32, #tpu.memory_space<vmem>> -> memref<10000xf32, #tpu.memory_space<vmem>>
        %dma_start3A_331 = tpu.memref_slice %arg2[%add3A_328] : memref<12800000xf32, #tpu.memory_space<hbm>> -> memref<10000xf32, #tpu.memory_space<hbm>>
        %dma_start3A_332 = arith.constant 10000 : i32
        %dma_start3A_333 = tpu.memref_slice %arg6[%dma_start3A_332] : memref<20000xf32, #tpu.memory_space<vmem>> -> memref<10000xf32, #tpu.memory_space<vmem>>
        %dma_start3A_334 = tpu.memref_slice %arg2[%add3A_328] : memref<12800000xf32, #tpu.memory_space<hbm>> -> memref<10000xf32, #tpu.memory_space<hbm>>
        tpu.enqueue_dma source(%dma_start3A_334 : memref<10000xf32, #tpu.memory_space<hbm>>) target(%dma_start3A_333 : memref<10000xf32, #tpu.memory_space<vmem>>) target_semaphore(%arg12 : memref<!tpu.dma_semaphore, #tpu.memory_space<semaphore_mem>>)
        %mul3A_335 = arith.constant 10000 : i32
        %mul3A_336 = arith.muli %mul3A_323, %mul3A_335 : i32
        %add3A_337 = arith.addi %mul3A_14, %mul3A_336 : i32
        %dma_wait3A = arith.constant 0 : i32
        %dma_wait3A_338 = tpu.memref_slice %arg6[%dma_wait3A] : memref<20000xf32, #tpu.memory_space<vmem>> -> memref<10000xf32, #tpu.memory_space<vmem>>
        %dma_wait3A_339 = tpu.memref_slice %arg2[%add3A_337] : memref<12800000xf32, #tpu.memory_space<hbm>> -> memref<10000xf32, #tpu.memory_space<hbm>>
        %dma_wait3A_340 = arith.constant 0 : i32
        %dma_wait3A_341 = tpu.memref_slice %arg6[%dma_wait3A_340] : memref<20000xf32, #tpu.memory_space<vmem>> -> memref<10000xf32, #tpu.memory_space<vmem>>
        %dma_wait3A_342 = tpu.memref_slice %arg2[%add3A_337] : memref<12800000xf32, #tpu.memory_space<hbm>> -> memref<10000xf32, #tpu.memory_space<hbm>>
        tpu.wait_dma2 semaphore(%arg11 : memref<!tpu.dma_semaphore, #tpu.memory_space<semaphore_mem>>) src(%dma_wait3A_342 : memref<10000xf32, #tpu.memory_space<hbm>>) dst(%dma_wait3A_341 : memref<10000xf32, #tpu.memory_space<vmem>>)
        %eq3A = arith.constant 0 : i32
        %eq3A_343 = arith.cmpi eq, %scan3A_319, %eq3A : i32
        %convert_element_type3A_344 = arith.extui %eq3A_343 : i1 to i32
        %cond3A_345 = arith.constant 0 : i32
        %cond3A_346 = arith.cmpi ne, %convert_element_type3A_344, %cond3A_345 : i32
        %cond3A_347 = scf.if %cond3A_346 -> (f32) {
          %scan3A_417 = arith.constant -6.400000e+01 : f32
          %scan3A_418 = arith.constant 6.400000e+01 : f32
          %scan3A_419 = arith.constant 0 : i32
          %scan3A_420 = arith.constant 21 : i32
          %scan3A_421 = arith.addi %scan3A_419, %scan3A_420 : i32
          %scan3A_422 = arith.constant 1 : i32
          %scan3A_423:2 = scf.for %scan3A_425 = %scan3A_419 to %scan3A_421 step %scan3A_422 iter_args(%scan3A_426 = %scan3A_417, %scan3A_427 = %scan3A_418) -> (f32, f32)  : i32 {
            %add3A_428 = arith.addf %scan3A_426, %scan3A_427 : f32
            %mul3A_429 = arith.constant 5.000000e-01 : f32
            %mul3A_430 = arith.mulf %mul3A_429, %add3A_428 : f32
            %broadcast_in_dim3A_431 = arith.constant 0 : i32
            %broadcast_in_dim3A_432 = vector.broadcast %broadcast_in_dim3A_431 : i32 to vector<16xi32>
            %scan3A_433 = arith.constant 0 : i32
            %scan3A_434 = arith.constant 32 : i32
            %scan3A_435 = arith.addi %scan3A_433, %scan3A_434 : i32
            %scan3A_436 = arith.constant 1 : i32
            %scan3A_437 = scf.for %scan3A_445 = %scan3A_433 to %scan3A_435 step %scan3A_436 iter_args(%scan3A_446 = %broadcast_in_dim3A_432) -> (vector<16xi32>)  : i32 {
              %mul3A_447 = arith.constant 4 : i32
              %mul3A_448 = arith.muli %scan3A_445, %mul3A_447 : i32
              %add3A_449 = arith.constant 0 : i32
              %add3A_450 = arith.addi %mul3A_448, %add3A_449 : i32
              %mul3A_451 = arith.constant 16 : i32
              %mul3A_452 = arith.muli %add3A_450, %mul3A_451 : i32
              %get3A_453 = arith.index_cast %mul3A_452 : i32 to index
              %get3A_454 = tpu.vector_load %arg6[%get3A_453] {strides = array<i32>} : memref<20000xf32, #tpu.memory_space<vmem>>, vector<16xf32>,
              %gt3A_455 = vector.broadcast %mul3A_430 : f32 to vector<16xf32>
              %gt3A_456 = arith.cmpf ogt, %get3A_454, %gt3A_455 : vector<16xf32>
              %jit3A_457 = arith.constant 1 : i32
              %jit3A_458 = arith.constant 0 : i32
              %broadcast_in_dim3A_459 = vector.broadcast %jit3A_457 : i32 to vector<16xi32>
              %broadcast_in_dim3A_460 = vector.broadcast %jit3A_458 : i32 to vector<16xi32>
              %select_n3A_461 = arith.select %gt3A_456, %broadcast_in_dim3A_459, %broadcast_in_dim3A_460 : vector<16xi1>, vector<16xi32>
              %add3A_462 = arith.addi %scan3A_446, %select_n3A_461 : vector<16xi32>
              %mul3A_463 = arith.constant 4 : i32
              %mul3A_464 = arith.muli %scan3A_445, %mul3A_463 : i32
              %add3A_465 = arith.constant 1 : i32
              %add3A_466 = arith.addi %mul3A_464, %add3A_465 : i32
              %mul3A_467 = arith.constant 16 : i32
              %mul3A_468 = arith.muli %add3A_466, %mul3A_467 : i32
              %get3A_469 = arith.index_cast %mul3A_468 : i32 to index
              %get3A_470 = tpu.vector_load %arg6[%get3A_469] {strides = array<i32>} : memref<20000xf32, #tpu.memory_space<vmem>>, vector<16xf32>,
              %gt3A_471 = vector.broadcast %mul3A_430 : f32 to vector<16xf32>
              %gt3A_472 = arith.cmpf ogt, %get3A_470, %gt3A_471 : vector<16xf32>
              %jit3A_473 = arith.constant 1 : i32
              %jit3A_474 = arith.constant 0 : i32
              %broadcast_in_dim3A_475 = vector.broadcast %jit3A_473 : i32 to vector<16xi32>
              %broadcast_in_dim3A_476 = vector.broadcast %jit3A_474 : i32 to vector<16xi32>
              %select_n3A_477 = arith.select %gt3A_472, %broadcast_in_dim3A_475, %broadcast_in_dim3A_476 : vector<16xi1>, vector<16xi32>
              %add3A_478 = arith.addi %add3A_462, %select_n3A_477 : vector<16xi32>
              %mul3A_479 = arith.constant 4 : i32
              %mul3A_480 = arith.muli %scan3A_445, %mul3A_479 : i32
              %add3A_481 = arith.constant 2 : i32
              %add3A_482 = arith.addi %mul3A_480, %add3A_481 : i32
              %mul3A_483 = arith.constant 16 : i32
              %mul3A_484 = arith.muli %add3A_482, %mul3A_483 : i32
              %get3A_485 = arith.index_cast %mul3A_484 : i32 to index
              %get3A_486 = tpu.vector_load %arg6[%get3A_485] {strides = array<i32>} : memref<20000xf32, #tpu.memory_space<vmem>>, vector<16xf32>,
              %gt3A_487 = vector.broadcast %mul3A_430 : f32 to vector<16xf32>
              %gt3A_488 = arith.cmpf ogt, %get3A_486, %gt3A_487 : vector<16xf32>
              %jit3A_489 = arith.constant 1 : i32
              %jit3A_490 = arith.constant 0 : i32
              %broadcast_in_dim3A_491 = vector.broadcast %jit3A_489 : i32 to vector<16xi32>
              %broadcast_in_dim3A_492 = vector.broadcast %jit3A_490 : i32 to vector<16xi32>
              %select_n3A_493 = arith.select %gt3A_488, %broadcast_in_dim3A_491, %broadcast_in_dim3A_492 : vector<16xi1>, vector<16xi32>
              %add3A_494 = arith.addi %add3A_478, %select_n3A_493 : vector<16xi32>
              %mul3A_495 = arith.constant 4 : i32
              %mul3A_496 = arith.muli %scan3A_445, %mul3A_495 : i32
              %add3A_497 = arith.constant 3 : i32
              %add3A_498 = arith.addi %mul3A_496, %add3A_497 : i32
              %mul3A_499 = arith.constant 16 : i32
              %mul3A_500 = arith.muli %add3A_498, %mul3A_499 : i32
              %get3A_501 = arith.index_cast %mul3A_500 : i32 to index
              %get3A_502 = tpu.vector_load %arg6[%get3A_501] {strides = array<i32>} : memref<20000xf32, #tpu.memory_space<vmem>>, vector<16xf32>,
              %gt3A_503 = vector.broadcast %mul3A_430 : f32 to vector<16xf32>
              %gt3A_504 = arith.cmpf ogt, %get3A_502, %gt3A_503 : vector<16xf32>
              %jit3A_505 = arith.constant 1 : i32
              %jit3A_506 = arith.constant 0 : i32
              %broadcast_in_dim3A_507 = vector.broadcast %jit3A_505 : i32 to vector<16xi32>
              %broadcast_in_dim3A_508 = vector.broadcast %jit3A_506 : i32 to vector<16xi32>
              %select_n3A_509 = arith.select %gt3A_504, %broadcast_in_dim3A_507, %broadcast_in_dim3A_508 : vector<16xi1>, vector<16xi32>
              %add3A_510 = arith.addi %add3A_494, %select_n3A_509 : vector<16xi32>
              scf.yield %add3A_510 : vector<16xi32>
            }
            %scan3A_438 = arith.constant 32 : i32
            %reduce_sum3A = arith.constant true
            %reduce_sum3A_439 = vector.broadcast %reduce_sum3A : i1 to vector<16xi1>
            %reduce_sum3A_440 = tpu.scan <sum>, %scan3A_437 masked %reduce_sum3A_439 : vector<16xi32>, vector<16xi1> -> vector<16xi32>
            %reduce_sum3A_441 = vector.extract %reduce_sum3A_440[15] : i32 from vector<16xi32>
            %ge3A = arith.constant 128 : i32
            %ge3A_442 = arith.cmpi sge, %reduce_sum3A_441, %ge3A : i32
            %select_n3A_443 = arith.select %ge3A_442, %mul3A_430, %scan3A_426 : f32
            %select_n3A_444 = arith.select %ge3A_442, %scan3A_427, %mul3A_430 : f32
            scf.yield %select_n3A_443, %select_n3A_444 : f32, f32
          }
          %scan3A_424 = arith.constant 21 : i32
          %max3A = arith.maximumf %scan3A_320, %scan3A_423#0 : f32
          scf.yield %max3A : f32
        } else {
          scf.yield %scan3A_320 : f32
        }
        %mul3A_348 = arith.constant 10000 : i32
        %mul3A_349 = arith.muli %mul3A_323, %mul3A_348 : i32
        %broadcast_in_dim3A_350 = arith.constant 0 : i32
        %broadcast_in_dim3A_351 = vector.broadcast %broadcast_in_dim3A_350 : i32 to vector<16xi32>
        %add3A_352 = vector.broadcast %scan3A_321 : i32 to vector<16xi32>
        %add3A_353 = arith.addi %broadcast_in_dim3A_351, %add3A_352 : vector<16xi32>
        %scan3A_354 = arith.constant 0 : i32
        %scan3A_355 = arith.constant 25 : i32
        %scan3A_356 = arith.addi %scan3A_354, %scan3A_355 : i32
        %scan3A_357 = arith.constant 1 : i32
        %scan3A_358 = scf.for %scan3A_417 = %scan3A_354 to %scan3A_356 step %scan3A_357 iter_args(%scan3A_418 = %add3A_353) -> (vector<16xi32>)  : i32 {
          %mul3A_419 = arith.constant 25 : i32
          %mul3A_420 = arith.muli %scan3A_417, %mul3A_419 : i32
          %add3A_421 = arith.constant 0 : i32
          %add3A_422 = arith.addi %mul3A_420, %add3A_421 : i32
          %mul3A_423 = arith.constant 16 : i32
          %mul3A_424 = arith.muli %add3A_422, %mul3A_423 : i32
          %add3A_425 = arith.constant 0 : i32
          %add3A_426 = arith.addi %add3A_425, %mul3A_424 : i32
          %get3A_427 = arith.index_cast %add3A_426 : i32 to index
          %get3A_428 = tpu.vector_load %arg6[%get3A_427] {strides = array<i32>} : memref<20000xf32, #tpu.memory_space<vmem>>, vector<16xf32>,
          %gt3A_429 = vector.broadcast %cond3A_347 : f32 to vector<16xf32>
          %gt3A_430 = arith.cmpf ogt, %get3A_428, %gt3A_429 : vector<16xf32>
          %convert_element_type3A_431 = arith.extui %gt3A_430 : vector<16xi1> to vector<16xi32>
          %broadcast_in_dim3A_432 = arith.constant true
          %broadcast_in_dim3A_433 = vector.broadcast %broadcast_in_dim3A_432 : i1 to vector<16xi1>
          %masked_cumsum3A = tpu.scan <sum>, %convert_element_type3A_431 masked %broadcast_in_dim3A_433 : vector<16xi32>, vector<16xi1> -> vector<16xi32>
          %sub3A = arith.subi %masked_cumsum3A, %convert_element_type3A_431 : vector<16xi32>
          %add3A_434 = arith.addi %scan3A_418, %sub3A : vector<16xi32>
          %min3A_435 = arith.constant 26623 : i32
          %min3A_436 = vector.broadcast %min3A_435 : i32 to vector<16xi32>
          %min3A_437 = arith.minsi %add3A_434, %min3A_436 : vector<16xi32>
          tpu.vector_store_idx %arg7[%min3A_437], %get3A_428 masked %gt3A_430 : memref<26624xf32, #tpu.memory_space<vmem>>[vector<16xi32>], vector<16xf32>, vector<16xi1>
          %mul3A_438 = arith.constant 16 : i32
          %mul3A_439 = arith.muli %add3A_422, %mul3A_438 : i32
          %add3A_440 = arith.addi %mul3A_349, %mul3A_439 : i32
          %add3A_441 = vector.broadcast %add3A_440 : i32 to vector<16xi32>
          %add3A_442 = arith.addi %add3A_441, %iota3A : vector<16xi32>
          tpu.vector_store_idx %arg8[%min3A_437], %add3A_442 masked %gt3A_430 : memref<26624xi32, #tpu.memory_space<vmem>>[vector<16xi32>], vector<16xi32>, vector<16xi1>
          %all_reduce_population_count3A = tpu.all_reduce %gt3A_430 {dim = 0 : i64, kind = #tpu.reduction_kind<sum>} : vector<16xi1> -> vector<16xi32>
          %add3A_443 = arith.addi %scan3A_418, %all_reduce_population_count3A : vector<16xi32>
          %mul3A_444 = arith.constant 25 : i32
          %mul3A_445 = arith.muli %scan3A_417, %mul3A_444 : i32
          %add3A_446 = arith.constant 1 : i32
          %add3A_447 = arith.addi %mul3A_445, %add3A_446 : i32
          %mul3A_448 = arith.constant 16 : i32
          %mul3A_449 = arith.muli %add3A_447, %mul3A_448 : i32
          %add3A_450 = arith.constant 0 : i32
          %add3A_451 = arith.addi %add3A_450, %mul3A_449 : i32
          %get3A_452 = arith.index_cast %add3A_451 : i32 to index
          %get3A_453 = tpu.vector_load %arg6[%get3A_452] {strides = array<i32>} : memref<20000xf32, #tpu.memory_space<vmem>>, vector<16xf32>,
          %gt3A_454 = vector.broadcast %cond3A_347 : f32 to vector<16xf32>
          %gt3A_455 = arith.cmpf ogt, %get3A_453, %gt3A_454 : vector<16xf32>
          %convert_element_type3A_456 = arith.extui %gt3A_455 : vector<16xi1> to vector<16xi32>
          %broadcast_in_dim3A_457 = arith.constant true
          %broadcast_in_dim3A_458 = vector.broadcast %broadcast_in_dim3A_457 : i1 to vector<16xi1>
          %masked_cumsum3A_459 = tpu.scan <sum>, %convert_element_type3A_456 masked %broadcast_in_dim3A_458 : vector<16xi32>, vector<16xi1> -> vector<16xi32>
          %sub3A_460 = arith.subi %masked_cumsum3A_459, %convert_element_type3A_456 : vector<16xi32>
          %add3A_461 = arith.addi %add3A_443, %sub3A_460 : vector<16xi32>
          %min3A_462 = arith.constant 26623 : i32
          %min3A_463 = vector.broadcast %min3A_462 : i32 to vector<16xi32>
          %min3A_464 = arith.minsi %add3A_461, %min3A_463 : vector<16xi32>
          tpu.vector_store_idx %arg7[%min3A_464], %get3A_453 masked %gt3A_455 : memref<26624xf32, #tpu.memory_space<vmem>>[vector<16xi32>], vector<16xf32>, vector<16xi1>
          %mul3A_465 = arith.constant 16 : i32
          %mul3A_466 = arith.muli %add3A_447, %mul3A_465 : i32
          %add3A_467 = arith.addi %mul3A_349, %mul3A_466 : i32
          %add3A_468 = vector.broadcast %add3A_467 : i32 to vector<16xi32>
          %add3A_469 = arith.addi %add3A_468, %iota3A : vector<16xi32>
          tpu.vector_store_idx %arg8[%min3A_464], %add3A_469 masked %gt3A_455 : memref<26624xi32, #tpu.memory_space<vmem>>[vector<16xi32>], vector<16xi32>, vector<16xi1>
          %all_reduce_population_count3A_470 = tpu.all_reduce %gt3A_455 {dim = 0 : i64, kind = #tpu.reduction_kind<sum>} : vector<16xi1> -> vector<16xi32>
          %add3A_471 = arith.addi %add3A_443, %all_reduce_population_count3A_470 : vector<16xi32>
          %mul3A_472 = arith.constant 25 : i32
          %mul3A_473 = arith.muli %scan3A_417, %mul3A_472 : i32
          %add3A_474 = arith.constant 2 : i32
          %add3A_475 = arith.addi %mul3A_473, %add3A_474 : i32
          %mul3A_476 = arith.constant 16 : i32
          %mul3A_477 = arith.muli %add3A_475, %mul3A_476 : i32
          %add3A_478 = arith.constant 0 : i32
          %add3A_479 = arith.addi %add3A_478, %mul3A_477 : i32
          %get3A_480 = arith.index_cast %add3A_479 : i32 to index
          %get3A_481 = tpu.vector_load %arg6[%get3A_480] {strides = array<i32>} : memref<20000xf32, #tpu.memory_space<vmem>>, vector<16xf32>,
          %gt3A_482 = vector.broadcast %cond3A_347 : f32 to vector<16xf32>
          %gt3A_483 = arith.cmpf ogt, %get3A_481, %gt3A_482 : vector<16xf32>
          %convert_element_type3A_484 = arith.extui %gt3A_483 : vector<16xi1> to vector<16xi32>
          %broadcast_in_dim3A_485 = arith.constant true
          %broadcast_in_dim3A_486 = vector.broadcast %broadcast_in_dim3A_485 : i1 to vector<16xi1>
          %masked_cumsum3A_487 = tpu.scan <sum>, %convert_element_type3A_484 masked %broadcast_in_dim3A_486 : vector<16xi32>, vector<16xi1> -> vector<16xi32>
          %sub3A_488 = arith.subi %masked_cumsum3A_487, %convert_element_type3A_484 : vector<16xi32>
          %add3A_489 = arith.addi %add3A_471, %sub3A_488 : vector<16xi32>
          %min3A_490 = arith.constant 26623 : i32
          %min3A_491 = vector.broadcast %min3A_490 : i32 to vector<16xi32>
          %min3A_492 = arith.minsi %add3A_489, %min3A_491 : vector<16xi32>
          tpu.vector_store_idx %arg7[%min3A_492], %get3A_481 masked %gt3A_483 : memref<26624xf32, #tpu.memory_space<vmem>>[vector<16xi32>], vector<16xf32>, vector<16xi1>
          %mul3A_493 = arith.constant 16 : i32
          %mul3A_494 = arith.muli %add3A_475, %mul3A_493 : i32
          %add3A_495 = arith.addi %mul3A_349, %mul3A_494 : i32
          %add3A_496 = vector.broadcast %add3A_495 : i32 to vector<16xi32>
          %add3A_497 = arith.addi %add3A_496, %iota3A : vector<16xi32>
          tpu.vector_store_idx %arg8[%min3A_492], %add3A_497 masked %gt3A_483 : memref<26624xi32, #tpu.memory_space<vmem>>[vector<16xi32>], vector<16xi32>, vector<16xi1>
          %all_reduce_population_count3A_498 = tpu.all_reduce %gt3A_483 {dim = 0 : i64, kind = #tpu.reduction_kind<sum>} : vector<16xi1> -> vector<16xi32>
          %add3A_499 = arith.addi %add3A_471, %all_reduce_population_count3A_498 : vector<16xi32>
          %mul3A_500 = arith.constant 25 : i32
          %mul3A_501 = arith.muli %scan3A_417, %mul3A_500 : i32
          %add3A_502 = arith.constant 3 : i32
          %add3A_503 = arith.addi %mul3A_501, %add3A_502 : i32
          %mul3A_504 = arith.constant 16 : i32
          %mul3A_505 = arith.muli %add3A_503, %mul3A_504 : i32
          %add3A_506 = arith.constant 0 : i32
          %add3A_507 = arith.addi %add3A_506, %mul3A_505 : i32
          %get3A_508 = arith.index_cast %add3A_507 : i32 to index
          %get3A_509 = tpu.vector_load %arg6[%get3A_508] {strides = array<i32>} : memref<20000xf32, #tpu.memory_space<vmem>>, vector<16xf32>,
          %gt3A_510 = vector.broadcast %cond3A_347 : f32 to vector<16xf32>
          %gt3A_511 = arith.cmpf ogt, %get3A_509, %gt3A_510 : vector<16xf32>
          %convert_element_type3A_512 = arith.extui %gt3A_511 : vector<16xi1> to vector<16xi32>
          %broadcast_in_dim3A_513 = arith.constant true
          %broadcast_in_dim3A_514 = vector.broadcast %broadcast_in_dim3A_513 : i1 to vector<16xi1>
          %masked_cumsum3A_515 = tpu.scan <sum>, %convert_element_type3A_512 masked %broadcast_in_dim3A_514 : vector<16xi32>, vector<16xi1> -> vector<16xi32>
          %sub3A_516 = arith.subi %masked_cumsum3A_515, %convert_element_type3A_512 : vector<16xi32>
          %add3A_517 = arith.addi %add3A_499, %sub3A_516 : vector<16xi32>
          %min3A_518 = arith.constant 26623 : i32
          %min3A_519 = vector.broadcast %min3A_518 : i32 to vector<16xi32>
          %min3A_520 = arith.minsi %add3A_517, %min3A_519 : vector<16xi32>
          tpu.vector_store_idx %arg7[%min3A_520], %get3A_509 masked %gt3A_511 : memref<26624xf32, #tpu.memory_space<vmem>>[vector<16xi32>], vector<16xf32>, vector<16xi1>
          %mul3A_521 = arith.constant 16 : i32
          %mul3A_522 = arith.muli %add3A_503, %mul3A_521 : i32
          %add3A_523 = arith.addi %mul3A_349, %mul3A_522 : i32
          %add3A_524 = vector.broadcast %add3A_523 : i32 to vector<16xi32>
          %add3A_525 = arith.addi %add3A_524, %iota3A : vector<16xi32>
          tpu.vector_store_idx %arg8[%min3A_520], %add3A_525 masked %gt3A_511 : memref<26624xi32, #tpu.memory_space<vmem>>[vector<16xi32>], vector<16xi32>, vector<16xi1>
          %all_reduce_population_count3A_526 = tpu.all_reduce %gt3A_511 {dim = 0 : i64, kind = #tpu.reduction_kind<sum>} : vector<16xi1> -> vector<16xi32>
          %add3A_527 = arith.addi %add3A_499, %all_reduce_population_count3A_526 : vector<16xi32>
          %mul3A_528 = arith.constant 25 : i32
          %mul3A_529 = arith.muli %scan3A_417, %mul3A_528 : i32
          %add3A_530 = arith.constant 4 : i32
          %add3A_531 = arith.addi %mul3A_529, %add3A_530 : i32
          %mul3A_532 = arith.constant 16 : i32
          %mul3A_533 = arith.muli %add3A_531, %mul3A_532 : i32
          %add3A_534 = arith.constant 0 : i32
          %add3A_535 = arith.addi %add3A_534, %mul3A_533 : i32
          %get3A_536 = arith.index_cast %add3A_535 : i32 to index
          %get3A_537 = tpu.vector_load %arg6[%get3A_536] {strides = array<i32>} : memref<20000xf32, #tpu.memory_space<vmem>>, vector<16xf32>,
          %gt3A_538 = vector.broadcast %cond3A_347 : f32 to vector<16xf32>
          %gt3A_539 = arith.cmpf ogt, %get3A_537, %gt3A_538 : vector<16xf32>
          %convert_element_type3A_540 = arith.extui %gt3A_539 : vector<16xi1> to vector<16xi32>
          %broadcast_in_dim3A_541 = arith.constant true
          %broadcast_in_dim3A_542 = vector.broadcast %broadcast_in_dim3A_541 : i1 to vector<16xi1>
          %masked_cumsum3A_543 = tpu.scan <sum>, %convert_element_type3A_540 masked %broadcast_in_dim3A_542 : vector<16xi32>, vector<16xi1> -> vector<16xi32>
          %sub3A_544 = arith.subi %masked_cumsum3A_543, %convert_element_type3A_540 : vector<16xi32>
          %add3A_545 = arith.addi %add3A_527, %sub3A_544 : vector<16xi32>
          %min3A_546 = arith.constant 26623 : i32
          %min3A_547 = vector.broadcast %min3A_546 : i32 to vector<16xi32>
          %min3A_548 = arith.minsi %add3A_545, %min3A_547 : vector<16xi32>
          tpu.vector_store_idx %arg7[%min3A_548], %get3A_537 masked %gt3A_539 : memref<26624xf32, #tpu.memory_space<vmem>>[vector<16xi32>], vector<16xf32>, vector<16xi1>
          %mul3A_549 = arith.constant 16 : i32
          %mul3A_550 = arith.muli %add3A_531, %mul3A_549 : i32
          %add3A_551 = arith.addi %mul3A_349, %mul3A_550 : i32
          %add3A_552 = vector.broadcast %add3A_551 : i32 to vector<16xi32>
          %add3A_553 = arith.addi %add3A_552, %iota3A : vector<16xi32>
          tpu.vector_store_idx %arg8[%min3A_548], %add3A_553 masked %gt3A_539 : memref<26624xi32, #tpu.memory_space<vmem>>[vector<16xi32>], vector<16xi32>, vector<16xi1>
          %all_reduce_population_count3A_554 = tpu.all_reduce %gt3A_539 {dim = 0 : i64, kind = #tpu.reduction_kind<sum>} : vector<16xi1> -> vector<16xi32>
          %add3A_555 = arith.addi %add3A_527, %all_reduce_population_count3A_554 : vector<16xi32>
          %mul3A_556 = arith.constant 25 : i32
          %mul3A_557 = arith.muli %scan3A_417, %mul3A_556 : i32
          %add3A_558 = arith.constant 5 : i32
          %add3A_559 = arith.addi %mul3A_557, %add3A_558 : i32
          %mul3A_560 = arith.constant 16 : i32
          %mul3A_561 = arith.muli %add3A_559, %mul3A_560 : i32
          %add3A_562 = arith.constant 0 : i32
          %add3A_563 = arith.addi %add3A_562, %mul3A_561 : i32
          %get3A_564 = arith.index_cast %add3A_563 : i32 to index
          %get3A_565 = tpu.vector_load %arg6[%get3A_564] {strides = array<i32>} : memref<20000xf32, #tpu.memory_space<vmem>>, vector<16xf32>,
          %gt3A_566 = vector.broadcast %cond3A_347 : f32 to vector<16xf32>
          %gt3A_567 = arith.cmpf ogt, %get3A_565, %gt3A_566 : vector<16xf32>
          %convert_element_type3A_568 = arith.extui %gt3A_567 : vector<16xi1> to vector<16xi32>
          %broadcast_in_dim3A_569 = arith.constant true
          %broadcast_in_dim3A_570 = vector.broadcast %broadcast_in_dim3A_569 : i1 to vector<16xi1>
          %masked_cumsum3A_571 = tpu.scan <sum>, %convert_element_type3A_568 masked %broadcast_in_dim3A_570 : vector<16xi32>, vector<16xi1> -> vector<16xi32>
          %sub3A_572 = arith.subi %masked_cumsum3A_571, %convert_element_type3A_568 : vector<16xi32>
          %add3A_573 = arith.addi %add3A_555, %sub3A_572 : vector<16xi32>
          %min3A_574 = arith.constant 26623 : i32
          %min3A_575 = vector.broadcast %min3A_574 : i32 to vector<16xi32>
          %min3A_576 = arith.minsi %add3A_573, %min3A_575 : vector<16xi32>
          tpu.vector_store_idx %arg7[%min3A_576], %get3A_565 masked %gt3A_567 : memref<26624xf32, #tpu.memory_space<vmem>>[vector<16xi32>], vector<16xf32>, vector<16xi1>
          %mul3A_577 = arith.constant 16 : i32
          %mul3A_578 = arith.muli %add3A_559, %mul3A_577 : i32
          %add3A_579 = arith.addi %mul3A_349, %mul3A_578 : i32
          %add3A_580 = vector.broadcast %add3A_579 : i32 to vector<16xi32>
          %add3A_581 = arith.addi %add3A_580, %iota3A : vector<16xi32>
          tpu.vector_store_idx %arg8[%min3A_576], %add3A_581 masked %gt3A_567 : memref<26624xi32, #tpu.memory_space<vmem>>[vector<16xi32>], vector<16xi32>, vector<16xi1>
          %all_reduce_population_count3A_582 = tpu.all_reduce %gt3A_567 {dim = 0 : i64, kind = #tpu.reduction_kind<sum>} : vector<16xi1> -> vector<16xi32>
          %add3A_583 = arith.addi %add3A_555, %all_reduce_population_count3A_582 : vector<16xi32>
          %mul3A_584 = arith.constant 25 : i32
          %mul3A_585 = arith.muli %scan3A_417, %mul3A_584 : i32
          %add3A_586 = arith.constant 6 : i32
          %add3A_587 = arith.addi %mul3A_585, %add3A_586 : i32
          %mul3A_588 = arith.constant 16 : i32
          %mul3A_589 = arith.muli %add3A_587, %mul3A_588 : i32
          %add3A_590 = arith.constant 0 : i32
          %add3A_591 = arith.addi %add3A_590, %mul3A_589 : i32
          %get3A_592 = arith.index_cast %add3A_591 : i32 to index
          %get3A_593 = tpu.vector_load %arg6[%get3A_592] {strides = array<i32>} : memref<20000xf32, #tpu.memory_space<vmem>>, vector<16xf32>,
          %gt3A_594 = vector.broadcast %cond3A_347 : f32 to vector<16xf32>
          %gt3A_595 = arith.cmpf ogt, %get3A_593, %gt3A_594 : vector<16xf32>
          %convert_element_type3A_596 = arith.extui %gt3A_595 : vector<16xi1> to vector<16xi32>
          %broadcast_in_dim3A_597 = arith.constant true
          %broadcast_in_dim3A_598 = vector.broadcast %broadcast_in_dim3A_597 : i1 to vector<16xi1>
          %masked_cumsum3A_599 = tpu.scan <sum>, %convert_element_type3A_596 masked %broadcast_in_dim3A_598 : vector<16xi32>, vector<16xi1> -> vector<16xi32>
          %sub3A_600 = arith.subi %masked_cumsum3A_599, %convert_element_type3A_596 : vector<16xi32>
          %add3A_601 = arith.addi %add3A_583, %sub3A_600 : vector<16xi32>
          %min3A_602 = arith.constant 26623 : i32
          %min3A_603 = vector.broadcast %min3A_602 : i32 to vector<16xi32>
          %min3A_604 = arith.minsi %add3A_601, %min3A_603 : vector<16xi32>
          tpu.vector_store_idx %arg7[%min3A_604], %get3A_593 masked %gt3A_595 : memref<26624xf32, #tpu.memory_space<vmem>>[vector<16xi32>], vector<16xf32>, vector<16xi1>
          %mul3A_605 = arith.constant 16 : i32
          %mul3A_606 = arith.muli %add3A_587, %mul3A_605 : i32
          %add3A_607 = arith.addi %mul3A_349, %mul3A_606 : i32
          %add3A_608 = vector.broadcast %add3A_607 : i32 to vector<16xi32>
          %add3A_609 = arith.addi %add3A_608, %iota3A : vector<16xi32>
          tpu.vector_store_idx %arg8[%min3A_604], %add3A_609 masked %gt3A_595 : memref<26624xi32, #tpu.memory_space<vmem>>[vector<16xi32>], vector<16xi32>, vector<16xi1>
          %all_reduce_population_count3A_610 = tpu.all_reduce %gt3A_595 {dim = 0 : i64, kind = #tpu.reduction_kind<sum>} : vector<16xi1> -> vector<16xi32>
          %add3A_611 = arith.addi %add3A_583, %all_reduce_population_count3A_610 : vector<16xi32>
          %mul3A_612 = arith.constant 25 : i32
          %mul3A_613 = arith.muli %scan3A_417, %mul3A_612 : i32
          %add3A_614 = arith.constant 7 : i32
          %add3A_615 = arith.addi %mul3A_613, %add3A_614 : i32
          %mul3A_616 = arith.constant 16 : i32
          %mul3A_617 = arith.muli %add3A_615, %mul3A_616 : i32
          %add3A_618 = arith.constant 0 : i32
          %add3A_619 = arith.addi %add3A_618, %mul3A_617 : i32
          %get3A_620 = arith.index_cast %add3A_619 : i32 to index
          %get3A_621 = tpu.vector_load %arg6[%get3A_620] {strides = array<i32>} : memref<20000xf32, #tpu.memory_space<vmem>>, vector<16xf32>,
          %gt3A_622 = vector.broadcast %cond3A_347 : f32 to vector<16xf32>
          %gt3A_623 = arith.cmpf ogt, %get3A_621, %gt3A_622 : vector<16xf32>
          %convert_element_type3A_624 = arith.extui %gt3A_623 : vector<16xi1> to vector<16xi32>
          %broadcast_in_dim3A_625 = arith.constant true
          %broadcast_in_dim3A_626 = vector.broadcast %broadcast_in_dim3A_625 : i1 to vector<16xi1>
          %masked_cumsum3A_627 = tpu.scan <sum>, %convert_element_type3A_624 masked %broadcast_in_dim3A_626 : vector<16xi32>, vector<16xi1> -> vector<16xi32>
          %sub3A_628 = arith.subi %masked_cumsum3A_627, %convert_element_type3A_624 : vector<16xi32>
          %add3A_629 = arith.addi %add3A_611, %sub3A_628 : vector<16xi32>
          %min3A_630 = arith.constant 26623 : i32
          %min3A_631 = vector.broadcast %min3A_630 : i32 to vector<16xi32>
          %min3A_632 = arith.minsi %add3A_629, %min3A_631 : vector<16xi32>
          tpu.vector_store_idx %arg7[%min3A_632], %get3A_621 masked %gt3A_623 : memref<26624xf32, #tpu.memory_space<vmem>>[vector<16xi32>], vector<16xf32>, vector<16xi1>
          %mul3A_633 = arith.constant 16 : i32
          %mul3A_634 = arith.muli %add3A_615, %mul3A_633 : i32
          %add3A_635 = arith.addi %mul3A_349, %mul3A_634 : i32
          %add3A_636 = vector.broadcast %add3A_635 : i32 to vector<16xi32>
          %add3A_637 = arith.addi %add3A_636, %iota3A : vector<16xi32>
          tpu.vector_store_idx %arg8[%min3A_632], %add3A_637 masked %gt3A_623 : memref<26624xi32, #tpu.memory_space<vmem>>[vector<16xi32>], vector<16xi32>, vector<16xi1>
          %all_reduce_population_count3A_638 = tpu.all_reduce %gt3A_623 {dim = 0 : i64, kind = #tpu.reduction_kind<sum>} : vector<16xi1> -> vector<16xi32>
          %add3A_639 = arith.addi %add3A_611, %all_reduce_population_count3A_638 : vector<16xi32>
          %mul3A_640 = arith.constant 25 : i32
          %mul3A_641 = arith.muli %scan3A_417, %mul3A_640 : i32
          %add3A_642 = arith.constant 8 : i32
          %add3A_643 = arith.addi %mul3A_641, %add3A_642 : i32
          %mul3A_644 = arith.constant 16 : i32
          %mul3A_645 = arith.muli %add3A_643, %mul3A_644 : i32
          %add3A_646 = arith.constant 0 : i32
          %add3A_647 = arith.addi %add3A_646, %mul3A_645 : i32
          %get3A_648 = arith.index_cast %add3A_647 : i32 to index
          %get3A_649 = tpu.vector_load %arg6[%get3A_648] {strides = array<i32>} : memref<20000xf32, #tpu.memory_space<vmem>>, vector<16xf32>,
          %gt3A_650 = vector.broadcast %cond3A_347 : f32 to vector<16xf32>
          %gt3A_651 = arith.cmpf ogt, %get3A_649, %gt3A_650 : vector<16xf32>
          %convert_element_type3A_652 = arith.extui %gt3A_651 : vector<16xi1> to vector<16xi32>
          %broadcast_in_dim3A_653 = arith.constant true
          %broadcast_in_dim3A_654 = vector.broadcast %broadcast_in_dim3A_653 : i1 to vector<16xi1>
          %masked_cumsum3A_655 = tpu.scan <sum>, %convert_element_type3A_652 masked %broadcast_in_dim3A_654 : vector<16xi32>, vector<16xi1> -> vector<16xi32>
          %sub3A_656 = arith.subi %masked_cumsum3A_655, %convert_element_type3A_652 : vector<16xi32>
          %add3A_657 = arith.addi %add3A_639, %sub3A_656 : vector<16xi32>
          %min3A_658 = arith.constant 26623 : i32
          %min3A_659 = vector.broadcast %min3A_658 : i32 to vector<16xi32>
          %min3A_660 = arith.minsi %add3A_657, %min3A_659 : vector<16xi32>
          tpu.vector_store_idx %arg7[%min3A_660], %get3A_649 masked %gt3A_651 : memref<26624xf32, #tpu.memory_space<vmem>>[vector<16xi32>], vector<16xf32>, vector<16xi1>
          %mul3A_661 = arith.constant 16 : i32
          %mul3A_662 = arith.muli %add3A_643, %mul3A_661 : i32
          %add3A_663 = arith.addi %mul3A_349, %mul3A_662 : i32
          %add3A_664 = vector.broadcast %add3A_663 : i32 to vector<16xi32>
          %add3A_665 = arith.addi %add3A_664, %iota3A : vector<16xi32>
          tpu.vector_store_idx %arg8[%min3A_660], %add3A_665 masked %gt3A_651 : memref<26624xi32, #tpu.memory_space<vmem>>[vector<16xi32>], vector<16xi32>, vector<16xi1>
          %all_reduce_population_count3A_666 = tpu.all_reduce %gt3A_651 {dim = 0 : i64, kind = #tpu.reduction_kind<sum>} : vector<16xi1> -> vector<16xi32>
          %add3A_667 = arith.addi %add3A_639, %all_reduce_population_count3A_666 : vector<16xi32>
          %mul3A_668 = arith.constant 25 : i32
          %mul3A_669 = arith.muli %scan3A_417, %mul3A_668 : i32
          %add3A_670 = arith.constant 9 : i32
          %add3A_671 = arith.addi %mul3A_669, %add3A_670 : i32
          %mul3A_672 = arith.constant 16 : i32
          %mul3A_673 = arith.muli %add3A_671, %mul3A_672 : i32
          %add3A_674 = arith.constant 0 : i32
          %add3A_675 = arith.addi %add3A_674, %mul3A_673 : i32
          %get3A_676 = arith.index_cast %add3A_675 : i32 to index
          %get3A_677 = tpu.vector_load %arg6[%get3A_676] {strides = array<i32>} : memref<20000xf32, #tpu.memory_space<vmem>>, vector<16xf32>,
          %gt3A_678 = vector.broadcast %cond3A_347 : f32 to vector<16xf32>
          %gt3A_679 = arith.cmpf ogt, %get3A_677, %gt3A_678 : vector<16xf32>
          %convert_element_type3A_680 = arith.extui %gt3A_679 : vector<16xi1> to vector<16xi32>
          %broadcast_in_dim3A_681 = arith.constant true
          %broadcast_in_dim3A_682 = vector.broadcast %broadcast_in_dim3A_681 : i1 to vector<16xi1>
          %masked_cumsum3A_683 = tpu.scan <sum>, %convert_element_type3A_680 masked %broadcast_in_dim3A_682 : vector<16xi32>, vector<16xi1> -> vector<16xi32>
          %sub3A_684 = arith.subi %masked_cumsum3A_683, %convert_element_type3A_680 : vector<16xi32>
          %add3A_685 = arith.addi %add3A_667, %sub3A_684 : vector<16xi32>
          %min3A_686 = arith.constant 26623 : i32
          %min3A_687 = vector.broadcast %min3A_686 : i32 to vector<16xi32>
          %min3A_688 = arith.minsi %add3A_685, %min3A_687 : vector<16xi32>
          tpu.vector_store_idx %arg7[%min3A_688], %get3A_677 masked %gt3A_679 : memref<26624xf32, #tpu.memory_space<vmem>>[vector<16xi32>], vector<16xf32>, vector<16xi1>
          %mul3A_689 = arith.constant 16 : i32
          %mul3A_690 = arith.muli %add3A_671, %mul3A_689 : i32
          %add3A_691 = arith.addi %mul3A_349, %mul3A_690 : i32
          %add3A_692 = vector.broadcast %add3A_691 : i32 to vector<16xi32>
          %add3A_693 = arith.addi %add3A_692, %iota3A : vector<16xi32>
          tpu.vector_store_idx %arg8[%min3A_688], %add3A_693 masked %gt3A_679 : memref<26624xi32, #tpu.memory_space<vmem>>[vector<16xi32>], vector<16xi32>, vector<16xi1>
          %all_reduce_population_count3A_694 = tpu.all_reduce %gt3A_679 {dim = 0 : i64, kind = #tpu.reduction_kind<sum>} : vector<16xi1> -> vector<16xi32>
          %add3A_695 = arith.addi %add3A_667, %all_reduce_population_count3A_694 : vector<16xi32>
          %mul3A_696 = arith.constant 25 : i32
          %mul3A_697 = arith.muli %scan3A_417, %mul3A_696 : i32
          %add3A_698 = arith.constant 10 : i32
          %add3A_699 = arith.addi %mul3A_697, %add3A_698 : i32
          %mul3A_700 = arith.constant 16 : i32
          %mul3A_701 = arith.muli %add3A_699, %mul3A_700 : i32
          %add3A_702 = arith.constant 0 : i32
          %add3A_703 = arith.addi %add3A_702, %mul3A_701 : i32
          %get3A_704 = arith.index_cast %add3A_703 : i32 to index
          %get3A_705 = tpu.vector_load %arg6[%get3A_704] {strides = array<i32>} : memref<20000xf32, #tpu.memory_space<vmem>>, vector<16xf32>,
          %gt3A_706 = vector.broadcast %cond3A_347 : f32 to vector<16xf32>
          %gt3A_707 = arith.cmpf ogt, %get3A_705, %gt3A_706 : vector<16xf32>
          %convert_element_type3A_708 = arith.extui %gt3A_707 : vector<16xi1> to vector<16xi32>
          %broadcast_in_dim3A_709 = arith.constant true
          %broadcast_in_dim3A_710 = vector.broadcast %broadcast_in_dim3A_709 : i1 to vector<16xi1>
          %masked_cumsum3A_711 = tpu.scan <sum>, %convert_element_type3A_708 masked %broadcast_in_dim3A_710 : vector<16xi32>, vector<16xi1> -> vector<16xi32>
          %sub3A_712 = arith.subi %masked_cumsum3A_711, %convert_element_type3A_708 : vector<16xi32>
          %add3A_713 = arith.addi %add3A_695, %sub3A_712 : vector<16xi32>
          %min3A_714 = arith.constant 26623 : i32
          %min3A_715 = vector.broadcast %min3A_714 : i32 to vector<16xi32>
          %min3A_716 = arith.minsi %add3A_713, %min3A_715 : vector<16xi32>
          tpu.vector_store_idx %arg7[%min3A_716], %get3A_705 masked %gt3A_707 : memref<26624xf32, #tpu.memory_space<vmem>>[vector<16xi32>], vector<16xf32>, vector<16xi1>
          %mul3A_717 = arith.constant 16 : i32
          %mul3A_718 = arith.muli %add3A_699, %mul3A_717 : i32
          %add3A_719 = arith.addi %mul3A_349, %mul3A_718 : i32
          %add3A_720 = vector.broadcast %add3A_719 : i32 to vector<16xi32>
          %add3A_721 = arith.addi %add3A_720, %iota3A : vector<16xi32>
          tpu.vector_store_idx %arg8[%min3A_716], %add3A_721 masked %gt3A_707 : memref<26624xi32, #tpu.memory_space<vmem>>[vector<16xi32>], vector<16xi32>, vector<16xi1>
          %all_reduce_population_count3A_722 = tpu.all_reduce %gt3A_707 {dim = 0 : i64, kind = #tpu.reduction_kind<sum>} : vector<16xi1> -> vector<16xi32>
          %add3A_723 = arith.addi %add3A_695, %all_reduce_population_count3A_722 : vector<16xi32>
          %mul3A_724 = arith.constant 25 : i32
          %mul3A_725 = arith.muli %scan3A_417, %mul3A_724 : i32
          %add3A_726 = arith.constant 11 : i32
          %add3A_727 = arith.addi %mul3A_725, %add3A_726 : i32
          %mul3A_728 = arith.constant 16 : i32
          %mul3A_729 = arith.muli %add3A_727, %mul3A_728 : i32
          %add3A_730 = arith.constant 0 : i32
          %add3A_731 = arith.addi %add3A_730, %mul3A_729 : i32
          %get3A_732 = arith.index_cast %add3A_731 : i32 to index
          %get3A_733 = tpu.vector_load %arg6[%get3A_732] {strides = array<i32>} : memref<20000xf32, #tpu.memory_space<vmem>>, vector<16xf32>,
          %gt3A_734 = vector.broadcast %cond3A_347 : f32 to vector<16xf32>
          %gt3A_735 = arith.cmpf ogt, %get3A_733, %gt3A_734 : vector<16xf32>
          %convert_element_type3A_736 = arith.extui %gt3A_735 : vector<16xi1> to vector<16xi32>
          %broadcast_in_dim3A_737 = arith.constant true
          %broadcast_in_dim3A_738 = vector.broadcast %broadcast_in_dim3A_737 : i1 to vector<16xi1>
          %masked_cumsum3A_739 = tpu.scan <sum>, %convert_element_type3A_736 masked %broadcast_in_dim3A_738 : vector<16xi32>, vector<16xi1> -> vector<16xi32>
          %sub3A_740 = arith.subi %masked_cumsum3A_739, %convert_element_type3A_736 : vector<16xi32>
          %add3A_741 = arith.addi %add3A_723, %sub3A_740 : vector<16xi32>
          %min3A_742 = arith.constant 26623 : i32
          %min3A_743 = vector.broadcast %min3A_742 : i32 to vector<16xi32>
          %min3A_744 = arith.minsi %add3A_741, %min3A_743 : vector<16xi32>
          tpu.vector_store_idx %arg7[%min3A_744], %get3A_733 masked %gt3A_735 : memref<26624xf32, #tpu.memory_space<vmem>>[vector<16xi32>], vector<16xf32>, vector<16xi1>
          %mul3A_745 = arith.constant 16 : i32
          %mul3A_746 = arith.muli %add3A_727, %mul3A_745 : i32
          %add3A_747 = arith.addi %mul3A_349, %mul3A_746 : i32
          %add3A_748 = vector.broadcast %add3A_747 : i32 to vector<16xi32>
          %add3A_749 = arith.addi %add3A_748, %iota3A : vector<16xi32>
          tpu.vector_store_idx %arg8[%min3A_744], %add3A_749 masked %gt3A_735 : memref<26624xi32, #tpu.memory_space<vmem>>[vector<16xi32>], vector<16xi32>, vector<16xi1>
          %all_reduce_population_count3A_750 = tpu.all_reduce %gt3A_735 {dim = 0 : i64, kind = #tpu.reduction_kind<sum>} : vector<16xi1> -> vector<16xi32>
          %add3A_751 = arith.addi %add3A_723, %all_reduce_population_count3A_750 : vector<16xi32>
          %mul3A_752 = arith.constant 25 : i32
          %mul3A_753 = arith.muli %scan3A_417, %mul3A_752 : i32
          %add3A_754 = arith.constant 12 : i32
          %add3A_755 = arith.addi %mul3A_753, %add3A_754 : i32
          %mul3A_756 = arith.constant 16 : i32
          %mul3A_757 = arith.muli %add3A_755, %mul3A_756 : i32
          %add3A_758 = arith.constant 0 : i32
          %add3A_759 = arith.addi %add3A_758, %mul3A_757 : i32
          %get3A_760 = arith.index_cast %add3A_759 : i32 to index
          %get3A_761 = tpu.vector_load %arg6[%get3A_760] {strides = array<i32>} : memref<20000xf32, #tpu.memory_space<vmem>>, vector<16xf32>,
          %gt3A_762 = vector.broadcast %cond3A_347 : f32 to vector<16xf32>
          %gt3A_763 = arith.cmpf ogt, %get3A_761, %gt3A_762 : vector<16xf32>
          %convert_element_type3A_764 = arith.extui %gt3A_763 : vector<16xi1> to vector<16xi32>
          %broadcast_in_dim3A_765 = arith.constant true
          %broadcast_in_dim3A_766 = vector.broadcast %broadcast_in_dim3A_765 : i1 to vector<16xi1>
          %masked_cumsum3A_767 = tpu.scan <sum>, %convert_element_type3A_764 masked %broadcast_in_dim3A_766 : vector<16xi32>, vector<16xi1> -> vector<16xi32>
          %sub3A_768 = arith.subi %masked_cumsum3A_767, %convert_element_type3A_764 : vector<16xi32>
          %add3A_769 = arith.addi %add3A_751, %sub3A_768 : vector<16xi32>
          %min3A_770 = arith.constant 26623 : i32
          %min3A_771 = vector.broadcast %min3A_770 : i32 to vector<16xi32>
          %min3A_772 = arith.minsi %add3A_769, %min3A_771 : vector<16xi32>
          tpu.vector_store_idx %arg7[%min3A_772], %get3A_761 masked %gt3A_763 : memref<26624xf32, #tpu.memory_space<vmem>>[vector<16xi32>], vector<16xf32>, vector<16xi1>
          %mul3A_773 = arith.constant 16 : i32
          %mul3A_774 = arith.muli %add3A_755, %mul3A_773 : i32
          %add3A_775 = arith.addi %mul3A_349, %mul3A_774 : i32
          %add3A_776 = vector.broadcast %add3A_775 : i32 to vector<16xi32>
          %add3A_777 = arith.addi %add3A_776, %iota3A : vector<16xi32>
          tpu.vector_store_idx %arg8[%min3A_772], %add3A_777 masked %gt3A_763 : memref<26624xi32, #tpu.memory_space<vmem>>[vector<16xi32>], vector<16xi32>, vector<16xi1>
          %all_reduce_population_count3A_778 = tpu.all_reduce %gt3A_763 {dim = 0 : i64, kind = #tpu.reduction_kind<sum>} : vector<16xi1> -> vector<16xi32>
          %add3A_779 = arith.addi %add3A_751, %all_reduce_population_count3A_778 : vector<16xi32>
          %mul3A_780 = arith.constant 25 : i32
          %mul3A_781 = arith.muli %scan3A_417, %mul3A_780 : i32
          %add3A_782 = arith.constant 13 : i32
          %add3A_783 = arith.addi %mul3A_781, %add3A_782 : i32
          %mul3A_784 = arith.constant 16 : i32
          %mul3A_785 = arith.muli %add3A_783, %mul3A_784 : i32
          %add3A_786 = arith.constant 0 : i32
          %add3A_787 = arith.addi %add3A_786, %mul3A_785 : i32
          %get3A_788 = arith.index_cast %add3A_787 : i32 to index
          %get3A_789 = tpu.vector_load %arg6[%get3A_788] {strides = array<i32>} : memref<20000xf32, #tpu.memory_space<vmem>>, vector<16xf32>,
          %gt3A_790 = vector.broadcast %cond3A_347 : f32 to vector<16xf32>
          %gt3A_791 = arith.cmpf ogt, %get3A_789, %gt3A_790 : vector<16xf32>
          %convert_element_type3A_792 = arith.extui %gt3A_791 : vector<16xi1> to vector<16xi32>
          %broadcast_in_dim3A_793 = arith.constant true
          %broadcast_in_dim3A_794 = vector.broadcast %broadcast_in_dim3A_793 : i1 to vector<16xi1>
          %masked_cumsum3A_795 = tpu.scan <sum>, %convert_element_type3A_792 masked %broadcast_in_dim3A_794 : vector<16xi32>, vector<16xi1> -> vector<16xi32>
          %sub3A_796 = arith.subi %masked_cumsum3A_795, %convert_element_type3A_792 : vector<16xi32>
          %add3A_797 = arith.addi %add3A_779, %sub3A_796 : vector<16xi32>
          %min3A_798 = arith.constant 26623 : i32
          %min3A_799 = vector.broadcast %min3A_798 : i32 to vector<16xi32>
          %min3A_800 = arith.minsi %add3A_797, %min3A_799 : vector<16xi32>
          tpu.vector_store_idx %arg7[%min3A_800], %get3A_789 masked %gt3A_791 : memref<26624xf32, #tpu.memory_space<vmem>>[vector<16xi32>], vector<16xf32>, vector<16xi1>
          %mul3A_801 = arith.constant 16 : i32
          %mul3A_802 = arith.muli %add3A_783, %mul3A_801 : i32
          %add3A_803 = arith.addi %mul3A_349, %mul3A_802 : i32
          %add3A_804 = vector.broadcast %add3A_803 : i32 to vector<16xi32>
          %add3A_805 = arith.addi %add3A_804, %iota3A : vector<16xi32>
          tpu.vector_store_idx %arg8[%min3A_800], %add3A_805 masked %gt3A_791 : memref<26624xi32, #tpu.memory_space<vmem>>[vector<16xi32>], vector<16xi32>, vector<16xi1>
          %all_reduce_population_count3A_806 = tpu.all_reduce %gt3A_791 {dim = 0 : i64, kind = #tpu.reduction_kind<sum>} : vector<16xi1> -> vector<16xi32>
          %add3A_807 = arith.addi %add3A_779, %all_reduce_population_count3A_806 : vector<16xi32>
          %mul3A_808 = arith.constant 25 : i32
          %mul3A_809 = arith.muli %scan3A_417, %mul3A_808 : i32
          %add3A_810 = arith.constant 14 : i32
          %add3A_811 = arith.addi %mul3A_809, %add3A_810 : i32
          %mul3A_812 = arith.constant 16 : i32
          %mul3A_813 = arith.muli %add3A_811, %mul3A_812 : i32
          %add3A_814 = arith.constant 0 : i32
          %add3A_815 = arith.addi %add3A_814, %mul3A_813 : i32
          %get3A_816 = arith.index_cast %add3A_815 : i32 to index
          %get3A_817 = tpu.vector_load %arg6[%get3A_816] {strides = array<i32>} : memref<20000xf32, #tpu.memory_space<vmem>>, vector<16xf32>,
          %gt3A_818 = vector.broadcast %cond3A_347 : f32 to vector<16xf32>
          %gt3A_819 = arith.cmpf ogt, %get3A_817, %gt3A_818 : vector<16xf32>
          %convert_element_type3A_820 = arith.extui %gt3A_819 : vector<16xi1> to vector<16xi32>
          %broadcast_in_dim3A_821 = arith.constant true
          %broadcast_in_dim3A_822 = vector.broadcast %broadcast_in_dim3A_821 : i1 to vector<16xi1>
          %masked_cumsum3A_823 = tpu.scan <sum>, %convert_element_type3A_820 masked %broadcast_in_dim3A_822 : vector<16xi32>, vector<16xi1> -> vector<16xi32>
          %sub3A_824 = arith.subi %masked_cumsum3A_823, %convert_element_type3A_820 : vector<16xi32>
          %add3A_825 = arith.addi %add3A_807, %sub3A_824 : vector<16xi32>
          %min3A_826 = arith.constant 26623 : i32
          %min3A_827 = vector.broadcast %min3A_826 : i32 to vector<16xi32>
          %min3A_828 = arith.minsi %add3A_825, %min3A_827 : vector<16xi32>
          tpu.vector_store_idx %arg7[%min3A_828], %get3A_817 masked %gt3A_819 : memref<26624xf32, #tpu.memory_space<vmem>>[vector<16xi32>], vector<16xf32>, vector<16xi1>
          %mul3A_829 = arith.constant 16 : i32
          %mul3A_830 = arith.muli %add3A_811, %mul3A_829 : i32
          %add3A_831 = arith.addi %mul3A_349, %mul3A_830 : i32
          %add3A_832 = vector.broadcast %add3A_831 : i32 to vector<16xi32>
          %add3A_833 = arith.addi %add3A_832, %iota3A : vector<16xi32>
          tpu.vector_store_idx %arg8[%min3A_828], %add3A_833 masked %gt3A_819 : memref<26624xi32, #tpu.memory_space<vmem>>[vector<16xi32>], vector<16xi32>, vector<16xi1>
          %all_reduce_population_count3A_834 = tpu.all_reduce %gt3A_819 {dim = 0 : i64, kind = #tpu.reduction_kind<sum>} : vector<16xi1> -> vector<16xi32>
          %add3A_835 = arith.addi %add3A_807, %all_reduce_population_count3A_834 : vector<16xi32>
          %mul3A_836 = arith.constant 25 : i32
          %mul3A_837 = arith.muli %scan3A_417, %mul3A_836 : i32
          %add3A_838 = arith.constant 15 : i32
          %add3A_839 = arith.addi %mul3A_837, %add3A_838 : i32
          %mul3A_840 = arith.constant 16 : i32
          %mul3A_841 = arith.muli %add3A_839, %mul3A_840 : i32
          %add3A_842 = arith.constant 0 : i32
          %add3A_843 = arith.addi %add3A_842, %mul3A_841 : i32
          %get3A_844 = arith.index_cast %add3A_843 : i32 to index
          %get3A_845 = tpu.vector_load %arg6[%get3A_844] {strides = array<i32>} : memref<20000xf32, #tpu.memory_space<vmem>>, vector<16xf32>,
          %gt3A_846 = vector.broadcast %cond3A_347 : f32 to vector<16xf32>
          %gt3A_847 = arith.cmpf ogt, %get3A_845, %gt3A_846 : vector<16xf32>
          %convert_element_type3A_848 = arith.extui %gt3A_847 : vector<16xi1> to vector<16xi32>
          %broadcast_in_dim3A_849 = arith.constant true
          %broadcast_in_dim3A_850 = vector.broadcast %broadcast_in_dim3A_849 : i1 to vector<16xi1>
          %masked_cumsum3A_851 = tpu.scan <sum>, %convert_element_type3A_848 masked %broadcast_in_dim3A_850 : vector<16xi32>, vector<16xi1> -> vector<16xi32>
          %sub3A_852 = arith.subi %masked_cumsum3A_851, %convert_element_type3A_848 : vector<16xi32>
          %add3A_853 = arith.addi %add3A_835, %sub3A_852 : vector<16xi32>
          %min3A_854 = arith.constant 26623 : i32
          %min3A_855 = vector.broadcast %min3A_854 : i32 to vector<16xi32>
          %min3A_856 = arith.minsi %add3A_853, %min3A_855 : vector<16xi32>
          tpu.vector_store_idx %arg7[%min3A_856], %get3A_845 masked %gt3A_847 : memref<26624xf32, #tpu.memory_space<vmem>>[vector<16xi32>], vector<16xf32>, vector<16xi1>
          %mul3A_857 = arith.constant 16 : i32
          %mul3A_858 = arith.muli %add3A_839, %mul3A_857 : i32
          %add3A_859 = arith.addi %mul3A_349, %mul3A_858 : i32
          %add3A_860 = vector.broadcast %add3A_859 : i32 to vector<16xi32>
          %add3A_861 = arith.addi %add3A_860, %iota3A : vector<16xi32>
          tpu.vector_store_idx %arg8[%min3A_856], %add3A_861 masked %gt3A_847 : memref<26624xi32, #tpu.memory_space<vmem>>[vector<16xi32>], vector<16xi32>, vector<16xi1>
          %all_reduce_population_count3A_862 = tpu.all_reduce %gt3A_847 {dim = 0 : i64, kind = #tpu.reduction_kind<sum>} : vector<16xi1> -> vector<16xi32>
          %add3A_863 = arith.addi %add3A_835, %all_reduce_population_count3A_862 : vector<16xi32>
          %mul3A_864 = arith.constant 25 : i32
          %mul3A_865 = arith.muli %scan3A_417, %mul3A_864 : i32
          %add3A_866 = arith.constant 16 : i32
          %add3A_867 = arith.addi %mul3A_865, %add3A_866 : i32
          %mul3A_868 = arith.constant 16 : i32
          %mul3A_869 = arith.muli %add3A_867, %mul3A_868 : i32
          %add3A_870 = arith.constant 0 : i32
          %add3A_871 = arith.addi %add3A_870, %mul3A_869 : i32
          %get3A_872 = arith.index_cast %add3A_871 : i32 to index
          %get3A_873 = tpu.vector_load %arg6[%get3A_872] {strides = array<i32>} : memref<20000xf32, #tpu.memory_space<vmem>>, vector<16xf32>,
          %gt3A_874 = vector.broadcast %cond3A_347 : f32 to vector<16xf32>
          %gt3A_875 = arith.cmpf ogt, %get3A_873, %gt3A_874 : vector<16xf32>
          %convert_element_type3A_876 = arith.extui %gt3A_875 : vector<16xi1> to vector<16xi32>
          %broadcast_in_dim3A_877 = arith.constant true
          %broadcast_in_dim3A_878 = vector.broadcast %broadcast_in_dim3A_877 : i1 to vector<16xi1>
          %masked_cumsum3A_879 = tpu.scan <sum>, %convert_element_type3A_876 masked %broadcast_in_dim3A_878 : vector<16xi32>, vector<16xi1> -> vector<16xi32>
          %sub3A_880 = arith.subi %masked_cumsum3A_879, %convert_element_type3A_876 : vector<16xi32>
          %add3A_881 = arith.addi %add3A_863, %sub3A_880 : vector<16xi32>
          %min3A_882 = arith.constant 26623 : i32
          %min3A_883 = vector.broadcast %min3A_882 : i32 to vector<16xi32>
          %min3A_884 = arith.minsi %add3A_881, %min3A_883 : vector<16xi32>
          tpu.vector_store_idx %arg7[%min3A_884], %get3A_873 masked %gt3A_875 : memref<26624xf32, #tpu.memory_space<vmem>>[vector<16xi32>], vector<16xf32>, vector<16xi1>
          %mul3A_885 = arith.constant 16 : i32
          %mul3A_886 = arith.muli %add3A_867, %mul3A_885 : i32
          %add3A_887 = arith.addi %mul3A_349, %mul3A_886 : i32
          %add3A_888 = vector.broadcast %add3A_887 : i32 to vector<16xi32>
          %add3A_889 = arith.addi %add3A_888, %iota3A : vector<16xi32>
          tpu.vector_store_idx %arg8[%min3A_884], %add3A_889 masked %gt3A_875 : memref<26624xi32, #tpu.memory_space<vmem>>[vector<16xi32>], vector<16xi32>, vector<16xi1>
          %all_reduce_population_count3A_890 = tpu.all_reduce %gt3A_875 {dim = 0 : i64, kind = #tpu.reduction_kind<sum>} : vector<16xi1> -> vector<16xi32>
          %add3A_891 = arith.addi %add3A_863, %all_reduce_population_count3A_890 : vector<16xi32>
          %mul3A_892 = arith.constant 25 : i32
          %mul3A_893 = arith.muli %scan3A_417, %mul3A_892 : i32
          %add3A_894 = arith.constant 17 : i32
          %add3A_895 = arith.addi %mul3A_893, %add3A_894 : i32
          %mul3A_896 = arith.constant 16 : i32
          %mul3A_897 = arith.muli %add3A_895, %mul3A_896 : i32
          %add3A_898 = arith.constant 0 : i32
          %add3A_899 = arith.addi %add3A_898, %mul3A_897 : i32
          %get3A_900 = arith.index_cast %add3A_899 : i32 to index
          %get3A_901 = tpu.vector_load %arg6[%get3A_900] {strides = array<i32>} : memref<20000xf32, #tpu.memory_space<vmem>>, vector<16xf32>,
          %gt3A_902 = vector.broadcast %cond3A_347 : f32 to vector<16xf32>
          %gt3A_903 = arith.cmpf ogt, %get3A_901, %gt3A_902 : vector<16xf32>
          %convert_element_type3A_904 = arith.extui %gt3A_903 : vector<16xi1> to vector<16xi32>
          %broadcast_in_dim3A_905 = arith.constant true
          %broadcast_in_dim3A_906 = vector.broadcast %broadcast_in_dim3A_905 : i1 to vector<16xi1>
          %masked_cumsum3A_907 = tpu.scan <sum>, %convert_element_type3A_904 masked %broadcast_in_dim3A_906 : vector<16xi32>, vector<16xi1> -> vector<16xi32>
          %sub3A_908 = arith.subi %masked_cumsum3A_907, %convert_element_type3A_904 : vector<16xi32>
          %add3A_909 = arith.addi %add3A_891, %sub3A_908 : vector<16xi32>
          %min3A_910 = arith.constant 26623 : i32
          %min3A_911 = vector.broadcast %min3A_910 : i32 to vector<16xi32>
          %min3A_912 = arith.minsi %add3A_909, %min3A_911 : vector<16xi32>
          tpu.vector_store_idx %arg7[%min3A_912], %get3A_901 masked %gt3A_903 : memref<26624xf32, #tpu.memory_space<vmem>>[vector<16xi32>], vector<16xf32>, vector<16xi1>
          %mul3A_913 = arith.constant 16 : i32
          %mul3A_914 = arith.muli %add3A_895, %mul3A_913 : i32
          %add3A_915 = arith.addi %mul3A_349, %mul3A_914 : i32
          %add3A_916 = vector.broadcast %add3A_915 : i32 to vector<16xi32>
          %add3A_917 = arith.addi %add3A_916, %iota3A : vector<16xi32>
          tpu.vector_store_idx %arg8[%min3A_912], %add3A_917 masked %gt3A_903 : memref<26624xi32, #tpu.memory_space<vmem>>[vector<16xi32>], vector<16xi32>, vector<16xi1>
          %all_reduce_population_count3A_918 = tpu.all_reduce %gt3A_903 {dim = 0 : i64, kind = #tpu.reduction_kind<sum>} : vector<16xi1> -> vector<16xi32>
          %add3A_919 = arith.addi %add3A_891, %all_reduce_population_count3A_918 : vector<16xi32>
          %mul3A_920 = arith.constant 25 : i32
          %mul3A_921 = arith.muli %scan3A_417, %mul3A_920 : i32
          %add3A_922 = arith.constant 18 : i32
          %add3A_923 = arith.addi %mul3A_921, %add3A_922 : i32
          %mul3A_924 = arith.constant 16 : i32
          %mul3A_925 = arith.muli %add3A_923, %mul3A_924 : i32
          %add3A_926 = arith.constant 0 : i32
          %add3A_927 = arith.addi %add3A_926, %mul3A_925 : i32
          %get3A_928 = arith.index_cast %add3A_927 : i32 to index
          %get3A_929 = tpu.vector_load %arg6[%get3A_928] {strides = array<i32>} : memref<20000xf32, #tpu.memory_space<vmem>>, vector<16xf32>,
          %gt3A_930 = vector.broadcast %cond3A_347 : f32 to vector<16xf32>
          %gt3A_931 = arith.cmpf ogt, %get3A_929, %gt3A_930 : vector<16xf32>
          %convert_element_type3A_932 = arith.extui %gt3A_931 : vector<16xi1> to vector<16xi32>
          %broadcast_in_dim3A_933 = arith.constant true
          %broadcast_in_dim3A_934 = vector.broadcast %broadcast_in_dim3A_933 : i1 to vector<16xi1>
          %masked_cumsum3A_935 = tpu.scan <sum>, %convert_element_type3A_932 masked %broadcast_in_dim3A_934 : vector<16xi32>, vector<16xi1> -> vector<16xi32>
          %sub3A_936 = arith.subi %masked_cumsum3A_935, %convert_element_type3A_932 : vector<16xi32>
          %add3A_937 = arith.addi %add3A_919, %sub3A_936 : vector<16xi32>
          %min3A_938 = arith.constant 26623 : i32
          %min3A_939 = vector.broadcast %min3A_938 : i32 to vector<16xi32>
          %min3A_940 = arith.minsi %add3A_937, %min3A_939 : vector<16xi32>
          tpu.vector_store_idx %arg7[%min3A_940], %get3A_929 masked %gt3A_931 : memref<26624xf32, #tpu.memory_space<vmem>>[vector<16xi32>], vector<16xf32>, vector<16xi1>
          %mul3A_941 = arith.constant 16 : i32
          %mul3A_942 = arith.muli %add3A_923, %mul3A_941 : i32
          %add3A_943 = arith.addi %mul3A_349, %mul3A_942 : i32
          %add3A_944 = vector.broadcast %add3A_943 : i32 to vector<16xi32>
          %add3A_945 = arith.addi %add3A_944, %iota3A : vector<16xi32>
          tpu.vector_store_idx %arg8[%min3A_940], %add3A_945 masked %gt3A_931 : memref<26624xi32, #tpu.memory_space<vmem>>[vector<16xi32>], vector<16xi32>, vector<16xi1>
          %all_reduce_population_count3A_946 = tpu.all_reduce %gt3A_931 {dim = 0 : i64, kind = #tpu.reduction_kind<sum>} : vector<16xi1> -> vector<16xi32>
          %add3A_947 = arith.addi %add3A_919, %all_reduce_population_count3A_946 : vector<16xi32>
          %mul3A_948 = arith.constant 25 : i32
          %mul3A_949 = arith.muli %scan3A_417, %mul3A_948 : i32
          %add3A_950 = arith.constant 19 : i32
          %add3A_951 = arith.addi %mul3A_949, %add3A_950 : i32
          %mul3A_952 = arith.constant 16 : i32
          %mul3A_953 = arith.muli %add3A_951, %mul3A_952 : i32
          %add3A_954 = arith.constant 0 : i32
          %add3A_955 = arith.addi %add3A_954, %mul3A_953 : i32
          %get3A_956 = arith.index_cast %add3A_955 : i32 to index
          %get3A_957 = tpu.vector_load %arg6[%get3A_956] {strides = array<i32>} : memref<20000xf32, #tpu.memory_space<vmem>>, vector<16xf32>,
          %gt3A_958 = vector.broadcast %cond3A_347 : f32 to vector<16xf32>
          %gt3A_959 = arith.cmpf ogt, %get3A_957, %gt3A_958 : vector<16xf32>
          %convert_element_type3A_960 = arith.extui %gt3A_959 : vector<16xi1> to vector<16xi32>
          %broadcast_in_dim3A_961 = arith.constant true
          %broadcast_in_dim3A_962 = vector.broadcast %broadcast_in_dim3A_961 : i1 to vector<16xi1>
          %masked_cumsum3A_963 = tpu.scan <sum>, %convert_element_type3A_960 masked %broadcast_in_dim3A_962 : vector<16xi32>, vector<16xi1> -> vector<16xi32>
          %sub3A_964 = arith.subi %masked_cumsum3A_963, %convert_element_type3A_960 : vector<16xi32>
          %add3A_965 = arith.addi %add3A_947, %sub3A_964 : vector<16xi32>
          %min3A_966 = arith.constant 26623 : i32
          %min3A_967 = vector.broadcast %min3A_966 : i32 to vector<16xi32>
          %min3A_968 = arith.minsi %add3A_965, %min3A_967 : vector<16xi32>
          tpu.vector_store_idx %arg7[%min3A_968], %get3A_957 masked %gt3A_959 : memref<26624xf32, #tpu.memory_space<vmem>>[vector<16xi32>], vector<16xf32>, vector<16xi1>
          %mul3A_969 = arith.constant 16 : i32
          %mul3A_970 = arith.muli %add3A_951, %mul3A_969 : i32
          %add3A_971 = arith.addi %mul3A_349, %mul3A_970 : i32
          %add3A_972 = vector.broadcast %add3A_971 : i32 to vector<16xi32>
          %add3A_973 = arith.addi %add3A_972, %iota3A : vector<16xi32>
          tpu.vector_store_idx %arg8[%min3A_968], %add3A_973 masked %gt3A_959 : memref<26624xi32, #tpu.memory_space<vmem>>[vector<16xi32>], vector<16xi32>, vector<16xi1>
          %all_reduce_population_count3A_974 = tpu.all_reduce %gt3A_959 {dim = 0 : i64, kind = #tpu.reduction_kind<sum>} : vector<16xi1> -> vector<16xi32>
          %add3A_975 = arith.addi %add3A_947, %all_reduce_population_count3A_974 : vector<16xi32>
          %mul3A_976 = arith.constant 25 : i32
          %mul3A_977 = arith.muli %scan3A_417, %mul3A_976 : i32
          %add3A_978 = arith.constant 20 : i32
          %add3A_979 = arith.addi %mul3A_977, %add3A_978 : i32
          %mul3A_980 = arith.constant 16 : i32
          %mul3A_981 = arith.muli %add3A_979, %mul3A_980 : i32
          %add3A_982 = arith.constant 0 : i32
          %add3A_983 = arith.addi %add3A_982, %mul3A_981 : i32
          %get3A_984 = arith.index_cast %add3A_983 : i32 to index
          %get3A_985 = tpu.vector_load %arg6[%get3A_984] {strides = array<i32>} : memref<20000xf32, #tpu.memory_space<vmem>>, vector<16xf32>,
          %gt3A_986 = vector.broadcast %cond3A_347 : f32 to vector<16xf32>
          %gt3A_987 = arith.cmpf ogt, %get3A_985, %gt3A_986 : vector<16xf32>
          %convert_element_type3A_988 = arith.extui %gt3A_987 : vector<16xi1> to vector<16xi32>
          %broadcast_in_dim3A_989 = arith.constant true
          %broadcast_in_dim3A_990 = vector.broadcast %broadcast_in_dim3A_989 : i1 to vector<16xi1>
          %masked_cumsum3A_991 = tpu.scan <sum>, %convert_element_type3A_988 masked %broadcast_in_dim3A_990 : vector<16xi32>, vector<16xi1> -> vector<16xi32>
          %sub3A_992 = arith.subi %masked_cumsum3A_991, %convert_element_type3A_988 : vector<16xi32>
          %add3A_993 = arith.addi %add3A_975, %sub3A_992 : vector<16xi32>
          %min3A_994 = arith.constant 26623 : i32
          %min3A_995 = vector.broadcast %min3A_994 : i32 to vector<16xi32>
          %min3A_996 = arith.minsi %add3A_993, %min3A_995 : vector<16xi32>
          tpu.vector_store_idx %arg7[%min3A_996], %get3A_985 masked %gt3A_987 : memref<26624xf32, #tpu.memory_space<vmem>>[vector<16xi32>], vector<16xf32>, vector<16xi1>
          %mul3A_997 = arith.constant 16 : i32
          %mul3A_998 = arith.muli %add3A_979, %mul3A_997 : i32
          %add3A_999 = arith.addi %mul3A_349, %mul3A_998 : i32
          %add3A_1000 = vector.broadcast %add3A_999 : i32 to vector<16xi32>
          %add3A_1001 = arith.addi %add3A_1000, %iota3A : vector<16xi32>
          tpu.vector_store_idx %arg8[%min3A_996], %add3A_1001 masked %gt3A_987 : memref<26624xi32, #tpu.memory_space<vmem>>[vector<16xi32>], vector<16xi32>, vector<16xi1>
          %all_reduce_population_count3A_1002 = tpu.all_reduce %gt3A_987 {dim = 0 : i64, kind = #tpu.reduction_kind<sum>} : vector<16xi1> -> vector<16xi32>
          %add3A_1003 = arith.addi %add3A_975, %all_reduce_population_count3A_1002 : vector<16xi32>
          %mul3A_1004 = arith.constant 25 : i32
          %mul3A_1005 = arith.muli %scan3A_417, %mul3A_1004 : i32
          %add3A_1006 = arith.constant 21 : i32
          %add3A_1007 = arith.addi %mul3A_1005, %add3A_1006 : i32
          %mul3A_1008 = arith.constant 16 : i32
          %mul3A_1009 = arith.muli %add3A_1007, %mul3A_1008 : i32
          %add3A_1010 = arith.constant 0 : i32
          %add3A_1011 = arith.addi %add3A_1010, %mul3A_1009 : i32
          %get3A_1012 = arith.index_cast %add3A_1011 : i32 to index
          %get3A_1013 = tpu.vector_load %arg6[%get3A_1012] {strides = array<i32>} : memref<20000xf32, #tpu.memory_space<vmem>>, vector<16xf32>,
          %gt3A_1014 = vector.broadcast %cond3A_347 : f32 to vector<16xf32>
          %gt3A_1015 = arith.cmpf ogt, %get3A_1013, %gt3A_1014 : vector<16xf32>
          %convert_element_type3A_1016 = arith.extui %gt3A_1015 : vector<16xi1> to vector<16xi32>
          %broadcast_in_dim3A_1017 = arith.constant true
          %broadcast_in_dim3A_1018 = vector.broadcast %broadcast_in_dim3A_1017 : i1 to vector<16xi1>
          %masked_cumsum3A_1019 = tpu.scan <sum>, %convert_element_type3A_1016 masked %broadcast_in_dim3A_1018 : vector<16xi32>, vector<16xi1> -> vector<16xi32>
          %sub3A_1020 = arith.subi %masked_cumsum3A_1019, %convert_element_type3A_1016 : vector<16xi32>
          %add3A_1021 = arith.addi %add3A_1003, %sub3A_1020 : vector<16xi32>
          %min3A_1022 = arith.constant 26623 : i32
          %min3A_1023 = vector.broadcast %min3A_1022 : i32 to vector<16xi32>
          %min3A_1024 = arith.minsi %add3A_1021, %min3A_1023 : vector<16xi32>
          tpu.vector_store_idx %arg7[%min3A_1024], %get3A_1013 masked %gt3A_1015 : memref<26624xf32, #tpu.memory_space<vmem>>[vector<16xi32>], vector<16xf32>, vector<16xi1>
          %mul3A_1025 = arith.constant 16 : i32
          %mul3A_1026 = arith.muli %add3A_1007, %mul3A_1025 : i32
          %add3A_1027 = arith.addi %mul3A_349, %mul3A_1026 : i32
          %add3A_1028 = vector.broadcast %add3A_1027 : i32 to vector<16xi32>
          %add3A_1029 = arith.addi %add3A_1028, %iota3A : vector<16xi32>
          tpu.vector_store_idx %arg8[%min3A_1024], %add3A_1029 masked %gt3A_1015 : memref<26624xi32, #tpu.memory_space<vmem>>[vector<16xi32>], vector<16xi32>, vector<16xi1>
          %all_reduce_population_count3A_1030 = tpu.all_reduce %gt3A_1015 {dim = 0 : i64, kind = #tpu.reduction_kind<sum>} : vector<16xi1> -> vector<16xi32>
          %add3A_1031 = arith.addi %add3A_1003, %all_reduce_population_count3A_1030 : vector<16xi32>
          %mul3A_1032 = arith.constant 25 : i32
          %mul3A_1033 = arith.muli %scan3A_417, %mul3A_1032 : i32
          %add3A_1034 = arith.constant 22 : i32
          %add3A_1035 = arith.addi %mul3A_1033, %add3A_1034 : i32
          %mul3A_1036 = arith.constant 16 : i32
          %mul3A_1037 = arith.muli %add3A_1035, %mul3A_1036 : i32
          %add3A_1038 = arith.constant 0 : i32
          %add3A_1039 = arith.addi %add3A_1038, %mul3A_1037 : i32
          %get3A_1040 = arith.index_cast %add3A_1039 : i32 to index
          %get3A_1041 = tpu.vector_load %arg6[%get3A_1040] {strides = array<i32>} : memref<20000xf32, #tpu.memory_space<vmem>>, vector<16xf32>,
          %gt3A_1042 = vector.broadcast %cond3A_347 : f32 to vector<16xf32>
          %gt3A_1043 = arith.cmpf ogt, %get3A_1041, %gt3A_1042 : vector<16xf32>
          %convert_element_type3A_1044 = arith.extui %gt3A_1043 : vector<16xi1> to vector<16xi32>
          %broadcast_in_dim3A_1045 = arith.constant true
          %broadcast_in_dim3A_1046 = vector.broadcast %broadcast_in_dim3A_1045 : i1 to vector<16xi1>
          %masked_cumsum3A_1047 = tpu.scan <sum>, %convert_element_type3A_1044 masked %broadcast_in_dim3A_1046 : vector<16xi32>, vector<16xi1> -> vector<16xi32>
          %sub3A_1048 = arith.subi %masked_cumsum3A_1047, %convert_element_type3A_1044 : vector<16xi32>
          %add3A_1049 = arith.addi %add3A_1031, %sub3A_1048 : vector<16xi32>
          %min3A_1050 = arith.constant 26623 : i32
          %min3A_1051 = vector.broadcast %min3A_1050 : i32 to vector<16xi32>
          %min3A_1052 = arith.minsi %add3A_1049, %min3A_1051 : vector<16xi32>
          tpu.vector_store_idx %arg7[%min3A_1052], %get3A_1041 masked %gt3A_1043 : memref<26624xf32, #tpu.memory_space<vmem>>[vector<16xi32>], vector<16xf32>, vector<16xi1>
          %mul3A_1053 = arith.constant 16 : i32
          %mul3A_1054 = arith.muli %add3A_1035, %mul3A_1053 : i32
          %add3A_1055 = arith.addi %mul3A_349, %mul3A_1054 : i32
          %add3A_1056 = vector.broadcast %add3A_1055 : i32 to vector<16xi32>
          %add3A_1057 = arith.addi %add3A_1056, %iota3A : vector<16xi32>
          tpu.vector_store_idx %arg8[%min3A_1052], %add3A_1057 masked %gt3A_1043 : memref<26624xi32, #tpu.memory_space<vmem>>[vector<16xi32>], vector<16xi32>, vector<16xi1>
          %all_reduce_population_count3A_1058 = tpu.all_reduce %gt3A_1043 {dim = 0 : i64, kind = #tpu.reduction_kind<sum>} : vector<16xi1> -> vector<16xi32>
          %add3A_1059 = arith.addi %add3A_1031, %all_reduce_population_count3A_1058 : vector<16xi32>
          %mul3A_1060 = arith.constant 25 : i32
          %mul3A_1061 = arith.muli %scan3A_417, %mul3A_1060 : i32
          %add3A_1062 = arith.constant 23 : i32
          %add3A_1063 = arith.addi %mul3A_1061, %add3A_1062 : i32
          %mul3A_1064 = arith.constant 16 : i32
          %mul3A_1065 = arith.muli %add3A_1063, %mul3A_1064 : i32
          %add3A_1066 = arith.constant 0 : i32
          %add3A_1067 = arith.addi %add3A_1066, %mul3A_1065 : i32
          %get3A_1068 = arith.index_cast %add3A_1067 : i32 to index
          %get3A_1069 = tpu.vector_load %arg6[%get3A_1068] {strides = array<i32>} : memref<20000xf32, #tpu.memory_space<vmem>>, vector<16xf32>,
          %gt3A_1070 = vector.broadcast %cond3A_347 : f32 to vector<16xf32>
          %gt3A_1071 = arith.cmpf ogt, %get3A_1069, %gt3A_1070 : vector<16xf32>
          %convert_element_type3A_1072 = arith.extui %gt3A_1071 : vector<16xi1> to vector<16xi32>
          %broadcast_in_dim3A_1073 = arith.constant true
          %broadcast_in_dim3A_1074 = vector.broadcast %broadcast_in_dim3A_1073 : i1 to vector<16xi1>
          %masked_cumsum3A_1075 = tpu.scan <sum>, %convert_element_type3A_1072 masked %broadcast_in_dim3A_1074 : vector<16xi32>, vector<16xi1> -> vector<16xi32>
          %sub3A_1076 = arith.subi %masked_cumsum3A_1075, %convert_element_type3A_1072 : vector<16xi32>
          %add3A_1077 = arith.addi %add3A_1059, %sub3A_1076 : vector<16xi32>
          %min3A_1078 = arith.constant 26623 : i32
          %min3A_1079 = vector.broadcast %min3A_1078 : i32 to vector<16xi32>
          %min3A_1080 = arith.minsi %add3A_1077, %min3A_1079 : vector<16xi32>
          tpu.vector_store_idx %arg7[%min3A_1080], %get3A_1069 masked %gt3A_1071 : memref<26624xf32, #tpu.memory_space<vmem>>[vector<16xi32>], vector<16xf32>, vector<16xi1>
          %mul3A_1081 = arith.constant 16 : i32
          %mul3A_1082 = arith.muli %add3A_1063, %mul3A_1081 : i32
          %add3A_1083 = arith.addi %mul3A_349, %mul3A_1082 : i32
          %add3A_1084 = vector.broadcast %add3A_1083 : i32 to vector<16xi32>
          %add3A_1085 = arith.addi %add3A_1084, %iota3A : vector<16xi32>
          tpu.vector_store_idx %arg8[%min3A_1080], %add3A_1085 masked %gt3A_1071 : memref<26624xi32, #tpu.memory_space<vmem>>[vector<16xi32>], vector<16xi32>, vector<16xi1>
          %all_reduce_population_count3A_1086 = tpu.all_reduce %gt3A_1071 {dim = 0 : i64, kind = #tpu.reduction_kind<sum>} : vector<16xi1> -> vector<16xi32>
          %add3A_1087 = arith.addi %add3A_1059, %all_reduce_population_count3A_1086 : vector<16xi32>
          %mul3A_1088 = arith.constant 25 : i32
          %mul3A_1089 = arith.muli %scan3A_417, %mul3A_1088 : i32
          %add3A_1090 = arith.constant 24 : i32
          %add3A_1091 = arith.addi %mul3A_1089, %add3A_1090 : i32
          %mul3A_1092 = arith.constant 16 : i32
          %mul3A_1093 = arith.muli %add3A_1091, %mul3A_1092 : i32
          %add3A_1094 = arith.constant 0 : i32
          %add3A_1095 = arith.addi %add3A_1094, %mul3A_1093 : i32
          %get3A_1096 = arith.index_cast %add3A_1095 : i32 to index
          %get3A_1097 = tpu.vector_load %arg6[%get3A_1096] {strides = array<i32>} : memref<20000xf32, #tpu.memory_space<vmem>>, vector<16xf32>,
          %gt3A_1098 = vector.broadcast %cond3A_347 : f32 to vector<16xf32>
          %gt3A_1099 = arith.cmpf ogt, %get3A_1097, %gt3A_1098 : vector<16xf32>
          %convert_element_type3A_1100 = arith.extui %gt3A_1099 : vector<16xi1> to vector<16xi32>
          %broadcast_in_dim3A_1101 = arith.constant true
          %broadcast_in_dim3A_1102 = vector.broadcast %broadcast_in_dim3A_1101 : i1 to vector<16xi1>
          %masked_cumsum3A_1103 = tpu.scan <sum>, %convert_element_type3A_1100 masked %broadcast_in_dim3A_1102 : vector<16xi32>, vector<16xi1> -> vector<16xi32>
          %sub3A_1104 = arith.subi %masked_cumsum3A_1103, %convert_element_type3A_1100 : vector<16xi32>
          %add3A_1105 = arith.addi %add3A_1087, %sub3A_1104 : vector<16xi32>
          %min3A_1106 = arith.constant 26623 : i32
          %min3A_1107 = vector.broadcast %min3A_1106 : i32 to vector<16xi32>
          %min3A_1108 = arith.minsi %add3A_1105, %min3A_1107 : vector<16xi32>
          tpu.vector_store_idx %arg7[%min3A_1108], %get3A_1097 masked %gt3A_1099 : memref<26624xf32, #tpu.memory_space<vmem>>[vector<16xi32>], vector<16xf32>, vector<16xi1>
          %mul3A_1109 = arith.constant 16 : i32
          %mul3A_1110 = arith.muli %add3A_1091, %mul3A_1109 : i32
          %add3A_1111 = arith.addi %mul3A_349, %mul3A_1110 : i32
          %add3A_1112 = vector.broadcast %add3A_1111 : i32 to vector<16xi32>
          %add3A_1113 = arith.addi %add3A_1112, %iota3A : vector<16xi32>
          tpu.vector_store_idx %arg8[%min3A_1108], %add3A_1113 masked %gt3A_1099 : memref<26624xi32, #tpu.memory_space<vmem>>[vector<16xi32>], vector<16xi32>, vector<16xi1>
          %all_reduce_population_count3A_1114 = tpu.all_reduce %gt3A_1099 {dim = 0 : i64, kind = #tpu.reduction_kind<sum>} : vector<16xi1> -> vector<16xi32>
          %add3A_1115 = arith.addi %add3A_1087, %all_reduce_population_count3A_1114 : vector<16xi32>
          scf.yield %add3A_1115 : vector<16xi32>
        }
        %scan3A_359 = arith.constant 25 : i32
        %reduce_max3A = arith.constant true
        %reduce_max3A_360 = vector.broadcast %reduce_max3A : i1 to vector<16xi1>
        %reduce_max3A_361 = arith.constant -2147483648 : i32
        %reduce_max3A_362 = vector.broadcast %reduce_max3A_361 : i32 to vector<16xi32>
        %reduce_max3A_363 = arith.xori %scan3A_358, %reduce_max3A_362 : vector<16xi32>
        %reduce_max3A_364 = tpu.scan <max>, %reduce_max3A_363 masked %reduce_max3A_360 : vector<16xi32>, vector<16xi1> -> vector<16xi32>
        %reduce_max3A_365 = arith.xori %reduce_max3A_364, %reduce_max3A_362 : vector<16xi32>
        %reduce_max3A_366 = vector.extract %reduce_max3A_365[15] : i32 from vector<16xi32>
        %gt3A_367 = arith.constant 4096 : i32
        %gt3A_368 = arith.cmpi sgt, %reduce_max3A_366, %gt3A_367 : i32
        %convert_element_type3A_369 = arith.extui %gt3A_368 : i1 to i32
        %cond3A_370 = arith.constant 0 : i32
        %cond3A_371 = arith.cmpi ne, %convert_element_type3A_369, %cond3A_370 : i32
        %cond3A_372:2 = scf.if %cond3A_371 -> (f32, i32) {
          %scan3A_417 = arith.constant -6.400000e+01 : f32
          %scan3A_418 = arith.constant 6.400000e+01 : f32
          %scan3A_419 = arith.constant 0 : i32
          %scan3A_420 = arith.constant 21 : i32
          %scan3A_421 = arith.addi %scan3A_419, %scan3A_420 : i32
          %scan3A_422 = arith.constant 1 : i32
          %scan3A_423:2 = scf.for %scan3A_465 = %scan3A_419 to %scan3A_421 step %scan3A_422 iter_args(%scan3A_466 = %scan3A_417, %scan3A_467 = %scan3A_418) -> (f32, f32)  : i32 {
            %add3A_468 = arith.addf %scan3A_466, %scan3A_467 : f32
            %mul3A_469 = arith.constant 5.000000e-01 : f32
            %mul3A_470 = arith.mulf %mul3A_469, %add3A_468 : f32
            %broadcast_in_dim3A_471 = arith.constant 0 : i32
            %broadcast_in_dim3A_472 = vector.broadcast %broadcast_in_dim3A_471 : i32 to vector<16xi32>
            %scan3A_473 = arith.constant 0 : i32
            %scan3A_474 = arith.constant 32 : i32
            %scan3A_475 = arith.addi %scan3A_473, %scan3A_474 : i32
            %scan3A_476 = arith.constant 1 : i32
            %scan3A_477 = scf.for %scan3A_485 = %scan3A_473 to %scan3A_475 step %scan3A_476 iter_args(%scan3A_486 = %broadcast_in_dim3A_472) -> (vector<16xi32>)  : i32 {
              %mul3A_487 = arith.constant 4 : i32
              %mul3A_488 = arith.muli %scan3A_485, %mul3A_487 : i32
              %add3A_489 = arith.constant 0 : i32
              %add3A_490 = arith.addi %mul3A_488, %add3A_489 : i32
              %mul3A_491 = arith.constant 16 : i32
              %mul3A_492 = arith.muli %add3A_490, %mul3A_491 : i32
              %get3A_493 = arith.index_cast %mul3A_492 : i32 to index
              %get3A_494 = tpu.vector_load %arg7[%get3A_493] {strides = array<i32>} : memref<26624xf32, #tpu.memory_space<vmem>>, vector<16xf32>,
              %mul3A_495 = arith.constant 4 : i32
              %mul3A_496 = arith.muli %scan3A_485, %mul3A_495 : i32
              %add3A_497 = arith.constant 0 : i32
              %add3A_498 = arith.addi %mul3A_496, %add3A_497 : i32
              %mul3A_499 = arith.constant 16 : i32
              %mul3A_500 = arith.muli %add3A_498, %mul3A_499 : i32
              %add3A_501 = vector.broadcast %mul3A_500 : i32 to vector<16xi32>
              %add3A_502 = arith.addi %add3A_501, %iota3A : vector<16xi32>
              %lt3A_503 = vector.broadcast %reduce_max3A_366 : i32 to vector<16xi32>
              %lt3A_504 = arith.cmpi slt, %add3A_502, %lt3A_503 : vector<16xi32>
              %gt3A_505 = vector.broadcast %mul3A_470 : f32 to vector<16xf32>
              %gt3A_506 = arith.cmpf ogt, %get3A_494, %gt3A_505 : vector<16xf32>
              %and3A_507 = arith.andi %gt3A_506, %lt3A_504 : vector<16xi1>
              %jit3A_508 = arith.constant 1 : i32
              %jit3A_509 = arith.constant 0 : i32
              %broadcast_in_dim3A_510 = vector.broadcast %jit3A_508 : i32 to vector<16xi32>
              %broadcast_in_dim3A_511 = vector.broadcast %jit3A_509 : i32 to vector<16xi32>
              %select_n3A_512 = arith.select %and3A_507, %broadcast_in_dim3A_510, %broadcast_in_dim3A_511 : vector<16xi1>, vector<16xi32>
              %add3A_513 = arith.addi %scan3A_486, %select_n3A_512 : vector<16xi32>
              %mul3A_514 = arith.constant 4 : i32
              %mul3A_515 = arith.muli %scan3A_485, %mul3A_514 : i32
              %add3A_516 = arith.constant 1 : i32
              %add3A_517 = arith.addi %mul3A_515, %add3A_516 : i32
              %mul3A_518 = arith.constant 16 : i32
              %mul3A_519 = arith.muli %add3A_517, %mul3A_518 : i32
              %get3A_520 = arith.index_cast %mul3A_519 : i32 to index
              %get3A_521 = tpu.vector_load %arg7[%get3A_520] {strides = array<i32>} : memref<26624xf32, #tpu.memory_space<vmem>>, vector<16xf32>,
              %mul3A_522 = arith.constant 4 : i32
              %mul3A_523 = arith.muli %scan3A_485, %mul3A_522 : i32
              %add3A_524 = arith.constant 1 : i32
              %add3A_525 = arith.addi %mul3A_523, %add3A_524 : i32
              %mul3A_526 = arith.constant 16 : i32
              %mul3A_527 = arith.muli %add3A_525, %mul3A_526 : i32
              %add3A_528 = vector.broadcast %mul3A_527 : i32 to vector<16xi32>
              %add3A_529 = arith.addi %add3A_528, %iota3A : vector<16xi32>
              %lt3A_530 = vector.broadcast %reduce_max3A_366 : i32 to vector<16xi32>
              %lt3A_531 = arith.cmpi slt, %add3A_529, %lt3A_530 : vector<16xi32>
              %gt3A_532 = vector.broadcast %mul3A_470 : f32 to vector<16xf32>
              %gt3A_533 = arith.cmpf ogt, %get3A_521, %gt3A_532 : vector<16xf32>
              %and3A_534 = arith.andi %gt3A_533, %lt3A_531 : vector<16xi1>
              %jit3A_535 = arith.constant 1 : i32
              %jit3A_536 = arith.constant 0 : i32
              %broadcast_in_dim3A_537 = vector.broadcast %jit3A_535 : i32 to vector<16xi32>
              %broadcast_in_dim3A_538 = vector.broadcast %jit3A_536 : i32 to vector<16xi32>
              %select_n3A_539 = arith.select %and3A_534, %broadcast_in_dim3A_537, %broadcast_in_dim3A_538 : vector<16xi1>, vector<16xi32>
              %add3A_540 = arith.addi %add3A_513, %select_n3A_539 : vector<16xi32>
              %mul3A_541 = arith.constant 4 : i32
              %mul3A_542 = arith.muli %scan3A_485, %mul3A_541 : i32
              %add3A_543 = arith.constant 2 : i32
              %add3A_544 = arith.addi %mul3A_542, %add3A_543 : i32
              %mul3A_545 = arith.constant 16 : i32
              %mul3A_546 = arith.muli %add3A_544, %mul3A_545 : i32
              %get3A_547 = arith.index_cast %mul3A_546 : i32 to index
              %get3A_548 = tpu.vector_load %arg7[%get3A_547] {strides = array<i32>} : memref<26624xf32, #tpu.memory_space<vmem>>, vector<16xf32>,
              %mul3A_549 = arith.constant 4 : i32
              %mul3A_550 = arith.muli %scan3A_485, %mul3A_549 : i32
              %add3A_551 = arith.constant 2 : i32
              %add3A_552 = arith.addi %mul3A_550, %add3A_551 : i32
              %mul3A_553 = arith.constant 16 : i32
              %mul3A_554 = arith.muli %add3A_552, %mul3A_553 : i32
              %add3A_555 = vector.broadcast %mul3A_554 : i32 to vector<16xi32>
              %add3A_556 = arith.addi %add3A_555, %iota3A : vector<16xi32>
              %lt3A_557 = vector.broadcast %reduce_max3A_366 : i32 to vector<16xi32>
              %lt3A_558 = arith.cmpi slt, %add3A_556, %lt3A_557 : vector<16xi32>
              %gt3A_559 = vector.broadcast %mul3A_470 : f32 to vector<16xf32>
              %gt3A_560 = arith.cmpf ogt, %get3A_548, %gt3A_559 : vector<16xf32>
              %and3A_561 = arith.andi %gt3A_560, %lt3A_558 : vector<16xi1>
              %jit3A_562 = arith.constant 1 : i32
              %jit3A_563 = arith.constant 0 : i32
              %broadcast_in_dim3A_564 = vector.broadcast %jit3A_562 : i32 to vector<16xi32>
              %broadcast_in_dim3A_565 = vector.broadcast %jit3A_563 : i32 to vector<16xi32>
              %select_n3A_566 = arith.select %and3A_561, %broadcast_in_dim3A_564, %broadcast_in_dim3A_565 : vector<16xi1>, vector<16xi32>
              %add3A_567 = arith.addi %add3A_540, %select_n3A_566 : vector<16xi32>
              %mul3A_568 = arith.constant 4 : i32
              %mul3A_569 = arith.muli %scan3A_485, %mul3A_568 : i32
              %add3A_570 = arith.constant 3 : i32
              %add3A_571 = arith.addi %mul3A_569, %add3A_570 : i32
              %mul3A_572 = arith.constant 16 : i32
              %mul3A_573 = arith.muli %add3A_571, %mul3A_572 : i32
              %get3A_574 = arith.index_cast %mul3A_573 : i32 to index
              %get3A_575 = tpu.vector_load %arg7[%get3A_574] {strides = array<i32>} : memref<26624xf32, #tpu.memory_space<vmem>>, vector<16xf32>,
              %mul3A_576 = arith.constant 4 : i32
              %mul3A_577 = arith.muli %scan3A_485, %mul3A_576 : i32
              %add3A_578 = arith.constant 3 : i32
              %add3A_579 = arith.addi %mul3A_577, %add3A_578 : i32
              %mul3A_580 = arith.constant 16 : i32
              %mul3A_581 = arith.muli %add3A_579, %mul3A_580 : i32
              %add3A_582 = vector.broadcast %mul3A_581 : i32 to vector<16xi32>
              %add3A_583 = arith.addi %add3A_582, %iota3A : vector<16xi32>
              %lt3A_584 = vector.broadcast %reduce_max3A_366 : i32 to vector<16xi32>
              %lt3A_585 = arith.cmpi slt, %add3A_583, %lt3A_584 : vector<16xi32>
              %gt3A_586 = vector.broadcast %mul3A_470 : f32 to vector<16xf32>
              %gt3A_587 = arith.cmpf ogt, %get3A_575, %gt3A_586 : vector<16xf32>
              %and3A_588 = arith.andi %gt3A_587, %lt3A_585 : vector<16xi1>
              %jit3A_589 = arith.constant 1 : i32
              %jit3A_590 = arith.constant 0 : i32
              %broadcast_in_dim3A_591 = vector.broadcast %jit3A_589 : i32 to vector<16xi32>
              %broadcast_in_dim3A_592 = vector.broadcast %jit3A_590 : i32 to vector<16xi32>
              %select_n3A_593 = arith.select %and3A_588, %broadcast_in_dim3A_591, %broadcast_in_dim3A_592 : vector<16xi1>, vector<16xi32>
              %add3A_594 = arith.addi %add3A_567, %select_n3A_593 : vector<16xi32>
              scf.yield %add3A_594 : vector<16xi32>
            }
            %scan3A_478 = arith.constant 32 : i32
            %reduce_sum3A = arith.constant true
            %reduce_sum3A_479 = vector.broadcast %reduce_sum3A : i1 to vector<16xi1>
            %reduce_sum3A_480 = tpu.scan <sum>, %scan3A_477 masked %reduce_sum3A_479 : vector<16xi32>, vector<16xi1> -> vector<16xi32>
            %reduce_sum3A_481 = vector.extract %reduce_sum3A_480[15] : i32 from vector<16xi32>
            %ge3A = arith.constant 128 : i32
            %ge3A_482 = arith.cmpi sge, %reduce_sum3A_481, %ge3A : i32
            %select_n3A_483 = arith.select %ge3A_482, %mul3A_470, %scan3A_466 : f32
            %select_n3A_484 = arith.select %ge3A_482, %scan3A_467, %mul3A_470 : f32
            scf.yield %select_n3A_483, %select_n3A_484 : f32, f32
          }
          %scan3A_424 = arith.constant 21 : i32
          %max3A = arith.maximumf %cond3A_347, %scan3A_423#0 : f32
          %add3A_425 = arith.constant 15 : i32
          %add3A_426 = arith.addi %reduce_max3A_366, %add3A_425 : i32
          %jit3A_427 = arith.constant 16 : i32
          %div3A = arith.divsi %add3A_426, %jit3A_427 : i32
          %sign3A = arith.constant 0 : i32
          %sign3A_428 = arith.cmpi sgt, %add3A_426, %sign3A : i32
          %sign3A_429 = arith.extui %sign3A_428 : i1 to i32
          %sign3A_430 = arith.constant 0 : i32
          %sign3A_431 = arith.cmpi slt, %add3A_426, %sign3A_430 : i32
          %sign3A_432 = arith.extui %sign3A_431 : i1 to i32
          %sign3A_433 = arith.subi %sign3A_429, %sign3A_432 : i32
          %sign3A_434 = arith.constant 0 : i32
          %sign3A_435 = arith.cmpi sgt, %jit3A_427, %sign3A_434 : i32
          %sign3A_436 = arith.extui %sign3A_435 : i1 to i32
          %sign3A_437 = arith.constant 0 : i32
          %sign3A_438 = arith.cmpi slt, %jit3A_427, %sign3A_437 : i32
          %sign3A_439 = arith.extui %sign3A_438 : i1 to i32
          %sign3A_440 = arith.subi %sign3A_436, %sign3A_439 : i32
          %ne3A = arith.cmpi ne, %sign3A_433, %sign3A_440 : i32
          %rem3A = arith.remsi %add3A_426, %jit3A_427 : i32
          %ne3A_441 = arith.constant 0 : i32
          %ne3A_442 = arith.cmpi ne, %rem3A, %ne3A_441 : i32
          %and3A = arith.andi %ne3A, %ne3A_442 : i1
          %sub3A = arith.constant 1 : i32
          %sub3A_443 = arith.subi %div3A, %sub3A : i32
          %select_n3A_444 = arith.select %and3A, %sub3A_443, %div3A : i32
          %broadcast_in_dim3A_445 = arith.constant 0 : i32
          %broadcast_in_dim3A_446 = vector.broadcast %broadcast_in_dim3A_445 : i32 to vector<16xi32>
          %while3A = arith.constant 0 : i32
          %while3A_447 = arith.subi %select_n3A_444, %while3A : i32
          %while3A_448 = arith.addi %while3A, %while3A_447 : i32
          %while3A_449 = arith.constant 1 : i32
          %while3A_450 = arith.divsi %while3A_447, %while3A_449 : i32
          %while3A_451 = arith.muli %while3A_450, %while3A_449 : i32
          %while3A_452 = arith.addi %while3A, %while3A_451 : i32
          %while3A_453 = arith.constant 1 : i32
          %while3A_454 = scf.for %while3A_465 = %while3A to %while3A_452 step %while3A_453 iter_args(%while3A_466 = %broadcast_in_dim3A_446) -> (vector<16xi32>)  : i32 {
            %mul3A_467 = arith.constant 16 : i32
            %mul3A_468 = arith.muli %while3A_465, %mul3A_467 : i32
            %get3A_469 = arith.index_cast %mul3A_468 : i32 to index
            %get3A_470 = tpu.vector_load %arg7[%get3A_469] {strides = array<i32>} : memref<26624xf32, #tpu.memory_space<vmem>>, vector<16xf32>,
            %mul3A_471 = arith.constant 16 : i32
            %mul3A_472 = arith.muli %while3A_465, %mul3A_471 : i32
            %get3A_473 = arith.index_cast %mul3A_472 : i32 to index
            %get3A_474 = tpu.vector_load %arg8[%get3A_473] {strides = array<i32>} : memref<26624xi32, #tpu.memory_space<vmem>>, vector<16xi32>,
            %mul3A_475 = arith.constant 16 : i32
            %mul3A_476 = arith.muli %while3A_465, %mul3A_475 : i32
            %add3A_477 = vector.broadcast %mul3A_476 : i32 to vector<16xi32>
            %add3A_478 = arith.addi %add3A_477, %iota3A : vector<16xi32>
            %lt3A_479 = vector.broadcast %reduce_max3A_366 : i32 to vector<16xi32>
            %lt3A_480 = arith.cmpi slt, %add3A_478, %lt3A_479 : vector<16xi32>
            %gt3A_481 = vector.broadcast %max3A : f32 to vector<16xf32>
            %gt3A_482 = arith.cmpf ogt, %get3A_470, %gt3A_481 : vector<16xf32>
            %and3A_483 = arith.andi %gt3A_482, %lt3A_480 : vector<16xi1>
            %convert_element_type3A_484 = arith.extui %and3A_483 : vector<16xi1> to vector<16xi32>
            %broadcast_in_dim3A_485 = arith.constant true
            %broadcast_in_dim3A_486 = vector.broadcast %broadcast_in_dim3A_485 : i1 to vector<16xi1>
            %masked_cumsum3A = tpu.scan <sum>, %convert_element_type3A_484 masked %broadcast_in_dim3A_486 : vector<16xi32>, vector<16xi1> -> vector<16xi32>
            %sub3A_487 = arith.subi %masked_cumsum3A, %convert_element_type3A_484 : vector<16xi32>
            %add3A_488 = arith.addi %while3A_466, %sub3A_487 : vector<16xi32>
            tpu.vector_store_idx %arg7[%add3A_488], %get3A_470 masked %and3A_483 : memref<26624xf32, #tpu.memory_space<vmem>>[vector<16xi32>], vector<16xf32>, vector<16xi1>
            tpu.vector_store_idx %arg8[%add3A_488], %get3A_474 masked %and3A_483 : memref<26624xi32, #tpu.memory_space<vmem>>[vector<16xi32>], vector<16xi32>, vector<16xi1>
            %all_reduce_population_count3A = tpu.all_reduce %and3A_483 {dim = 0 : i64, kind = #tpu.reduction_kind<sum>} : vector<16xi1> -> vector<16xi32>
            %add3A_489 = arith.addi %while3A_466, %all_reduce_population_count3A : vector<16xi32>
            scf.yield %add3A_489 : vector<16xi32>
          }
          %while3A_455 = arith.constant 1 : i32
          %while3A_456 = scf.for %while3A_465 = %while3A_452 to %while3A_448 step %while3A_455 iter_args(%while3A_466 = %while3A_454) -> (vector<16xi32>)  : i32 {
            %mul3A_467 = arith.constant 16 : i32
            %mul3A_468 = arith.muli %while3A_465, %mul3A_467 : i32
            %get3A_469 = arith.index_cast %mul3A_468 : i32 to index
            %get3A_470 = tpu.vector_load %arg7[%get3A_469] {strides = array<i32>} : memref<26624xf32, #tpu.memory_space<vmem>>, vector<16xf32>,
            %mul3A_471 = arith.constant 16 : i32
            %mul3A_472 = arith.muli %while3A_465, %mul3A_471 : i32
            %get3A_473 = arith.index_cast %mul3A_472 : i32 to index
            %get3A_474 = tpu.vector_load %arg8[%get3A_473] {strides = array<i32>} : memref<26624xi32, #tpu.memory_space<vmem>>, vector<16xi32>,
            %mul3A_475 = arith.constant 16 : i32
            %mul3A_476 = arith.muli %while3A_465, %mul3A_475 : i32
            %add3A_477 = vector.broadcast %mul3A_476 : i32 to vector<16xi32>
            %add3A_478 = arith.addi %add3A_477, %iota3A : vector<16xi32>
            %lt3A_479 = vector.broadcast %reduce_max3A_366 : i32 to vector<16xi32>
            %lt3A_480 = arith.cmpi slt, %add3A_478, %lt3A_479 : vector<16xi32>
            %gt3A_481 = vector.broadcast %max3A : f32 to vector<16xf32>
            %gt3A_482 = arith.cmpf ogt, %get3A_470, %gt3A_481 : vector<16xf32>
            %and3A_483 = arith.andi %gt3A_482, %lt3A_480 : vector<16xi1>
            %convert_element_type3A_484 = arith.extui %and3A_483 : vector<16xi1> to vector<16xi32>
            %broadcast_in_dim3A_485 = arith.constant true
            %broadcast_in_dim3A_486 = vector.broadcast %broadcast_in_dim3A_485 : i1 to vector<16xi1>
            %masked_cumsum3A = tpu.scan <sum>, %convert_element_type3A_484 masked %broadcast_in_dim3A_486 : vector<16xi32>, vector<16xi1> -> vector<16xi32>
            %sub3A_487 = arith.subi %masked_cumsum3A, %convert_element_type3A_484 : vector<16xi32>
            %add3A_488 = arith.addi %while3A_466, %sub3A_487 : vector<16xi32>
            tpu.vector_store_idx %arg7[%add3A_488], %get3A_470 masked %and3A_483 : memref<26624xf32, #tpu.memory_space<vmem>>[vector<16xi32>], vector<16xf32>, vector<16xi1>
            tpu.vector_store_idx %arg8[%add3A_488], %get3A_474 masked %and3A_483 : memref<26624xi32, #tpu.memory_space<vmem>>[vector<16xi32>], vector<16xi32>, vector<16xi1>
            %all_reduce_population_count3A = tpu.all_reduce %and3A_483 {dim = 0 : i64, kind = #tpu.reduction_kind<sum>} : vector<16xi1> -> vector<16xi32>
            %add3A_489 = arith.addi %while3A_466, %all_reduce_population_count3A : vector<16xi32>
            scf.yield %add3A_489 : vector<16xi32>
          }
          %reduce_max3A_457 = arith.constant true
          %reduce_max3A_458 = vector.broadcast %reduce_max3A_457 : i1 to vector<16xi1>
          %reduce_max3A_459 = arith.constant -2147483648 : i32
          %reduce_max3A_460 = vector.broadcast %reduce_max3A_459 : i32 to vector<16xi32>
          %reduce_max3A_461 = arith.xori %while3A_456, %reduce_max3A_460 : vector<16xi32>
          %reduce_max3A_462 = tpu.scan <max>, %reduce_max3A_461 masked %reduce_max3A_458 : vector<16xi32>, vector<16xi1> -> vector<16xi32>
          %reduce_max3A_463 = arith.xori %reduce_max3A_462, %reduce_max3A_460 : vector<16xi32>
          %reduce_max3A_464 = vector.extract %reduce_max3A_463[15] : i32 from vector<16xi32>
          scf.yield %max3A, %reduce_max3A_464 : f32, i32
        } else {
          scf.yield %cond3A_347, %reduce_max3A_366 : f32, i32
        }
        %lt3A_373 = arith.constant 4 : i32
        %lt3A_374 = arith.cmpi slt, %scan3A_319, %lt3A_373 : i32
        %convert_element_type3A_375 = arith.extui %lt3A_374 : i1 to i32
        %cond3A_376 = arith.constant 0 : i32
        %cond3A_377 = arith.cmpi ne, %convert_element_type3A_375, %cond3A_376 : i32
        scf.if %cond3A_377 {
          %add3A_417 = arith.constant 2 : i32
          %add3A_418 = arith.addi %mul3A_323, %add3A_417 : i32
          %mul3A_419 = arith.constant 10000 : i32
          %mul3A_420 = arith.muli %add3A_418, %mul3A_419 : i32
          %add3A_421 = arith.addi %mul3A_14, %mul3A_420 : i32
          %dma_start3A_422 = arith.constant 0 : i32
          %dma_start3A_423 = tpu.memref_slice %arg6[%dma_start3A_422] : memref<20000xf32, #tpu.memory_space<vmem>> -> memref<10000xf32, #tpu.memory_space<vmem>>
          %dma_start3A_424 = tpu.memref_slice %arg2[%add3A_421] : memref<12800000xf32, #tpu.memory_space<hbm>> -> memref<10000xf32, #tpu.memory_space<hbm>>
          %dma_start3A_425 = arith.constant 0 : i32
          %dma_start3A_426 = tpu.memref_slice %arg6[%dma_start3A_425] : memref<20000xf32, #tpu.memory_space<vmem>> -> memref<10000xf32, #tpu.memory_space<vmem>>
          %dma_start3A_427 = tpu.memref_slice %arg2[%add3A_421] : memref<12800000xf32, #tpu.memory_space<hbm>> -> memref<10000xf32, #tpu.memory_space<hbm>>
          tpu.enqueue_dma source(%dma_start3A_427 : memref<10000xf32, #tpu.memory_space<hbm>>) target(%dma_start3A_426 : memref<10000xf32, #tpu.memory_space<vmem>>) target_semaphore(%arg11 : memref<!tpu.dma_semaphore, #tpu.memory_space<semaphore_mem>>)
        } else {
        }
        %add3A_378 = arith.constant 1 : i32
        %add3A_379 = arith.addi %mul3A_323, %add3A_378 : i32
        %mul3A_380 = arith.constant 10000 : i32
        %mul3A_381 = arith.muli %add3A_379, %mul3A_380 : i32
        %add3A_382 = arith.addi %mul3A_14, %mul3A_381 : i32
        %dma_wait3A_383 = arith.constant 10000 : i32
        %dma_wait3A_384 = tpu.memref_slice %arg6[%dma_wait3A_383] : memref<20000xf32, #tpu.memory_space<vmem>> -> memref<10000xf32, #tpu.memory_space<vmem>>
        %dma_wait3A_385 = tpu.memref_slice %arg2[%add3A_382] : memref<12800000xf32, #tpu.memory_space<hbm>> -> memref<10000xf32, #tpu.memory_space<hbm>>
        %dma_wait3A_386 = arith.constant 10000 : i32
        %dma_wait3A_387 = tpu.memref_slice %arg6[%dma_wait3A_386] : memref<20000xf32, #tpu.memory_space<vmem>> -> memref<10000xf32, #tpu.memory_space<vmem>>
        %dma_wait3A_388 = tpu.memref_slice %arg2[%add3A_382] : memref<12800000xf32, #tpu.memory_space<hbm>> -> memref<10000xf32, #tpu.memory_space<hbm>>
        tpu.wait_dma2 semaphore(%arg12 : memref<!tpu.dma_semaphore, #tpu.memory_space<semaphore_mem>>) src(%dma_wait3A_388 : memref<10000xf32, #tpu.memory_space<hbm>>) dst(%dma_wait3A_387 : memref<10000xf32, #tpu.memory_space<vmem>>)
        %add3A_389 = arith.constant 1 : i32
        %add3A_390 = arith.addi %mul3A_323, %add3A_389 : i32
        %mul3A_391 = arith.constant 10000 : i32
        %mul3A_392 = arith.muli %add3A_390, %mul3A_391 : i32
        %broadcast_in_dim3A_393 = arith.constant 0 : i32
        %broadcast_in_dim3A_394 = vector.broadcast %broadcast_in_dim3A_393 : i32 to vector<16xi32>
        %add3A_395 = vector.broadcast %cond3A_372#1 : i32 to vector<16xi32>
        %add3A_396 = arith.addi %broadcast_in_dim3A_394, %add3A_395 : vector<16xi32>
        %scan3A_397 = arith.constant 0 : i32
        %scan3A_398 = arith.constant 25 : i32
        %scan3A_399 = arith.addi %scan3A_397, %scan3A_398 : i32
        %scan3A_400 = arith.constant 1 : i32
        %scan3A_401 = scf.for %scan3A_417 = %scan3A_397 to %scan3A_399 step %scan3A_400 iter_args(%scan3A_418 = %add3A_396) -> (vector<16xi32>)  : i32 {
          %mul3A_419 = arith.constant 25 : i32
          %mul3A_420 = arith.muli %scan3A_417, %mul3A_419 : i32
          %add3A_421 = arith.constant 0 : i32
          %add3A_422 = arith.addi %mul3A_420, %add3A_421 : i32
          %mul3A_423 = arith.constant 16 : i32
          %mul3A_424 = arith.muli %add3A_422, %mul3A_423 : i32
          %add3A_425 = arith.constant 10000 : i32
          %add3A_426 = arith.addi %add3A_425, %mul3A_424 : i32
          %get3A_427 = arith.index_cast %add3A_426 : i32 to index
          %get3A_428 = tpu.vector_load %arg6[%get3A_427] {strides = array<i32>} : memref<20000xf32, #tpu.memory_space<vmem>>, vector<16xf32>,
          %gt3A_429 = vector.broadcast %cond3A_372#0 : f32 to vector<16xf32>
          %gt3A_430 = arith.cmpf ogt, %get3A_428, %gt3A_429 : vector<16xf32>
          %convert_element_type3A_431 = arith.extui %gt3A_430 : vector<16xi1> to vector<16xi32>
          %broadcast_in_dim3A_432 = arith.constant true
          %broadcast_in_dim3A_433 = vector.broadcast %broadcast_in_dim3A_432 : i1 to vector<16xi1>
          %masked_cumsum3A = tpu.scan <sum>, %convert_element_type3A_431 masked %broadcast_in_dim3A_433 : vector<16xi32>, vector<16xi1> -> vector<16xi32>
          %sub3A = arith.subi %masked_cumsum3A, %convert_element_type3A_431 : vector<16xi32>
          %add3A_434 = arith.addi %scan3A_418, %sub3A : vector<16xi32>
          %min3A_435 = arith.constant 26623 : i32
          %min3A_436 = vector.broadcast %min3A_435 : i32 to vector<16xi32>
          %min3A_437 = arith.minsi %add3A_434, %min3A_436 : vector<16xi32>
          tpu.vector_store_idx %arg7[%min3A_437], %get3A_428 masked %gt3A_430 : memref<26624xf32, #tpu.memory_space<vmem>>[vector<16xi32>], vector<16xf32>, vector<16xi1>
          %mul3A_438 = arith.constant 16 : i32
          %mul3A_439 = arith.muli %add3A_422, %mul3A_438 : i32
          %add3A_440 = arith.addi %mul3A_392, %mul3A_439 : i32
          %add3A_441 = vector.broadcast %add3A_440 : i32 to vector<16xi32>
          %add3A_442 = arith.addi %add3A_441, %iota3A : vector<16xi32>
          tpu.vector_store_idx %arg8[%min3A_437], %add3A_442 masked %gt3A_430 : memref<26624xi32, #tpu.memory_space<vmem>>[vector<16xi32>], vector<16xi32>, vector<16xi1>
          %all_reduce_population_count3A = tpu.all_reduce %gt3A_430 {dim = 0 : i64, kind = #tpu.reduction_kind<sum>} : vector<16xi1> -> vector<16xi32>
          %add3A_443 = arith.addi %scan3A_418, %all_reduce_population_count3A : vector<16xi32>
          %mul3A_444 = arith.constant 25 : i32
          %mul3A_445 = arith.muli %scan3A_417, %mul3A_444 : i32
          %add3A_446 = arith.constant 1 : i32
          %add3A_447 = arith.addi %mul3A_445, %add3A_446 : i32
          %mul3A_448 = arith.constant 16 : i32
          %mul3A_449 = arith.muli %add3A_447, %mul3A_448 : i32
          %add3A_450 = arith.constant 10000 : i32
          %add3A_451 = arith.addi %add3A_450, %mul3A_449 : i32
          %get3A_452 = arith.index_cast %add3A_451 : i32 to index
          %get3A_453 = tpu.vector_load %arg6[%get3A_452] {strides = array<i32>} : memref<20000xf32, #tpu.memory_space<vmem>>, vector<16xf32>,
          %gt3A_454 = vector.broadcast %cond3A_372#0 : f32 to vector<16xf32>
          %gt3A_455 = arith.cmpf ogt, %get3A_453, %gt3A_454 : vector<16xf32>
          %convert_element_type3A_456 = arith.extui %gt3A_455 : vector<16xi1> to vector<16xi32>
          %broadcast_in_dim3A_457 = arith.constant true
          %broadcast_in_dim3A_458 = vector.broadcast %broadcast_in_dim3A_457 : i1 to vector<16xi1>
          %masked_cumsum3A_459 = tpu.scan <sum>, %convert_element_type3A_456 masked %broadcast_in_dim3A_458 : vector<16xi32>, vector<16xi1> -> vector<16xi32>
          %sub3A_460 = arith.subi %masked_cumsum3A_459, %convert_element_type3A_456 : vector<16xi32>
          %add3A_461 = arith.addi %add3A_443, %sub3A_460 : vector<16xi32>
          %min3A_462 = arith.constant 26623 : i32
          %min3A_463 = vector.broadcast %min3A_462 : i32 to vector<16xi32>
          %min3A_464 = arith.minsi %add3A_461, %min3A_463 : vector<16xi32>
          tpu.vector_store_idx %arg7[%min3A_464], %get3A_453 masked %gt3A_455 : memref<26624xf32, #tpu.memory_space<vmem>>[vector<16xi32>], vector<16xf32>, vector<16xi1>
          %mul3A_465 = arith.constant 16 : i32
          %mul3A_466 = arith.muli %add3A_447, %mul3A_465 : i32
          %add3A_467 = arith.addi %mul3A_392, %mul3A_466 : i32
          %add3A_468 = vector.broadcast %add3A_467 : i32 to vector<16xi32>
          %add3A_469 = arith.addi %add3A_468, %iota3A : vector<16xi32>
          tpu.vector_store_idx %arg8[%min3A_464], %add3A_469 masked %gt3A_455 : memref<26624xi32, #tpu.memory_space<vmem>>[vector<16xi32>], vector<16xi32>, vector<16xi1>
          %all_reduce_population_count3A_470 = tpu.all_reduce %gt3A_455 {dim = 0 : i64, kind = #tpu.reduction_kind<sum>} : vector<16xi1> -> vector<16xi32>
          %add3A_471 = arith.addi %add3A_443, %all_reduce_population_count3A_470 : vector<16xi32>
          %mul3A_472 = arith.constant 25 : i32
          %mul3A_473 = arith.muli %scan3A_417, %mul3A_472 : i32
          %add3A_474 = arith.constant 2 : i32
          %add3A_475 = arith.addi %mul3A_473, %add3A_474 : i32
          %mul3A_476 = arith.constant 16 : i32
          %mul3A_477 = arith.muli %add3A_475, %mul3A_476 : i32
          %add3A_478 = arith.constant 10000 : i32
          %add3A_479 = arith.addi %add3A_478, %mul3A_477 : i32
          %get3A_480 = arith.index_cast %add3A_479 : i32 to index
          %get3A_481 = tpu.vector_load %arg6[%get3A_480] {strides = array<i32>} : memref<20000xf32, #tpu.memory_space<vmem>>, vector<16xf32>,
          %gt3A_482 = vector.broadcast %cond3A_372#0 : f32 to vector<16xf32>
          %gt3A_483 = arith.cmpf ogt, %get3A_481, %gt3A_482 : vector<16xf32>
          %convert_element_type3A_484 = arith.extui %gt3A_483 : vector<16xi1> to vector<16xi32>
          %broadcast_in_dim3A_485 = arith.constant true
          %broadcast_in_dim3A_486 = vector.broadcast %broadcast_in_dim3A_485 : i1 to vector<16xi1>
          %masked_cumsum3A_487 = tpu.scan <sum>, %convert_element_type3A_484 masked %broadcast_in_dim3A_486 : vector<16xi32>, vector<16xi1> -> vector<16xi32>
          %sub3A_488 = arith.subi %masked_cumsum3A_487, %convert_element_type3A_484 : vector<16xi32>
          %add3A_489 = arith.addi %add3A_471, %sub3A_488 : vector<16xi32>
          %min3A_490 = arith.constant 26623 : i32
          %min3A_491 = vector.broadcast %min3A_490 : i32 to vector<16xi32>
          %min3A_492 = arith.minsi %add3A_489, %min3A_491 : vector<16xi32>
          tpu.vector_store_idx %arg7[%min3A_492], %get3A_481 masked %gt3A_483 : memref<26624xf32, #tpu.memory_space<vmem>>[vector<16xi32>], vector<16xf32>, vector<16xi1>
          %mul3A_493 = arith.constant 16 : i32
          %mul3A_494 = arith.muli %add3A_475, %mul3A_493 : i32
          %add3A_495 = arith.addi %mul3A_392, %mul3A_494 : i32
          %add3A_496 = vector.broadcast %add3A_495 : i32 to vector<16xi32>
          %add3A_497 = arith.addi %add3A_496, %iota3A : vector<16xi32>
          tpu.vector_store_idx %arg8[%min3A_492], %add3A_497 masked %gt3A_483 : memref<26624xi32, #tpu.memory_space<vmem>>[vector<16xi32>], vector<16xi32>, vector<16xi1>
          %all_reduce_population_count3A_498 = tpu.all_reduce %gt3A_483 {dim = 0 : i64, kind = #tpu.reduction_kind<sum>} : vector<16xi1> -> vector<16xi32>
          %add3A_499 = arith.addi %add3A_471, %all_reduce_population_count3A_498 : vector<16xi32>
          %mul3A_500 = arith.constant 25 : i32
          %mul3A_501 = arith.muli %scan3A_417, %mul3A_500 : i32
          %add3A_502 = arith.constant 3 : i32
          %add3A_503 = arith.addi %mul3A_501, %add3A_502 : i32
          %mul3A_504 = arith.constant 16 : i32
          %mul3A_505 = arith.muli %add3A_503, %mul3A_504 : i32
          %add3A_506 = arith.constant 10000 : i32
          %add3A_507 = arith.addi %add3A_506, %mul3A_505 : i32
          %get3A_508 = arith.index_cast %add3A_507 : i32 to index
          %get3A_509 = tpu.vector_load %arg6[%get3A_508] {strides = array<i32>} : memref<20000xf32, #tpu.memory_space<vmem>>, vector<16xf32>,
          %gt3A_510 = vector.broadcast %cond3A_372#0 : f32 to vector<16xf32>
          %gt3A_511 = arith.cmpf ogt, %get3A_509, %gt3A_510 : vector<16xf32>
          %convert_element_type3A_512 = arith.extui %gt3A_511 : vector<16xi1> to vector<16xi32>
          %broadcast_in_dim3A_513 = arith.constant true
          %broadcast_in_dim3A_514 = vector.broadcast %broadcast_in_dim3A_513 : i1 to vector<16xi1>
          %masked_cumsum3A_515 = tpu.scan <sum>, %convert_element_type3A_512 masked %broadcast_in_dim3A_514 : vector<16xi32>, vector<16xi1> -> vector<16xi32>
          %sub3A_516 = arith.subi %masked_cumsum3A_515, %convert_element_type3A_512 : vector<16xi32>
          %add3A_517 = arith.addi %add3A_499, %sub3A_516 : vector<16xi32>
          %min3A_518 = arith.constant 26623 : i32
          %min3A_519 = vector.broadcast %min3A_518 : i32 to vector<16xi32>
          %min3A_520 = arith.minsi %add3A_517, %min3A_519 : vector<16xi32>
          tpu.vector_store_idx %arg7[%min3A_520], %get3A_509 masked %gt3A_511 : memref<26624xf32, #tpu.memory_space<vmem>>[vector<16xi32>], vector<16xf32>, vector<16xi1>
          %mul3A_521 = arith.constant 16 : i32
          %mul3A_522 = arith.muli %add3A_503, %mul3A_521 : i32
          %add3A_523 = arith.addi %mul3A_392, %mul3A_522 : i32
          %add3A_524 = vector.broadcast %add3A_523 : i32 to vector<16xi32>
          %add3A_525 = arith.addi %add3A_524, %iota3A : vector<16xi32>
          tpu.vector_store_idx %arg8[%min3A_520], %add3A_525 masked %gt3A_511 : memref<26624xi32, #tpu.memory_space<vmem>>[vector<16xi32>], vector<16xi32>, vector<16xi1>
          %all_reduce_population_count3A_526 = tpu.all_reduce %gt3A_511 {dim = 0 : i64, kind = #tpu.reduction_kind<sum>} : vector<16xi1> -> vector<16xi32>
          %add3A_527 = arith.addi %add3A_499, %all_reduce_population_count3A_526 : vector<16xi32>
          %mul3A_528 = arith.constant 25 : i32
          %mul3A_529 = arith.muli %scan3A_417, %mul3A_528 : i32
          %add3A_530 = arith.constant 4 : i32
          %add3A_531 = arith.addi %mul3A_529, %add3A_530 : i32
          %mul3A_532 = arith.constant 16 : i32
          %mul3A_533 = arith.muli %add3A_531, %mul3A_532 : i32
          %add3A_534 = arith.constant 10000 : i32
          %add3A_535 = arith.addi %add3A_534, %mul3A_533 : i32
          %get3A_536 = arith.index_cast %add3A_535 : i32 to index
          %get3A_537 = tpu.vector_load %arg6[%get3A_536] {strides = array<i32>} : memref<20000xf32, #tpu.memory_space<vmem>>, vector<16xf32>,
          %gt3A_538 = vector.broadcast %cond3A_372#0 : f32 to vector<16xf32>
          %gt3A_539 = arith.cmpf ogt, %get3A_537, %gt3A_538 : vector<16xf32>
          %convert_element_type3A_540 = arith.extui %gt3A_539 : vector<16xi1> to vector<16xi32>
          %broadcast_in_dim3A_541 = arith.constant true
          %broadcast_in_dim3A_542 = vector.broadcast %broadcast_in_dim3A_541 : i1 to vector<16xi1>
          %masked_cumsum3A_543 = tpu.scan <sum>, %convert_element_type3A_540 masked %broadcast_in_dim3A_542 : vector<16xi32>, vector<16xi1> -> vector<16xi32>
          %sub3A_544 = arith.subi %masked_cumsum3A_543, %convert_element_type3A_540 : vector<16xi32>
          %add3A_545 = arith.addi %add3A_527, %sub3A_544 : vector<16xi32>
          %min3A_546 = arith.constant 26623 : i32
          %min3A_547 = vector.broadcast %min3A_546 : i32 to vector<16xi32>
          %min3A_548 = arith.minsi %add3A_545, %min3A_547 : vector<16xi32>
          tpu.vector_store_idx %arg7[%min3A_548], %get3A_537 masked %gt3A_539 : memref<26624xf32, #tpu.memory_space<vmem>>[vector<16xi32>], vector<16xf32>, vector<16xi1>
          %mul3A_549 = arith.constant 16 : i32
          %mul3A_550 = arith.muli %add3A_531, %mul3A_549 : i32
          %add3A_551 = arith.addi %mul3A_392, %mul3A_550 : i32
          %add3A_552 = vector.broadcast %add3A_551 : i32 to vector<16xi32>
          %add3A_553 = arith.addi %add3A_552, %iota3A : vector<16xi32>
          tpu.vector_store_idx %arg8[%min3A_548], %add3A_553 masked %gt3A_539 : memref<26624xi32, #tpu.memory_space<vmem>>[vector<16xi32>], vector<16xi32>, vector<16xi1>
          %all_reduce_population_count3A_554 = tpu.all_reduce %gt3A_539 {dim = 0 : i64, kind = #tpu.reduction_kind<sum>} : vector<16xi1> -> vector<16xi32>
          %add3A_555 = arith.addi %add3A_527, %all_reduce_population_count3A_554 : vector<16xi32>
          %mul3A_556 = arith.constant 25 : i32
          %mul3A_557 = arith.muli %scan3A_417, %mul3A_556 : i32
          %add3A_558 = arith.constant 5 : i32
          %add3A_559 = arith.addi %mul3A_557, %add3A_558 : i32
          %mul3A_560 = arith.constant 16 : i32
          %mul3A_561 = arith.muli %add3A_559, %mul3A_560 : i32
          %add3A_562 = arith.constant 10000 : i32
          %add3A_563 = arith.addi %add3A_562, %mul3A_561 : i32
          %get3A_564 = arith.index_cast %add3A_563 : i32 to index
          %get3A_565 = tpu.vector_load %arg6[%get3A_564] {strides = array<i32>} : memref<20000xf32, #tpu.memory_space<vmem>>, vector<16xf32>,
          %gt3A_566 = vector.broadcast %cond3A_372#0 : f32 to vector<16xf32>
          %gt3A_567 = arith.cmpf ogt, %get3A_565, %gt3A_566 : vector<16xf32>
          %convert_element_type3A_568 = arith.extui %gt3A_567 : vector<16xi1> to vector<16xi32>
          %broadcast_in_dim3A_569 = arith.constant true
          %broadcast_in_dim3A_570 = vector.broadcast %broadcast_in_dim3A_569 : i1 to vector<16xi1>
          %masked_cumsum3A_571 = tpu.scan <sum>, %convert_element_type3A_568 masked %broadcast_in_dim3A_570 : vector<16xi32>, vector<16xi1> -> vector<16xi32>
          %sub3A_572 = arith.subi %masked_cumsum3A_571, %convert_element_type3A_568 : vector<16xi32>
          %add3A_573 = arith.addi %add3A_555, %sub3A_572 : vector<16xi32>
          %min3A_574 = arith.constant 26623 : i32
          %min3A_575 = vector.broadcast %min3A_574 : i32 to vector<16xi32>
          %min3A_576 = arith.minsi %add3A_573, %min3A_575 : vector<16xi32>
          tpu.vector_store_idx %arg7[%min3A_576], %get3A_565 masked %gt3A_567 : memref<26624xf32, #tpu.memory_space<vmem>>[vector<16xi32>], vector<16xf32>, vector<16xi1>
          %mul3A_577 = arith.constant 16 : i32
          %mul3A_578 = arith.muli %add3A_559, %mul3A_577 : i32
          %add3A_579 = arith.addi %mul3A_392, %mul3A_578 : i32
          %add3A_580 = vector.broadcast %add3A_579 : i32 to vector<16xi32>
          %add3A_581 = arith.addi %add3A_580, %iota3A : vector<16xi32>
          tpu.vector_store_idx %arg8[%min3A_576], %add3A_581 masked %gt3A_567 : memref<26624xi32, #tpu.memory_space<vmem>>[vector<16xi32>], vector<16xi32>, vector<16xi1>
          %all_reduce_population_count3A_582 = tpu.all_reduce %gt3A_567 {dim = 0 : i64, kind = #tpu.reduction_kind<sum>} : vector<16xi1> -> vector<16xi32>
          %add3A_583 = arith.addi %add3A_555, %all_reduce_population_count3A_582 : vector<16xi32>
          %mul3A_584 = arith.constant 25 : i32
          %mul3A_585 = arith.muli %scan3A_417, %mul3A_584 : i32
          %add3A_586 = arith.constant 6 : i32
          %add3A_587 = arith.addi %mul3A_585, %add3A_586 : i32
          %mul3A_588 = arith.constant 16 : i32
          %mul3A_589 = arith.muli %add3A_587, %mul3A_588 : i32
          %add3A_590 = arith.constant 10000 : i32
          %add3A_591 = arith.addi %add3A_590, %mul3A_589 : i32
          %get3A_592 = arith.index_cast %add3A_591 : i32 to index
          %get3A_593 = tpu.vector_load %arg6[%get3A_592] {strides = array<i32>} : memref<20000xf32, #tpu.memory_space<vmem>>, vector<16xf32>,
          %gt3A_594 = vector.broadcast %cond3A_372#0 : f32 to vector<16xf32>
          %gt3A_595 = arith.cmpf ogt, %get3A_593, %gt3A_594 : vector<16xf32>
          %convert_element_type3A_596 = arith.extui %gt3A_595 : vector<16xi1> to vector<16xi32>
          %broadcast_in_dim3A_597 = arith.constant true
          %broadcast_in_dim3A_598 = vector.broadcast %broadcast_in_dim3A_597 : i1 to vector<16xi1>
          %masked_cumsum3A_599 = tpu.scan <sum>, %convert_element_type3A_596 masked %broadcast_in_dim3A_598 : vector<16xi32>, vector<16xi1> -> vector<16xi32>
          %sub3A_600 = arith.subi %masked_cumsum3A_599, %convert_element_type3A_596 : vector<16xi32>
          %add3A_601 = arith.addi %add3A_583, %sub3A_600 : vector<16xi32>
          %min3A_602 = arith.constant 26623 : i32
          %min3A_603 = vector.broadcast %min3A_602 : i32 to vector<16xi32>
          %min3A_604 = arith.minsi %add3A_601, %min3A_603 : vector<16xi32>
          tpu.vector_store_idx %arg7[%min3A_604], %get3A_593 masked %gt3A_595 : memref<26624xf32, #tpu.memory_space<vmem>>[vector<16xi32>], vector<16xf32>, vector<16xi1>
          %mul3A_605 = arith.constant 16 : i32
          %mul3A_606 = arith.muli %add3A_587, %mul3A_605 : i32
          %add3A_607 = arith.addi %mul3A_392, %mul3A_606 : i32
          %add3A_608 = vector.broadcast %add3A_607 : i32 to vector<16xi32>
          %add3A_609 = arith.addi %add3A_608, %iota3A : vector<16xi32>
          tpu.vector_store_idx %arg8[%min3A_604], %add3A_609 masked %gt3A_595 : memref<26624xi32, #tpu.memory_space<vmem>>[vector<16xi32>], vector<16xi32>, vector<16xi1>
          %all_reduce_population_count3A_610 = tpu.all_reduce %gt3A_595 {dim = 0 : i64, kind = #tpu.reduction_kind<sum>} : vector<16xi1> -> vector<16xi32>
          %add3A_611 = arith.addi %add3A_583, %all_reduce_population_count3A_610 : vector<16xi32>
          %mul3A_612 = arith.constant 25 : i32
          %mul3A_613 = arith.muli %scan3A_417, %mul3A_612 : i32
          %add3A_614 = arith.constant 7 : i32
          %add3A_615 = arith.addi %mul3A_613, %add3A_614 : i32
          %mul3A_616 = arith.constant 16 : i32
          %mul3A_617 = arith.muli %add3A_615, %mul3A_616 : i32
          %add3A_618 = arith.constant 10000 : i32
          %add3A_619 = arith.addi %add3A_618, %mul3A_617 : i32
          %get3A_620 = arith.index_cast %add3A_619 : i32 to index
          %get3A_621 = tpu.vector_load %arg6[%get3A_620] {strides = array<i32>} : memref<20000xf32, #tpu.memory_space<vmem>>, vector<16xf32>,
          %gt3A_622 = vector.broadcast %cond3A_372#0 : f32 to vector<16xf32>
          %gt3A_623 = arith.cmpf ogt, %get3A_621, %gt3A_622 : vector<16xf32>
          %convert_element_type3A_624 = arith.extui %gt3A_623 : vector<16xi1> to vector<16xi32>
          %broadcast_in_dim3A_625 = arith.constant true
          %broadcast_in_dim3A_626 = vector.broadcast %broadcast_in_dim3A_625 : i1 to vector<16xi1>
          %masked_cumsum3A_627 = tpu.scan <sum>, %convert_element_type3A_624 masked %broadcast_in_dim3A_626 : vector<16xi32>, vector<16xi1> -> vector<16xi32>
          %sub3A_628 = arith.subi %masked_cumsum3A_627, %convert_element_type3A_624 : vector<16xi32>
          %add3A_629 = arith.addi %add3A_611, %sub3A_628 : vector<16xi32>
          %min3A_630 = arith.constant 26623 : i32
          %min3A_631 = vector.broadcast %min3A_630 : i32 to vector<16xi32>
          %min3A_632 = arith.minsi %add3A_629, %min3A_631 : vector<16xi32>
          tpu.vector_store_idx %arg7[%min3A_632], %get3A_621 masked %gt3A_623 : memref<26624xf32, #tpu.memory_space<vmem>>[vector<16xi32>], vector<16xf32>, vector<16xi1>
          %mul3A_633 = arith.constant 16 : i32
          %mul3A_634 = arith.muli %add3A_615, %mul3A_633 : i32
          %add3A_635 = arith.addi %mul3A_392, %mul3A_634 : i32
          %add3A_636 = vector.broadcast %add3A_635 : i32 to vector<16xi32>
          %add3A_637 = arith.addi %add3A_636, %iota3A : vector<16xi32>
          tpu.vector_store_idx %arg8[%min3A_632], %add3A_637 masked %gt3A_623 : memref<26624xi32, #tpu.memory_space<vmem>>[vector<16xi32>], vector<16xi32>, vector<16xi1>
          %all_reduce_population_count3A_638 = tpu.all_reduce %gt3A_623 {dim = 0 : i64, kind = #tpu.reduction_kind<sum>} : vector<16xi1> -> vector<16xi32>
          %add3A_639 = arith.addi %add3A_611, %all_reduce_population_count3A_638 : vector<16xi32>
          %mul3A_640 = arith.constant 25 : i32
          %mul3A_641 = arith.muli %scan3A_417, %mul3A_640 : i32
          %add3A_642 = arith.constant 8 : i32
          %add3A_643 = arith.addi %mul3A_641, %add3A_642 : i32
          %mul3A_644 = arith.constant 16 : i32
          %mul3A_645 = arith.muli %add3A_643, %mul3A_644 : i32
          %add3A_646 = arith.constant 10000 : i32
          %add3A_647 = arith.addi %add3A_646, %mul3A_645 : i32
          %get3A_648 = arith.index_cast %add3A_647 : i32 to index
          %get3A_649 = tpu.vector_load %arg6[%get3A_648] {strides = array<i32>} : memref<20000xf32, #tpu.memory_space<vmem>>, vector<16xf32>,
          %gt3A_650 = vector.broadcast %cond3A_372#0 : f32 to vector<16xf32>
          %gt3A_651 = arith.cmpf ogt, %get3A_649, %gt3A_650 : vector<16xf32>
          %convert_element_type3A_652 = arith.extui %gt3A_651 : vector<16xi1> to vector<16xi32>
          %broadcast_in_dim3A_653 = arith.constant true
          %broadcast_in_dim3A_654 = vector.broadcast %broadcast_in_dim3A_653 : i1 to vector<16xi1>
          %masked_cumsum3A_655 = tpu.scan <sum>, %convert_element_type3A_652 masked %broadcast_in_dim3A_654 : vector<16xi32>, vector<16xi1> -> vector<16xi32>
          %sub3A_656 = arith.subi %masked_cumsum3A_655, %convert_element_type3A_652 : vector<16xi32>
          %add3A_657 = arith.addi %add3A_639, %sub3A_656 : vector<16xi32>
          %min3A_658 = arith.constant 26623 : i32
          %min3A_659 = vector.broadcast %min3A_658 : i32 to vector<16xi32>
          %min3A_660 = arith.minsi %add3A_657, %min3A_659 : vector<16xi32>
          tpu.vector_store_idx %arg7[%min3A_660], %get3A_649 masked %gt3A_651 : memref<26624xf32, #tpu.memory_space<vmem>>[vector<16xi32>], vector<16xf32>, vector<16xi1>
          %mul3A_661 = arith.constant 16 : i32
          %mul3A_662 = arith.muli %add3A_643, %mul3A_661 : i32
          %add3A_663 = arith.addi %mul3A_392, %mul3A_662 : i32
          %add3A_664 = vector.broadcast %add3A_663 : i32 to vector<16xi32>
          %add3A_665 = arith.addi %add3A_664, %iota3A : vector<16xi32>
          tpu.vector_store_idx %arg8[%min3A_660], %add3A_665 masked %gt3A_651 : memref<26624xi32, #tpu.memory_space<vmem>>[vector<16xi32>], vector<16xi32>, vector<16xi1>
          %all_reduce_population_count3A_666 = tpu.all_reduce %gt3A_651 {dim = 0 : i64, kind = #tpu.reduction_kind<sum>} : vector<16xi1> -> vector<16xi32>
          %add3A_667 = arith.addi %add3A_639, %all_reduce_population_count3A_666 : vector<16xi32>
          %mul3A_668 = arith.constant 25 : i32
          %mul3A_669 = arith.muli %scan3A_417, %mul3A_668 : i32
          %add3A_670 = arith.constant 9 : i32
          %add3A_671 = arith.addi %mul3A_669, %add3A_670 : i32
          %mul3A_672 = arith.constant 16 : i32
          %mul3A_673 = arith.muli %add3A_671, %mul3A_672 : i32
          %add3A_674 = arith.constant 10000 : i32
          %add3A_675 = arith.addi %add3A_674, %mul3A_673 : i32
          %get3A_676 = arith.index_cast %add3A_675 : i32 to index
          %get3A_677 = tpu.vector_load %arg6[%get3A_676] {strides = array<i32>} : memref<20000xf32, #tpu.memory_space<vmem>>, vector<16xf32>,
          %gt3A_678 = vector.broadcast %cond3A_372#0 : f32 to vector<16xf32>
          %gt3A_679 = arith.cmpf ogt, %get3A_677, %gt3A_678 : vector<16xf32>
          %convert_element_type3A_680 = arith.extui %gt3A_679 : vector<16xi1> to vector<16xi32>
          %broadcast_in_dim3A_681 = arith.constant true
          %broadcast_in_dim3A_682 = vector.broadcast %broadcast_in_dim3A_681 : i1 to vector<16xi1>
          %masked_cumsum3A_683 = tpu.scan <sum>, %convert_element_type3A_680 masked %broadcast_in_dim3A_682 : vector<16xi32>, vector<16xi1> -> vector<16xi32>
          %sub3A_684 = arith.subi %masked_cumsum3A_683, %convert_element_type3A_680 : vector<16xi32>
          %add3A_685 = arith.addi %add3A_667, %sub3A_684 : vector<16xi32>
          %min3A_686 = arith.constant 26623 : i32
          %min3A_687 = vector.broadcast %min3A_686 : i32 to vector<16xi32>
          %min3A_688 = arith.minsi %add3A_685, %min3A_687 : vector<16xi32>
          tpu.vector_store_idx %arg7[%min3A_688], %get3A_677 masked %gt3A_679 : memref<26624xf32, #tpu.memory_space<vmem>>[vector<16xi32>], vector<16xf32>, vector<16xi1>
          %mul3A_689 = arith.constant 16 : i32
          %mul3A_690 = arith.muli %add3A_671, %mul3A_689 : i32
          %add3A_691 = arith.addi %mul3A_392, %mul3A_690 : i32
          %add3A_692 = vector.broadcast %add3A_691 : i32 to vector<16xi32>
          %add3A_693 = arith.addi %add3A_692, %iota3A : vector<16xi32>
          tpu.vector_store_idx %arg8[%min3A_688], %add3A_693 masked %gt3A_679 : memref<26624xi32, #tpu.memory_space<vmem>>[vector<16xi32>], vector<16xi32>, vector<16xi1>
          %all_reduce_population_count3A_694 = tpu.all_reduce %gt3A_679 {dim = 0 : i64, kind = #tpu.reduction_kind<sum>} : vector<16xi1> -> vector<16xi32>
          %add3A_695 = arith.addi %add3A_667, %all_reduce_population_count3A_694 : vector<16xi32>
          %mul3A_696 = arith.constant 25 : i32
          %mul3A_697 = arith.muli %scan3A_417, %mul3A_696 : i32
          %add3A_698 = arith.constant 10 : i32
          %add3A_699 = arith.addi %mul3A_697, %add3A_698 : i32
          %mul3A_700 = arith.constant 16 : i32
          %mul3A_701 = arith.muli %add3A_699, %mul3A_700 : i32
          %add3A_702 = arith.constant 10000 : i32
          %add3A_703 = arith.addi %add3A_702, %mul3A_701 : i32
          %get3A_704 = arith.index_cast %add3A_703 : i32 to index
          %get3A_705 = tpu.vector_load %arg6[%get3A_704] {strides = array<i32>} : memref<20000xf32, #tpu.memory_space<vmem>>, vector<16xf32>,
          %gt3A_706 = vector.broadcast %cond3A_372#0 : f32 to vector<16xf32>
          %gt3A_707 = arith.cmpf ogt, %get3A_705, %gt3A_706 : vector<16xf32>
          %convert_element_type3A_708 = arith.extui %gt3A_707 : vector<16xi1> to vector<16xi32>
          %broadcast_in_dim3A_709 = arith.constant true
          %broadcast_in_dim3A_710 = vector.broadcast %broadcast_in_dim3A_709 : i1 to vector<16xi1>
          %masked_cumsum3A_711 = tpu.scan <sum>, %convert_element_type3A_708 masked %broadcast_in_dim3A_710 : vector<16xi32>, vector<16xi1> -> vector<16xi32>
          %sub3A_712 = arith.subi %masked_cumsum3A_711, %convert_element_type3A_708 : vector<16xi32>
          %add3A_713 = arith.addi %add3A_695, %sub3A_712 : vector<16xi32>
          %min3A_714 = arith.constant 26623 : i32
          %min3A_715 = vector.broadcast %min3A_714 : i32 to vector<16xi32>
          %min3A_716 = arith.minsi %add3A_713, %min3A_715 : vector<16xi32>
          tpu.vector_store_idx %arg7[%min3A_716], %get3A_705 masked %gt3A_707 : memref<26624xf32, #tpu.memory_space<vmem>>[vector<16xi32>], vector<16xf32>, vector<16xi1>
          %mul3A_717 = arith.constant 16 : i32
          %mul3A_718 = arith.muli %add3A_699, %mul3A_717 : i32
          %add3A_719 = arith.addi %mul3A_392, %mul3A_718 : i32
          %add3A_720 = vector.broadcast %add3A_719 : i32 to vector<16xi32>
          %add3A_721 = arith.addi %add3A_720, %iota3A : vector<16xi32>
          tpu.vector_store_idx %arg8[%min3A_716], %add3A_721 masked %gt3A_707 : memref<26624xi32, #tpu.memory_space<vmem>>[vector<16xi32>], vector<16xi32>, vector<16xi1>
          %all_reduce_population_count3A_722 = tpu.all_reduce %gt3A_707 {dim = 0 : i64, kind = #tpu.reduction_kind<sum>} : vector<16xi1> -> vector<16xi32>
          %add3A_723 = arith.addi %add3A_695, %all_reduce_population_count3A_722 : vector<16xi32>
          %mul3A_724 = arith.constant 25 : i32
          %mul3A_725 = arith.muli %scan3A_417, %mul3A_724 : i32
          %add3A_726 = arith.constant 11 : i32
          %add3A_727 = arith.addi %mul3A_725, %add3A_726 : i32
          %mul3A_728 = arith.constant 16 : i32
          %mul3A_729 = arith.muli %add3A_727, %mul3A_728 : i32
          %add3A_730 = arith.constant 10000 : i32
          %add3A_731 = arith.addi %add3A_730, %mul3A_729 : i32
          %get3A_732 = arith.index_cast %add3A_731 : i32 to index
          %get3A_733 = tpu.vector_load %arg6[%get3A_732] {strides = array<i32>} : memref<20000xf32, #tpu.memory_space<vmem>>, vector<16xf32>,
          %gt3A_734 = vector.broadcast %cond3A_372#0 : f32 to vector<16xf32>
          %gt3A_735 = arith.cmpf ogt, %get3A_733, %gt3A_734 : vector<16xf32>
          %convert_element_type3A_736 = arith.extui %gt3A_735 : vector<16xi1> to vector<16xi32>
          %broadcast_in_dim3A_737 = arith.constant true
          %broadcast_in_dim3A_738 = vector.broadcast %broadcast_in_dim3A_737 : i1 to vector<16xi1>
          %masked_cumsum3A_739 = tpu.scan <sum>, %convert_element_type3A_736 masked %broadcast_in_dim3A_738 : vector<16xi32>, vector<16xi1> -> vector<16xi32>
          %sub3A_740 = arith.subi %masked_cumsum3A_739, %convert_element_type3A_736 : vector<16xi32>
          %add3A_741 = arith.addi %add3A_723, %sub3A_740 : vector<16xi32>
          %min3A_742 = arith.constant 26623 : i32
          %min3A_743 = vector.broadcast %min3A_742 : i32 to vector<16xi32>
          %min3A_744 = arith.minsi %add3A_741, %min3A_743 : vector<16xi32>
          tpu.vector_store_idx %arg7[%min3A_744], %get3A_733 masked %gt3A_735 : memref<26624xf32, #tpu.memory_space<vmem>>[vector<16xi32>], vector<16xf32>, vector<16xi1>
          %mul3A_745 = arith.constant 16 : i32
          %mul3A_746 = arith.muli %add3A_727, %mul3A_745 : i32
          %add3A_747 = arith.addi %mul3A_392, %mul3A_746 : i32
          %add3A_748 = vector.broadcast %add3A_747 : i32 to vector<16xi32>
          %add3A_749 = arith.addi %add3A_748, %iota3A : vector<16xi32>
          tpu.vector_store_idx %arg8[%min3A_744], %add3A_749 masked %gt3A_735 : memref<26624xi32, #tpu.memory_space<vmem>>[vector<16xi32>], vector<16xi32>, vector<16xi1>
          %all_reduce_population_count3A_750 = tpu.all_reduce %gt3A_735 {dim = 0 : i64, kind = #tpu.reduction_kind<sum>} : vector<16xi1> -> vector<16xi32>
          %add3A_751 = arith.addi %add3A_723, %all_reduce_population_count3A_750 : vector<16xi32>
          %mul3A_752 = arith.constant 25 : i32
          %mul3A_753 = arith.muli %scan3A_417, %mul3A_752 : i32
          %add3A_754 = arith.constant 12 : i32
          %add3A_755 = arith.addi %mul3A_753, %add3A_754 : i32
          %mul3A_756 = arith.constant 16 : i32
          %mul3A_757 = arith.muli %add3A_755, %mul3A_756 : i32
          %add3A_758 = arith.constant 10000 : i32
          %add3A_759 = arith.addi %add3A_758, %mul3A_757 : i32
          %get3A_760 = arith.index_cast %add3A_759 : i32 to index
          %get3A_761 = tpu.vector_load %arg6[%get3A_760] {strides = array<i32>} : memref<20000xf32, #tpu.memory_space<vmem>>, vector<16xf32>,
          %gt3A_762 = vector.broadcast %cond3A_372#0 : f32 to vector<16xf32>
          %gt3A_763 = arith.cmpf ogt, %get3A_761, %gt3A_762 : vector<16xf32>
          %convert_element_type3A_764 = arith.extui %gt3A_763 : vector<16xi1> to vector<16xi32>
          %broadcast_in_dim3A_765 = arith.constant true
          %broadcast_in_dim3A_766 = vector.broadcast %broadcast_in_dim3A_765 : i1 to vector<16xi1>
          %masked_cumsum3A_767 = tpu.scan <sum>, %convert_element_type3A_764 masked %broadcast_in_dim3A_766 : vector<16xi32>, vector<16xi1> -> vector<16xi32>
          %sub3A_768 = arith.subi %masked_cumsum3A_767, %convert_element_type3A_764 : vector<16xi32>
          %add3A_769 = arith.addi %add3A_751, %sub3A_768 : vector<16xi32>
          %min3A_770 = arith.constant 26623 : i32
          %min3A_771 = vector.broadcast %min3A_770 : i32 to vector<16xi32>
          %min3A_772 = arith.minsi %add3A_769, %min3A_771 : vector<16xi32>
          tpu.vector_store_idx %arg7[%min3A_772], %get3A_761 masked %gt3A_763 : memref<26624xf32, #tpu.memory_space<vmem>>[vector<16xi32>], vector<16xf32>, vector<16xi1>
          %mul3A_773 = arith.constant 16 : i32
          %mul3A_774 = arith.muli %add3A_755, %mul3A_773 : i32
          %add3A_775 = arith.addi %mul3A_392, %mul3A_774 : i32
          %add3A_776 = vector.broadcast %add3A_775 : i32 to vector<16xi32>
          %add3A_777 = arith.addi %add3A_776, %iota3A : vector<16xi32>
          tpu.vector_store_idx %arg8[%min3A_772], %add3A_777 masked %gt3A_763 : memref<26624xi32, #tpu.memory_space<vmem>>[vector<16xi32>], vector<16xi32>, vector<16xi1>
          %all_reduce_population_count3A_778 = tpu.all_reduce %gt3A_763 {dim = 0 : i64, kind = #tpu.reduction_kind<sum>} : vector<16xi1> -> vector<16xi32>
          %add3A_779 = arith.addi %add3A_751, %all_reduce_population_count3A_778 : vector<16xi32>
          %mul3A_780 = arith.constant 25 : i32
          %mul3A_781 = arith.muli %scan3A_417, %mul3A_780 : i32
          %add3A_782 = arith.constant 13 : i32
          %add3A_783 = arith.addi %mul3A_781, %add3A_782 : i32
          %mul3A_784 = arith.constant 16 : i32
          %mul3A_785 = arith.muli %add3A_783, %mul3A_784 : i32
          %add3A_786 = arith.constant 10000 : i32
          %add3A_787 = arith.addi %add3A_786, %mul3A_785 : i32
          %get3A_788 = arith.index_cast %add3A_787 : i32 to index
          %get3A_789 = tpu.vector_load %arg6[%get3A_788] {strides = array<i32>} : memref<20000xf32, #tpu.memory_space<vmem>>, vector<16xf32>,
          %gt3A_790 = vector.broadcast %cond3A_372#0 : f32 to vector<16xf32>
          %gt3A_791 = arith.cmpf ogt, %get3A_789, %gt3A_790 : vector<16xf32>
          %convert_element_type3A_792 = arith.extui %gt3A_791 : vector<16xi1> to vector<16xi32>
          %broadcast_in_dim3A_793 = arith.constant true
          %broadcast_in_dim3A_794 = vector.broadcast %broadcast_in_dim3A_793 : i1 to vector<16xi1>
          %masked_cumsum3A_795 = tpu.scan <sum>, %convert_element_type3A_792 masked %broadcast_in_dim3A_794 : vector<16xi32>, vector<16xi1> -> vector<16xi32>
          %sub3A_796 = arith.subi %masked_cumsum3A_795, %convert_element_type3A_792 : vector<16xi32>
          %add3A_797 = arith.addi %add3A_779, %sub3A_796 : vector<16xi32>
          %min3A_798 = arith.constant 26623 : i32
          %min3A_799 = vector.broadcast %min3A_798 : i32 to vector<16xi32>
          %min3A_800 = arith.minsi %add3A_797, %min3A_799 : vector<16xi32>
          tpu.vector_store_idx %arg7[%min3A_800], %get3A_789 masked %gt3A_791 : memref<26624xf32, #tpu.memory_space<vmem>>[vector<16xi32>], vector<16xf32>, vector<16xi1>
          %mul3A_801 = arith.constant 16 : i32
          %mul3A_802 = arith.muli %add3A_783, %mul3A_801 : i32
          %add3A_803 = arith.addi %mul3A_392, %mul3A_802 : i32
          %add3A_804 = vector.broadcast %add3A_803 : i32 to vector<16xi32>
          %add3A_805 = arith.addi %add3A_804, %iota3A : vector<16xi32>
          tpu.vector_store_idx %arg8[%min3A_800], %add3A_805 masked %gt3A_791 : memref<26624xi32, #tpu.memory_space<vmem>>[vector<16xi32>], vector<16xi32>, vector<16xi1>
          %all_reduce_population_count3A_806 = tpu.all_reduce %gt3A_791 {dim = 0 : i64, kind = #tpu.reduction_kind<sum>} : vector<16xi1> -> vector<16xi32>
          %add3A_807 = arith.addi %add3A_779, %all_reduce_population_count3A_806 : vector<16xi32>
          %mul3A_808 = arith.constant 25 : i32
          %mul3A_809 = arith.muli %scan3A_417, %mul3A_808 : i32
          %add3A_810 = arith.constant 14 : i32
          %add3A_811 = arith.addi %mul3A_809, %add3A_810 : i32
          %mul3A_812 = arith.constant 16 : i32
          %mul3A_813 = arith.muli %add3A_811, %mul3A_812 : i32
          %add3A_814 = arith.constant 10000 : i32
          %add3A_815 = arith.addi %add3A_814, %mul3A_813 : i32
          %get3A_816 = arith.index_cast %add3A_815 : i32 to index
          %get3A_817 = tpu.vector_load %arg6[%get3A_816] {strides = array<i32>} : memref<20000xf32, #tpu.memory_space<vmem>>, vector<16xf32>,
          %gt3A_818 = vector.broadcast %cond3A_372#0 : f32 to vector<16xf32>
          %gt3A_819 = arith.cmpf ogt, %get3A_817, %gt3A_818 : vector<16xf32>
          %convert_element_type3A_820 = arith.extui %gt3A_819 : vector<16xi1> to vector<16xi32>
          %broadcast_in_dim3A_821 = arith.constant true
          %broadcast_in_dim3A_822 = vector.broadcast %broadcast_in_dim3A_821 : i1 to vector<16xi1>
          %masked_cumsum3A_823 = tpu.scan <sum>, %convert_element_type3A_820 masked %broadcast_in_dim3A_822 : vector<16xi32>, vector<16xi1> -> vector<16xi32>
          %sub3A_824 = arith.subi %masked_cumsum3A_823, %convert_element_type3A_820 : vector<16xi32>
          %add3A_825 = arith.addi %add3A_807, %sub3A_824 : vector<16xi32>
          %min3A_826 = arith.constant 26623 : i32
          %min3A_827 = vector.broadcast %min3A_826 : i32 to vector<16xi32>
          %min3A_828 = arith.minsi %add3A_825, %min3A_827 : vector<16xi32>
          tpu.vector_store_idx %arg7[%min3A_828], %get3A_817 masked %gt3A_819 : memref<26624xf32, #tpu.memory_space<vmem>>[vector<16xi32>], vector<16xf32>, vector<16xi1>
          %mul3A_829 = arith.constant 16 : i32
          %mul3A_830 = arith.muli %add3A_811, %mul3A_829 : i32
          %add3A_831 = arith.addi %mul3A_392, %mul3A_830 : i32
          %add3A_832 = vector.broadcast %add3A_831 : i32 to vector<16xi32>
          %add3A_833 = arith.addi %add3A_832, %iota3A : vector<16xi32>
          tpu.vector_store_idx %arg8[%min3A_828], %add3A_833 masked %gt3A_819 : memref<26624xi32, #tpu.memory_space<vmem>>[vector<16xi32>], vector<16xi32>, vector<16xi1>
          %all_reduce_population_count3A_834 = tpu.all_reduce %gt3A_819 {dim = 0 : i64, kind = #tpu.reduction_kind<sum>} : vector<16xi1> -> vector<16xi32>
          %add3A_835 = arith.addi %add3A_807, %all_reduce_population_count3A_834 : vector<16xi32>
          %mul3A_836 = arith.constant 25 : i32
          %mul3A_837 = arith.muli %scan3A_417, %mul3A_836 : i32
          %add3A_838 = arith.constant 15 : i32
          %add3A_839 = arith.addi %mul3A_837, %add3A_838 : i32
          %mul3A_840 = arith.constant 16 : i32
          %mul3A_841 = arith.muli %add3A_839, %mul3A_840 : i32
          %add3A_842 = arith.constant 10000 : i32
          %add3A_843 = arith.addi %add3A_842, %mul3A_841 : i32
          %get3A_844 = arith.index_cast %add3A_843 : i32 to index
          %get3A_845 = tpu.vector_load %arg6[%get3A_844] {strides = array<i32>} : memref<20000xf32, #tpu.memory_space<vmem>>, vector<16xf32>,
          %gt3A_846 = vector.broadcast %cond3A_372#0 : f32 to vector<16xf32>
          %gt3A_847 = arith.cmpf ogt, %get3A_845, %gt3A_846 : vector<16xf32>
          %convert_element_type3A_848 = arith.extui %gt3A_847 : vector<16xi1> to vector<16xi32>
          %broadcast_in_dim3A_849 = arith.constant true
          %broadcast_in_dim3A_850 = vector.broadcast %broadcast_in_dim3A_849 : i1 to vector<16xi1>
          %masked_cumsum3A_851 = tpu.scan <sum>, %convert_element_type3A_848 masked %broadcast_in_dim3A_850 : vector<16xi32>, vector<16xi1> -> vector<16xi32>
          %sub3A_852 = arith.subi %masked_cumsum3A_851, %convert_element_type3A_848 : vector<16xi32>
          %add3A_853 = arith.addi %add3A_835, %sub3A_852 : vector<16xi32>
          %min3A_854 = arith.constant 26623 : i32
          %min3A_855 = vector.broadcast %min3A_854 : i32 to vector<16xi32>
          %min3A_856 = arith.minsi %add3A_853, %min3A_855 : vector<16xi32>
          tpu.vector_store_idx %arg7[%min3A_856], %get3A_845 masked %gt3A_847 : memref<26624xf32, #tpu.memory_space<vmem>>[vector<16xi32>], vector<16xf32>, vector<16xi1>
          %mul3A_857 = arith.constant 16 : i32
          %mul3A_858 = arith.muli %add3A_839, %mul3A_857 : i32
          %add3A_859 = arith.addi %mul3A_392, %mul3A_858 : i32
          %add3A_860 = vector.broadcast %add3A_859 : i32 to vector<16xi32>
          %add3A_861 = arith.addi %add3A_860, %iota3A : vector<16xi32>
          tpu.vector_store_idx %arg8[%min3A_856], %add3A_861 masked %gt3A_847 : memref<26624xi32, #tpu.memory_space<vmem>>[vector<16xi32>], vector<16xi32>, vector<16xi1>
          %all_reduce_population_count3A_862 = tpu.all_reduce %gt3A_847 {dim = 0 : i64, kind = #tpu.reduction_kind<sum>} : vector<16xi1> -> vector<16xi32>
          %add3A_863 = arith.addi %add3A_835, %all_reduce_population_count3A_862 : vector<16xi32>
          %mul3A_864 = arith.constant 25 : i32
          %mul3A_865 = arith.muli %scan3A_417, %mul3A_864 : i32
          %add3A_866 = arith.constant 16 : i32
          %add3A_867 = arith.addi %mul3A_865, %add3A_866 : i32
          %mul3A_868 = arith.constant 16 : i32
          %mul3A_869 = arith.muli %add3A_867, %mul3A_868 : i32
          %add3A_870 = arith.constant 10000 : i32
          %add3A_871 = arith.addi %add3A_870, %mul3A_869 : i32
          %get3A_872 = arith.index_cast %add3A_871 : i32 to index
          %get3A_873 = tpu.vector_load %arg6[%get3A_872] {strides = array<i32>} : memref<20000xf32, #tpu.memory_space<vmem>>, vector<16xf32>,
          %gt3A_874 = vector.broadcast %cond3A_372#0 : f32 to vector<16xf32>
          %gt3A_875 = arith.cmpf ogt, %get3A_873, %gt3A_874 : vector<16xf32>
          %convert_element_type3A_876 = arith.extui %gt3A_875 : vector<16xi1> to vector<16xi32>
          %broadcast_in_dim3A_877 = arith.constant true
          %broadcast_in_dim3A_878 = vector.broadcast %broadcast_in_dim3A_877 : i1 to vector<16xi1>
          %masked_cumsum3A_879 = tpu.scan <sum>, %convert_element_type3A_876 masked %broadcast_in_dim3A_878 : vector<16xi32>, vector<16xi1> -> vector<16xi32>
          %sub3A_880 = arith.subi %masked_cumsum3A_879, %convert_element_type3A_876 : vector<16xi32>
          %add3A_881 = arith.addi %add3A_863, %sub3A_880 : vector<16xi32>
          %min3A_882 = arith.constant 26623 : i32
          %min3A_883 = vector.broadcast %min3A_882 : i32 to vector<16xi32>
          %min3A_884 = arith.minsi %add3A_881, %min3A_883 : vector<16xi32>
          tpu.vector_store_idx %arg7[%min3A_884], %get3A_873 masked %gt3A_875 : memref<26624xf32, #tpu.memory_space<vmem>>[vector<16xi32>], vector<16xf32>, vector<16xi1>
          %mul3A_885 = arith.constant 16 : i32
          %mul3A_886 = arith.muli %add3A_867, %mul3A_885 : i32
          %add3A_887 = arith.addi %mul3A_392, %mul3A_886 : i32
          %add3A_888 = vector.broadcast %add3A_887 : i32 to vector<16xi32>
          %add3A_889 = arith.addi %add3A_888, %iota3A : vector<16xi32>
          tpu.vector_store_idx %arg8[%min3A_884], %add3A_889 masked %gt3A_875 : memref<26624xi32, #tpu.memory_space<vmem>>[vector<16xi32>], vector<16xi32>, vector<16xi1>
          %all_reduce_population_count3A_890 = tpu.all_reduce %gt3A_875 {dim = 0 : i64, kind = #tpu.reduction_kind<sum>} : vector<16xi1> -> vector<16xi32>
          %add3A_891 = arith.addi %add3A_863, %all_reduce_population_count3A_890 : vector<16xi32>
          %mul3A_892 = arith.constant 25 : i32
          %mul3A_893 = arith.muli %scan3A_417, %mul3A_892 : i32
          %add3A_894 = arith.constant 17 : i32
          %add3A_895 = arith.addi %mul3A_893, %add3A_894 : i32
          %mul3A_896 = arith.constant 16 : i32
          %mul3A_897 = arith.muli %add3A_895, %mul3A_896 : i32
          %add3A_898 = arith.constant 10000 : i32
          %add3A_899 = arith.addi %add3A_898, %mul3A_897 : i32
          %get3A_900 = arith.index_cast %add3A_899 : i32 to index
          %get3A_901 = tpu.vector_load %arg6[%get3A_900] {strides = array<i32>} : memref<20000xf32, #tpu.memory_space<vmem>>, vector<16xf32>,
          %gt3A_902 = vector.broadcast %cond3A_372#0 : f32 to vector<16xf32>
          %gt3A_903 = arith.cmpf ogt, %get3A_901, %gt3A_902 : vector<16xf32>
          %convert_element_type3A_904 = arith.extui %gt3A_903 : vector<16xi1> to vector<16xi32>
          %broadcast_in_dim3A_905 = arith.constant true
          %broadcast_in_dim3A_906 = vector.broadcast %broadcast_in_dim3A_905 : i1 to vector<16xi1>
          %masked_cumsum3A_907 = tpu.scan <sum>, %convert_element_type3A_904 masked %broadcast_in_dim3A_906 : vector<16xi32>, vector<16xi1> -> vector<16xi32>
          %sub3A_908 = arith.subi %masked_cumsum3A_907, %convert_element_type3A_904 : vector<16xi32>
          %add3A_909 = arith.addi %add3A_891, %sub3A_908 : vector<16xi32>
          %min3A_910 = arith.constant 26623 : i32
          %min3A_911 = vector.broadcast %min3A_910 : i32 to vector<16xi32>
          %min3A_912 = arith.minsi %add3A_909, %min3A_911 : vector<16xi32>
          tpu.vector_store_idx %arg7[%min3A_912], %get3A_901 masked %gt3A_903 : memref<26624xf32, #tpu.memory_space<vmem>>[vector<16xi32>], vector<16xf32>, vector<16xi1>
          %mul3A_913 = arith.constant 16 : i32
          %mul3A_914 = arith.muli %add3A_895, %mul3A_913 : i32
          %add3A_915 = arith.addi %mul3A_392, %mul3A_914 : i32
          %add3A_916 = vector.broadcast %add3A_915 : i32 to vector<16xi32>
          %add3A_917 = arith.addi %add3A_916, %iota3A : vector<16xi32>
          tpu.vector_store_idx %arg8[%min3A_912], %add3A_917 masked %gt3A_903 : memref<26624xi32, #tpu.memory_space<vmem>>[vector<16xi32>], vector<16xi32>, vector<16xi1>
          %all_reduce_population_count3A_918 = tpu.all_reduce %gt3A_903 {dim = 0 : i64, kind = #tpu.reduction_kind<sum>} : vector<16xi1> -> vector<16xi32>
          %add3A_919 = arith.addi %add3A_891, %all_reduce_population_count3A_918 : vector<16xi32>
          %mul3A_920 = arith.constant 25 : i32
          %mul3A_921 = arith.muli %scan3A_417, %mul3A_920 : i32
          %add3A_922 = arith.constant 18 : i32
          %add3A_923 = arith.addi %mul3A_921, %add3A_922 : i32
          %mul3A_924 = arith.constant 16 : i32
          %mul3A_925 = arith.muli %add3A_923, %mul3A_924 : i32
          %add3A_926 = arith.constant 10000 : i32
          %add3A_927 = arith.addi %add3A_926, %mul3A_925 : i32
          %get3A_928 = arith.index_cast %add3A_927 : i32 to index
          %get3A_929 = tpu.vector_load %arg6[%get3A_928] {strides = array<i32>} : memref<20000xf32, #tpu.memory_space<vmem>>, vector<16xf32>,
          %gt3A_930 = vector.broadcast %cond3A_372#0 : f32 to vector<16xf32>
          %gt3A_931 = arith.cmpf ogt, %get3A_929, %gt3A_930 : vector<16xf32>
          %convert_element_type3A_932 = arith.extui %gt3A_931 : vector<16xi1> to vector<16xi32>
          %broadcast_in_dim3A_933 = arith.constant true
          %broadcast_in_dim3A_934 = vector.broadcast %broadcast_in_dim3A_933 : i1 to vector<16xi1>
          %masked_cumsum3A_935 = tpu.scan <sum>, %convert_element_type3A_932 masked %broadcast_in_dim3A_934 : vector<16xi32>, vector<16xi1> -> vector<16xi32>
          %sub3A_936 = arith.subi %masked_cumsum3A_935, %convert_element_type3A_932 : vector<16xi32>
          %add3A_937 = arith.addi %add3A_919, %sub3A_936 : vector<16xi32>
          %min3A_938 = arith.constant 26623 : i32
          %min3A_939 = vector.broadcast %min3A_938 : i32 to vector<16xi32>
          %min3A_940 = arith.minsi %add3A_937, %min3A_939 : vector<16xi32>
          tpu.vector_store_idx %arg7[%min3A_940], %get3A_929 masked %gt3A_931 : memref<26624xf32, #tpu.memory_space<vmem>>[vector<16xi32>], vector<16xf32>, vector<16xi1>
          %mul3A_941 = arith.constant 16 : i32
          %mul3A_942 = arith.muli %add3A_923, %mul3A_941 : i32
          %add3A_943 = arith.addi %mul3A_392, %mul3A_942 : i32
          %add3A_944 = vector.broadcast %add3A_943 : i32 to vector<16xi32>
          %add3A_945 = arith.addi %add3A_944, %iota3A : vector<16xi32>
          tpu.vector_store_idx %arg8[%min3A_940], %add3A_945 masked %gt3A_931 : memref<26624xi32, #tpu.memory_space<vmem>>[vector<16xi32>], vector<16xi32>, vector<16xi1>
          %all_reduce_population_count3A_946 = tpu.all_reduce %gt3A_931 {dim = 0 : i64, kind = #tpu.reduction_kind<sum>} : vector<16xi1> -> vector<16xi32>
          %add3A_947 = arith.addi %add3A_919, %all_reduce_population_count3A_946 : vector<16xi32>
          %mul3A_948 = arith.constant 25 : i32
          %mul3A_949 = arith.muli %scan3A_417, %mul3A_948 : i32
          %add3A_950 = arith.constant 19 : i32
          %add3A_951 = arith.addi %mul3A_949, %add3A_950 : i32
          %mul3A_952 = arith.constant 16 : i32
          %mul3A_953 = arith.muli %add3A_951, %mul3A_952 : i32
          %add3A_954 = arith.constant 10000 : i32
          %add3A_955 = arith.addi %add3A_954, %mul3A_953 : i32
          %get3A_956 = arith.index_cast %add3A_955 : i32 to index
          %get3A_957 = tpu.vector_load %arg6[%get3A_956] {strides = array<i32>} : memref<20000xf32, #tpu.memory_space<vmem>>, vector<16xf32>,
          %gt3A_958 = vector.broadcast %cond3A_372#0 : f32 to vector<16xf32>
          %gt3A_959 = arith.cmpf ogt, %get3A_957, %gt3A_958 : vector<16xf32>
          %convert_element_type3A_960 = arith.extui %gt3A_959 : vector<16xi1> to vector<16xi32>
          %broadcast_in_dim3A_961 = arith.constant true
          %broadcast_in_dim3A_962 = vector.broadcast %broadcast_in_dim3A_961 : i1 to vector<16xi1>
          %masked_cumsum3A_963 = tpu.scan <sum>, %convert_element_type3A_960 masked %broadcast_in_dim3A_962 : vector<16xi32>, vector<16xi1> -> vector<16xi32>
          %sub3A_964 = arith.subi %masked_cumsum3A_963, %convert_element_type3A_960 : vector<16xi32>
          %add3A_965 = arith.addi %add3A_947, %sub3A_964 : vector<16xi32>
          %min3A_966 = arith.constant 26623 : i32
          %min3A_967 = vector.broadcast %min3A_966 : i32 to vector<16xi32>
          %min3A_968 = arith.minsi %add3A_965, %min3A_967 : vector<16xi32>
          tpu.vector_store_idx %arg7[%min3A_968], %get3A_957 masked %gt3A_959 : memref<26624xf32, #tpu.memory_space<vmem>>[vector<16xi32>], vector<16xf32>, vector<16xi1>
          %mul3A_969 = arith.constant 16 : i32
          %mul3A_970 = arith.muli %add3A_951, %mul3A_969 : i32
          %add3A_971 = arith.addi %mul3A_392, %mul3A_970 : i32
          %add3A_972 = vector.broadcast %add3A_971 : i32 to vector<16xi32>
          %add3A_973 = arith.addi %add3A_972, %iota3A : vector<16xi32>
          tpu.vector_store_idx %arg8[%min3A_968], %add3A_973 masked %gt3A_959 : memref<26624xi32, #tpu.memory_space<vmem>>[vector<16xi32>], vector<16xi32>, vector<16xi1>
          %all_reduce_population_count3A_974 = tpu.all_reduce %gt3A_959 {dim = 0 : i64, kind = #tpu.reduction_kind<sum>} : vector<16xi1> -> vector<16xi32>
          %add3A_975 = arith.addi %add3A_947, %all_reduce_population_count3A_974 : vector<16xi32>
          %mul3A_976 = arith.constant 25 : i32
          %mul3A_977 = arith.muli %scan3A_417, %mul3A_976 : i32
          %add3A_978 = arith.constant 20 : i32
          %add3A_979 = arith.addi %mul3A_977, %add3A_978 : i32
          %mul3A_980 = arith.constant 16 : i32
          %mul3A_981 = arith.muli %add3A_979, %mul3A_980 : i32
          %add3A_982 = arith.constant 10000 : i32
          %add3A_983 = arith.addi %add3A_982, %mul3A_981 : i32
          %get3A_984 = arith.index_cast %add3A_983 : i32 to index
          %get3A_985 = tpu.vector_load %arg6[%get3A_984] {strides = array<i32>} : memref<20000xf32, #tpu.memory_space<vmem>>, vector<16xf32>,
          %gt3A_986 = vector.broadcast %cond3A_372#0 : f32 to vector<16xf32>
          %gt3A_987 = arith.cmpf ogt, %get3A_985, %gt3A_986 : vector<16xf32>
          %convert_element_type3A_988 = arith.extui %gt3A_987 : vector<16xi1> to vector<16xi32>
          %broadcast_in_dim3A_989 = arith.constant true
          %broadcast_in_dim3A_990 = vector.broadcast %broadcast_in_dim3A_989 : i1 to vector<16xi1>
          %masked_cumsum3A_991 = tpu.scan <sum>, %convert_element_type3A_988 masked %broadcast_in_dim3A_990 : vector<16xi32>, vector<16xi1> -> vector<16xi32>
          %sub3A_992 = arith.subi %masked_cumsum3A_991, %convert_element_type3A_988 : vector<16xi32>
          %add3A_993 = arith.addi %add3A_975, %sub3A_992 : vector<16xi32>
          %min3A_994 = arith.constant 26623 : i32
          %min3A_995 = vector.broadcast %min3A_994 : i32 to vector<16xi32>
          %min3A_996 = arith.minsi %add3A_993, %min3A_995 : vector<16xi32>
          tpu.vector_store_idx %arg7[%min3A_996], %get3A_985 masked %gt3A_987 : memref<26624xf32, #tpu.memory_space<vmem>>[vector<16xi32>], vector<16xf32>, vector<16xi1>
          %mul3A_997 = arith.constant 16 : i32
          %mul3A_998 = arith.muli %add3A_979, %mul3A_997 : i32
          %add3A_999 = arith.addi %mul3A_392, %mul3A_998 : i32
          %add3A_1000 = vector.broadcast %add3A_999 : i32 to vector<16xi32>
          %add3A_1001 = arith.addi %add3A_1000, %iota3A : vector<16xi32>
          tpu.vector_store_idx %arg8[%min3A_996], %add3A_1001 masked %gt3A_987 : memref<26624xi32, #tpu.memory_space<vmem>>[vector<16xi32>], vector<16xi32>, vector<16xi1>
          %all_reduce_population_count3A_1002 = tpu.all_reduce %gt3A_987 {dim = 0 : i64, kind = #tpu.reduction_kind<sum>} : vector<16xi1> -> vector<16xi32>
          %add3A_1003 = arith.addi %add3A_975, %all_reduce_population_count3A_1002 : vector<16xi32>
          %mul3A_1004 = arith.constant 25 : i32
          %mul3A_1005 = arith.muli %scan3A_417, %mul3A_1004 : i32
          %add3A_1006 = arith.constant 21 : i32
          %add3A_1007 = arith.addi %mul3A_1005, %add3A_1006 : i32
          %mul3A_1008 = arith.constant 16 : i32
          %mul3A_1009 = arith.muli %add3A_1007, %mul3A_1008 : i32
          %add3A_1010 = arith.constant 10000 : i32
          %add3A_1011 = arith.addi %add3A_1010, %mul3A_1009 : i32
          %get3A_1012 = arith.index_cast %add3A_1011 : i32 to index
          %get3A_1013 = tpu.vector_load %arg6[%get3A_1012] {strides = array<i32>} : memref<20000xf32, #tpu.memory_space<vmem>>, vector<16xf32>,
          %gt3A_1014 = vector.broadcast %cond3A_372#0 : f32 to vector<16xf32>
          %gt3A_1015 = arith.cmpf ogt, %get3A_1013, %gt3A_1014 : vector<16xf32>
          %convert_element_type3A_1016 = arith.extui %gt3A_1015 : vector<16xi1> to vector<16xi32>
          %broadcast_in_dim3A_1017 = arith.constant true
          %broadcast_in_dim3A_1018 = vector.broadcast %broadcast_in_dim3A_1017 : i1 to vector<16xi1>
          %masked_cumsum3A_1019 = tpu.scan <sum>, %convert_element_type3A_1016 masked %broadcast_in_dim3A_1018 : vector<16xi32>, vector<16xi1> -> vector<16xi32>
          %sub3A_1020 = arith.subi %masked_cumsum3A_1019, %convert_element_type3A_1016 : vector<16xi32>
          %add3A_1021 = arith.addi %add3A_1003, %sub3A_1020 : vector<16xi32>
          %min3A_1022 = arith.constant 26623 : i32
          %min3A_1023 = vector.broadcast %min3A_1022 : i32 to vector<16xi32>
          %min3A_1024 = arith.minsi %add3A_1021, %min3A_1023 : vector<16xi32>
          tpu.vector_store_idx %arg7[%min3A_1024], %get3A_1013 masked %gt3A_1015 : memref<26624xf32, #tpu.memory_space<vmem>>[vector<16xi32>], vector<16xf32>, vector<16xi1>
          %mul3A_1025 = arith.constant 16 : i32
          %mul3A_1026 = arith.muli %add3A_1007, %mul3A_1025 : i32
          %add3A_1027 = arith.addi %mul3A_392, %mul3A_1026 : i32
          %add3A_1028 = vector.broadcast %add3A_1027 : i32 to vector<16xi32>
          %add3A_1029 = arith.addi %add3A_1028, %iota3A : vector<16xi32>
          tpu.vector_store_idx %arg8[%min3A_1024], %add3A_1029 masked %gt3A_1015 : memref<26624xi32, #tpu.memory_space<vmem>>[vector<16xi32>], vector<16xi32>, vector<16xi1>
          %all_reduce_population_count3A_1030 = tpu.all_reduce %gt3A_1015 {dim = 0 : i64, kind = #tpu.reduction_kind<sum>} : vector<16xi1> -> vector<16xi32>
          %add3A_1031 = arith.addi %add3A_1003, %all_reduce_population_count3A_1030 : vector<16xi32>
          %mul3A_1032 = arith.constant 25 : i32
          %mul3A_1033 = arith.muli %scan3A_417, %mul3A_1032 : i32
          %add3A_1034 = arith.constant 22 : i32
          %add3A_1035 = arith.addi %mul3A_1033, %add3A_1034 : i32
          %mul3A_1036 = arith.constant 16 : i32
          %mul3A_1037 = arith.muli %add3A_1035, %mul3A_1036 : i32
          %add3A_1038 = arith.constant 10000 : i32
          %add3A_1039 = arith.addi %add3A_1038, %mul3A_1037 : i32
          %get3A_1040 = arith.index_cast %add3A_1039 : i32 to index
          %get3A_1041 = tpu.vector_load %arg6[%get3A_1040] {strides = array<i32>} : memref<20000xf32, #tpu.memory_space<vmem>>, vector<16xf32>,
          %gt3A_1042 = vector.broadcast %cond3A_372#0 : f32 to vector<16xf32>
          %gt3A_1043 = arith.cmpf ogt, %get3A_1041, %gt3A_1042 : vector<16xf32>
          %convert_element_type3A_1044 = arith.extui %gt3A_1043 : vector<16xi1> to vector<16xi32>
          %broadcast_in_dim3A_1045 = arith.constant true
          %broadcast_in_dim3A_1046 = vector.broadcast %broadcast_in_dim3A_1045 : i1 to vector<16xi1>
          %masked_cumsum3A_1047 = tpu.scan <sum>, %convert_element_type3A_1044 masked %broadcast_in_dim3A_1046 : vector<16xi32>, vector<16xi1> -> vector<16xi32>
          %sub3A_1048 = arith.subi %masked_cumsum3A_1047, %convert_element_type3A_1044 : vector<16xi32>
          %add3A_1049 = arith.addi %add3A_1031, %sub3A_1048 : vector<16xi32>
          %min3A_1050 = arith.constant 26623 : i32
          %min3A_1051 = vector.broadcast %min3A_1050 : i32 to vector<16xi32>
          %min3A_1052 = arith.minsi %add3A_1049, %min3A_1051 : vector<16xi32>
          tpu.vector_store_idx %arg7[%min3A_1052], %get3A_1041 masked %gt3A_1043 : memref<26624xf32, #tpu.memory_space<vmem>>[vector<16xi32>], vector<16xf32>, vector<16xi1>
          %mul3A_1053 = arith.constant 16 : i32
          %mul3A_1054 = arith.muli %add3A_1035, %mul3A_1053 : i32
          %add3A_1055 = arith.addi %mul3A_392, %mul3A_1054 : i32
          %add3A_1056 = vector.broadcast %add3A_1055 : i32 to vector<16xi32>
          %add3A_1057 = arith.addi %add3A_1056, %iota3A : vector<16xi32>
          tpu.vector_store_idx %arg8[%min3A_1052], %add3A_1057 masked %gt3A_1043 : memref<26624xi32, #tpu.memory_space<vmem>>[vector<16xi32>], vector<16xi32>, vector<16xi1>
          %all_reduce_population_count3A_1058 = tpu.all_reduce %gt3A_1043 {dim = 0 : i64, kind = #tpu.reduction_kind<sum>} : vector<16xi1> -> vector<16xi32>
          %add3A_1059 = arith.addi %add3A_1031, %all_reduce_population_count3A_1058 : vector<16xi32>
          %mul3A_1060 = arith.constant 25 : i32
          %mul3A_1061 = arith.muli %scan3A_417, %mul3A_1060 : i32
          %add3A_1062 = arith.constant 23 : i32
          %add3A_1063 = arith.addi %mul3A_1061, %add3A_1062 : i32
          %mul3A_1064 = arith.constant 16 : i32
          %mul3A_1065 = arith.muli %add3A_1063, %mul3A_1064 : i32
          %add3A_1066 = arith.constant 10000 : i32
          %add3A_1067 = arith.addi %add3A_1066, %mul3A_1065 : i32
          %get3A_1068 = arith.index_cast %add3A_1067 : i32 to index
          %get3A_1069 = tpu.vector_load %arg6[%get3A_1068] {strides = array<i32>} : memref<20000xf32, #tpu.memory_space<vmem>>, vector<16xf32>,
          %gt3A_1070 = vector.broadcast %cond3A_372#0 : f32 to vector<16xf32>
          %gt3A_1071 = arith.cmpf ogt, %get3A_1069, %gt3A_1070 : vector<16xf32>
          %convert_element_type3A_1072 = arith.extui %gt3A_1071 : vector<16xi1> to vector<16xi32>
          %broadcast_in_dim3A_1073 = arith.constant true
          %broadcast_in_dim3A_1074 = vector.broadcast %broadcast_in_dim3A_1073 : i1 to vector<16xi1>
          %masked_cumsum3A_1075 = tpu.scan <sum>, %convert_element_type3A_1072 masked %broadcast_in_dim3A_1074 : vector<16xi32>, vector<16xi1> -> vector<16xi32>
          %sub3A_1076 = arith.subi %masked_cumsum3A_1075, %convert_element_type3A_1072 : vector<16xi32>
          %add3A_1077 = arith.addi %add3A_1059, %sub3A_1076 : vector<16xi32>
          %min3A_1078 = arith.constant 26623 : i32
          %min3A_1079 = vector.broadcast %min3A_1078 : i32 to vector<16xi32>
          %min3A_1080 = arith.minsi %add3A_1077, %min3A_1079 : vector<16xi32>
          tpu.vector_store_idx %arg7[%min3A_1080], %get3A_1069 masked %gt3A_1071 : memref<26624xf32, #tpu.memory_space<vmem>>[vector<16xi32>], vector<16xf32>, vector<16xi1>
          %mul3A_1081 = arith.constant 16 : i32
          %mul3A_1082 = arith.muli %add3A_1063, %mul3A_1081 : i32
          %add3A_1083 = arith.addi %mul3A_392, %mul3A_1082 : i32
          %add3A_1084 = vector.broadcast %add3A_1083 : i32 to vector<16xi32>
          %add3A_1085 = arith.addi %add3A_1084, %iota3A : vector<16xi32>
          tpu.vector_store_idx %arg8[%min3A_1080], %add3A_1085 masked %gt3A_1071 : memref<26624xi32, #tpu.memory_space<vmem>>[vector<16xi32>], vector<16xi32>, vector<16xi1>
          %all_reduce_population_count3A_1086 = tpu.all_reduce %gt3A_1071 {dim = 0 : i64, kind = #tpu.reduction_kind<sum>} : vector<16xi1> -> vector<16xi32>
          %add3A_1087 = arith.addi %add3A_1059, %all_reduce_population_count3A_1086 : vector<16xi32>
          %mul3A_1088 = arith.constant 25 : i32
          %mul3A_1089 = arith.muli %scan3A_417, %mul3A_1088 : i32
          %add3A_1090 = arith.constant 24 : i32
          %add3A_1091 = arith.addi %mul3A_1089, %add3A_1090 : i32
          %mul3A_1092 = arith.constant 16 : i32
          %mul3A_1093 = arith.muli %add3A_1091, %mul3A_1092 : i32
          %add3A_1094 = arith.constant 10000 : i32
          %add3A_1095 = arith.addi %add3A_1094, %mul3A_1093 : i32
          %get3A_1096 = arith.index_cast %add3A_1095 : i32 to index
          %get3A_1097 = tpu.vector_load %arg6[%get3A_1096] {strides = array<i32>} : memref<20000xf32, #tpu.memory_space<vmem>>, vector<16xf32>,
          %gt3A_1098 = vector.broadcast %cond3A_372#0 : f32 to vector<16xf32>
          %gt3A_1099 = arith.cmpf ogt, %get3A_1097, %gt3A_1098 : vector<16xf32>
          %convert_element_type3A_1100 = arith.extui %gt3A_1099 : vector<16xi1> to vector<16xi32>
          %broadcast_in_dim3A_1101 = arith.constant true
          %broadcast_in_dim3A_1102 = vector.broadcast %broadcast_in_dim3A_1101 : i1 to vector<16xi1>
          %masked_cumsum3A_1103 = tpu.scan <sum>, %convert_element_type3A_1100 masked %broadcast_in_dim3A_1102 : vector<16xi32>, vector<16xi1> -> vector<16xi32>
          %sub3A_1104 = arith.subi %masked_cumsum3A_1103, %convert_element_type3A_1100 : vector<16xi32>
          %add3A_1105 = arith.addi %add3A_1087, %sub3A_1104 : vector<16xi32>
          %min3A_1106 = arith.constant 26623 : i32
          %min3A_1107 = vector.broadcast %min3A_1106 : i32 to vector<16xi32>
          %min3A_1108 = arith.minsi %add3A_1105, %min3A_1107 : vector<16xi32>
          tpu.vector_store_idx %arg7[%min3A_1108], %get3A_1097 masked %gt3A_1099 : memref<26624xf32, #tpu.memory_space<vmem>>[vector<16xi32>], vector<16xf32>, vector<16xi1>
          %mul3A_1109 = arith.constant 16 : i32
          %mul3A_1110 = arith.muli %add3A_1091, %mul3A_1109 : i32
          %add3A_1111 = arith.addi %mul3A_392, %mul3A_1110 : i32
          %add3A_1112 = vector.broadcast %add3A_1111 : i32 to vector<16xi32>
          %add3A_1113 = arith.addi %add3A_1112, %iota3A : vector<16xi32>
          tpu.vector_store_idx %arg8[%min3A_1108], %add3A_1113 masked %gt3A_1099 : memref<26624xi32, #tpu.memory_space<vmem>>[vector<16xi32>], vector<16xi32>, vector<16xi1>
          %all_reduce_population_count3A_1114 = tpu.all_reduce %gt3A_1099 {dim = 0 : i64, kind = #tpu.reduction_kind<sum>} : vector<16xi1> -> vector<16xi32>
          %add3A_1115 = arith.addi %add3A_1087, %all_reduce_population_count3A_1114 : vector<16xi32>
          scf.yield %add3A_1115 : vector<16xi32>
        }
        %scan3A_402 = arith.constant 25 : i32
        %reduce_max3A_403 = arith.constant true
        %reduce_max3A_404 = vector.broadcast %reduce_max3A_403 : i1 to vector<16xi1>
        %reduce_max3A_405 = arith.constant -2147483648 : i32
        %reduce_max3A_406 = vector.broadcast %reduce_max3A_405 : i32 to vector<16xi32>
        %reduce_max3A_407 = arith.xori %scan3A_401, %reduce_max3A_406 : vector<16xi32>
        %reduce_max3A_408 = tpu.scan <max>, %reduce_max3A_407 masked %reduce_max3A_404 : vector<16xi32>, vector<16xi1> -> vector<16xi32>
        %reduce_max3A_409 = arith.xori %reduce_max3A_408, %reduce_max3A_406 : vector<16xi32>
        %reduce_max3A_410 = vector.extract %reduce_max3A_409[15] : i32 from vector<16xi32>
        %gt3A_411 = arith.constant 4096 : i32
        %gt3A_412 = arith.cmpi sgt, %reduce_max3A_410, %gt3A_411 : i32
        %convert_element_type3A_413 = arith.extui %gt3A_412 : i1 to i32
        %cond3A_414 = arith.constant 0 : i32
        %cond3A_415 = arith.cmpi ne, %convert_element_type3A_413, %cond3A_414 : i32
        %cond3A_416:2 = scf.if %cond3A_415 -> (f32, i32) {
          %scan3A_417 = arith.constant -6.400000e+01 : f32
          %scan3A_418 = arith.constant 6.400000e+01 : f32
          %scan3A_419 = arith.constant 0 : i32
          %scan3A_420 = arith.constant 21 : i32
          %scan3A_421 = arith.addi %scan3A_419, %scan3A_420 : i32
          %scan3A_422 = arith.constant 1 : i32
          %scan3A_423:2 = scf.for %scan3A_465 = %scan3A_419 to %scan3A_421 step %scan3A_422 iter_args(%scan3A_466 = %scan3A_417, %scan3A_467 = %scan3A_418) -> (f32, f32)  : i32 {
            %add3A_468 = arith.addf %scan3A_466, %scan3A_467 : f32
            %mul3A_469 = arith.constant 5.000000e-01 : f32
            %mul3A_470 = arith.mulf %mul3A_469, %add3A_468 : f32
            %broadcast_in_dim3A_471 = arith.constant 0 : i32
            %broadcast_in_dim3A_472 = vector.broadcast %broadcast_in_dim3A_471 : i32 to vector<16xi32>
            %scan3A_473 = arith.constant 0 : i32
            %scan3A_474 = arith.constant 32 : i32
            %scan3A_475 = arith.addi %scan3A_473, %scan3A_474 : i32
            %scan3A_476 = arith.constant 1 : i32
            %scan3A_477 = scf.for %scan3A_485 = %scan3A_473 to %scan3A_475 step %scan3A_476 iter_args(%scan3A_486 = %broadcast_in_dim3A_472) -> (vector<16xi32>)  : i32 {
              %mul3A_487 = arith.constant 4 : i32
              %mul3A_488 = arith.muli %scan3A_485, %mul3A_487 : i32
              %add3A_489 = arith.constant 0 : i32
              %add3A_490 = arith.addi %mul3A_488, %add3A_489 : i32
              %mul3A_491 = arith.constant 16 : i32
              %mul3A_492 = arith.muli %add3A_490, %mul3A_491 : i32
              %get3A_493 = arith.index_cast %mul3A_492 : i32 to index
              %get3A_494 = tpu.vector_load %arg7[%get3A_493] {strides = array<i32>} : memref<26624xf32, #tpu.memory_space<vmem>>, vector<16xf32>,
              %mul3A_495 = arith.constant 4 : i32
              %mul3A_496 = arith.muli %scan3A_485, %mul3A_495 : i32
              %add3A_497 = arith.constant 0 : i32
              %add3A_498 = arith.addi %mul3A_496, %add3A_497 : i32
              %mul3A_499 = arith.constant 16 : i32
              %mul3A_500 = arith.muli %add3A_498, %mul3A_499 : i32
              %add3A_501 = vector.broadcast %mul3A_500 : i32 to vector<16xi32>
              %add3A_502 = arith.addi %add3A_501, %iota3A : vector<16xi32>
              %lt3A_503 = vector.broadcast %reduce_max3A_410 : i32 to vector<16xi32>
              %lt3A_504 = arith.cmpi slt, %add3A_502, %lt3A_503 : vector<16xi32>
              %gt3A_505 = vector.broadcast %mul3A_470 : f32 to vector<16xf32>
              %gt3A_506 = arith.cmpf ogt, %get3A_494, %gt3A_505 : vector<16xf32>
              %and3A_507 = arith.andi %gt3A_506, %lt3A_504 : vector<16xi1>
              %jit3A_508 = arith.constant 1 : i32
              %jit3A_509 = arith.constant 0 : i32
              %broadcast_in_dim3A_510 = vector.broadcast %jit3A_508 : i32 to vector<16xi32>
              %broadcast_in_dim3A_511 = vector.broadcast %jit3A_509 : i32 to vector<16xi32>
              %select_n3A_512 = arith.select %and3A_507, %broadcast_in_dim3A_510, %broadcast_in_dim3A_511 : vector<16xi1>, vector<16xi32>
              %add3A_513 = arith.addi %scan3A_486, %select_n3A_512 : vector<16xi32>
              %mul3A_514 = arith.constant 4 : i32
              %mul3A_515 = arith.muli %scan3A_485, %mul3A_514 : i32
              %add3A_516 = arith.constant 1 : i32
              %add3A_517 = arith.addi %mul3A_515, %add3A_516 : i32
              %mul3A_518 = arith.constant 16 : i32
              %mul3A_519 = arith.muli %add3A_517, %mul3A_518 : i32
              %get3A_520 = arith.index_cast %mul3A_519 : i32 to index
              %get3A_521 = tpu.vector_load %arg7[%get3A_520] {strides = array<i32>} : memref<26624xf32, #tpu.memory_space<vmem>>, vector<16xf32>,
              %mul3A_522 = arith.constant 4 : i32
              %mul3A_523 = arith.muli %scan3A_485, %mul3A_522 : i32
              %add3A_524 = arith.constant 1 : i32
              %add3A_525 = arith.addi %mul3A_523, %add3A_524 : i32
              %mul3A_526 = arith.constant 16 : i32
              %mul3A_527 = arith.muli %add3A_525, %mul3A_526 : i32
              %add3A_528 = vector.broadcast %mul3A_527 : i32 to vector<16xi32>
              %add3A_529 = arith.addi %add3A_528, %iota3A : vector<16xi32>
              %lt3A_530 = vector.broadcast %reduce_max3A_410 : i32 to vector<16xi32>
              %lt3A_531 = arith.cmpi slt, %add3A_529, %lt3A_530 : vector<16xi32>
              %gt3A_532 = vector.broadcast %mul3A_470 : f32 to vector<16xf32>
              %gt3A_533 = arith.cmpf ogt, %get3A_521, %gt3A_532 : vector<16xf32>
              %and3A_534 = arith.andi %gt3A_533, %lt3A_531 : vector<16xi1>
              %jit3A_535 = arith.constant 1 : i32
              %jit3A_536 = arith.constant 0 : i32
              %broadcast_in_dim3A_537 = vector.broadcast %jit3A_535 : i32 to vector<16xi32>
              %broadcast_in_dim3A_538 = vector.broadcast %jit3A_536 : i32 to vector<16xi32>
              %select_n3A_539 = arith.select %and3A_534, %broadcast_in_dim3A_537, %broadcast_in_dim3A_538 : vector<16xi1>, vector<16xi32>
              %add3A_540 = arith.addi %add3A_513, %select_n3A_539 : vector<16xi32>
              %mul3A_541 = arith.constant 4 : i32
              %mul3A_542 = arith.muli %scan3A_485, %mul3A_541 : i32
              %add3A_543 = arith.constant 2 : i32
              %add3A_544 = arith.addi %mul3A_542, %add3A_543 : i32
              %mul3A_545 = arith.constant 16 : i32
              %mul3A_546 = arith.muli %add3A_544, %mul3A_545 : i32
              %get3A_547 = arith.index_cast %mul3A_546 : i32 to index
              %get3A_548 = tpu.vector_load %arg7[%get3A_547] {strides = array<i32>} : memref<26624xf32, #tpu.memory_space<vmem>>, vector<16xf32>,
              %mul3A_549 = arith.constant 4 : i32
              %mul3A_550 = arith.muli %scan3A_485, %mul3A_549 : i32
              %add3A_551 = arith.constant 2 : i32
              %add3A_552 = arith.addi %mul3A_550, %add3A_551 : i32
              %mul3A_553 = arith.constant 16 : i32
              %mul3A_554 = arith.muli %add3A_552, %mul3A_553 : i32
              %add3A_555 = vector.broadcast %mul3A_554 : i32 to vector<16xi32>
              %add3A_556 = arith.addi %add3A_555, %iota3A : vector<16xi32>
              %lt3A_557 = vector.broadcast %reduce_max3A_410 : i32 to vector<16xi32>
              %lt3A_558 = arith.cmpi slt, %add3A_556, %lt3A_557 : vector<16xi32>
              %gt3A_559 = vector.broadcast %mul3A_470 : f32 to vector<16xf32>
              %gt3A_560 = arith.cmpf ogt, %get3A_548, %gt3A_559 : vector<16xf32>
              %and3A_561 = arith.andi %gt3A_560, %lt3A_558 : vector<16xi1>
              %jit3A_562 = arith.constant 1 : i32
              %jit3A_563 = arith.constant 0 : i32
              %broadcast_in_dim3A_564 = vector.broadcast %jit3A_562 : i32 to vector<16xi32>
              %broadcast_in_dim3A_565 = vector.broadcast %jit3A_563 : i32 to vector<16xi32>
              %select_n3A_566 = arith.select %and3A_561, %broadcast_in_dim3A_564, %broadcast_in_dim3A_565 : vector<16xi1>, vector<16xi32>
              %add3A_567 = arith.addi %add3A_540, %select_n3A_566 : vector<16xi32>
              %mul3A_568 = arith.constant 4 : i32
              %mul3A_569 = arith.muli %scan3A_485, %mul3A_568 : i32
              %add3A_570 = arith.constant 3 : i32
              %add3A_571 = arith.addi %mul3A_569, %add3A_570 : i32
              %mul3A_572 = arith.constant 16 : i32
              %mul3A_573 = arith.muli %add3A_571, %mul3A_572 : i32
              %get3A_574 = arith.index_cast %mul3A_573 : i32 to index
              %get3A_575 = tpu.vector_load %arg7[%get3A_574] {strides = array<i32>} : memref<26624xf32, #tpu.memory_space<vmem>>, vector<16xf32>,
              %mul3A_576 = arith.constant 4 : i32
              %mul3A_577 = arith.muli %scan3A_485, %mul3A_576 : i32
              %add3A_578 = arith.constant 3 : i32
              %add3A_579 = arith.addi %mul3A_577, %add3A_578 : i32
              %mul3A_580 = arith.constant 16 : i32
              %mul3A_581 = arith.muli %add3A_579, %mul3A_580 : i32
              %add3A_582 = vector.broadcast %mul3A_581 : i32 to vector<16xi32>
              %add3A_583 = arith.addi %add3A_582, %iota3A : vector<16xi32>
              %lt3A_584 = vector.broadcast %reduce_max3A_410 : i32 to vector<16xi32>
              %lt3A_585 = arith.cmpi slt, %add3A_583, %lt3A_584 : vector<16xi32>
              %gt3A_586 = vector.broadcast %mul3A_470 : f32 to vector<16xf32>
              %gt3A_587 = arith.cmpf ogt, %get3A_575, %gt3A_586 : vector<16xf32>
              %and3A_588 = arith.andi %gt3A_587, %lt3A_585 : vector<16xi1>
              %jit3A_589 = arith.constant 1 : i32
              %jit3A_590 = arith.constant 0 : i32
              %broadcast_in_dim3A_591 = vector.broadcast %jit3A_589 : i32 to vector<16xi32>
              %broadcast_in_dim3A_592 = vector.broadcast %jit3A_590 : i32 to vector<16xi32>
              %select_n3A_593 = arith.select %and3A_588, %broadcast_in_dim3A_591, %broadcast_in_dim3A_592 : vector<16xi1>, vector<16xi32>
              %add3A_594 = arith.addi %add3A_567, %select_n3A_593 : vector<16xi32>
              scf.yield %add3A_594 : vector<16xi32>
            }
            %scan3A_478 = arith.constant 32 : i32
            %reduce_sum3A = arith.constant true
            %reduce_sum3A_479 = vector.broadcast %reduce_sum3A : i1 to vector<16xi1>
            %reduce_sum3A_480 = tpu.scan <sum>, %scan3A_477 masked %reduce_sum3A_479 : vector<16xi32>, vector<16xi1> -> vector<16xi32>
            %reduce_sum3A_481 = vector.extract %reduce_sum3A_480[15] : i32 from vector<16xi32>
            %ge3A = arith.constant 128 : i32
            %ge3A_482 = arith.cmpi sge, %reduce_sum3A_481, %ge3A : i32
            %select_n3A_483 = arith.select %ge3A_482, %mul3A_470, %scan3A_466 : f32
            %select_n3A_484 = arith.select %ge3A_482, %scan3A_467, %mul3A_470 : f32
            scf.yield %select_n3A_483, %select_n3A_484 : f32, f32
          }
          %scan3A_424 = arith.constant 21 : i32
          %max3A = arith.maximumf %cond3A_372#0, %scan3A_423#0 : f32
          %add3A_425 = arith.constant 15 : i32
          %add3A_426 = arith.addi %reduce_max3A_410, %add3A_425 : i32
          %jit3A_427 = arith.constant 16 : i32
          %div3A = arith.divsi %add3A_426, %jit3A_427 : i32
          %sign3A = arith.constant 0 : i32
          %sign3A_428 = arith.cmpi sgt, %add3A_426, %sign3A : i32
          %sign3A_429 = arith.extui %sign3A_428 : i1 to i32
          %sign3A_430 = arith.constant 0 : i32
          %sign3A_431 = arith.cmpi slt, %add3A_426, %sign3A_430 : i32
          %sign3A_432 = arith.extui %sign3A_431 : i1 to i32
          %sign3A_433 = arith.subi %sign3A_429, %sign3A_432 : i32
          %sign3A_434 = arith.constant 0 : i32
          %sign3A_435 = arith.cmpi sgt, %jit3A_427, %sign3A_434 : i32
          %sign3A_436 = arith.extui %sign3A_435 : i1 to i32
          %sign3A_437 = arith.constant 0 : i32
          %sign3A_438 = arith.cmpi slt, %jit3A_427, %sign3A_437 : i32
          %sign3A_439 = arith.extui %sign3A_438 : i1 to i32
          %sign3A_440 = arith.subi %sign3A_436, %sign3A_439 : i32
          %ne3A = arith.cmpi ne, %sign3A_433, %sign3A_440 : i32
          %rem3A = arith.remsi %add3A_426, %jit3A_427 : i32
          %ne3A_441 = arith.constant 0 : i32
          %ne3A_442 = arith.cmpi ne, %rem3A, %ne3A_441 : i32
          %and3A = arith.andi %ne3A, %ne3A_442 : i1
          %sub3A = arith.constant 1 : i32
          %sub3A_443 = arith.subi %div3A, %sub3A : i32
          %select_n3A_444 = arith.select %and3A, %sub3A_443, %div3A : i32
          %broadcast_in_dim3A_445 = arith.constant 0 : i32
          %broadcast_in_dim3A_446 = vector.broadcast %broadcast_in_dim3A_445 : i32 to vector<16xi32>
          %while3A = arith.constant 0 : i32
          %while3A_447 = arith.subi %select_n3A_444, %while3A : i32
          %while3A_448 = arith.addi %while3A, %while3A_447 : i32
          %while3A_449 = arith.constant 1 : i32
          %while3A_450 = arith.divsi %while3A_447, %while3A_449 : i32
          %while3A_451 = arith.muli %while3A_450, %while3A_449 : i32
          %while3A_452 = arith.addi %while3A, %while3A_451 : i32
          %while3A_453 = arith.constant 1 : i32
          %while3A_454 = scf.for %while3A_465 = %while3A to %while3A_452 step %while3A_453 iter_args(%while3A_466 = %broadcast_in_dim3A_446) -> (vector<16xi32>)  : i32 {
            %mul3A_467 = arith.constant 16 : i32
            %mul3A_468 = arith.muli %while3A_465, %mul3A_467 : i32
            %get3A_469 = arith.index_cast %mul3A_468 : i32 to index
            %get3A_470 = tpu.vector_load %arg7[%get3A_469] {strides = array<i32>} : memref<26624xf32, #tpu.memory_space<vmem>>, vector<16xf32>,
            %mul3A_471 = arith.constant 16 : i32
            %mul3A_472 = arith.muli %while3A_465, %mul3A_471 : i32
            %get3A_473 = arith.index_cast %mul3A_472 : i32 to index
            %get3A_474 = tpu.vector_load %arg8[%get3A_473] {strides = array<i32>} : memref<26624xi32, #tpu.memory_space<vmem>>, vector<16xi32>,
            %mul3A_475 = arith.constant 16 : i32
            %mul3A_476 = arith.muli %while3A_465, %mul3A_475 : i32
            %add3A_477 = vector.broadcast %mul3A_476 : i32 to vector<16xi32>
            %add3A_478 = arith.addi %add3A_477, %iota3A : vector<16xi32>
            %lt3A_479 = vector.broadcast %reduce_max3A_410 : i32 to vector<16xi32>
            %lt3A_480 = arith.cmpi slt, %add3A_478, %lt3A_479 : vector<16xi32>
            %gt3A_481 = vector.broadcast %max3A : f32 to vector<16xf32>
            %gt3A_482 = arith.cmpf ogt, %get3A_470, %gt3A_481 : vector<16xf32>
            %and3A_483 = arith.andi %gt3A_482, %lt3A_480 : vector<16xi1>
            %convert_element_type3A_484 = arith.extui %and3A_483 : vector<16xi1> to vector<16xi32>
            %broadcast_in_dim3A_485 = arith.constant true
            %broadcast_in_dim3A_486 = vector.broadcast %broadcast_in_dim3A_485 : i1 to vector<16xi1>
            %masked_cumsum3A = tpu.scan <sum>, %convert_element_type3A_484 masked %broadcast_in_dim3A_486 : vector<16xi32>, vector<16xi1> -> vector<16xi32>
            %sub3A_487 = arith.subi %masked_cumsum3A, %convert_element_type3A_484 : vector<16xi32>
            %add3A_488 = arith.addi %while3A_466, %sub3A_487 : vector<16xi32>
            tpu.vector_store_idx %arg7[%add3A_488], %get3A_470 masked %and3A_483 : memref<26624xf32, #tpu.memory_space<vmem>>[vector<16xi32>], vector<16xf32>, vector<16xi1>
            tpu.vector_store_idx %arg8[%add3A_488], %get3A_474 masked %and3A_483 : memref<26624xi32, #tpu.memory_space<vmem>>[vector<16xi32>], vector<16xi32>, vector<16xi1>
            %all_reduce_population_count3A = tpu.all_reduce %and3A_483 {dim = 0 : i64, kind = #tpu.reduction_kind<sum>} : vector<16xi1> -> vector<16xi32>
            %add3A_489 = arith.addi %while3A_466, %all_reduce_population_count3A : vector<16xi32>
            scf.yield %add3A_489 : vector<16xi32>
          }
          %while3A_455 = arith.constant 1 : i32
          %while3A_456 = scf.for %while3A_465 = %while3A_452 to %while3A_448 step %while3A_455 iter_args(%while3A_466 = %while3A_454) -> (vector<16xi32>)  : i32 {
            %mul3A_467 = arith.constant 16 : i32
            %mul3A_468 = arith.muli %while3A_465, %mul3A_467 : i32
            %get3A_469 = arith.index_cast %mul3A_468 : i32 to index
            %get3A_470 = tpu.vector_load %arg7[%get3A_469] {strides = array<i32>} : memref<26624xf32, #tpu.memory_space<vmem>>, vector<16xf32>,
            %mul3A_471 = arith.constant 16 : i32
            %mul3A_472 = arith.muli %while3A_465, %mul3A_471 : i32
            %get3A_473 = arith.index_cast %mul3A_472 : i32 to index
            %get3A_474 = tpu.vector_load %arg8[%get3A_473] {strides = array<i32>} : memref<26624xi32, #tpu.memory_space<vmem>>, vector<16xi32>,
            %mul3A_475 = arith.constant 16 : i32
            %mul3A_476 = arith.muli %while3A_465, %mul3A_475 : i32
            %add3A_477 = vector.broadcast %mul3A_476 : i32 to vector<16xi32>
            %add3A_478 = arith.addi %add3A_477, %iota3A : vector<16xi32>
            %lt3A_479 = vector.broadcast %reduce_max3A_410 : i32 to vector<16xi32>
            %lt3A_480 = arith.cmpi slt, %add3A_478, %lt3A_479 : vector<16xi32>
            %gt3A_481 = vector.broadcast %max3A : f32 to vector<16xf32>
            %gt3A_482 = arith.cmpf ogt, %get3A_470, %gt3A_481 : vector<16xf32>
            %and3A_483 = arith.andi %gt3A_482, %lt3A_480 : vector<16xi1>
            %convert_element_type3A_484 = arith.extui %and3A_483 : vector<16xi1> to vector<16xi32>
            %broadcast_in_dim3A_485 = arith.constant true
            %broadcast_in_dim3A_486 = vector.broadcast %broadcast_in_dim3A_485 : i1 to vector<16xi1>
            %masked_cumsum3A = tpu.scan <sum>, %convert_element_type3A_484 masked %broadcast_in_dim3A_486 : vector<16xi32>, vector<16xi1> -> vector<16xi32>
            %sub3A_487 = arith.subi %masked_cumsum3A, %convert_element_type3A_484 : vector<16xi32>
            %add3A_488 = arith.addi %while3A_466, %sub3A_487 : vector<16xi32>
            tpu.vector_store_idx %arg7[%add3A_488], %get3A_470 masked %and3A_483 : memref<26624xf32, #tpu.memory_space<vmem>>[vector<16xi32>], vector<16xf32>, vector<16xi1>
            tpu.vector_store_idx %arg8[%add3A_488], %get3A_474 masked %and3A_483 : memref<26624xi32, #tpu.memory_space<vmem>>[vector<16xi32>], vector<16xi32>, vector<16xi1>
            %all_reduce_population_count3A = tpu.all_reduce %and3A_483 {dim = 0 : i64, kind = #tpu.reduction_kind<sum>} : vector<16xi1> -> vector<16xi32>
            %add3A_489 = arith.addi %while3A_466, %all_reduce_population_count3A : vector<16xi32>
            scf.yield %add3A_489 : vector<16xi32>
          }
          %reduce_max3A_457 = arith.constant true
          %reduce_max3A_458 = vector.broadcast %reduce_max3A_457 : i1 to vector<16xi1>
          %reduce_max3A_459 = arith.constant -2147483648 : i32
          %reduce_max3A_460 = vector.broadcast %reduce_max3A_459 : i32 to vector<16xi32>
          %reduce_max3A_461 = arith.xori %while3A_456, %reduce_max3A_460 : vector<16xi32>
          %reduce_max3A_462 = tpu.scan <max>, %reduce_max3A_461 masked %reduce_max3A_458 : vector<16xi32>, vector<16xi1> -> vector<16xi32>
          %reduce_max3A_463 = arith.xori %reduce_max3A_462, %reduce_max3A_460 : vector<16xi32>
          %reduce_max3A_464 = vector.extract %reduce_max3A_463[15] : i32 from vector<16xi32>
          scf.yield %max3A, %reduce_max3A_464 : f32, i32
        } else {
          scf.yield %cond3A_372#0, %reduce_max3A_410 : f32, i32
        }
        scf.yield %cond3A_416#0, %cond3A_416#1 : f32, i32
      }
      %scan3A_26 = arith.constant 5 : i32
      %gt3A = arith.constant 256 : i32
      %gt3A_27 = arith.cmpi sgt, %scan3A_25#1, %gt3A : i32
      %convert_element_type3A = arith.extui %gt3A_27 : i1 to i32
      %cond3A = arith.constant 0 : i32
      %cond3A_28 = arith.cmpi ne, %convert_element_type3A, %cond3A : i32
      %cond3A_29:2 = scf.if %cond3A_28 -> (f32, i32) {
        %scan3A_319 = arith.constant -6.400000e+01 : f32
        %scan3A_320 = arith.constant 6.400000e+01 : f32
        %scan3A_321 = arith.constant 0 : i32
        %scan3A_322 = arith.constant 21 : i32
        %scan3A_323 = arith.addi %scan3A_321, %scan3A_322 : i32
        %scan3A_324 = arith.constant 1 : i32
        %scan3A_325:2 = scf.for %scan3A_366 = %scan3A_321 to %scan3A_323 step %scan3A_324 iter_args(%scan3A_367 = %scan3A_319, %scan3A_368 = %scan3A_320) -> (f32, f32)  : i32 {
          %add3A_369 = arith.addf %scan3A_367, %scan3A_368 : f32
          %mul3A_370 = arith.constant 5.000000e-01 : f32
          %mul3A_371 = arith.mulf %mul3A_370, %add3A_369 : f32
          %add3A_372 = arith.constant 63 : i32
          %add3A_373 = arith.addi %scan3A_25#1, %add3A_372 : i32
          %jit3A_374 = arith.constant 64 : i32
          %div3A_375 = arith.divsi %add3A_373, %jit3A_374 : i32
          %sign3A_376 = arith.constant 0 : i32
          %sign3A_377 = arith.cmpi sgt, %add3A_373, %sign3A_376 : i32
          %sign3A_378 = arith.extui %sign3A_377 : i1 to i32
          %sign3A_379 = arith.constant 0 : i32
          %sign3A_380 = arith.cmpi slt, %add3A_373, %sign3A_379 : i32
          %sign3A_381 = arith.extui %sign3A_380 : i1 to i32
          %sign3A_382 = arith.subi %sign3A_378, %sign3A_381 : i32
          %sign3A_383 = arith.constant 0 : i32
          %sign3A_384 = arith.cmpi sgt, %jit3A_374, %sign3A_383 : i32
          %sign3A_385 = arith.extui %sign3A_384 : i1 to i32
          %sign3A_386 = arith.constant 0 : i32
          %sign3A_387 = arith.cmpi slt, %jit3A_374, %sign3A_386 : i32
          %sign3A_388 = arith.extui %sign3A_387 : i1 to i32
          %sign3A_389 = arith.subi %sign3A_385, %sign3A_388 : i32
          %ne3A_390 = arith.cmpi ne, %sign3A_382, %sign3A_389 : i32
          %rem3A_391 = arith.remsi %add3A_373, %jit3A_374 : i32
          %ne3A_392 = arith.constant 0 : i32
          %ne3A_393 = arith.cmpi ne, %rem3A_391, %ne3A_392 : i32
          %and3A_394 = arith.andi %ne3A_390, %ne3A_393 : i1
          %sub3A_395 = arith.constant 1 : i32
          %sub3A_396 = arith.subi %div3A_375, %sub3A_395 : i32
          %select_n3A_397 = arith.select %and3A_394, %sub3A_396, %div3A_375 : i32
          %broadcast_in_dim3A_398 = arith.constant 0 : i32
          %broadcast_in_dim3A_399 = vector.broadcast %broadcast_in_dim3A_398 : i32 to vector<16xi32>
          %while3A_400 = arith.constant 0 : i32
          %while3A_401 = arith.subi %select_n3A_397, %while3A_400 : i32
          %while3A_402 = arith.addi %while3A_400, %while3A_401 : i32
          %while3A_403 = arith.constant 1 : i32
          %while3A_404 = arith.divsi %while3A_401, %while3A_403 : i32
          %while3A_405 = arith.muli %while3A_404, %while3A_403 : i32
          %while3A_406 = arith.addi %while3A_400, %while3A_405 : i32
          %while3A_407 = arith.constant 1 : i32
          %while3A_408 = scf.for %while3A_417 = %while3A_400 to %while3A_406 step %while3A_407 iter_args(%while3A_418 = %broadcast_in_dim3A_399) -> (vector<16xi32>)  : i32 {
            %mul3A_419 = arith.constant 4 : i32
            %mul3A_420 = arith.muli %while3A_417, %mul3A_419 : i32
            %add3A_421 = arith.constant 0 : i32
            %add3A_422 = arith.addi %mul3A_420, %add3A_421 : i32
            %mul3A_423 = arith.constant 16 : i32
            %mul3A_424 = arith.muli %add3A_422, %mul3A_423 : i32
            %get3A_425 = arith.index_cast %mul3A_424 : i32 to index
            %get3A_426 = tpu.vector_load %arg7[%get3A_425] {strides = array<i32>} : memref<26624xf32, #tpu.memory_space<vmem>>, vector<16xf32>,
            %mul3A_427 = arith.constant 4 : i32
            %mul3A_428 = arith.muli %while3A_417, %mul3A_427 : i32
            %add3A_429 = arith.constant 0 : i32
            %add3A_430 = arith.addi %mul3A_428, %add3A_429 : i32
            %mul3A_431 = arith.constant 16 : i32
            %mul3A_432 = arith.muli %add3A_430, %mul3A_431 : i32
            %add3A_433 = vector.broadcast %mul3A_432 : i32 to vector<16xi32>
            %add3A_434 = arith.addi %add3A_433, %iota3A : vector<16xi32>
            %lt3A_435 = vector.broadcast %scan3A_25#1 : i32 to vector<16xi32>
            %lt3A_436 = arith.cmpi slt, %add3A_434, %lt3A_435 : vector<16xi32>
            %gt3A_437 = vector.broadcast %mul3A_371 : f32 to vector<16xf32>
            %gt3A_438 = arith.cmpf ogt, %get3A_426, %gt3A_437 : vector<16xf32>
            %and3A_439 = arith.andi %gt3A_438, %lt3A_436 : vector<16xi1>
            %jit3A_440 = arith.constant 1 : i32
            %jit3A_441 = arith.constant 0 : i32
            %broadcast_in_dim3A_442 = vector.broadcast %jit3A_440 : i32 to vector<16xi32>
            %broadcast_in_dim3A_443 = vector.broadcast %jit3A_441 : i32 to vector<16xi32>
            %select_n3A_444 = arith.select %and3A_439, %broadcast_in_dim3A_442, %broadcast_in_dim3A_443 : vector<16xi1>, vector<16xi32>
            %add3A_445 = arith.addi %while3A_418, %select_n3A_444 : vector<16xi32>
            %mul3A_446 = arith.constant 4 : i32
            %mul3A_447 = arith.muli %while3A_417, %mul3A_446 : i32
            %add3A_448 = arith.constant 1 : i32
            %add3A_449 = arith.addi %mul3A_447, %add3A_448 : i32
            %mul3A_450 = arith.constant 16 : i32
            %mul3A_451 = arith.muli %add3A_449, %mul3A_450 : i32
            %get3A_452 = arith.index_cast %mul3A_451 : i32 to index
            %get3A_453 = tpu.vector_load %arg7[%get3A_452] {strides = array<i32>} : memref<26624xf32, #tpu.memory_space<vmem>>, vector<16xf32>,
            %mul3A_454 = arith.constant 4 : i32
            %mul3A_455 = arith.muli %while3A_417, %mul3A_454 : i32
            %add3A_456 = arith.constant 1 : i32
            %add3A_457 = arith.addi %mul3A_455, %add3A_456 : i32
            %mul3A_458 = arith.constant 16 : i32
            %mul3A_459 = arith.muli %add3A_457, %mul3A_458 : i32
            %add3A_460 = vector.broadcast %mul3A_459 : i32 to vector<16xi32>
            %add3A_461 = arith.addi %add3A_460, %iota3A : vector<16xi32>
            %lt3A_462 = vector.broadcast %scan3A_25#1 : i32 to vector<16xi32>
            %lt3A_463 = arith.cmpi slt, %add3A_461, %lt3A_462 : vector<16xi32>
            %gt3A_464 = vector.broadcast %mul3A_371 : f32 to vector<16xf32>
            %gt3A_465 = arith.cmpf ogt, %get3A_453, %gt3A_464 : vector<16xf32>
            %and3A_466 = arith.andi %gt3A_465, %lt3A_463 : vector<16xi1>
            %jit3A_467 = arith.constant 1 : i32
            %jit3A_468 = arith.constant 0 : i32
            %broadcast_in_dim3A_469 = vector.broadcast %jit3A_467 : i32 to vector<16xi32>
            %broadcast_in_dim3A_470 = vector.broadcast %jit3A_468 : i32 to vector<16xi32>
            %select_n3A_471 = arith.select %and3A_466, %broadcast_in_dim3A_469, %broadcast_in_dim3A_470 : vector<16xi1>, vector<16xi32>
            %add3A_472 = arith.addi %add3A_445, %select_n3A_471 : vector<16xi32>
            %mul3A_473 = arith.constant 4 : i32
            %mul3A_474 = arith.muli %while3A_417, %mul3A_473 : i32
            %add3A_475 = arith.constant 2 : i32
            %add3A_476 = arith.addi %mul3A_474, %add3A_475 : i32
            %mul3A_477 = arith.constant 16 : i32
            %mul3A_478 = arith.muli %add3A_476, %mul3A_477 : i32
            %get3A_479 = arith.index_cast %mul3A_478 : i32 to index
            %get3A_480 = tpu.vector_load %arg7[%get3A_479] {strides = array<i32>} : memref<26624xf32, #tpu.memory_space<vmem>>, vector<16xf32>,
            %mul3A_481 = arith.constant 4 : i32
            %mul3A_482 = arith.muli %while3A_417, %mul3A_481 : i32
            %add3A_483 = arith.constant 2 : i32
            %add3A_484 = arith.addi %mul3A_482, %add3A_483 : i32
            %mul3A_485 = arith.constant 16 : i32
            %mul3A_486 = arith.muli %add3A_484, %mul3A_485 : i32
            %add3A_487 = vector.broadcast %mul3A_486 : i32 to vector<16xi32>
            %add3A_488 = arith.addi %add3A_487, %iota3A : vector<16xi32>
            %lt3A_489 = vector.broadcast %scan3A_25#1 : i32 to vector<16xi32>
            %lt3A_490 = arith.cmpi slt, %add3A_488, %lt3A_489 : vector<16xi32>
            %gt3A_491 = vector.broadcast %mul3A_371 : f32 to vector<16xf32>
            %gt3A_492 = arith.cmpf ogt, %get3A_480, %gt3A_491 : vector<16xf32>
            %and3A_493 = arith.andi %gt3A_492, %lt3A_490 : vector<16xi1>
            %jit3A_494 = arith.constant 1 : i32
            %jit3A_495 = arith.constant 0 : i32
            %broadcast_in_dim3A_496 = vector.broadcast %jit3A_494 : i32 to vector<16xi32>
            %broadcast_in_dim3A_497 = vector.broadcast %jit3A_495 : i32 to vector<16xi32>
            %select_n3A_498 = arith.select %and3A_493, %broadcast_in_dim3A_496, %broadcast_in_dim3A_497 : vector<16xi1>, vector<16xi32>
            %add3A_499 = arith.addi %add3A_472, %select_n3A_498 : vector<16xi32>
            %mul3A_500 = arith.constant 4 : i32
            %mul3A_501 = arith.muli %while3A_417, %mul3A_500 : i32
            %add3A_502 = arith.constant 3 : i32
            %add3A_503 = arith.addi %mul3A_501, %add3A_502 : i32
            %mul3A_504 = arith.constant 16 : i32
            %mul3A_505 = arith.muli %add3A_503, %mul3A_504 : i32
            %get3A_506 = arith.index_cast %mul3A_505 : i32 to index
            %get3A_507 = tpu.vector_load %arg7[%get3A_506] {strides = array<i32>} : memref<26624xf32, #tpu.memory_space<vmem>>, vector<16xf32>,
            %mul3A_508 = arith.constant 4 : i32
            %mul3A_509 = arith.muli %while3A_417, %mul3A_508 : i32
            %add3A_510 = arith.constant 3 : i32
            %add3A_511 = arith.addi %mul3A_509, %add3A_510 : i32
            %mul3A_512 = arith.constant 16 : i32
            %mul3A_513 = arith.muli %add3A_511, %mul3A_512 : i32
            %add3A_514 = vector.broadcast %mul3A_513 : i32 to vector<16xi32>
            %add3A_515 = arith.addi %add3A_514, %iota3A : vector<16xi32>
            %lt3A_516 = vector.broadcast %scan3A_25#1 : i32 to vector<16xi32>
            %lt3A_517 = arith.cmpi slt, %add3A_515, %lt3A_516 : vector<16xi32>
            %gt3A_518 = vector.broadcast %mul3A_371 : f32 to vector<16xf32>
            %gt3A_519 = arith.cmpf ogt, %get3A_507, %gt3A_518 : vector<16xf32>
            %and3A_520 = arith.andi %gt3A_519, %lt3A_517 : vector<16xi1>
            %jit3A_521 = arith.constant 1 : i32
            %jit3A_522 = arith.constant 0 : i32
            %broadcast_in_dim3A_523 = vector.broadcast %jit3A_521 : i32 to vector<16xi32>
            %broadcast_in_dim3A_524 = vector.broadcast %jit3A_522 : i32 to vector<16xi32>
            %select_n3A_525 = arith.select %and3A_520, %broadcast_in_dim3A_523, %broadcast_in_dim3A_524 : vector<16xi1>, vector<16xi32>
            %add3A_526 = arith.addi %add3A_499, %select_n3A_525 : vector<16xi32>
            scf.yield %add3A_526 : vector<16xi32>
          }
          %while3A_409 = arith.constant 1 : i32
          %while3A_410 = scf.for %while3A_417 = %while3A_406 to %while3A_402 step %while3A_409 iter_args(%while3A_418 = %while3A_408) -> (vector<16xi32>)  : i32 {
            %mul3A_419 = arith.constant 4 : i32
            %mul3A_420 = arith.muli %while3A_417, %mul3A_419 : i32
            %add3A_421 = arith.constant 0 : i32
            %add3A_422 = arith.addi %mul3A_420, %add3A_421 : i32
            %mul3A_423 = arith.constant 16 : i32
            %mul3A_424 = arith.muli %add3A_422, %mul3A_423 : i32
            %get3A_425 = arith.index_cast %mul3A_424 : i32 to index
            %get3A_426 = tpu.vector_load %arg7[%get3A_425] {strides = array<i32>} : memref<26624xf32, #tpu.memory_space<vmem>>, vector<16xf32>,
            %mul3A_427 = arith.constant 4 : i32
            %mul3A_428 = arith.muli %while3A_417, %mul3A_427 : i32
            %add3A_429 = arith.constant 0 : i32
            %add3A_430 = arith.addi %mul3A_428, %add3A_429 : i32
            %mul3A_431 = arith.constant 16 : i32
            %mul3A_432 = arith.muli %add3A_430, %mul3A_431 : i32
            %add3A_433 = vector.broadcast %mul3A_432 : i32 to vector<16xi32>
            %add3A_434 = arith.addi %add3A_433, %iota3A : vector<16xi32>
            %lt3A_435 = vector.broadcast %scan3A_25#1 : i32 to vector<16xi32>
            %lt3A_436 = arith.cmpi slt, %add3A_434, %lt3A_435 : vector<16xi32>
            %gt3A_437 = vector.broadcast %mul3A_371 : f32 to vector<16xf32>
            %gt3A_438 = arith.cmpf ogt, %get3A_426, %gt3A_437 : vector<16xf32>
            %and3A_439 = arith.andi %gt3A_438, %lt3A_436 : vector<16xi1>
            %jit3A_440 = arith.constant 1 : i32
            %jit3A_441 = arith.constant 0 : i32
            %broadcast_in_dim3A_442 = vector.broadcast %jit3A_440 : i32 to vector<16xi32>
            %broadcast_in_dim3A_443 = vector.broadcast %jit3A_441 : i32 to vector<16xi32>
            %select_n3A_444 = arith.select %and3A_439, %broadcast_in_dim3A_442, %broadcast_in_dim3A_443 : vector<16xi1>, vector<16xi32>
            %add3A_445 = arith.addi %while3A_418, %select_n3A_444 : vector<16xi32>
            %mul3A_446 = arith.constant 4 : i32
            %mul3A_447 = arith.muli %while3A_417, %mul3A_446 : i32
            %add3A_448 = arith.constant 1 : i32
            %add3A_449 = arith.addi %mul3A_447, %add3A_448 : i32
            %mul3A_450 = arith.constant 16 : i32
            %mul3A_451 = arith.muli %add3A_449, %mul3A_450 : i32
            %get3A_452 = arith.index_cast %mul3A_451 : i32 to index
            %get3A_453 = tpu.vector_load %arg7[%get3A_452] {strides = array<i32>} : memref<26624xf32, #tpu.memory_space<vmem>>, vector<16xf32>,
            %mul3A_454 = arith.constant 4 : i32
            %mul3A_455 = arith.muli %while3A_417, %mul3A_454 : i32
            %add3A_456 = arith.constant 1 : i32
            %add3A_457 = arith.addi %mul3A_455, %add3A_456 : i32
            %mul3A_458 = arith.constant 16 : i32
            %mul3A_459 = arith.muli %add3A_457, %mul3A_458 : i32
            %add3A_460 = vector.broadcast %mul3A_459 : i32 to vector<16xi32>
            %add3A_461 = arith.addi %add3A_460, %iota3A : vector<16xi32>
            %lt3A_462 = vector.broadcast %scan3A_25#1 : i32 to vector<16xi32>
            %lt3A_463 = arith.cmpi slt, %add3A_461, %lt3A_462 : vector<16xi32>
            %gt3A_464 = vector.broadcast %mul3A_371 : f32 to vector<16xf32>
            %gt3A_465 = arith.cmpf ogt, %get3A_453, %gt3A_464 : vector<16xf32>
            %and3A_466 = arith.andi %gt3A_465, %lt3A_463 : vector<16xi1>
            %jit3A_467 = arith.constant 1 : i32
            %jit3A_468 = arith.constant 0 : i32
            %broadcast_in_dim3A_469 = vector.broadcast %jit3A_467 : i32 to vector<16xi32>
            %broadcast_in_dim3A_470 = vector.broadcast %jit3A_468 : i32 to vector<16xi32>
            %select_n3A_471 = arith.select %and3A_466, %broadcast_in_dim3A_469, %broadcast_in_dim3A_470 : vector<16xi1>, vector<16xi32>
            %add3A_472 = arith.addi %add3A_445, %select_n3A_471 : vector<16xi32>
            %mul3A_473 = arith.constant 4 : i32
            %mul3A_474 = arith.muli %while3A_417, %mul3A_473 : i32
            %add3A_475 = arith.constant 2 : i32
            %add3A_476 = arith.addi %mul3A_474, %add3A_475 : i32
            %mul3A_477 = arith.constant 16 : i32
            %mul3A_478 = arith.muli %add3A_476, %mul3A_477 : i32
            %get3A_479 = arith.index_cast %mul3A_478 : i32 to index
            %get3A_480 = tpu.vector_load %arg7[%get3A_479] {strides = array<i32>} : memref<26624xf32, #tpu.memory_space<vmem>>, vector<16xf32>,
            %mul3A_481 = arith.constant 4 : i32
            %mul3A_482 = arith.muli %while3A_417, %mul3A_481 : i32
            %add3A_483 = arith.constant 2 : i32
            %add3A_484 = arith.addi %mul3A_482, %add3A_483 : i32
            %mul3A_485 = arith.constant 16 : i32
            %mul3A_486 = arith.muli %add3A_484, %mul3A_485 : i32
            %add3A_487 = vector.broadcast %mul3A_486 : i32 to vector<16xi32>
            %add3A_488 = arith.addi %add3A_487, %iota3A : vector<16xi32>
            %lt3A_489 = vector.broadcast %scan3A_25#1 : i32 to vector<16xi32>
            %lt3A_490 = arith.cmpi slt, %add3A_488, %lt3A_489 : vector<16xi32>
            %gt3A_491 = vector.broadcast %mul3A_371 : f32 to vector<16xf32>
            %gt3A_492 = arith.cmpf ogt, %get3A_480, %gt3A_491 : vector<16xf32>
            %and3A_493 = arith.andi %gt3A_492, %lt3A_490 : vector<16xi1>
            %jit3A_494 = arith.constant 1 : i32
            %jit3A_495 = arith.constant 0 : i32
            %broadcast_in_dim3A_496 = vector.broadcast %jit3A_494 : i32 to vector<16xi32>
            %broadcast_in_dim3A_497 = vector.broadcast %jit3A_495 : i32 to vector<16xi32>
            %select_n3A_498 = arith.select %and3A_493, %broadcast_in_dim3A_496, %broadcast_in_dim3A_497 : vector<16xi1>, vector<16xi32>
            %add3A_499 = arith.addi %add3A_472, %select_n3A_498 : vector<16xi32>
            %mul3A_500 = arith.constant 4 : i32
            %mul3A_501 = arith.muli %while3A_417, %mul3A_500 : i32
            %add3A_502 = arith.constant 3 : i32
            %add3A_503 = arith.addi %mul3A_501, %add3A_502 : i32
            %mul3A_504 = arith.constant 16 : i32
            %mul3A_505 = arith.muli %add3A_503, %mul3A_504 : i32
            %get3A_506 = arith.index_cast %mul3A_505 : i32 to index
            %get3A_507 = tpu.vector_load %arg7[%get3A_506] {strides = array<i32>} : memref<26624xf32, #tpu.memory_space<vmem>>, vector<16xf32>,
            %mul3A_508 = arith.constant 4 : i32
            %mul3A_509 = arith.muli %while3A_417, %mul3A_508 : i32
            %add3A_510 = arith.constant 3 : i32
            %add3A_511 = arith.addi %mul3A_509, %add3A_510 : i32
            %mul3A_512 = arith.constant 16 : i32
            %mul3A_513 = arith.muli %add3A_511, %mul3A_512 : i32
            %add3A_514 = vector.broadcast %mul3A_513 : i32 to vector<16xi32>
            %add3A_515 = arith.addi %add3A_514, %iota3A : vector<16xi32>
            %lt3A_516 = vector.broadcast %scan3A_25#1 : i32 to vector<16xi32>
            %lt3A_517 = arith.cmpi slt, %add3A_515, %lt3A_516 : vector<16xi32>
            %gt3A_518 = vector.broadcast %mul3A_371 : f32 to vector<16xf32>
            %gt3A_519 = arith.cmpf ogt, %get3A_507, %gt3A_518 : vector<16xf32>
            %and3A_520 = arith.andi %gt3A_519, %lt3A_517 : vector<16xi1>
            %jit3A_521 = arith.constant 1 : i32
            %jit3A_522 = arith.constant 0 : i32
            %broadcast_in_dim3A_523 = vector.broadcast %jit3A_521 : i32 to vector<16xi32>
            %broadcast_in_dim3A_524 = vector.broadcast %jit3A_522 : i32 to vector<16xi32>
            %select_n3A_525 = arith.select %and3A_520, %broadcast_in_dim3A_523, %broadcast_in_dim3A_524 : vector<16xi1>, vector<16xi32>
            %add3A_526 = arith.addi %add3A_499, %select_n3A_525 : vector<16xi32>
            scf.yield %add3A_526 : vector<16xi32>
          }
          %reduce_sum3A = arith.constant true
          %reduce_sum3A_411 = vector.broadcast %reduce_sum3A : i1 to vector<16xi1>
          %reduce_sum3A_412 = tpu.scan <sum>, %while3A_410 masked %reduce_sum3A_411 : vector<16xi32>, vector<16xi1> -> vector<16xi32>
          %reduce_sum3A_413 = vector.extract %reduce_sum3A_412[15] : i32 from vector<16xi32>
          %ge3A = arith.constant 128 : i32
          %ge3A_414 = arith.cmpi sge, %reduce_sum3A_413, %ge3A : i32
          %select_n3A_415 = arith.select %ge3A_414, %mul3A_371, %scan3A_367 : f32
          %select_n3A_416 = arith.select %ge3A_414, %scan3A_368, %mul3A_371 : f32
          scf.yield %select_n3A_415, %select_n3A_416 : f32, f32
        }
        %scan3A_326 = arith.constant 21 : i32
        %max3A = arith.maximumf %scan3A_25#0, %scan3A_325#0 : f32
        %add3A_327 = arith.constant 15 : i32
        %add3A_328 = arith.addi %scan3A_25#1, %add3A_327 : i32
        %jit3A_329 = arith.constant 16 : i32
        %div3A = arith.divsi %add3A_328, %jit3A_329 : i32
        %sign3A = arith.constant 0 : i32
        %sign3A_330 = arith.cmpi sgt, %add3A_328, %sign3A : i32
        %sign3A_331 = arith.extui %sign3A_330 : i1 to i32
        %sign3A_332 = arith.constant 0 : i32
        %sign3A_333 = arith.cmpi slt, %add3A_328, %sign3A_332 : i32
        %sign3A_334 = arith.extui %sign3A_333 : i1 to i32
        %sign3A_335 = arith.subi %sign3A_331, %sign3A_334 : i32
        %sign3A_336 = arith.constant 0 : i32
        %sign3A_337 = arith.cmpi sgt, %jit3A_329, %sign3A_336 : i32
        %sign3A_338 = arith.extui %sign3A_337 : i1 to i32
        %sign3A_339 = arith.constant 0 : i32
        %sign3A_340 = arith.cmpi slt, %jit3A_329, %sign3A_339 : i32
        %sign3A_341 = arith.extui %sign3A_340 : i1 to i32
        %sign3A_342 = arith.subi %sign3A_338, %sign3A_341 : i32
        %ne3A = arith.cmpi ne, %sign3A_335, %sign3A_342 : i32
        %rem3A = arith.remsi %add3A_328, %jit3A_329 : i32
        %ne3A_343 = arith.constant 0 : i32
        %ne3A_344 = arith.cmpi ne, %rem3A, %ne3A_343 : i32
        %and3A = arith.andi %ne3A, %ne3A_344 : i1
        %sub3A = arith.constant 1 : i32
        %sub3A_345 = arith.subi %div3A, %sub3A : i32
        %select_n3A_346 = arith.select %and3A, %sub3A_345, %div3A : i32
        %broadcast_in_dim3A_347 = arith.constant 0 : i32
        %broadcast_in_dim3A_348 = vector.broadcast %broadcast_in_dim3A_347 : i32 to vector<16xi32>
        %while3A = arith.constant 0 : i32
        %while3A_349 = arith.subi %select_n3A_346, %while3A : i32
        %while3A_350 = arith.addi %while3A, %while3A_349 : i32
        %while3A_351 = arith.constant 1 : i32
        %while3A_352 = arith.divsi %while3A_349, %while3A_351 : i32
        %while3A_353 = arith.muli %while3A_352, %while3A_351 : i32
        %while3A_354 = arith.addi %while3A, %while3A_353 : i32
        %while3A_355 = arith.constant 1 : i32
        %while3A_356 = scf.for %while3A_366 = %while3A to %while3A_354 step %while3A_355 iter_args(%while3A_367 = %broadcast_in_dim3A_348) -> (vector<16xi32>)  : i32 {
          %mul3A_368 = arith.constant 16 : i32
          %mul3A_369 = arith.muli %while3A_366, %mul3A_368 : i32
          %get3A_370 = arith.index_cast %mul3A_369 : i32 to index
          %get3A_371 = tpu.vector_load %arg7[%get3A_370] {strides = array<i32>} : memref<26624xf32, #tpu.memory_space<vmem>>, vector<16xf32>,
          %mul3A_372 = arith.constant 16 : i32
          %mul3A_373 = arith.muli %while3A_366, %mul3A_372 : i32
          %get3A_374 = arith.index_cast %mul3A_373 : i32 to index
          %get3A_375 = tpu.vector_load %arg8[%get3A_374] {strides = array<i32>} : memref<26624xi32, #tpu.memory_space<vmem>>, vector<16xi32>,
          %mul3A_376 = arith.constant 16 : i32
          %mul3A_377 = arith.muli %while3A_366, %mul3A_376 : i32
          %add3A_378 = vector.broadcast %mul3A_377 : i32 to vector<16xi32>
          %add3A_379 = arith.addi %add3A_378, %iota3A : vector<16xi32>
          %lt3A_380 = vector.broadcast %scan3A_25#1 : i32 to vector<16xi32>
          %lt3A_381 = arith.cmpi slt, %add3A_379, %lt3A_380 : vector<16xi32>
          %gt3A_382 = vector.broadcast %max3A : f32 to vector<16xf32>
          %gt3A_383 = arith.cmpf ogt, %get3A_371, %gt3A_382 : vector<16xf32>
          %and3A_384 = arith.andi %gt3A_383, %lt3A_381 : vector<16xi1>
          %convert_element_type3A_385 = arith.extui %and3A_384 : vector<16xi1> to vector<16xi32>
          %broadcast_in_dim3A_386 = arith.constant true
          %broadcast_in_dim3A_387 = vector.broadcast %broadcast_in_dim3A_386 : i1 to vector<16xi1>
          %masked_cumsum3A = tpu.scan <sum>, %convert_element_type3A_385 masked %broadcast_in_dim3A_387 : vector<16xi32>, vector<16xi1> -> vector<16xi32>
          %sub3A_388 = arith.subi %masked_cumsum3A, %convert_element_type3A_385 : vector<16xi32>
          %add3A_389 = arith.addi %while3A_367, %sub3A_388 : vector<16xi32>
          tpu.vector_store_idx %arg7[%add3A_389], %get3A_371 masked %and3A_384 : memref<26624xf32, #tpu.memory_space<vmem>>[vector<16xi32>], vector<16xf32>, vector<16xi1>
          tpu.vector_store_idx %arg8[%add3A_389], %get3A_375 masked %and3A_384 : memref<26624xi32, #tpu.memory_space<vmem>>[vector<16xi32>], vector<16xi32>, vector<16xi1>
          %all_reduce_population_count3A = tpu.all_reduce %and3A_384 {dim = 0 : i64, kind = #tpu.reduction_kind<sum>} : vector<16xi1> -> vector<16xi32>
          %add3A_390 = arith.addi %while3A_367, %all_reduce_population_count3A : vector<16xi32>
          scf.yield %add3A_390 : vector<16xi32>
        }
        %while3A_357 = arith.constant 1 : i32
        %while3A_358 = scf.for %while3A_366 = %while3A_354 to %while3A_350 step %while3A_357 iter_args(%while3A_367 = %while3A_356) -> (vector<16xi32>)  : i32 {
          %mul3A_368 = arith.constant 16 : i32
          %mul3A_369 = arith.muli %while3A_366, %mul3A_368 : i32
          %get3A_370 = arith.index_cast %mul3A_369 : i32 to index
          %get3A_371 = tpu.vector_load %arg7[%get3A_370] {strides = array<i32>} : memref<26624xf32, #tpu.memory_space<vmem>>, vector<16xf32>,
          %mul3A_372 = arith.constant 16 : i32
          %mul3A_373 = arith.muli %while3A_366, %mul3A_372 : i32
          %get3A_374 = arith.index_cast %mul3A_373 : i32 to index
          %get3A_375 = tpu.vector_load %arg8[%get3A_374] {strides = array<i32>} : memref<26624xi32, #tpu.memory_space<vmem>>, vector<16xi32>,
          %mul3A_376 = arith.constant 16 : i32
          %mul3A_377 = arith.muli %while3A_366, %mul3A_376 : i32
          %add3A_378 = vector.broadcast %mul3A_377 : i32 to vector<16xi32>
          %add3A_379 = arith.addi %add3A_378, %iota3A : vector<16xi32>
          %lt3A_380 = vector.broadcast %scan3A_25#1 : i32 to vector<16xi32>
          %lt3A_381 = arith.cmpi slt, %add3A_379, %lt3A_380 : vector<16xi32>
          %gt3A_382 = vector.broadcast %max3A : f32 to vector<16xf32>
          %gt3A_383 = arith.cmpf ogt, %get3A_371, %gt3A_382 : vector<16xf32>
          %and3A_384 = arith.andi %gt3A_383, %lt3A_381 : vector<16xi1>
          %convert_element_type3A_385 = arith.extui %and3A_384 : vector<16xi1> to vector<16xi32>
          %broadcast_in_dim3A_386 = arith.constant true
          %broadcast_in_dim3A_387 = vector.broadcast %broadcast_in_dim3A_386 : i1 to vector<16xi1>
          %masked_cumsum3A = tpu.scan <sum>, %convert_element_type3A_385 masked %broadcast_in_dim3A_387 : vector<16xi32>, vector<16xi1> -> vector<16xi32>
          %sub3A_388 = arith.subi %masked_cumsum3A, %convert_element_type3A_385 : vector<16xi32>
          %add3A_389 = arith.addi %while3A_367, %sub3A_388 : vector<16xi32>
          tpu.vector_store_idx %arg7[%add3A_389], %get3A_371 masked %and3A_384 : memref<26624xf32, #tpu.memory_space<vmem>>[vector<16xi32>], vector<16xf32>, vector<16xi1>
          tpu.vector_store_idx %arg8[%add3A_389], %get3A_375 masked %and3A_384 : memref<26624xi32, #tpu.memory_space<vmem>>[vector<16xi32>], vector<16xi32>, vector<16xi1>
          %all_reduce_population_count3A = tpu.all_reduce %and3A_384 {dim = 0 : i64, kind = #tpu.reduction_kind<sum>} : vector<16xi1> -> vector<16xi32>
          %add3A_390 = arith.addi %while3A_367, %all_reduce_population_count3A : vector<16xi32>
          scf.yield %add3A_390 : vector<16xi32>
        }
        %reduce_max3A = arith.constant true
        %reduce_max3A_359 = vector.broadcast %reduce_max3A : i1 to vector<16xi1>
        %reduce_max3A_360 = arith.constant -2147483648 : i32
        %reduce_max3A_361 = vector.broadcast %reduce_max3A_360 : i32 to vector<16xi32>
        %reduce_max3A_362 = arith.xori %while3A_358, %reduce_max3A_361 : vector<16xi32>
        %reduce_max3A_363 = tpu.scan <max>, %reduce_max3A_362 masked %reduce_max3A_359 : vector<16xi32>, vector<16xi1> -> vector<16xi32>
        %reduce_max3A_364 = arith.xori %reduce_max3A_363, %reduce_max3A_361 : vector<16xi32>
        %reduce_max3A_365 = vector.extract %reduce_max3A_364[15] : i32 from vector<16xi32>
        scf.yield %max3A, %reduce_max3A_365 : f32, i32
      } else {
        scf.yield %scan3A_25#0, %scan3A_25#1 : f32, i32
      }
      %min3A = arith.constant 256 : i32
      %min3A_30 = arith.minsi %cond3A_29#1, %min3A : i32
      %add3A_31 = arith.constant 0 : i32
      %add3A_32 = vector.broadcast %add3A_31 : i32 to vector<16xi32>
      %add3A_33 = arith.addi %add3A_32, %iota3A : vector<16xi32>
      %lt3A = vector.broadcast %min3A_30 : i32 to vector<16xi32>
      %lt3A_34 = arith.cmpi slt, %add3A_33, %lt3A : vector<16xi32>
      %get3A_35 = arith.constant 0 : index
      %get3A_36 = tpu.vector_load %arg7[%get3A_35] {strides = array<i32>} : memref<26624xf32, #tpu.memory_space<vmem>>, vector<16xf32>,
      %broadcast_in_dim3A = vector.broadcast %squeeze3A : f32 to vector<16xf32>
      %select_n3A = arith.select %lt3A_34, %get3A_36, %broadcast_in_dim3A : vector<16xi1>, vector<16xf32>
      %swap3A = arith.constant 0 : index
      %swap3A_37 = tpu.vector_load %arg9[%swap3A] {strides = array<i32>} : memref<256xf32, #tpu.memory_space<vmem>>, vector<16xf32>,
      tpu.vector_store %arg9[%swap3A], %select_n3A {strides = array<i32>} : memref<256xf32, #tpu.memory_space<vmem>>, vector<16xf32>,
      %get3A_38 = arith.constant 0 : index
      %get3A_39 = tpu.vector_load %arg8[%get3A_38] {strides = array<i32>} : memref<26624xi32, #tpu.memory_space<vmem>>, vector<16xi32>,
      %jit3A = arith.constant 0 : i32
      %broadcast_in_dim3A_40 = vector.broadcast %jit3A : i32 to vector<16xi32>
      %select_n3A_41 = arith.select %lt3A_34, %get3A_39, %broadcast_in_dim3A_40 : vector<16xi1>, vector<16xi32>
      %swap3A_42 = arith.constant 0 : index
      %swap3A_43 = tpu.vector_load %arg10[%swap3A_42] {strides = array<i32>} : memref<256xi32, #tpu.memory_space<vmem>>, vector<16xi32>,
      tpu.vector_store %arg10[%swap3A_42], %select_n3A_41 {strides = array<i32>} : memref<256xi32, #tpu.memory_space<vmem>>, vector<16xi32>,
      %add3A_44 = arith.constant 16 : i32
      %add3A_45 = vector.broadcast %add3A_44 : i32 to vector<16xi32>
      %add3A_46 = arith.addi %add3A_45, %iota3A : vector<16xi32>
      %lt3A_47 = vector.broadcast %min3A_30 : i32 to vector<16xi32>
      %lt3A_48 = arith.cmpi slt, %add3A_46, %lt3A_47 : vector<16xi32>
      %get3A_49 = arith.constant 16 : index
      %get3A_50 = tpu.vector_load %arg7[%get3A_49] {strides = array<i32>} : memref<26624xf32, #tpu.memory_space<vmem>>, vector<16xf32>,
      %broadcast_in_dim3A_51 = vector.broadcast %squeeze3A : f32 to vector<16xf32>
      %select_n3A_52 = arith.select %lt3A_48, %get3A_50, %broadcast_in_dim3A_51 : vector<16xi1>, vector<16xf32>
      %swap3A_53 = arith.constant 16 : index
      %swap3A_54 = tpu.vector_load %arg9[%swap3A_53] {strides = array<i32>} : memref<256xf32, #tpu.memory_space<vmem>>, vector<16xf32>,
      tpu.vector_store %arg9[%swap3A_53], %select_n3A_52 {strides = array<i32>} : memref<256xf32, #tpu.memory_space<vmem>>, vector<16xf32>,
      %get3A_55 = arith.constant 16 : index
      %get3A_56 = tpu.vector_load %arg8[%get3A_55] {strides = array<i32>} : memref<26624xi32, #tpu.memory_space<vmem>>, vector<16xi32>,
      %jit3A_57 = arith.constant 0 : i32
      %broadcast_in_dim3A_58 = vector.broadcast %jit3A_57 : i32 to vector<16xi32>
      %select_n3A_59 = arith.select %lt3A_48, %get3A_56, %broadcast_in_dim3A_58 : vector<16xi1>, vector<16xi32>
      %swap3A_60 = arith.constant 16 : index
      %swap3A_61 = tpu.vector_load %arg10[%swap3A_60] {strides = array<i32>} : memref<256xi32, #tpu.memory_space<vmem>>, vector<16xi32>,
      tpu.vector_store %arg10[%swap3A_60], %select_n3A_59 {strides = array<i32>} : memref<256xi32, #tpu.memory_space<vmem>>, vector<16xi32>,
      %add3A_62 = arith.constant 32 : i32
      %add3A_63 = vector.broadcast %add3A_62 : i32 to vector<16xi32>
      %add3A_64 = arith.addi %add3A_63, %iota3A : vector<16xi32>
      %lt3A_65 = vector.broadcast %min3A_30 : i32 to vector<16xi32>
      %lt3A_66 = arith.cmpi slt, %add3A_64, %lt3A_65 : vector<16xi32>
      %get3A_67 = arith.constant 32 : index
      %get3A_68 = tpu.vector_load %arg7[%get3A_67] {strides = array<i32>} : memref<26624xf32, #tpu.memory_space<vmem>>, vector<16xf32>,
      %broadcast_in_dim3A_69 = vector.broadcast %squeeze3A : f32 to vector<16xf32>
      %select_n3A_70 = arith.select %lt3A_66, %get3A_68, %broadcast_in_dim3A_69 : vector<16xi1>, vector<16xf32>
      %swap3A_71 = arith.constant 32 : index
      %swap3A_72 = tpu.vector_load %arg9[%swap3A_71] {strides = array<i32>} : memref<256xf32, #tpu.memory_space<vmem>>, vector<16xf32>,
      tpu.vector_store %arg9[%swap3A_71], %select_n3A_70 {strides = array<i32>} : memref<256xf32, #tpu.memory_space<vmem>>, vector<16xf32>,
      %get3A_73 = arith.constant 32 : index
      %get3A_74 = tpu.vector_load %arg8[%get3A_73] {strides = array<i32>} : memref<26624xi32, #tpu.memory_space<vmem>>, vector<16xi32>,
      %jit3A_75 = arith.constant 0 : i32
      %broadcast_in_dim3A_76 = vector.broadcast %jit3A_75 : i32 to vector<16xi32>
      %select_n3A_77 = arith.select %lt3A_66, %get3A_74, %broadcast_in_dim3A_76 : vector<16xi1>, vector<16xi32>
      %swap3A_78 = arith.constant 32 : index
      %swap3A_79 = tpu.vector_load %arg10[%swap3A_78] {strides = array<i32>} : memref<256xi32, #tpu.memory_space<vmem>>, vector<16xi32>,
      tpu.vector_store %arg10[%swap3A_78], %select_n3A_77 {strides = array<i32>} : memref<256xi32, #tpu.memory_space<vmem>>, vector<16xi32>,
      %add3A_80 = arith.constant 48 : i32
      %add3A_81 = vector.broadcast %add3A_80 : i32 to vector<16xi32>
      %add3A_82 = arith.addi %add3A_81, %iota3A : vector<16xi32>
      %lt3A_83 = vector.broadcast %min3A_30 : i32 to vector<16xi32>
      %lt3A_84 = arith.cmpi slt, %add3A_82, %lt3A_83 : vector<16xi32>
      %get3A_85 = arith.constant 48 : index
      %get3A_86 = tpu.vector_load %arg7[%get3A_85] {strides = array<i32>} : memref<26624xf32, #tpu.memory_space<vmem>>, vector<16xf32>,
      %broadcast_in_dim3A_87 = vector.broadcast %squeeze3A : f32 to vector<16xf32>
      %select_n3A_88 = arith.select %lt3A_84, %get3A_86, %broadcast_in_dim3A_87 : vector<16xi1>, vector<16xf32>
      %swap3A_89 = arith.constant 48 : index
      %swap3A_90 = tpu.vector_load %arg9[%swap3A_89] {strides = array<i32>} : memref<256xf32, #tpu.memory_space<vmem>>, vector<16xf32>,
      tpu.vector_store %arg9[%swap3A_89], %select_n3A_88 {strides = array<i32>} : memref<256xf32, #tpu.memory_space<vmem>>, vector<16xf32>,
      %get3A_91 = arith.constant 48 : index
      %get3A_92 = tpu.vector_load %arg8[%get3A_91] {strides = array<i32>} : memref<26624xi32, #tpu.memory_space<vmem>>, vector<16xi32>,
      %jit3A_93 = arith.constant 0 : i32
      %broadcast_in_dim3A_94 = vector.broadcast %jit3A_93 : i32 to vector<16xi32>
      %select_n3A_95 = arith.select %lt3A_84, %get3A_92, %broadcast_in_dim3A_94 : vector<16xi1>, vector<16xi32>
      %swap3A_96 = arith.constant 48 : index
      %swap3A_97 = tpu.vector_load %arg10[%swap3A_96] {strides = array<i32>} : memref<256xi32, #tpu.memory_space<vmem>>, vector<16xi32>,
      tpu.vector_store %arg10[%swap3A_96], %select_n3A_95 {strides = array<i32>} : memref<256xi32, #tpu.memory_space<vmem>>, vector<16xi32>,
      %add3A_98 = arith.constant 64 : i32
      %add3A_99 = vector.broadcast %add3A_98 : i32 to vector<16xi32>
      %add3A_100 = arith.addi %add3A_99, %iota3A : vector<16xi32>
      %lt3A_101 = vector.broadcast %min3A_30 : i32 to vector<16xi32>
      %lt3A_102 = arith.cmpi slt, %add3A_100, %lt3A_101 : vector<16xi32>
      %get3A_103 = arith.constant 64 : index
      %get3A_104 = tpu.vector_load %arg7[%get3A_103] {strides = array<i32>} : memref<26624xf32, #tpu.memory_space<vmem>>, vector<16xf32>,
      %broadcast_in_dim3A_105 = vector.broadcast %squeeze3A : f32 to vector<16xf32>
      %select_n3A_106 = arith.select %lt3A_102, %get3A_104, %broadcast_in_dim3A_105 : vector<16xi1>, vector<16xf32>
      %swap3A_107 = arith.constant 64 : index
      %swap3A_108 = tpu.vector_load %arg9[%swap3A_107] {strides = array<i32>} : memref<256xf32, #tpu.memory_space<vmem>>, vector<16xf32>,
      tpu.vector_store %arg9[%swap3A_107], %select_n3A_106 {strides = array<i32>} : memref<256xf32, #tpu.memory_space<vmem>>, vector<16xf32>,
      %get3A_109 = arith.constant 64 : index
      %get3A_110 = tpu.vector_load %arg8[%get3A_109] {strides = array<i32>} : memref<26624xi32, #tpu.memory_space<vmem>>, vector<16xi32>,
      %jit3A_111 = arith.constant 0 : i32
      %broadcast_in_dim3A_112 = vector.broadcast %jit3A_111 : i32 to vector<16xi32>
      %select_n3A_113 = arith.select %lt3A_102, %get3A_110, %broadcast_in_dim3A_112 : vector<16xi1>, vector<16xi32>
      %swap3A_114 = arith.constant 64 : index
      %swap3A_115 = tpu.vector_load %arg10[%swap3A_114] {strides = array<i32>} : memref<256xi32, #tpu.memory_space<vmem>>, vector<16xi32>,
      tpu.vector_store %arg10[%swap3A_114], %select_n3A_113 {strides = array<i32>} : memref<256xi32, #tpu.memory_space<vmem>>, vector<16xi32>,
      %add3A_116 = arith.constant 80 : i32
      %add3A_117 = vector.broadcast %add3A_116 : i32 to vector<16xi32>
      %add3A_118 = arith.addi %add3A_117, %iota3A : vector<16xi32>
      %lt3A_119 = vector.broadcast %min3A_30 : i32 to vector<16xi32>
      %lt3A_120 = arith.cmpi slt, %add3A_118, %lt3A_119 : vector<16xi32>
      %get3A_121 = arith.constant 80 : index
      %get3A_122 = tpu.vector_load %arg7[%get3A_121] {strides = array<i32>} : memref<26624xf32, #tpu.memory_space<vmem>>, vector<16xf32>,
      %broadcast_in_dim3A_123 = vector.broadcast %squeeze3A : f32 to vector<16xf32>
      %select_n3A_124 = arith.select %lt3A_120, %get3A_122, %broadcast_in_dim3A_123 : vector<16xi1>, vector<16xf32>
      %swap3A_125 = arith.constant 80 : index
      %swap3A_126 = tpu.vector_load %arg9[%swap3A_125] {strides = array<i32>} : memref<256xf32, #tpu.memory_space<vmem>>, vector<16xf32>,
      tpu.vector_store %arg9[%swap3A_125], %select_n3A_124 {strides = array<i32>} : memref<256xf32, #tpu.memory_space<vmem>>, vector<16xf32>,
      %get3A_127 = arith.constant 80 : index
      %get3A_128 = tpu.vector_load %arg8[%get3A_127] {strides = array<i32>} : memref<26624xi32, #tpu.memory_space<vmem>>, vector<16xi32>,
      %jit3A_129 = arith.constant 0 : i32
      %broadcast_in_dim3A_130 = vector.broadcast %jit3A_129 : i32 to vector<16xi32>
      %select_n3A_131 = arith.select %lt3A_120, %get3A_128, %broadcast_in_dim3A_130 : vector<16xi1>, vector<16xi32>
      %swap3A_132 = arith.constant 80 : index
      %swap3A_133 = tpu.vector_load %arg10[%swap3A_132] {strides = array<i32>} : memref<256xi32, #tpu.memory_space<vmem>>, vector<16xi32>,
      tpu.vector_store %arg10[%swap3A_132], %select_n3A_131 {strides = array<i32>} : memref<256xi32, #tpu.memory_space<vmem>>, vector<16xi32>,
      %add3A_134 = arith.constant 96 : i32
      %add3A_135 = vector.broadcast %add3A_134 : i32 to vector<16xi32>
      %add3A_136 = arith.addi %add3A_135, %iota3A : vector<16xi32>
      %lt3A_137 = vector.broadcast %min3A_30 : i32 to vector<16xi32>
      %lt3A_138 = arith.cmpi slt, %add3A_136, %lt3A_137 : vector<16xi32>
      %get3A_139 = arith.constant 96 : index
      %get3A_140 = tpu.vector_load %arg7[%get3A_139] {strides = array<i32>} : memref<26624xf32, #tpu.memory_space<vmem>>, vector<16xf32>,
      %broadcast_in_dim3A_141 = vector.broadcast %squeeze3A : f32 to vector<16xf32>
      %select_n3A_142 = arith.select %lt3A_138, %get3A_140, %broadcast_in_dim3A_141 : vector<16xi1>, vector<16xf32>
      %swap3A_143 = arith.constant 96 : index
      %swap3A_144 = tpu.vector_load %arg9[%swap3A_143] {strides = array<i32>} : memref<256xf32, #tpu.memory_space<vmem>>, vector<16xf32>,
      tpu.vector_store %arg9[%swap3A_143], %select_n3A_142 {strides = array<i32>} : memref<256xf32, #tpu.memory_space<vmem>>, vector<16xf32>,
      %get3A_145 = arith.constant 96 : index
      %get3A_146 = tpu.vector_load %arg8[%get3A_145] {strides = array<i32>} : memref<26624xi32, #tpu.memory_space<vmem>>, vector<16xi32>,
      %jit3A_147 = arith.constant 0 : i32
      %broadcast_in_dim3A_148 = vector.broadcast %jit3A_147 : i32 to vector<16xi32>
      %select_n3A_149 = arith.select %lt3A_138, %get3A_146, %broadcast_in_dim3A_148 : vector<16xi1>, vector<16xi32>
      %swap3A_150 = arith.constant 96 : index
      %swap3A_151 = tpu.vector_load %arg10[%swap3A_150] {strides = array<i32>} : memref<256xi32, #tpu.memory_space<vmem>>, vector<16xi32>,
      tpu.vector_store %arg10[%swap3A_150], %select_n3A_149 {strides = array<i32>} : memref<256xi32, #tpu.memory_space<vmem>>, vector<16xi32>,
      %add3A_152 = arith.constant 112 : i32
      %add3A_153 = vector.broadcast %add3A_152 : i32 to vector<16xi32>
      %add3A_154 = arith.addi %add3A_153, %iota3A : vector<16xi32>
      %lt3A_155 = vector.broadcast %min3A_30 : i32 to vector<16xi32>
      %lt3A_156 = arith.cmpi slt, %add3A_154, %lt3A_155 : vector<16xi32>
      %get3A_157 = arith.constant 112 : index
      %get3A_158 = tpu.vector_load %arg7[%get3A_157] {strides = array<i32>} : memref<26624xf32, #tpu.memory_space<vmem>>, vector<16xf32>,
      %broadcast_in_dim3A_159 = vector.broadcast %squeeze3A : f32 to vector<16xf32>
      %select_n3A_160 = arith.select %lt3A_156, %get3A_158, %broadcast_in_dim3A_159 : vector<16xi1>, vector<16xf32>
      %swap3A_161 = arith.constant 112 : index
      %swap3A_162 = tpu.vector_load %arg9[%swap3A_161] {strides = array<i32>} : memref<256xf32, #tpu.memory_space<vmem>>, vector<16xf32>,
      tpu.vector_store %arg9[%swap3A_161], %select_n3A_160 {strides = array<i32>} : memref<256xf32, #tpu.memory_space<vmem>>, vector<16xf32>,
      %get3A_163 = arith.constant 112 : index
      %get3A_164 = tpu.vector_load %arg8[%get3A_163] {strides = array<i32>} : memref<26624xi32, #tpu.memory_space<vmem>>, vector<16xi32>,
      %jit3A_165 = arith.constant 0 : i32
      %broadcast_in_dim3A_166 = vector.broadcast %jit3A_165 : i32 to vector<16xi32>
      %select_n3A_167 = arith.select %lt3A_156, %get3A_164, %broadcast_in_dim3A_166 : vector<16xi1>, vector<16xi32>
      %swap3A_168 = arith.constant 112 : index
      %swap3A_169 = tpu.vector_load %arg10[%swap3A_168] {strides = array<i32>} : memref<256xi32, #tpu.memory_space<vmem>>, vector<16xi32>,
      tpu.vector_store %arg10[%swap3A_168], %select_n3A_167 {strides = array<i32>} : memref<256xi32, #tpu.memory_space<vmem>>, vector<16xi32>,
      %add3A_170 = arith.constant 128 : i32
      %add3A_171 = vector.broadcast %add3A_170 : i32 to vector<16xi32>
      %add3A_172 = arith.addi %add3A_171, %iota3A : vector<16xi32>
      %lt3A_173 = vector.broadcast %min3A_30 : i32 to vector<16xi32>
      %lt3A_174 = arith.cmpi slt, %add3A_172, %lt3A_173 : vector<16xi32>
      %get3A_175 = arith.constant 128 : index
      %get3A_176 = tpu.vector_load %arg7[%get3A_175] {strides = array<i32>} : memref<26624xf32, #tpu.memory_space<vmem>>, vector<16xf32>,
      %broadcast_in_dim3A_177 = vector.broadcast %squeeze3A : f32 to vector<16xf32>
      %select_n3A_178 = arith.select %lt3A_174, %get3A_176, %broadcast_in_dim3A_177 : vector<16xi1>, vector<16xf32>
      %swap3A_179 = arith.constant 128 : index
      %swap3A_180 = tpu.vector_load %arg9[%swap3A_179] {strides = array<i32>} : memref<256xf32, #tpu.memory_space<vmem>>, vector<16xf32>,
      tpu.vector_store %arg9[%swap3A_179], %select_n3A_178 {strides = array<i32>} : memref<256xf32, #tpu.memory_space<vmem>>, vector<16xf32>,
      %get3A_181 = arith.constant 128 : index
      %get3A_182 = tpu.vector_load %arg8[%get3A_181] {strides = array<i32>} : memref<26624xi32, #tpu.memory_space<vmem>>, vector<16xi32>,
      %jit3A_183 = arith.constant 0 : i32
      %broadcast_in_dim3A_184 = vector.broadcast %jit3A_183 : i32 to vector<16xi32>
      %select_n3A_185 = arith.select %lt3A_174, %get3A_182, %broadcast_in_dim3A_184 : vector<16xi1>, vector<16xi32>
      %swap3A_186 = arith.constant 128 : index
      %swap3A_187 = tpu.vector_load %arg10[%swap3A_186] {strides = array<i32>} : memref<256xi32, #tpu.memory_space<vmem>>, vector<16xi32>,
      tpu.vector_store %arg10[%swap3A_186], %select_n3A_185 {strides = array<i32>} : memref<256xi32, #tpu.memory_space<vmem>>, vector<16xi32>,
      %add3A_188 = arith.constant 144 : i32
      %add3A_189 = vector.broadcast %add3A_188 : i32 to vector<16xi32>
      %add3A_190 = arith.addi %add3A_189, %iota3A : vector<16xi32>
      %lt3A_191 = vector.broadcast %min3A_30 : i32 to vector<16xi32>
      %lt3A_192 = arith.cmpi slt, %add3A_190, %lt3A_191 : vector<16xi32>
      %get3A_193 = arith.constant 144 : index
      %get3A_194 = tpu.vector_load %arg7[%get3A_193] {strides = array<i32>} : memref<26624xf32, #tpu.memory_space<vmem>>, vector<16xf32>,
      %broadcast_in_dim3A_195 = vector.broadcast %squeeze3A : f32 to vector<16xf32>
      %select_n3A_196 = arith.select %lt3A_192, %get3A_194, %broadcast_in_dim3A_195 : vector<16xi1>, vector<16xf32>
      %swap3A_197 = arith.constant 144 : index
      %swap3A_198 = tpu.vector_load %arg9[%swap3A_197] {strides = array<i32>} : memref<256xf32, #tpu.memory_space<vmem>>, vector<16xf32>,
      tpu.vector_store %arg9[%swap3A_197], %select_n3A_196 {strides = array<i32>} : memref<256xf32, #tpu.memory_space<vmem>>, vector<16xf32>,
      %get3A_199 = arith.constant 144 : index
      %get3A_200 = tpu.vector_load %arg8[%get3A_199] {strides = array<i32>} : memref<26624xi32, #tpu.memory_space<vmem>>, vector<16xi32>,
      %jit3A_201 = arith.constant 0 : i32
      %broadcast_in_dim3A_202 = vector.broadcast %jit3A_201 : i32 to vector<16xi32>
      %select_n3A_203 = arith.select %lt3A_192, %get3A_200, %broadcast_in_dim3A_202 : vector<16xi1>, vector<16xi32>
      %swap3A_204 = arith.constant 144 : index
      %swap3A_205 = tpu.vector_load %arg10[%swap3A_204] {strides = array<i32>} : memref<256xi32, #tpu.memory_space<vmem>>, vector<16xi32>,
      tpu.vector_store %arg10[%swap3A_204], %select_n3A_203 {strides = array<i32>} : memref<256xi32, #tpu.memory_space<vmem>>, vector<16xi32>,
      %add3A_206 = arith.constant 160 : i32
      %add3A_207 = vector.broadcast %add3A_206 : i32 to vector<16xi32>
      %add3A_208 = arith.addi %add3A_207, %iota3A : vector<16xi32>
      %lt3A_209 = vector.broadcast %min3A_30 : i32 to vector<16xi32>
      %lt3A_210 = arith.cmpi slt, %add3A_208, %lt3A_209 : vector<16xi32>
      %get3A_211 = arith.constant 160 : index
      %get3A_212 = tpu.vector_load %arg7[%get3A_211] {strides = array<i32>} : memref<26624xf32, #tpu.memory_space<vmem>>, vector<16xf32>,
      %broadcast_in_dim3A_213 = vector.broadcast %squeeze3A : f32 to vector<16xf32>
      %select_n3A_214 = arith.select %lt3A_210, %get3A_212, %broadcast_in_dim3A_213 : vector<16xi1>, vector<16xf32>
      %swap3A_215 = arith.constant 160 : index
      %swap3A_216 = tpu.vector_load %arg9[%swap3A_215] {strides = array<i32>} : memref<256xf32, #tpu.memory_space<vmem>>, vector<16xf32>,
      tpu.vector_store %arg9[%swap3A_215], %select_n3A_214 {strides = array<i32>} : memref<256xf32, #tpu.memory_space<vmem>>, vector<16xf32>,
      %get3A_217 = arith.constant 160 : index
      %get3A_218 = tpu.vector_load %arg8[%get3A_217] {strides = array<i32>} : memref<26624xi32, #tpu.memory_space<vmem>>, vector<16xi32>,
      %jit3A_219 = arith.constant 0 : i32
      %broadcast_in_dim3A_220 = vector.broadcast %jit3A_219 : i32 to vector<16xi32>
      %select_n3A_221 = arith.select %lt3A_210, %get3A_218, %broadcast_in_dim3A_220 : vector<16xi1>, vector<16xi32>
      %swap3A_222 = arith.constant 160 : index
      %swap3A_223 = tpu.vector_load %arg10[%swap3A_222] {strides = array<i32>} : memref<256xi32, #tpu.memory_space<vmem>>, vector<16xi32>,
      tpu.vector_store %arg10[%swap3A_222], %select_n3A_221 {strides = array<i32>} : memref<256xi32, #tpu.memory_space<vmem>>, vector<16xi32>,
      %add3A_224 = arith.constant 176 : i32
      %add3A_225 = vector.broadcast %add3A_224 : i32 to vector<16xi32>
      %add3A_226 = arith.addi %add3A_225, %iota3A : vector<16xi32>
      %lt3A_227 = vector.broadcast %min3A_30 : i32 to vector<16xi32>
      %lt3A_228 = arith.cmpi slt, %add3A_226, %lt3A_227 : vector<16xi32>
      %get3A_229 = arith.constant 176 : index
      %get3A_230 = tpu.vector_load %arg7[%get3A_229] {strides = array<i32>} : memref<26624xf32, #tpu.memory_space<vmem>>, vector<16xf32>,
      %broadcast_in_dim3A_231 = vector.broadcast %squeeze3A : f32 to vector<16xf32>
      %select_n3A_232 = arith.select %lt3A_228, %get3A_230, %broadcast_in_dim3A_231 : vector<16xi1>, vector<16xf32>
      %swap3A_233 = arith.constant 176 : index
      %swap3A_234 = tpu.vector_load %arg9[%swap3A_233] {strides = array<i32>} : memref<256xf32, #tpu.memory_space<vmem>>, vector<16xf32>,
      tpu.vector_store %arg9[%swap3A_233], %select_n3A_232 {strides = array<i32>} : memref<256xf32, #tpu.memory_space<vmem>>, vector<16xf32>,
      %get3A_235 = arith.constant 176 : index
      %get3A_236 = tpu.vector_load %arg8[%get3A_235] {strides = array<i32>} : memref<26624xi32, #tpu.memory_space<vmem>>, vector<16xi32>,
      %jit3A_237 = arith.constant 0 : i32
      %broadcast_in_dim3A_238 = vector.broadcast %jit3A_237 : i32 to vector<16xi32>
      %select_n3A_239 = arith.select %lt3A_228, %get3A_236, %broadcast_in_dim3A_238 : vector<16xi1>, vector<16xi32>
      %swap3A_240 = arith.constant 176 : index
      %swap3A_241 = tpu.vector_load %arg10[%swap3A_240] {strides = array<i32>} : memref<256xi32, #tpu.memory_space<vmem>>, vector<16xi32>,
      tpu.vector_store %arg10[%swap3A_240], %select_n3A_239 {strides = array<i32>} : memref<256xi32, #tpu.memory_space<vmem>>, vector<16xi32>,
      %add3A_242 = arith.constant 192 : i32
      %add3A_243 = vector.broadcast %add3A_242 : i32 to vector<16xi32>
      %add3A_244 = arith.addi %add3A_243, %iota3A : vector<16xi32>
      %lt3A_245 = vector.broadcast %min3A_30 : i32 to vector<16xi32>
      %lt3A_246 = arith.cmpi slt, %add3A_244, %lt3A_245 : vector<16xi32>
      %get3A_247 = arith.constant 192 : index
      %get3A_248 = tpu.vector_load %arg7[%get3A_247] {strides = array<i32>} : memref<26624xf32, #tpu.memory_space<vmem>>, vector<16xf32>,
      %broadcast_in_dim3A_249 = vector.broadcast %squeeze3A : f32 to vector<16xf32>
      %select_n3A_250 = arith.select %lt3A_246, %get3A_248, %broadcast_in_dim3A_249 : vector<16xi1>, vector<16xf32>
      %swap3A_251 = arith.constant 192 : index
      %swap3A_252 = tpu.vector_load %arg9[%swap3A_251] {strides = array<i32>} : memref<256xf32, #tpu.memory_space<vmem>>, vector<16xf32>,
      tpu.vector_store %arg9[%swap3A_251], %select_n3A_250 {strides = array<i32>} : memref<256xf32, #tpu.memory_space<vmem>>, vector<16xf32>,
      %get3A_253 = arith.constant 192 : index
      %get3A_254 = tpu.vector_load %arg8[%get3A_253] {strides = array<i32>} : memref<26624xi32, #tpu.memory_space<vmem>>, vector<16xi32>,
      %jit3A_255 = arith.constant 0 : i32
      %broadcast_in_dim3A_256 = vector.broadcast %jit3A_255 : i32 to vector<16xi32>
      %select_n3A_257 = arith.select %lt3A_246, %get3A_254, %broadcast_in_dim3A_256 : vector<16xi1>, vector<16xi32>
      %swap3A_258 = arith.constant 192 : index
      %swap3A_259 = tpu.vector_load %arg10[%swap3A_258] {strides = array<i32>} : memref<256xi32, #tpu.memory_space<vmem>>, vector<16xi32>,
      tpu.vector_store %arg10[%swap3A_258], %select_n3A_257 {strides = array<i32>} : memref<256xi32, #tpu.memory_space<vmem>>, vector<16xi32>,
      %add3A_260 = arith.constant 208 : i32
      %add3A_261 = vector.broadcast %add3A_260 : i32 to vector<16xi32>
      %add3A_262 = arith.addi %add3A_261, %iota3A : vector<16xi32>
      %lt3A_263 = vector.broadcast %min3A_30 : i32 to vector<16xi32>
      %lt3A_264 = arith.cmpi slt, %add3A_262, %lt3A_263 : vector<16xi32>
      %get3A_265 = arith.constant 208 : index
      %get3A_266 = tpu.vector_load %arg7[%get3A_265] {strides = array<i32>} : memref<26624xf32, #tpu.memory_space<vmem>>, vector<16xf32>,
      %broadcast_in_dim3A_267 = vector.broadcast %squeeze3A : f32 to vector<16xf32>
      %select_n3A_268 = arith.select %lt3A_264, %get3A_266, %broadcast_in_dim3A_267 : vector<16xi1>, vector<16xf32>
      %swap3A_269 = arith.constant 208 : index
      %swap3A_270 = tpu.vector_load %arg9[%swap3A_269] {strides = array<i32>} : memref<256xf32, #tpu.memory_space<vmem>>, vector<16xf32>,
      tpu.vector_store %arg9[%swap3A_269], %select_n3A_268 {strides = array<i32>} : memref<256xf32, #tpu.memory_space<vmem>>, vector<16xf32>,
      %get3A_271 = arith.constant 208 : index
      %get3A_272 = tpu.vector_load %arg8[%get3A_271] {strides = array<i32>} : memref<26624xi32, #tpu.memory_space<vmem>>, vector<16xi32>,
      %jit3A_273 = arith.constant 0 : i32
      %broadcast_in_dim3A_274 = vector.broadcast %jit3A_273 : i32 to vector<16xi32>
      %select_n3A_275 = arith.select %lt3A_264, %get3A_272, %broadcast_in_dim3A_274 : vector<16xi1>, vector<16xi32>
      %swap3A_276 = arith.constant 208 : index
      %swap3A_277 = tpu.vector_load %arg10[%swap3A_276] {strides = array<i32>} : memref<256xi32, #tpu.memory_space<vmem>>, vector<16xi32>,
      tpu.vector_store %arg10[%swap3A_276], %select_n3A_275 {strides = array<i32>} : memref<256xi32, #tpu.memory_space<vmem>>, vector<16xi32>,
      %add3A_278 = arith.constant 224 : i32
      %add3A_279 = vector.broadcast %add3A_278 : i32 to vector<16xi32>
      %add3A_280 = arith.addi %add3A_279, %iota3A : vector<16xi32>
      %lt3A_281 = vector.broadcast %min3A_30 : i32 to vector<16xi32>
      %lt3A_282 = arith.cmpi slt, %add3A_280, %lt3A_281 : vector<16xi32>
      %get3A_283 = arith.constant 224 : index
      %get3A_284 = tpu.vector_load %arg7[%get3A_283] {strides = array<i32>} : memref<26624xf32, #tpu.memory_space<vmem>>, vector<16xf32>,
      %broadcast_in_dim3A_285 = vector.broadcast %squeeze3A : f32 to vector<16xf32>
      %select_n3A_286 = arith.select %lt3A_282, %get3A_284, %broadcast_in_dim3A_285 : vector<16xi1>, vector<16xf32>
      %swap3A_287 = arith.constant 224 : index
      %swap3A_288 = tpu.vector_load %arg9[%swap3A_287] {strides = array<i32>} : memref<256xf32, #tpu.memory_space<vmem>>, vector<16xf32>,
      tpu.vector_store %arg9[%swap3A_287], %select_n3A_286 {strides = array<i32>} : memref<256xf32, #tpu.memory_space<vmem>>, vector<16xf32>,
      %get3A_289 = arith.constant 224 : index
      %get3A_290 = tpu.vector_load %arg8[%get3A_289] {strides = array<i32>} : memref<26624xi32, #tpu.memory_space<vmem>>, vector<16xi32>,
      %jit3A_291 = arith.constant 0 : i32
      %broadcast_in_dim3A_292 = vector.broadcast %jit3A_291 : i32 to vector<16xi32>
      %select_n3A_293 = arith.select %lt3A_282, %get3A_290, %broadcast_in_dim3A_292 : vector<16xi1>, vector<16xi32>
      %swap3A_294 = arith.constant 224 : index
      %swap3A_295 = tpu.vector_load %arg10[%swap3A_294] {strides = array<i32>} : memref<256xi32, #tpu.memory_space<vmem>>, vector<16xi32>,
      tpu.vector_store %arg10[%swap3A_294], %select_n3A_293 {strides = array<i32>} : memref<256xi32, #tpu.memory_space<vmem>>, vector<16xi32>,
      %add3A_296 = arith.constant 240 : i32
      %add3A_297 = vector.broadcast %add3A_296 : i32 to vector<16xi32>
      %add3A_298 = arith.addi %add3A_297, %iota3A : vector<16xi32>
      %lt3A_299 = vector.broadcast %min3A_30 : i32 to vector<16xi32>
      %lt3A_300 = arith.cmpi slt, %add3A_298, %lt3A_299 : vector<16xi32>
      %get3A_301 = arith.constant 240 : index
      %get3A_302 = tpu.vector_load %arg7[%get3A_301] {strides = array<i32>} : memref<26624xf32, #tpu.memory_space<vmem>>, vector<16xf32>,
      %broadcast_in_dim3A_303 = vector.broadcast %squeeze3A : f32 to vector<16xf32>
      %select_n3A_304 = arith.select %lt3A_300, %get3A_302, %broadcast_in_dim3A_303 : vector<16xi1>, vector<16xf32>
      %swap3A_305 = arith.constant 240 : index
      %swap3A_306 = tpu.vector_load %arg9[%swap3A_305] {strides = array<i32>} : memref<256xf32, #tpu.memory_space<vmem>>, vector<16xf32>,
      tpu.vector_store %arg9[%swap3A_305], %select_n3A_304 {strides = array<i32>} : memref<256xf32, #tpu.memory_space<vmem>>, vector<16xf32>,
      %get3A_307 = arith.constant 240 : index
      %get3A_308 = tpu.vector_load %arg8[%get3A_307] {strides = array<i32>} : memref<26624xi32, #tpu.memory_space<vmem>>, vector<16xi32>,
      %jit3A_309 = arith.constant 0 : i32
      %broadcast_in_dim3A_310 = vector.broadcast %jit3A_309 : i32 to vector<16xi32>
      %select_n3A_311 = arith.select %lt3A_300, %get3A_308, %broadcast_in_dim3A_310 : vector<16xi1>, vector<16xi32>
      %swap3A_312 = arith.constant 240 : index
      %swap3A_313 = tpu.vector_load %arg10[%swap3A_312] {strides = array<i32>} : memref<256xi32, #tpu.memory_space<vmem>>, vector<16xi32>,
      tpu.vector_store %arg10[%swap3A_312], %select_n3A_311 {strides = array<i32>} : memref<256xi32, #tpu.memory_space<vmem>>, vector<16xi32>,
      %mul3A_314 = arith.constant 256 : i32
      %mul3A_315 = arith.muli %add3A_12, %mul3A_314 : i32
      "tpu.region"() ({
        %run_scoped3A = tpu.sem_alloc : memref<!tpu.dma_semaphore, #tpu.memory_space<semaphore_mem>>
        %dma_start3A_319 = tpu.memref_slice %arg4[%mul3A_315] : memref<32768xf32, #tpu.memory_space<hbm>> -> memref<256xf32, #tpu.memory_space<hbm>>
        %dma_start3A_320 = tpu.memref_slice %arg4[%mul3A_315] : memref<32768xf32, #tpu.memory_space<hbm>> -> memref<256xf32, #tpu.memory_space<hbm>>
        tpu.enqueue_dma source(%arg9 : memref<256xf32, #tpu.memory_space<vmem>>) target(%dma_start3A_320 : memref<256xf32, #tpu.memory_space<hbm>>) target_semaphore(%run_scoped3A : memref<!tpu.dma_semaphore, #tpu.memory_space<semaphore_mem>>)
        %dma_wait3A = tpu.memref_slice %arg4[%mul3A_315] : memref<32768xf32, #tpu.memory_space<hbm>> -> memref<256xf32, #tpu.memory_space<hbm>>
        %dma_wait3A_321 = tpu.memref_slice %arg4[%mul3A_315] : memref<32768xf32, #tpu.memory_space<hbm>> -> memref<256xf32, #tpu.memory_space<hbm>>
        tpu.wait_dma2 semaphore(%run_scoped3A : memref<!tpu.dma_semaphore, #tpu.memory_space<semaphore_mem>>) src(%arg9 : memref<256xf32, #tpu.memory_space<vmem>>) dst(%dma_wait3A_321 : memref<256xf32, #tpu.memory_space<hbm>>)
        tpu.yield
      }) : () -> ()
      %mul3A_316 = arith.constant 256 : i32
      %mul3A_317 = arith.muli %add3A_12, %mul3A_316 : i32
      "tpu.region"() ({
        %run_scoped3A = tpu.sem_alloc : memref<!tpu.dma_semaphore, #tpu.memory_space<semaphore_mem>>
        %dma_start3A_319 = tpu.memref_slice %arg5[%mul3A_317] : memref<32768xi32, #tpu.memory_space<hbm>> -> memref<256xi32, #tpu.memory_space<hbm>>
        %dma_start3A_320 = tpu.memref_slice %arg5[%mul3A_317] : memref<32768xi32, #tpu.memory_space<hbm>> -> memref<256xi32, #tpu.memory_space<hbm>>
        tpu.enqueue_dma source(%arg10 : memref<256xi32, #tpu.memory_space<vmem>>) target(%dma_start3A_320 : memref<256xi32, #tpu.memory_space<hbm>>) target_semaphore(%run_scoped3A : memref<!tpu.dma_semaphore, #tpu.memory_space<semaphore_mem>>)
        %dma_wait3A = tpu.memref_slice %arg5[%mul3A_317] : memref<32768xi32, #tpu.memory_space<hbm>> -> memref<256xi32, #tpu.memory_space<hbm>>
        %dma_wait3A_321 = tpu.memref_slice %arg5[%mul3A_317] : memref<32768xi32, #tpu.memory_space<hbm>> -> memref<256xi32, #tpu.memory_space<hbm>>
        tpu.wait_dma2 semaphore(%run_scoped3A : memref<!tpu.dma_semaphore, #tpu.memory_space<semaphore_mem>>) src(%arg10 : memref<256xi32, #tpu.memory_space<vmem>>) dst(%dma_wait3A_321 : memref<256xi32, #tpu.memory_space<hbm>>)
        tpu.yield
      }) : () -> ()
      %scan3A_318 = arith.constant 0 : i32
      scf.yield %scan3A_318 : i32
    }
    %scan3A_7 = arith.constant 4 : i32
    return
  }
}

module attributes {stable_mosaic.version = 14 : i64} {
  func.func @_fused_body(%arg0: i32, %arg1: memref<8x100000xf32, #tpu.memory_space<vmem>>, %arg2: memref<8x256xf32, #tpu.memory_space<vmem>>, %arg3: memref<8x256xi32, #tpu.memory_space<vmem>>, %arg4: memref<1x128xf32, #tpu.memory_space<vmem>>, %arg5: memref<1x1xf32, #tpu.memory_space<vmem>>, %arg6: memref<1x1xf32, #tpu.memory_space<vmem>>, %arg7: memref<8x100000xf32, #tpu.memory_space<vmem>>, %arg8: memref<8x100000xf32, #tpu.memory_space<vmem>>) attributes {dimension_semantics = [#tpu.dimension_semantics<arbitrary>], iteration_bounds = array<i64: 16>, scalar_prefetch = 0 : i64, scratch_operands = 0 : i64, tpu.core_type = #tpu.core_type<tc>, window_params = [{transform_indices = @transform_0, window_bounds = array<i64: 8, 100000>}, {transform_indices = @transform_1, window_bounds = array<i64: 8, 256>}, {transform_indices = @transform_2, window_bounds = array<i64: 8, 256>}, {pipeline_mode = #tpu.pipeline_mode<synchronous>, transform_indices = @transform_3, window_bounds = array<i64: 1, 128>}, {pipeline_mode = #tpu.pipeline_mode<synchronous>, transform_indices = @transform_4, window_bounds = array<i64: 1, 1>}, {pipeline_mode = #tpu.pipeline_mode<synchronous>, transform_indices = @transform_5, window_bounds = array<i64: 1, 1>}, {transform_indices = @transform_6, window_bounds = array<i64: 8, 100000>}, {transform_indices = @transform_7, window_bounds = array<i64: 8, 100000>}]} {
    %get3A = arith.constant 0 : index
    %get3A_0 = arith.constant 0 : index
    %get3A_1 = vector.load %arg1[%get3A, %get3A_0] : memref<8x100000xf32, #tpu.memory_space<vmem>>, vector<8x100000xf32>
    %get3A_2 = arith.constant 0 : index
    %get3A_3 = arith.constant 0 : index
    %get3A_4 = vector.load %arg5[%get3A_2, %get3A_3] : memref<1x1xf32, #tpu.memory_space<vmem>>, vector<1x1xf32>
    %div3A = vector.broadcast %get3A_4 : vector<1x1xf32> to vector<8x100000xf32>
    %div3A_5 = arith.divf %get3A_1, %div3A : vector<8x100000xf32>
    %reduce_max3A = arith.constant dense<0xFF800000> : vector<8xf32>
    %reduce_max3A_6 = vector.multi_reduction <maximumf>, %div3A_5, %reduce_max3A [1] : vector<8x100000xf32> to vector<8xf32>
    %broadcast_in_dim3A = vector.shape_cast %reduce_max3A_6 : vector<8xf32> to vector<8x1xf32>
    %sub3A = vector.broadcast %broadcast_in_dim3A : vector<8x1xf32> to vector<8x100000xf32>
    %sub3A_7 = arith.subf %div3A_5, %sub3A : vector<8x100000xf32>
    %exp3A = math.exp %sub3A_7 : vector<8x100000xf32>
    %reduce_sum3A = arith.constant dense<0.000000e+00> : vector<8xf32>
    %reduce_sum3A_8 = vector.multi_reduction <add>, %exp3A, %reduce_sum3A [1] : vector<8x100000xf32> to vector<8xf32>
    %broadcast_in_dim3A_9 = vector.shape_cast %reduce_sum3A_8 : vector<8xf32> to vector<8x1xf32>
    %get3A_10 = arith.constant 0 : index
    %get3A_11 = arith.constant 0 : index
    %get3A_12 = vector.load %arg2[%get3A_10, %get3A_11] : memref<8x256xf32, #tpu.memory_space<vmem>>, vector<8x256xf32>
    %get3A_13 = arith.constant 0 : index
    %get3A_14 = arith.constant 0 : index
    %get3A_15 = vector.load %arg3[%get3A_13, %get3A_14] : memref<8x256xi32, #tpu.memory_space<vmem>>, vector<8x256xi32>
    %broadcast_in_dim3A_16 = vector.shape_cast %get3A_12 : vector<8x256xf32> to vector<8x1x256xf32>
    %broadcast_in_dim3A_17 = vector.shape_cast %get3A_12 : vector<8x256xf32> to vector<8x256x1xf32>
    %gt3A = vector.broadcast %broadcast_in_dim3A_16 : vector<8x1x256xf32> to vector<8x256x256xf32>
    %gt3A_18 = vector.broadcast %broadcast_in_dim3A_17 : vector<8x256x1xf32> to vector<8x256x256xf32>
    %gt3A_19 = arith.cmpf ogt, %gt3A, %gt3A_18 : vector<8x256x256xf32>
    %broadcast_in_dim3A_20 = vector.shape_cast %get3A_12 : vector<8x256xf32> to vector<8x1x256xf32>
    %broadcast_in_dim3A_21 = vector.shape_cast %get3A_12 : vector<8x256xf32> to vector<8x256x1xf32>
    %eq3A = vector.broadcast %broadcast_in_dim3A_20 : vector<8x1x256xf32> to vector<8x256x256xf32>
    %eq3A_22 = vector.broadcast %broadcast_in_dim3A_21 : vector<8x256x1xf32> to vector<8x256x256xf32>
    %eq3A_23 = arith.cmpf oeq, %eq3A, %eq3A_22 : vector<8x256x256xf32>
    %broadcast_in_dim3A_24 = vector.shape_cast %get3A_15 : vector<8x256xi32> to vector<8x1x256xi32>
    %broadcast_in_dim3A_25 = vector.shape_cast %get3A_15 : vector<8x256xi32> to vector<8x256x1xi32>
    %lt3A = vector.broadcast %broadcast_in_dim3A_24 : vector<8x1x256xi32> to vector<8x256x256xi32>
    %lt3A_26 = vector.broadcast %broadcast_in_dim3A_25 : vector<8x256x1xi32> to vector<8x256x256xi32>
    %lt3A_27 = arith.cmpi slt, %lt3A, %lt3A_26 : vector<8x256x256xi32>
    %and3A = arith.andi %eq3A_23, %lt3A_27 : vector<8x256x256xi1>
    %or3A = arith.ori %gt3A_19, %and3A : vector<8x256x256xi1>
    %convert_element_type3A = arith.extui %or3A : vector<8x256x256xi1> to vector<8x256x256xi32>
    %reduce_sum3A_28 = arith.constant dense<0> : vector<8x256xi32>
    %reduce_sum3A_29 = vector.multi_reduction <add>, %convert_element_type3A, %reduce_sum3A_28 [2] : vector<8x256x256xi32> to vector<8x256xi32>
    %broadcast_in_dim3A_30 = vector.shape_cast %reduce_sum3A_29 : vector<8x256xi32> to vector<8x256x1xi32>
    %iota3A = tpu.iota {dimensions = array<i32: 2>} : vector<8x256x128xi32>
    %eq3A_31 = vector.broadcast %broadcast_in_dim3A_30 : vector<8x256x1xi32> to vector<8x256x128xi32>
    %eq3A_32 = arith.cmpi eq, %eq3A_31, %iota3A : vector<8x256x128xi32>
    %broadcast_in_dim3A_33 = vector.shape_cast %get3A_12 : vector<8x256xf32> to vector<8x256x1xf32>
    %jit3A = arith.constant 0.000000e+00 : f32
    %broadcast_in_dim3A_34 = vector.shape_cast %broadcast_in_dim3A_33 : vector<8x256x1xf32> to vector<8x256x1xf32>
    %broadcast_in_dim3A_35 = vector.broadcast %broadcast_in_dim3A_34 : vector<8x256x1xf32> to vector<8x256x128xf32>
    %broadcast_in_dim3A_36 = vector.broadcast %jit3A : f32 to vector<8x256x128xf32>
    %select_n3A = arith.select %eq3A_32, %broadcast_in_dim3A_35, %broadcast_in_dim3A_36 : vector<8x256x128xi1>, vector<8x256x128xf32>
    %reduce_sum3A_37 = arith.constant dense<0.000000e+00> : vector<8x128xf32>
    %reduce_sum3A_38 = vector.multi_reduction <add>, %select_n3A, %reduce_sum3A_37 [1] : vector<8x256x128xf32> to vector<8x128xf32>
    %broadcast_in_dim3A_39 = vector.shape_cast %get3A_15 : vector<8x256xi32> to vector<8x256x1xi32>
    %jit3A_40 = arith.constant 0 : i32
    %broadcast_in_dim3A_41 = vector.shape_cast %broadcast_in_dim3A_39 : vector<8x256x1xi32> to vector<8x256x1xi32>
    %broadcast_in_dim3A_42 = vector.broadcast %broadcast_in_dim3A_41 : vector<8x256x1xi32> to vector<8x256x128xi32>
    %broadcast_in_dim3A_43 = vector.broadcast %jit3A_40 : i32 to vector<8x256x128xi32>
    %select_n3A_44 = arith.select %eq3A_32, %broadcast_in_dim3A_42, %broadcast_in_dim3A_43 : vector<8x256x128xi1>, vector<8x256x128xi32>
    %reduce_sum3A_45 = arith.constant dense<0> : vector<8x128xi32>
    %reduce_sum3A_46 = vector.multi_reduction <add>, %select_n3A_44, %reduce_sum3A_45 [1] : vector<8x256x128xi32> to vector<8x128xi32>
    %get3A_47 = arith.constant 0 : index
    %get3A_48 = arith.constant 0 : index
    %get3A_49 = vector.load %arg5[%get3A_47, %get3A_48] : memref<1x1xf32, #tpu.memory_space<vmem>>, vector<1x1xf32>
    %div3A_50 = vector.broadcast %get3A_49 : vector<1x1xf32> to vector<8x128xf32>
    %div3A_51 = arith.divf %reduce_sum3A_38, %div3A_50 : vector<8x128xf32>
    %sub3A_52 = vector.broadcast %broadcast_in_dim3A : vector<8x1xf32> to vector<8x128xf32>
    %sub3A_53 = arith.subf %div3A_51, %sub3A_52 : vector<8x128xf32>
    %exp3A_54 = math.exp %sub3A_53 : vector<8x128xf32>
    %div3A_55 = vector.broadcast %broadcast_in_dim3A_9 : vector<8x1xf32> to vector<8x128xf32>
    %div3A_56 = arith.divf %exp3A_54, %div3A_55 : vector<8x128xf32>
    %broadcast_in_dim3A_57 = arith.constant 0.000000e+00 : f32
    %broadcast_in_dim3A_58 = vector.broadcast %broadcast_in_dim3A_57 : f32 to vector<8x1xf32>
    %slice3A = vector.extract_strided_slice %div3A_56 {offsets = [0, 0], sizes = [8, 127], strides = [1, 1]} : vector<8x128xf32> to vector<8x127xf32>
    %concatenate3A = tpu.concatenate %broadcast_in_dim3A_58, %slice3A in 1 : vector<8x1xf32>, vector<8x127xf32> -> vector<8x128xf32>
    %add3A = arith.addf %div3A_56, %concatenate3A : vector<8x128xf32>
    %broadcast_in_dim3A_59 = arith.constant 0.000000e+00 : f32
    %broadcast_in_dim3A_60 = vector.broadcast %broadcast_in_dim3A_59 : f32 to vector<8x2xf32>
    %slice3A_61 = vector.extract_strided_slice %add3A {offsets = [0, 0], sizes = [8, 126], strides = [1, 1]} : vector<8x128xf32> to vector<8x126xf32>
    %concatenate3A_62 = tpu.concatenate %broadcast_in_dim3A_60, %slice3A_61 in 1 : vector<8x2xf32>, vector<8x126xf32> -> vector<8x128xf32>
    %add3A_63 = arith.addf %add3A, %concatenate3A_62 : vector<8x128xf32>
    %broadcast_in_dim3A_64 = arith.constant 0.000000e+00 : f32
    %broadcast_in_dim3A_65 = vector.broadcast %broadcast_in_dim3A_64 : f32 to vector<8x4xf32>
    %slice3A_66 = vector.extract_strided_slice %add3A_63 {offsets = [0, 0], sizes = [8, 124], strides = [1, 1]} : vector<8x128xf32> to vector<8x124xf32>
    %concatenate3A_67 = tpu.concatenate %broadcast_in_dim3A_65, %slice3A_66 in 1 : vector<8x4xf32>, vector<8x124xf32> -> vector<8x128xf32>
    %add3A_68 = arith.addf %add3A_63, %concatenate3A_67 : vector<8x128xf32>
    %broadcast_in_dim3A_69 = arith.constant 0.000000e+00 : f32
    %broadcast_in_dim3A_70 = vector.broadcast %broadcast_in_dim3A_69 : f32 to vector<8x8xf32>
    %slice3A_71 = vector.extract_strided_slice %add3A_68 {offsets = [0, 0], sizes = [8, 120], strides = [1, 1]} : vector<8x128xf32> to vector<8x120xf32>
    %concatenate3A_72 = tpu.concatenate %broadcast_in_dim3A_70, %slice3A_71 in 1 : vector<8x8xf32>, vector<8x120xf32> -> vector<8x128xf32>
    %add3A_73 = arith.addf %add3A_68, %concatenate3A_72 : vector<8x128xf32>
    %broadcast_in_dim3A_74 = arith.constant 0.000000e+00 : f32
    %broadcast_in_dim3A_75 = vector.broadcast %broadcast_in_dim3A_74 : f32 to vector<8x16xf32>
    %slice3A_76 = vector.extract_strided_slice %add3A_73 {offsets = [0, 0], sizes = [8, 112], strides = [1, 1]} : vector<8x128xf32> to vector<8x112xf32>
    %concatenate3A_77 = tpu.concatenate %broadcast_in_dim3A_75, %slice3A_76 in 1 : vector<8x16xf32>, vector<8x112xf32> -> vector<8x128xf32>
    %add3A_78 = arith.addf %add3A_73, %concatenate3A_77 : vector<8x128xf32>
    %broadcast_in_dim3A_79 = arith.constant 0.000000e+00 : f32
    %broadcast_in_dim3A_80 = vector.broadcast %broadcast_in_dim3A_79 : f32 to vector<8x32xf32>
    %slice3A_81 = vector.extract_strided_slice %add3A_78 {offsets = [0, 0], sizes = [8, 96], strides = [1, 1]} : vector<8x128xf32> to vector<8x96xf32>
    %concatenate3A_82 = tpu.concatenate %broadcast_in_dim3A_80, %slice3A_81 in 1 : vector<8x32xf32>, vector<8x96xf32> -> vector<8x128xf32>
    %add3A_83 = arith.addf %add3A_78, %concatenate3A_82 : vector<8x128xf32>
    %broadcast_in_dim3A_84 = arith.constant 0.000000e+00 : f32
    %broadcast_in_dim3A_85 = vector.broadcast %broadcast_in_dim3A_84 : f32 to vector<8x64xf32>
    %slice3A_86 = vector.extract_strided_slice %add3A_83 {offsets = [0, 0], sizes = [8, 64], strides = [1, 1]} : vector<8x128xf32> to vector<8x64xf32>
    %concatenate3A_87 = tpu.concatenate %broadcast_in_dim3A_85, %slice3A_86 in 1 : vector<8x64xf32>, vector<8x64xf32> -> vector<8x128xf32>
    %add3A_88 = arith.addf %add3A_83, %concatenate3A_87 : vector<8x128xf32>
    %get3A_89 = arith.constant 0 : index
    %get3A_90 = arith.constant 0 : index
    %get3A_91 = vector.load %arg4[%get3A_89, %get3A_90] : memref<1x128xf32, #tpu.memory_space<vmem>>, vector<1x128xf32>
    %add3A_92 = vector.broadcast %get3A_91 : vector<1x128xf32> to vector<8x128xf32>
    %add3A_93 = arith.addf %add3A_88, %add3A_92 : vector<8x128xf32>
    %get3A_94 = arith.constant 0 : index
    %get3A_95 = arith.constant 0 : index
    %get3A_96 = vector.load %arg6[%get3A_94, %get3A_95] : memref<1x1xf32, #tpu.memory_space<vmem>>, vector<1x1xf32>
    %le3A = vector.broadcast %get3A_96 : vector<1x1xf32> to vector<8x128xf32>
    %le3A_97 = arith.cmpf ole, %add3A_93, %le3A : vector<8x128xf32>
    %convert_element_type3A_98 = arith.extui %le3A_97 : vector<8x128xi1> to vector<8x128xi32>
    %reduce_sum3A_99 = arith.constant dense<0> : vector<8xi32>
    %reduce_sum3A_100 = vector.multi_reduction <add>, %convert_element_type3A_98, %reduce_sum3A_99 [1] : vector<8x128xi32> to vector<8xi32>
    %broadcast_in_dim3A_101 = vector.shape_cast %reduce_sum3A_100 : vector<8xi32> to vector<8x1xi32>
    %add3A_102 = arith.constant 1 : i32
    %add3A_103 = vector.broadcast %add3A_102 : i32 to vector<8x1xi32>
    %add3A_104 = arith.addi %broadcast_in_dim3A_101, %add3A_103 : vector<8x1xi32>
    %min3A = arith.constant 128 : i32
    %min3A_105 = vector.broadcast %min3A : i32 to vector<8x1xi32>
    %min3A_106 = arith.minsi %add3A_104, %min3A_105 : vector<8x1xi32>
    %iota3A_107 = tpu.iota {dimensions = array<i32: 1>} : vector<8x128xi32>
    %sub3A_108 = arith.constant 1 : i32
    %sub3A_109 = vector.broadcast %sub3A_108 : i32 to vector<8x1xi32>
    %sub3A_110 = arith.subi %min3A_106, %sub3A_109 : vector<8x1xi32>
    %eq3A_111 = vector.broadcast %sub3A_110 : vector<8x1xi32> to vector<8x128xi32>
    %eq3A_112 = arith.cmpi eq, %iota3A_107, %eq3A_111 : vector<8x128xi32>
    %jit3A_113 = arith.constant 0.000000e+00 : f32
    %broadcast_in_dim3A_114 = vector.broadcast %jit3A_113 : f32 to vector<8x128xf32>
    %select_n3A_115 = arith.select %eq3A_112, %reduce_sum3A_38, %broadcast_in_dim3A_114 : vector<8x128xi1>, vector<8x128xf32>
    %reduce_sum3A_116 = arith.constant dense<0.000000e+00> : vector<8xf32>
    %reduce_sum3A_117 = vector.multi_reduction <add>, %select_n3A_115, %reduce_sum3A_116 [1] : vector<8x128xf32> to vector<8xf32>
    %broadcast_in_dim3A_118 = vector.shape_cast %reduce_sum3A_117 : vector<8xf32> to vector<8x1xf32>
    %jit3A_119 = arith.constant 0 : i32
    %broadcast_in_dim3A_120 = vector.broadcast %jit3A_119 : i32 to vector<8x128xi32>
    %select_n3A_121 = arith.select %eq3A_112, %reduce_sum3A_46, %broadcast_in_dim3A_120 : vector<8x128xi1>, vector<8x128xi32>
    %reduce_sum3A_122 = arith.constant dense<0> : vector<8xi32>
    %reduce_sum3A_123 = vector.multi_reduction <add>, %select_n3A_121, %reduce_sum3A_122 [1] : vector<8x128xi32> to vector<8xi32>
    %broadcast_in_dim3A_124 = vector.shape_cast %reduce_sum3A_123 : vector<8xi32> to vector<8x1xi32>
    %iota3A_125 = tpu.iota {dimensions = array<i32: 1>} : vector<8x100000xi32>
    %gt3A_126 = vector.broadcast %broadcast_in_dim3A_118 : vector<8x1xf32> to vector<8x100000xf32>
    %gt3A_127 = arith.cmpf ogt, %get3A_1, %gt3A_126 : vector<8x100000xf32>
    %eq3A_128 = vector.broadcast %broadcast_in_dim3A_118 : vector<8x1xf32> to vector<8x100000xf32>
    %eq3A_129 = arith.cmpf oeq, %get3A_1, %eq3A_128 : vector<8x100000xf32>
    %le3A_130 = vector.broadcast %broadcast_in_dim3A_124 : vector<8x1xi32> to vector<8x100000xi32>
    %le3A_131 = arith.cmpi sle, %iota3A_125, %le3A_130 : vector<8x100000xi32>
    %and3A_132 = arith.andi %eq3A_129, %le3A_131 : vector<8x100000xi1>
    %or3A_133 = arith.ori %gt3A_127, %and3A_132 : vector<8x100000xi1>
    %convert_element_type3A_134 = arith.extui %or3A_133 : vector<8x100000xi1> to vector<8x100000xi32>
    %convert_element_type3A_135 = arith.sitofp %convert_element_type3A_134 : vector<8x100000xi32> to vector<8x100000xf32>
    %swap3A = arith.constant 0 : index
    %swap3A_136 = arith.constant 0 : index
    %swap3A_137 = vector.load %arg7[%swap3A, %swap3A_136] : memref<8x100000xf32, #tpu.memory_space<vmem>>, vector<8x100000xf32>
    tpu.vector_store %arg7[%swap3A, %swap3A_136], %convert_element_type3A_135 {strides = array<i32>} : memref<8x100000xf32, #tpu.memory_space<vmem>>, vector<8x100000xf32>,
    %swap3A_138 = arith.constant 0 : index
    %swap3A_139 = arith.constant 0 : index
    %swap3A_140 = vector.load %arg8[%swap3A_138, %swap3A_139] : memref<8x100000xf32, #tpu.memory_space<vmem>>, vector<8x100000xf32>
    tpu.vector_store %arg8[%swap3A_138, %swap3A_139], %get3A_1 {strides = array<i32>} : memref<8x100000xf32, #tpu.memory_space<vmem>>, vector<8x100000xf32>,
    return
  }
  func.func @transform_0(%arg0: i32) -> (i32, i32) {
    %c0_i32 = arith.constant 0 : i32
    %c0_i32_0 = arith.constant 0 : i32
    return %arg0, %c0_i32 : i32, i32
  }
  func.func @transform_1(%arg0: i32) -> (i32, i32) {
    %c0_i32 = arith.constant 0 : i32
    %c0_i32_0 = arith.constant 0 : i32
    return %arg0, %c0_i32 : i32, i32
  }
  func.func @transform_2(%arg0: i32) -> (i32, i32) {
    %c0_i32 = arith.constant 0 : i32
    %c0_i32_0 = arith.constant 0 : i32
    return %arg0, %c0_i32 : i32, i32
  }
  func.func @transform_3(%arg0: i32) -> (i32, i32) {
    %c0_i32 = arith.constant 0 : i32
    %c0_i32_0 = arith.constant 0 : i32
    %c0_i32_1 = arith.constant 0 : i32
    return %c0_i32, %c0_i32_0 : i32, i32
  }
  func.func @transform_4(%arg0: i32) -> (i32, i32) {
    %c0_i32 = arith.constant 0 : i32
    %c0_i32_0 = arith.constant 0 : i32
    %c0_i32_1 = arith.constant 0 : i32
    return %c0_i32, %c0_i32_0 : i32, i32
  }
  func.func @transform_5(%arg0: i32) -> (i32, i32) {
    %c0_i32 = arith.constant 0 : i32
    %c0_i32_0 = arith.constant 0 : i32
    %c0_i32_1 = arith.constant 0 : i32
    return %c0_i32, %c0_i32_0 : i32, i32
  }
  func.func @transform_6(%arg0: i32) -> (i32, i32) {
    %c0_i32 = arith.constant 0 : i32
    %c0_i32_0 = arith.constant 0 : i32
    return %arg0, %c0_i32 : i32, i32
  }
  func.func @transform_7(%arg0: i32) -> (i32, i32) {
    %c0_i32 = arith.constant 0 : i32
    %c0_i32_0 = arith.constant 0 : i32
    return %arg0, %c0_i32 : i32, i32
  }
}

</mosaic_0001>

<sc_bundles>
// kernel: kernel.4.cloned.1.call-start
scs
__scs_entry_jumppad:
0x0: {  	(pc) =	sbr.rel $0x88, $3  }
0x1: {  	(tag) =	ssettag $0x0;
	lr =	simm.s32 $0x1  }
0x2: {  	[smem:$0x3F9D] =	sst lr;
	_ =	strace $0xD0000000  }
0x3: {  	_ = 	snop  }
0x4: {  	_ = 	snop  }
0x5: {  	_ = 	snop  }
0x6: {  	_ = 	snop  }
0x7: {  	_ = 	snop  }
__scs_overlays_trampoline_lowered:
0x8: {  	[smem:$0x3FAC] =	sst s0  }
0x9: {  	[smem:$0x3FAD] =	sst s1  }
0xa: {  	[smem:$0x3FAE] =	sst s2  }
0xb: {  	[smem:$0x3FAF] =	sst s3  }
0xc: {  	[smem:$0x3FB0] =	sst s4  }
0xd: {  	[smem:$0x3FB1] =	sst s5  }
0xe: {  	[smem:$0x3FB2] =	sst s6  }
0xf: {  	[smem:$0x3FB3] =	sst s7  }
0x10: {  	[smem:$0x3FB4] =	sst s8  }
0x11: {  	[smem:$0x3FB5] =	sst s9;
	s0 =	simm.s32 @!p0 $0x0  }
0x12: {  	s1 =	sld [smem:$0x3F9B];
	s0 =	simm.s32 @p0 $0x1  }
0x13: {  	[smem:$0x3FB6] =	sst s0;
	s0 =	simm.s32 @!p1 $0x0  }
0x14: {  	s2 =	sld [smem:$0x3F9A];
	s0 =	simm.s32 @p1 $0x1  }
0x15: {  	[smem:$0x3FB7] =	sst s0;
	s0 =	simm.s32 @!p2 $0x0  }
0x16: {  	s3 =	sld [smem:$0x3FDB];
	s0 =	simm.s32 @p2 $0x1  }
0x17: {  	s4 =	simm.s32 $0x1BF5;
	[smem:$0x3FB9] =	sst s0  }
0x18: {  	s0 =	sld [smem:$0x3F9C];
	_ =	swait.ge [sflag:s4], $0x0  }
0x19: {  	s7 =	sld [smem:$0x3F9D]  }
0x1a: {  	s8 =	sadd.s32 $0xFFFFE003, lr  }
0x1b: {  	s9 =	sadd.s32 $0xFFFFFEF7, lr;
	s5 =	simm.s32 $0xFFFFFFFF;
	p2 =	slt.u32 s8, $0xFFFFF086  }
0x1c: {  	p1 =	slt.u32 s9, $0xF7A;
	s5 =	simm.s32 @!p2 $0x0  }
0x1d: {  	s5 =	simm.s32 @p1 $0x1;
	p0 =	seq.s32 s7, s2  }
0x1e: {  	s7 =	smul.u32 @!p0 $0xF7A, s2;
	p2 =	seq.s32 @!p0 s5, $0x0  }
0x1f: {  	s9 =	smul.u32 $0xF7A, s1;
	s8 =	simm.s32 @!p0 $0x1BF5;
	p2 =	por !p2, p0  }
0x20: {  	[sflag:s8] =	ssyncset.s32 @!p0 $0xFFFFF086;
	s6 =	sadd.s32 @!p0 s3, s7;
	s7 =	simm.s32 @!p0 $0x108  }
0x21: {  	s3 =	sadd.s32 s3, s9;
	s6 =	sadd.s32 @!p0 $0x88, s6;
	s7 =	simm.s32 @p2 $0x1082  }
0x22: {  	[simem:s7], [sflag:s8] =	dma.local @!p0 [hbm:s6], $0xF7A  }
0x23: {  	s9 =	sor.u32 $0xD0000000, s2;
	s6 =	simm.s32 $0x108;
	_ =	swait.ge @!p0 [sflag:s8], $0x0  }
0x24: {  	s3 =	sadd.s32 $0x88, s3;
	s6 =	simm.s32 @!p1 $0x1082;
	[sflag:s4] =	ssyncset.s32 $0xFFFFF086  }
0x25: {  	[simem:s6], [sflag:s4] =	dma.local [hbm:s3], $0xF7A  }
0x26: {  	[smem:$0x3F9D] =	sst s1;
	(tag) =	ssettag s2;
	_ =	strace s9  }
0x27: {  	s1 =	sld [smem:$0x3FAD]  }
0x28: {  	s2 =	sld [smem:$0x3FAE]  }
0x29: {  	s4 =	sld [smem:$0x3FB0]  }
0x2a: {  	p0 =	seq.s32 s5, $0x0;
	s5 =	sld [smem:$0x3FB1]  }
0x2b: {  	s6 =	sld [smem:$0x3FB2]  }
0x2c: {  	s7 =	sld [smem:$0x3FB3]  }
0x2d: {  	s3 =	simm.s32 $0x108;
	s8 =	sld [smem:$0x3FB4]  }
0x2e: {  	s3 =	simm.s32 @!p0 $0x1082;
	s9 =	sld [smem:$0x3FB5]  }
0x2f: {  	lr =	sadd.s32 s0, s3;
	s0 =	sld [smem:$0x3FAC]  }
0x30: {  	s3 =	sld [smem:$0x3FAF]  }
0x31: {  	[smem:$0x3FB8] =	sst s10  }
0x32: {  	s10 =	sld [smem:$0x3FB6];
	_ =	sdelay $0x3  }
0x33: {  	p0 =	seq.s32 s10, $0x1;
	s10 =	sld [smem:$0x3FB8];
	_ =	sdelay $0x3  }
0x34: {  	[smem:$0x3FB8] =	sst s10  }
0x35: {  	s10 =	sld [smem:$0x3FB7];
	_ =	sdelay $0x3  }
0x36: {  	p1 =	seq.s32 s10, $0x1;
	s10 =	sld [smem:$0x3FB8];
	_ =	sdelay $0x3  }
0x37: {  	[smem:$0x3FB8] =	sst s10  }
0x38: {  	s10 =	sld [smem:$0x3FB9]  }
0x39: {  	_ = 	snop;
	(pc) =	sbr.ind lr, $3  }
0x3a: {  	_ = 	snop  }
0x3b: {  	_ = 	snop  }
0x3c: {  	p2 =	seq.s32 s10, $0x1;
	s10 =	sld [smem:$0x3FB8]  }
0x3d: {  	_ =	shalt  }
0x3e: {  	_ =	shalt  }
0x3f: {  	_ =	shalt  }
0x40: {  	_ =	shalt  }
0x41: {  	_ =	shalt  }
0x42: {  	_ =	shalt  }
0x43: {  	_ =	shalt  }
0x44: {  	_ =	shalt  }
0x45: {  	_ =	shalt  }
0x46: {  	_ =	shalt  }
0x47: {  	_ =	shalt  }
0x48: {  	_ =	shalt  }
0x49: {  	_ =	shalt  }
0x4a: {  	_ =	shalt  }
0x4b: {  	_ =	shalt  }
0x4c: {  	_ =	shalt  }
0x4d: {  	_ =	shalt  }
0x4e: {  	_ =	shalt  }
0x4f: {  	_ =	shalt  }
0x50: {  	_ =	shalt  }
0x51: {  	_ =	shalt  }
0x52: {  	_ =	shalt  }
0x53: {  	_ =	shalt  }
0x54: {  	_ =	shalt  }
0x55: {  	_ =	shalt  }
0x56: {  	_ =	shalt  }
0x57: {  	_ =	shalt  }
0x58: {  	_ =	shalt  }
0x59: {  	_ =	shalt  }
0x5a: {  	_ =	shalt  }
0x5b: {  	_ =	shalt  }
0x5c: {  	_ =	shalt  }
0x5d: {  	_ =	shalt  }
0x5e: {  	_ =	shalt  }
0x5f: {  	_ =	shalt  }
0x60: {  	_ =	shalt  }
0x61: {  	_ =	shalt  }
0x62: {  	_ =	shalt  }
0x63: {  	_ =	shalt  }
0x64: {  	_ =	shalt  }
0x65: {  	_ =	shalt  }
0x66: {  	_ =	shalt  }
0x67: {  	_ =	shalt  }
0x68: {  	_ =	shalt  }
0x69: {  	_ =	shalt  }
0x6a: {  	_ =	shalt  }
0x6b: {  	_ =	shalt  }
0x6c: {  	_ =	shalt  }
0x6d: {  	_ =	shalt  }
0x6e: {  	_ =	shalt  }
0x6f: {  	_ =	shalt  }
0x70: {  	_ =	shalt  }
0x71: {  	_ =	shalt  }
0x72: {  	_ =	shalt  }
0x73: {  	_ =	shalt  }
0x74: {  	_ =	shalt  }
0x75: {  	_ =	shalt  }
0x76: {  	_ =	shalt  }
0x77: {  	_ =	shalt  }
0x78: {  	_ =	shalt  }
0x79: {  	_ =	shalt  }
0x7a: {  	_ =	shalt  }
0x7b: {  	_ =	shalt  }
0x7c: {  	_ =	shalt  }
0x7d: {  	_ =	shalt  }
0x7e: {  	_ =	shalt  }
0x7f: {  	_ =	shalt  }
0x80: {  	_ =	shalt  }
0x81: {  	_ =	shalt  }
0x82: {  	_ =	shalt  }
0x83: {  	_ =	shalt  }
0x84: {  	_ =	shalt  }
0x85: {  	_ =	shalt  }
0x86: {  	_ =	shalt  }
0x87: {  	_ =	shalt  }
.Lfunc_end0:
.L_simem_size_0:
called_computation_lowered:
.L_overlay_start_0:
0x88: {  	s2 =	sld [smem:$0x3FD9]  }
0x89: {  	s3 =	sld [smem:$0x3FFE];
	_ =	sdelay $0x1  }
0x8a: {  	s1 =	srdreg.scid  }
0x8b: {  	s0 =	sand.u32 $0x1, s1  }
0x8c: {  	s14 =	sshll.u32 s0, $0xA;
	s2 =	sadd.s32 s3, s2  }
0x8d: {  	s2 =	sadd.s32 s2, s14  }
0x8e: {  	[smem:$0x3FC4] =	sst s2  }
0x8f: {  	_ = 	snop  }
0x90: {  	s2 =	sld [smem:$0x3FD0];
	_ =	sdelay $0x2  }
0x91: {  	s15 =	simm.s32 $0xA;
	s4 =	simm.s32 $0x10  }
0x92: {  	[smem:s4], [sflag:s15] =	dma.local [hbm:s2], $0x1  }
0x93: {  	_ =	swait.eq [sflag:s15], $0x1  }
0x94: {  	[sflag:s15] =	ssyncset.done $0x0  }
0x95: {  	s16 =	sld [smem:$0x10];
	[sflag:s15] =	ssyncadd.s32 $0xFFFFFFFF  }
0x96: {  	s17 =	sld [smem:$0x11];
	(tm) =	ssettm $0x1  }
0x97: {  	s18 =	sld [smem:$0x3FFB];
	_ =	sdelay $0x3  }
0x98: {  	_ =	strace s18  }
0x99: {  	s4 =	sld [smem:$0x3FFC];
	_ =	sdelay $0x3  }
0x9a: {  	_ =	strace s4  }
0x9b: {  	s4 =	sld [smem:$0x3FFD];
	_ =	sdelay $0x3  }
0x9c: {  	_ =	strace s4  }
0x9d: {  	_ =	strace $0x8FFFFFFF  }
0x9e: {  	s19 =	sld [smem:$0x3FDB];
	_ =	sdelay $0x1  }
0x9f: {  	s5 =	simm.s32 $_scs_section_size  }
0xa0: {  	s6 =	simm.s32 $_size__tile_overlayer_lowered;
	s7 =	simm.s32 $_tile_overlayer_lowered  }
0xa1: {  	s22 =	simm.s32 $0x1BFF;
	s21 =	sshll.u32 s7, $0x1;
	s4 =	sadd.s32 s5, s19  }
0xa2: {  	s8 =	simm.s32 $0x0;
	s20 =	sshll.u32 s6, $0x1;
	s6 =	sadd.s32 s21, s4  }
0xa3: {  	[timem:s8], [sflag:s22] =	dma.local [hbm:s6], s20  }
0xa4: {  	_ =	swait.ge [sflag:s22], s20  }
0xa5: {  	s5 =	ssub.s32 $0x0, s20;
	[sflag:s22] =	ssyncset.done $0x0  }
0xa6: {  	[sflag:s22] =	ssyncadd.s32 s5;
	_ =	sdelay $0x1  }
0xa7: {  	s23 =	simm.s32 $0x1B8B  }
0xa8: {  	_ =	swait.ge [sflag:s23], $0x1  }
0xa9: {  	[sflag:s23] =	ssyncset.done $0x0  }
0xaa: {  	s25 =	simm.s32 $0x1B8E;
	s24 =	sld [smem:$0x3FFE];
	[sflag:s23] =	ssyncadd.s32 $0xFFFFFFFF  }
0xab: {  	s26 =	simm.s32 $execute0_lowered;
	[smem:$0x3FD2] =	sst s25  }
0xac: {  	s6 =	sshll.u32 s26, $0x1;
	_ =	strace $0x80000046;
	[dreg:$0x1] =	wrdreg $0xFFFFFFFF  }
0xad: {  	s28 =	simm.s32 $_size_execute0_lowered;
	s4 =	sadd.s32 s4, s6;
	[dreg:$0x0] =	wrdreg $0x0  }
0xae: {  	s6 =	sshll.u32 s28, $0x1;
	[dreg:$0x2] =	wrdreg s4  }
0xaf: {  	[dreg:$0x3] =	wrdreg s6  }
0xb0: {  	[dreg:$0x4] =	wrdreg $0xC0  }
0xb1: {  	_ =	task [dreg:s8], $0x5FFFF  }
0xb2: {  	[dreg:$0x1] =	wrdreg $0xFFFFFFFF  }
0xb3: {  	[dreg:$0x0] =	wrdreg $0x60  }
0xb4: {  	[dreg:$0x2] =	wrdreg s17  }
0xb5: {  	[dreg:$0x3] =	wrdreg s24  }
0xb6: {  	[dreg:$0x4] =	wrdreg s16  }
0xb7: {  	[dreg:$0x5] =	wrdreg $0x9  }
0xb8: {  	_ =	task.clear_ibuf [dreg:s8], $0x6FFFF;
	_ =	strace $0x90000046  }
0xb9: {  	s29 =	simm.s32 $0x9;
	_ =	strace $0x80000048  }
0xba: {  	_ =	swait.ge [sflag:s29], $0x1  }
0xbb: {  	[sflag:s29] =	ssyncadd.s32 $0xFFFFFFFF  }
0xbc: {  	_ =	strace $0x90000048  }
0xbd: {  	_ =	sfence  }
0xbe: {  	s30 =	sld [smem:$0x0];
	_ =	sdelay $0x2  }
0xbf: {  	s31 =	sshll.u32 s1, $0xD;
	s1 =	sshrl.u32 s1, $0x2  }
0xc0: {  	s3 =	sand.u32 $0x4000, s31;
	s1 =	sadd.s32 s1, s30  }
0xc1: {  	s0 =	sor.u32 s3, s0;
	s1 =	sshll.u32 s1, $0x11  }
0xc2: {  	s0 =	sor.u32 s1, s0  }
0xc3: {  	s0 =	sadd.s32 $0x8F2B, s0  }
0xc4: {  	[sflag:s0] =	ssyncadd.remote.s32 $0x1  }
0xc5: {  	_ =	sfence.sel $0xFFFF  }
0xc6: {  	[dreg:$0x0] =	wrdreg $0xFFFFFFFF;
	(pc) =	sbr.abs _section_cstart, $3  }
0xc7: {  	[dreg:$0x1] =	wrdreg $0xFFFFFFFF  }
0xc8: {  	_ =	task.clear_ibuf [dreg:s8], $0x2FFFF;
	_ =	strace $0x9FFFFFFF  }
0xc9: {  	(tm) =	ssettm $0x7FFFFFFF  }
tec
execute0_lowered:
.L_overlay_start_1:
0x0: {  	(tag) =	ssettag $0x1  }
0x1: {  	s1 =	rddreg [dreg:$0x0]  }
0x2: {  	s0 =	rddreg [dreg:$0x1];
	s3 =	simm.s32 $0x0;
	s2 =	srdreg.scid  }
0x3: {  	s5 =	stileid.u32;
	s10 =	simm.s32 $0x3;
	s11 =	simm.s32 $0x2710  }
0x4: {  	s12 =	simm.s32 $0x1;
	s13 =	simm.s32 $0x4E80;
	s14 =	simm.s32 $0xB680  }
0x5: {  	s15 =	simm.s32 $0x2;
	[smem:$0x7FF] =	sst s3;
	s2 =	sand.u32 $0x1, s2  }
.Ltmp0:
0x6: {  	s4 =	sadd.s32 $0x187000, s0;
	s29 =	ssub.s32 $0x2, s2;
	(pc) =	sbr.rel .LBB2_1-.Ltmp0, $4  }
0x7: {  	s0 =	sadd.s32 $0x187200, s0;
	s31 =	sshll.u32 s5, $0x3;
	s30 =	sshrl.u32 s29, $0x1  }
0x8: {  	_ =	strace $0x80000047;
	[dreg:$0x5] =	wrdreg s0;
	s0 =	ssub.s32 s29, s30  }
0x9: {  	[dreg:$0x4] =	wrdreg s4;
	s2 =	sshll.u32 s2, $0x2;
	s0 =	smax.u32 s0, $0x1  }
0xa: {  	v0 =	vimm.s32 $0x0;
	v1 =	vlaneseq.u32;
	s7 =	sor.u32 s2, s31;
	s2 =	simm.s32 $0x0;
	[dreg:$0x6] =	wrdreg s0  }
.LBB2_66:
0xb: {  	s2 =	rddreg [dreg:$0x7]  }
0xc: {  	s0 =	rddreg [dreg:$0x6];
	s2 =	sadd.s32 $0x1, s2  }
0xd: {  	p0 =	sne.s32 s2, s0  }
.Ltmp1:
0xe: {  	_ = 	snop;
	(pc) =	sbr.rel @!p0 .LBB2_67-.Ltmp1, $1  }
0xf: {  	_ =	sdelay $0x3  }
.LBB2_1:
0x10: {  	[dreg:$0x7] =	wrdreg s2  }
0x11: {  	s0 =	rddreg [dreg:$0x4];
	s31 =	simm.s32 $0x12080  }
0x12: {  	[tilespmem:s31], [sflag:$0x3] =	stream.linear.gather [hbm4b:s0+s3], $0x1, $0x38;
	[tilespmem:$0x12100] =	vst v63  }
0x13: {  	_ =	swait.ge [sflag:s10], $0x1  }
0x14: {  	[sflag:s10] =	ssyncset.done $0x0  }
0x15: {  	[sflag:s10] =	ssyncadd.s32 $0xFFFFFFFF  }
0x16: {  	v2 =	vld [tilespmem:$0x12080];
	_ =	sdelay $0x4  }
0x17: {  	(v2sf) =	vpush v2, $0x0;
	_ =	sdelay $0xa  }
.Ltmp2:
0x18: {  	_ = 	snop;
	(pc) =	sbr.rel .LBB2_2-.Ltmp2, $2  }
0x19: {  	_ =	sdelay $0x2  }
0x1a: {  	s20 =	simm.s32 $0x0;
	v2 =	vbroadcast v2, $0x0;
	s19 =	spop (v2sf)  }
.LBB2_56:
0x1b: {  	v3 =	vimm.s32 $0x80000000  }
.LBB2_64:
0x1c: {  	(xrf0) =	vmax.scan.msk.u32 $0xffff, v3;
	_ =	sdelay $0x5  }
0x1d: {  	v3, _, _ =	vpop (xrf0)  }
0x1e: {  	(v2sf) =	vpush v3, $0xF;
	_ =	sdelay $0xe  }
0x1f: {  	s0 =	spop (v2sf)  }
0x20: {  	s0 =	sxor.u32 $0x80000000, s0  }
.LBB2_65:
0x21: {  	v3 =	vld [tilespmem:$0x4E80]  }
0x22: {  	p0 =	slt.s32 s0, $0x100;
	v4 =	vld [tilespmem:$0xB680]  }
0x23: {  	v5 =	vld [tilespmem:$0x4E90];
	s0 =	simm.s32 @!p0 $0x100  }
0x24: {  	v7 =	vld [tilespmem:$0xB690];
	v6 =	vmov s0  }
0x25: {  	v8 =	vld [tilespmem:$0x4EA0];
	vm0 =	vgt.s32 v6, v1  }
0x26: {  	v9 =	vor.u32 $0x10, v1;
	v10 =	vld [tilespmem:$0xB6A0];
	v3 =	vsel vm0, v3, v2  }
0x27: {  	v23 =	vld [tilespmem:$0x4EB0];
	vm13 =	vgt.s32 v6, v9;
	[tilespmem:$0x11E80] =	vst v3;
	v3 =	vnsel vm0, $0x0, v4  }
0x28: {  	v24 =	vor.u32 $0x20, v1;
	v58 =	vld [tilespmem:$0xB760];
	[tilespmem:$0x11F80] =	vst v3;
	v3 =	vsel vm13, v5, v2  }
0x29: {  	v25 =	vld [tilespmem:$0xB6B0];
	vm14 =	vgt.s32 v6, v24;
	[tilespmem:$0x11E90] =	vst v3;
	v3 =	vnsel vm13, $0x0, v7  }
0x2a: {  	v26 =	vld [tilespmem:$0x4EC0];
	v27 =	vor.u32 $0x30, v1;
	[tilespmem:$0x11F90] =	vst v3;
	v3 =	vsel vm14, v8, v2  }
0x2b: {  	v28 =	vld [tilespmem:$0xB6C0];
	v60 =	vor.u32 $0xE0, v1;
	vm15 =	vgt.s32 v6, v27;
	[tilespmem:$0x11EA0] =	vst v3;
	v3 =	vnsel vm14, $0x0, v10  }
0x2c: {  	v29 =	vld [tilespmem:$0x4ED0];
	vm14 =	vgt.s32 v6, v60;
	[tilespmem:$0x11FA0] =	vst v3;
	v3 =	vsel vm15, v23, v2  }
0x2d: {  	v30 =	vor.u32 $0x40, v1;
	v31 =	vld [tilespmem:$0xB6D0];
	v63 =	vnsel vm14, $0x0, v58;
	[tilespmem:$0x11EB0] =	vst v3  }
0x2e: {  	v32 =	vld [tilespmem:$0x4EE0];
	vm4 =	vgt.s32 v6, v30;
	v3 =	vnsel vm15, $0x0, v25;
	[tilespmem:$0x12060] =	vst v63  }
0x2f: {  	v33 =	vor.u32 $0x50, v1;
	v34 =	vld [tilespmem:$0xB6E0];
	[tilespmem:$0x11FB0] =	vst v3;
	v3 =	vsel vm4, v26, v2  }
0x30: {  	v35 =	vld [tilespmem:$0x4EF0];
	vm5 =	vgt.s32 v6, v33;
	[tilespmem:$0x11EC0] =	vst v3;
	v3 =	vnsel vm4, $0x0, v28  }
0x31: {  	v36 =	vor.u32 $0x60, v1;
	v37 =	vld [tilespmem:$0xB6F0];
	[tilespmem:$0x11FC0] =	vst v3;
	v3 =	vsel vm5, v29, v2  }
0x32: {  	v38 =	vld [tilespmem:$0x4F00];
	vm6 =	vgt.s32 v6, v36;
	[tilespmem:$0x11ED0] =	vst v3;
	v3 =	vnsel vm5, $0x0, v31  }
0x33: {  	v39 =	vor.u32 $0x70, v1;
	v40 =	vld [tilespmem:$0xB700];
	[tilespmem:$0x11FD0] =	vst v3;
	v3 =	vsel vm6, v32, v2  }
0x34: {  	v41 =	vld [tilespmem:$0x4F10];
	vm7 =	vgt.s32 v6, v39;
	[tilespmem:$0x11EE0] =	vst v3;
	v3 =	vnsel vm6, $0x0, v34  }
0x35: {  	v42 =	vor.u32 $0x80, v1;
	v43 =	vld [tilespmem:$0xB710];
	[tilespmem:$0x11FE0] =	vst v3;
	v3 =	vsel vm7, v35, v2  }
0x36: {  	v44 =	vld [tilespmem:$0x4F20];
	vm8 =	vgt.s32 v6, v42;
	[tilespmem:$0x11EF0] =	vst v3;
	v3 =	vnsel vm7, $0x0, v37  }
0x37: {  	v45 =	vor.u32 $0x90, v1;
	v46 =	vld [tilespmem:$0xB720];
	[tilespmem:$0x11FF0] =	vst v3;
	v3 =	vsel vm8, v38, v2  }
0x38: {  	v47 =	vld [tilespmem:$0x4F30];
	vm9 =	vgt.s32 v6, v45;
	[tilespmem:$0x11F00] =	vst v3;
	v3 =	vnsel vm8, $0x0, v40  }
0x39: {  	v48 =	vor.u32 $0xA0, v1;
	v49 =	vld [tilespmem:$0xB730];
	[tilespmem:$0x12000] =	vst v3;
	v3 =	vsel vm9, v41, v2  }
0x3a: {  	v50 =	vld [tilespmem:$0x4F40];
	vm10 =	vgt.s32 v6, v48;
	[tilespmem:$0x11F10] =	vst v3;
	v3 =	vnsel vm9, $0x0, v43  }
0x3b: {  	v51 =	vor.u32 $0xB0, v1;
	v52 =	vld [tilespmem:$0xB740];
	[tilespmem:$0x12010] =	vst v3;
	v3 =	vsel vm10, v44, v2  }
0x3c: {  	v53 =	vld [tilespmem:$0x4F50];
	vm11 =	vgt.s32 v6, v51;
	[tilespmem:$0x11F20] =	vst v3;
	v3 =	vnsel vm10, $0x0, v46  }
0x3d: {  	v54 =	vor.u32 $0xC0, v1;
	v55 =	vld [tilespmem:$0xB750];
	[tilespmem:$0x12020] =	vst v3;
	v3 =	vsel vm11, v47, v2  }
0x3e: {  	v56 =	vld [tilespmem:$0x4F60];
	vm12 =	vgt.s32 v6, v54;
	[tilespmem:$0x11F30] =	vst v3;
	v3 =	vnsel vm11, $0x0, v49  }
0x3f: {  	v57 =	vor.u32 $0xD0, v1;
	v59 =	vld [tilespmem:$0x4F70];
	[tilespmem:$0x12030] =	vst v3;
	v3 =	vsel vm12, v50, v2  }
0x40: {  	v61 =	vld [tilespmem:$0xB770];
	vm13 =	vgt.s32 v6, v57;
	[tilespmem:$0x11F40] =	vst v3;
	v3 =	vnsel vm12, $0x0, v52  }
0x41: {  	[tilespmem:$0x12040] =	vst v3;
	v3 =	vsel vm13, v53, v2  }
0x42: {  	v62 =	vor.u32 $0xF0, v1;
	[tilespmem:$0x11F50] =	vst v3;
	v3 =	vnsel vm13, $0x0, v55  }
0x43: {  	vm15 =	vgt.s32 v6, v62;
	[tilespmem:$0x12050] =	vst v3;
	v3 =	vsel vm14, v56, v2  }
0x44: {  	[tilespmem:$0x11F60] =	vst v3;
	v3 =	vsel vm15, v59, v2  }
0x45: {  	s29 =	sshll.u32 s21, $0x5;
	s2 =	rddreg [dreg:$0x2];
	[tilespmem:$0x11F70] =	vst v3;
	v3 =	vnsel vm15, $0x0, v61  }
0x46: {  	s4 =	simm.s32 $0x11E80;
	s2 =	sadd.s32 s2, s29;
	[tilespmem:$0x12070] =	vst v3  }
0x47: {  	[hbm4b:s2+s3] =	stream.linear.scatter [tilespmem:s4], [sflag:$0x3], $0x100, $0x38;
	[tilespmem:$0x12100] =	vst v63  }
0x48: {  	s31 =	simm.s32 $0x11F80;
	s20 =	sadd.s32 $0x1, s20;
	_ =	swait.ge [sflag:s10], $0x100  }
0x49: {  	p0 =	sne.s32 s20, $0x4;
	[sflag:s10] =	ssyncset.done $0x0;
	s30 =	rddreg [dreg:$0x5]  }
.Ltmp3:
0x4a: {  	[sflag:s10] =	ssyncadd.s32 $0xFFFFFF00;
	s0 =	sadd.s32 s30, s29;
	(pc) =	sbr.rel @!p0 .LBB2_66-.Ltmp3, $4  }
0x4b: {  	[hbm4b:s0+s3] =	stream.linear.scatter [tilespmem:s31], [sflag:$0x3], $0x100, $0x38;
	[tilespmem:$0x12100] =	vst v63  }
0x4c: {  	_ =	swait.ge [sflag:s10], $0x100  }
0x4d: {  	[sflag:s10] =	ssyncset.done $0x0  }
0x4e: {  	[sflag:s10] =	ssyncadd.s32 $0xFFFFFF00  }
.LBB2_2:
0x4f: {  	s21 =	sadd.s32 s7, s20  }
0x50: {  	s23 =	smul.u32 $0x186A0, s21  }
.Ltmp4:
0x51: {  	_ = 	snop;
	(pc) =	sbr.rel .LBB2_3-.Ltmp4, $4  }
0x52: {  	s24 =	simm.s32 $0x0;
	s0 =	sshrl.u32 s23, $0x3  }
0x53: {  	s26 =	simm.s32 $0x0;
	s22 =	smov.u32 s19;
	s0 =	sadd.s32 s1, s0  }
0x54: {  	[tilespmem:s24], [sflag:$0x1] =	stream.linear.gather [hbm4b:s0+s24], $0x2710, $0x38;
	[tilespmem:$0x12100] =	vst v63  }
0x55: {  	s28 =	simm.s32 $0x0;
	s25 =	sadd.s32 $0x4E20, s23;
	s0 =	simm.s32 $0x0  }
.LBB2_34:
0x56: {  	v3 =	vimm.s32 $0x80000000  }
.LBB2_42:
0x57: {  	(xrf0) =	vmax.scan.msk.u32 $0xffff, v3;
	_ =	sdelay $0x5  }
0x58: {  	v3, _, _ =	vpop (xrf0)  }
0x59: {  	(v2sf) =	vpush v3, $0xF;
	_ =	sdelay $0xe  }
0x5a: {  	s0 =	spop (v2sf)  }
0x5b: {  	s0 =	sxor.u32 $0x80000000, s0  }
.LBB2_43:
0x5c: {  	s28 =	sadd.s32 $0x1, s28  }
0x5d: {  	p0 =	sne.s32 s28, $0x5  }
.Ltmp5:
0x5e: {  	_ = 	snop;
	(pc) =	sbr.rel @!p0 .LBB2_44-.Ltmp5, $2  }
0x5f: {  	_ =	sdelay $0x2  }
0x60: {  	s26 =	sadd.s32 $0x4E20, s26  }
.LBB2_3:
0x61: {  	s29 =	smul.u32 $0x4E20, s28;
	_ =	sdelay $0x1  }
0x62: {  	s2 =	sadd.s32 s23, s29  }
0x63: {  	s2 =	sshrl.u32 s2, $0x3  }
0x64: {  	p0 =	sne.s32 s28, $0x0;
	s2 =	sadd.s32 s1, s2  }
.Ltmp6:
0x65: {  	s2 =	sadd.s32 $0x4E2, s2;
	(pc) =	sbr.rel @p0 .LBB2_9-.Ltmp6, $4  }
0x66: {  	[tilespmem:s11], [sflag:$0x2] =	stream.linear.gather [hbm4b:s2+s24], $0x2710, $0x38;
	[tilespmem:$0x12100] =	vst v63  }
0x67: {  	_ =	swait.ge [sflag:s12], $0x2710  }
0x68: {  	[sflag:s12] =	ssyncset.done $0x0  }
0x69: {  	[sflag:s12] =	ssyncadd.s32 $0xFFFFD8F0  }
0x6a: {  	s4 =	simm.f32 $-6.400000000e+01;
	s8 =	simm.f32 $6.400000000e+01;
	s5 =	simm.s32 $0x0  }
.LBB2_5:
0x6b: {  	s18 =	simm.s32 $0x0  }
0x6c: {  	s2 =	sadd.f32 s8, s4;
	v6 =	vld [tilespmem:s18+$0x0]  }
0x6d: {  	v7 =	vld [tilespmem:s18+$0x10]  }
0x6e: {  	v4 =	vld [tilespmem:s18+$0x20];
	s9 =	smul.f32 $5.000000000e-01, s2  }
0x6f: {  	v5 =	vld [tilespmem:s18+$0x30]  }
0x70: {  	v8 =	vimm.s32 $0x0;
	s2 =	simm.s32 $0x100;
	v3 =	vmov s9  }
.LBB2_6:
0x71: {  	s18 =	sshra.s32 s2, $0x2;
	p0 =	sne.s32 s2, $0x1F00;
	s2 =	sadd.s32 $0x100, s2;
	vm0 =	vgt.f32 v6, v3  }
.Ltmp7:
0x72: {  	v6 =	vld [tilespmem:s18+$0x0];
	v9 =	vsel vm0, $0x1, v0;
	vm0 =	vgt.f32 v7, v3;
	(pc) =	sbr.rel @p0 .LBB2_6-.Ltmp7, $4  }
0x73: {  	v7 =	vld [tilespmem:s18+$0x10];
	v8 =	vadd.s32 v9, v8;
	v9 =	vsel vm0, $0x1, v0;
	vm0 =	vgt.f32 v4, v3  }
0x74: {  	v4 =	vld [tilespmem:s18+$0x20];
	v8 =	vadd.s32 v9, v8;
	v9 =	vsel vm0, $0x1, v0;
	vm0 =	vgt.f32 v5, v3  }
0x75: {  	v5 =	vld [tilespmem:s18+$0x30];
	v8 =	vadd.s32 v9, v8;
	v9 =	vsel vm0, $0x1, v0  }
0x76: {  	v8 =	vadd.s32 v9, v8  }
0x77: {  	vm0 =	vgt.f32 v6, v3  }
0x78: {  	v6 =	vsel vm0, $0x1, v0;
	vm13 =	vgt.f32 v7, v3  }
0x79: {  	v6 =	vadd.s32 v6, v8;
	v7 =	vsel vm13, $0x1, v0;
	vm14 =	vgt.f32 v4, v3  }
0x7a: {  	v61 =	vadd.s32 v7, v6;
	v62 =	vsel vm14, $0x1, v0;
	vm15 =	vgt.f32 v5, v3  }
0x7b: {  	v3 =	vadd.s32 v62, v61;
	v63 =	vsel vm15, $0x1, v0  }
0x7c: {  	v3 =	vadd.s32 v63, v3  }
0x7d: {  	(xrf0) =	vadd.scan.msk.s32 $0xffff, v3;
	_ =	sdelay $0x5  }
0x7e: {  	v3, _, _ =	vpop (xrf0)  }
0x7f: {  	(v2sf) =	vpush v3, $0xF;
	_ =	sdelay $0xe  }
0x80: {  	s2 =	spop (v2sf)  }
0x81: {  	s5 =	sadd.s32 $0x1, s5;
	p0 =	sgt.s32 s2, $0x7F  }
0x82: {  	s4 =	smov.u32 @p0 s9;
	s9 =	smov.u32 @p0 s8;
	p0 =	sne.s32 s5, $0x15  }
.Ltmp8:
0x83: {  	_ = 	snop;
	(pc) =	sbr.rel @p0 .LBB2_5-.Ltmp8, $2  }
0x84: {  	_ =	sdelay $0x2  }
0x85: {  	s8 =	smov.u32 s9  }
0x86: {  	s22 =	smax.f32 s22, s4  }
.LBB2_9:
0x87: {  	v4 =	vmov s0;
	v3 =	vmov s22;
	s30 =	simm.s32 $0x180;
	s31 =	simm.s32 $0xC0  }
.LBB2_10:
0x88: {  	v5 =	vld [tilespmem:s31+$0xFFFFFF40];
	_ =	sdelay $0x4  }
0x89: {  	vm0 =	vgt.f32 v5, v3  }
0x8a: {  	v6 =	vsel vm0, $0x1, v0  }
0x8b: {  	(xrf0) =	vadd.scan.msk.s32 $0xffff, v6;
	_ =	sdelay $0x4  }
0x8c: {  	v6 =	vsel vm0, $0xFFFFFFFF, v0  }
0x8d: {  	v6 =	vadd.s32 v6, v4;
	v7, _, _ =	vpop (xrf0)  }
0x8e: {  	v6 =	vadd.s32 v7, v6  }
0x8f: {  	vm1 =	vlt.s32 v6, $0x67FF  }
0x90: {  	v6 =	vnsel vm1, $0x67FF, v6;
	_ =	sdelay $0x2  }
0x91: {  	s0 =	sadd.s32 s30, s26  }
0x92: {  	s2 =	sadd.s32 $0xFFFFFE80, s0  }
0x93: {  	[tilespmem:v6+s13+$0x0] =	vst.idx.msk vm0, v5;
	v5 =	vor.u32 s2, v1  }
0x94: {  	[tilespmem:v6+s14+$0x0] =	vst.idx.msk vm0, v5  }
0x95: {  	v5 =	vld [tilespmem:s31+$0xFFFFFF50];
	_ =	sdelay $0x4  }
0x96: {  	vm4 =	vgt.f32 v5, v3  }
0x97: {  	v6 =	vsel vm4, $0x1, v0  }
0x98: {  	(xrf0) =	vadd.scan.msk.s32 $0xffff, v6;
	_ =	sdelay $0x2  }
0x99: {  	v6 =	vmpcnt.ones.xlane vm0;
	_ =	sdelay $0x1  }
0x9a: {  	v4 =	vadd.s32 v4, v6;
	v6 =	vsel vm4, $0xFFFFFFFF, v0  }
0x9b: {  	v6 =	vadd.s32 v6, v4;
	v7, _, _ =	vpop (xrf0)  }
0x9c: {  	v6 =	vadd.s32 v7, v6  }
0x9d: {  	vm5 =	vlt.s32 v6, $0x67FF  }
0x9e: {  	v6 =	vnsel vm5, $0x67FF, v6;
	_ =	sdelay $0x3  }
0x9f: {  	s9 =	sadd.s32 $0xFFFFFE90, s0  }
0xa0: {  	[tilespmem:v6+s13+$0x0] =	vst.idx.msk vm4, v5;
	v5 =	vor.u32 s9, v1  }
0xa1: {  	[tilespmem:v6+s14+$0x0] =	vst.idx.msk vm4, v5  }
0xa2: {  	v5 =	vld [tilespmem:s31+$0xFFFFFF60];
	_ =	sdelay $0x4  }
0xa3: {  	vm6 =	vgt.f32 v5, v3  }
0xa4: {  	v6 =	vsel vm6, $0x1, v0  }
0xa5: {  	(xrf0) =	vadd.scan.msk.s32 $0xffff, v6;
	_ =	sdelay $0x2  }
0xa6: {  	v6 =	vmpcnt.ones.xlane vm4;
	_ =	sdelay $0x1  }
0xa7: {  	v4 =	vadd.s32 v4, v6;
	v6 =	vsel vm6, $0xFFFFFFFF, v0  }
0xa8: {  	v6 =	vadd.s32 v6, v4;
	v7, _, _ =	vpop (xrf0)  }
0xa9: {  	v6 =	vadd.s32 v7, v6  }
0xaa: {  	vm7 =	vlt.s32 v6, $0x67FF  }
0xab: {  	v6 =	vnsel vm7, $0x67FF, v6;
	_ =	sdelay $0x3  }
0xac: {  	s16 =	sadd.s32 $0xFFFFFEA0, s0  }
0xad: {  	[tilespmem:v6+s13+$0x0] =	vst.idx.msk vm6, v5;
	v5 =	vor.u32 s16, v1  }
0xae: {  	[tilespmem:v6+s14+$0x0] =	vst.idx.msk vm6, v5  }
0xaf: {  	v5 =	vld [tilespmem:s31+$0xFFFFFF70];
	_ =	sdelay $0x4  }
0xb0: {  	vm8 =	vgt.f32 v5, v3  }
0xb1: {  	v6 =	vsel vm8, $0x1, v0  }
0xb2: {  	(xrf0) =	vadd.scan.msk.s32 $0xffff, v6;
	_ =	sdelay $0x2  }
0xb3: {  	v6 =	vmpcnt.ones.xlane vm6;
	_ =	sdelay $0x1  }
0xb4: {  	v4 =	vadd.s32 v4, v6;
	v6 =	vsel vm8, $0xFFFFFFFF, v0  }
0xb5: {  	v6 =	vadd.s32 v6, v4;
	v7, _, _ =	vpop (xrf0)  }
0xb6: {  	v6 =	vadd.s32 v7, v6  }
0xb7: {  	vm9 =	vlt.s32 v6, $0x67FF  }
0xb8: {  	v6 =	vnsel vm9, $0x67FF, v6;
	_ =	sdelay $0x3  }
0xb9: {  	s17 =	sadd.s32 $0xFFFFFEB0, s0  }
0xba: {  	[tilespmem:v6+s13+$0x0] =	vst.idx.msk vm8, v5;
	v5 =	vor.u32 s17, v1  }
0xbb: {  	[tilespmem:v6+s14+$0x0] =	vst.idx.msk vm8, v5  }
0xbc: {  	v5 =	vld [tilespmem:s31+$0xFFFFFF80];
	_ =	sdelay $0x4  }
0xbd: {  	vm10 =	vgt.f32 v5, v3  }
0xbe: {  	v6 =	vsel vm10, $0x1, v0  }
0xbf: {  	(xrf0) =	vadd.scan.msk.s32 $0xffff, v6;
	_ =	sdelay $0x2  }
0xc0: {  	v6 =	vmpcnt.ones.xlane vm8;
	_ =	sdelay $0x1  }
0xc1: {  	v4 =	vadd.s32 v4, v6;
	v6 =	vsel vm10, $0xFFFFFFFF, v0  }
0xc2: {  	v6 =	vadd.s32 v6, v4;
	v7, _, _ =	vpop (xrf0)  }
0xc3: {  	v6 =	vadd.s32 v7, v6  }
0xc4: {  	vm11 =	vlt.s32 v6, $0x67FF  }
0xc5: {  	v6 =	vnsel vm11, $0x67FF, v6;
	_ =	sdelay $0x3  }
0xc6: {  	s18 =	sadd.s32 $0xFFFFFEC0, s0  }
0xc7: {  	[tilespmem:v6+s13+$0x0] =	vst.idx.msk vm10, v5;
	v5 =	vor.u32 s18, v1  }
0xc8: {  	[tilespmem:v6+s14+$0x0] =	vst.idx.msk vm10, v5  }
0xc9: {  	v5 =	vld [tilespmem:s31+$0xFFFFFF90];
	_ =	sdelay $0x4  }
0xca: {  	vm12 =	vgt.f32 v5, v3  }
0xcb: {  	v6 =	vsel vm12, $0x1, v0  }
0xcc: {  	(xrf0) =	vadd.scan.msk.s32 $0xffff, v6;
	_ =	sdelay $0x2  }
0xcd: {  	v6 =	vmpcnt.ones.xlane vm10;
	_ =	sdelay $0x1  }
0xce: {  	v4 =	vadd.s32 v4, v6;
	v6 =	vsel vm12, $0xFFFFFFFF, v0  }
0xcf: {  	v6 =	vadd.s32 v6, v4;
	v7, _, _ =	vpop (xrf0)  }
0xd0: {  	v6 =	vadd.s32 v7, v6  }
0xd1: {  	vm13 =	vlt.s32 v6, $0x67FF  }
0xd2: {  	v6 =	vnsel vm13, $0x67FF, v6;
	_ =	sdelay $0x3  }
0xd3: {  	s4 =	sadd.s32 $0xFFFFFED0, s0  }
0xd4: {  	[tilespmem:v6+s13+$0x0] =	vst.idx.msk vm12, v5;
	v5 =	vor.u32 s4, v1  }
0xd5: {  	[tilespmem:v6+s14+$0x0] =	vst.idx.msk vm12, v5  }
0xd6: {  	v5 =	vld [tilespmem:s31+$0xFFFFFFA0];
	_ =	sdelay $0x4  }
0xd7: {  	vm14 =	vgt.f32 v5, v3  }
0xd8: {  	v6 =	vsel vm14, $0x1, v0  }
0xd9: {  	(xrf0) =	vadd.scan.msk.s32 $0xffff, v6;
	_ =	sdelay $0x2  }
0xda: {  	v6 =	vmpcnt.ones.xlane vm12;
	_ =	sdelay $0x1  }
0xdb: {  	v4 =	vadd.s32 v4, v6;
	v6 =	vsel vm14, $0xFFFFFFFF, v0  }
0xdc: {  	v6 =	vadd.s32 v6, v4;
	v7, _, _ =	vpop (xrf0)  }
0xdd: {  	v6 =	vadd.s32 v7, v6  }
0xde: {  	vm15 =	vlt.s32 v6, $0x67FF  }
0xdf: {  	v6 =	vnsel vm15, $0x67FF, v6;
	_ =	sdelay $0x3  }
0xe0: {  	s5 =	sadd.s32 $0xFFFFFEE0, s0  }
0xe1: {  	[tilespmem:v6+s13+$0x0] =	vst.idx.msk vm14, v5;
	v5 =	vor.u32 s5, v1  }
0xe2: {  	[tilespmem:v6+s14+$0x0] =	vst.idx.msk vm14, v5  }
0xe3: {  	v5 =	vld [tilespmem:s31+$0xFFFFFFB0];
	_ =	sdelay $0x4  }
0xe4: {  	vm4 =	vgt.f32 v5, v3  }
0xe5: {  	v6 =	vsel vm4, $0x1, v0  }
0xe6: {  	(xrf0) =	vadd.scan.msk.s32 $0xffff, v6;
	_ =	sdelay $0x2  }
0xe7: {  	v6 =	vmpcnt.ones.xlane vm14;
	_ =	sdelay $0x1  }
0xe8: {  	v4 =	vadd.s32 v4, v6;
	v6 =	vsel vm4, $0xFFFFFFFF, v0  }
0xe9: {  	v6 =	vadd.s32 v6, v4;
	v7, _, _ =	vpop (xrf0)  }
0xea: {  	v6 =	vadd.s32 v7, v6  }
0xeb: {  	vm5 =	vlt.s32 v6, $0x67FF  }
0xec: {  	v6 =	vnsel vm5, $0x67FF, v6;
	_ =	sdelay $0x3  }
0xed: {  	s6 =	sadd.s32 $0xFFFFFE80, s30;
	s4 =	sadd.s32 $0xFFFFFEF0, s0;
	s5 =	sadd.s32 $0xFFFFFF00, s30  }
0xee: {  	s5 =	sand.u32 $0x7F80, s5;
	[tilespmem:v6+s13+$0x0] =	vst.idx.msk vm4, v5;
	v5 =	vor.u32 s4, v1;
	s4 =	sand.u32 $0x70, s6  }
0xef: {  	[tilespmem:v6+s14+$0x0] =	vst.idx.msk vm4, v5;
	s2 =	sor.u32 s4, s5  }
0xf0: {  	v5 =	vld [tilespmem:s2+$0x0];
	_ =	sdelay $0x4  }
0xf1: {  	vm6 =	vgt.f32 v5, v3  }
0xf2: {  	v6 =	vsel vm6, $0x1, v0  }
0xf3: {  	(xrf0) =	vadd.scan.msk.s32 $0xffff, v6;
	_ =	sdelay $0x2  }
0xf4: {  	v6 =	vmpcnt.ones.xlane vm4;
	_ =	sdelay $0x1  }
0xf5: {  	v4 =	vadd.s32 v4, v6;
	v6 =	vsel vm6, $0xFFFFFFFF, v0  }
0xf6: {  	v6 =	vadd.s32 v6, v4;
	v7, _, _ =	vpop (xrf0)  }
0xf7: {  	v6 =	vadd.s32 v7, v6  }
0xf8: {  	vm7 =	vlt.s32 v6, $0x67FF  }
0xf9: {  	v6 =	vnsel vm7, $0x67FF, v6;
	_ =	sdelay $0x3  }
0xfa: {  	s8 =	sadd.s32 $0xFFFFFF00, s0  }
0xfb: {  	[tilespmem:v6+s13+$0x0] =	vst.idx.msk vm6, v5;
	v5 =	vor.u32 s8, v1  }
0xfc: {  	[tilespmem:v6+s14+$0x0] =	vst.idx.msk vm6, v5  }
0xfd: {  	v5 =	vld [tilespmem:s31+$0xFFFFFFD0];
	_ =	sdelay $0x4  }
0xfe: {  	vm8 =	vgt.f32 v5, v3  }
0xff: {  	v6 =	vsel vm8, $0x1, v0  }
0x100: {  	(xrf0) =	vadd.scan.msk.s32 $0xffff, v6;
	_ =	sdelay $0x2  }
0x101: {  	v6 =	vmpcnt.ones.xlane vm6;
	_ =	sdelay $0x1  }
0x102: {  	v4 =	vadd.s32 v4, v6;
	v6 =	vsel vm8, $0xFFFFFFFF, v0  }
0x103: {  	v6 =	vadd.s32 v6, v4;
	v7, _, _ =	vpop (xrf0)  }
0x104: {  	v6 =	vadd.s32 v7, v6  }
0x105: {  	vm9 =	vlt.s32 v6, $0x67FF  }
0x106: {  	v6 =	vnsel vm9, $0x67FF, v6;
	_ =	sdelay $0x3  }
0x107: {  	s9 =	sadd.s32 $0xFFFFFF10, s0  }
0x108: {  	[tilespmem:v6+s13+$0x0] =	vst.idx.msk vm8, v5;
	v5 =	vor.u32 s9, v1  }
0x109: {  	[tilespmem:v6+s14+$0x0] =	vst.idx.msk vm8, v5  }
0x10a: {  	v5 =	vld [tilespmem:s31+$0xFFFFFFE0];
	_ =	sdelay $0x4  }
0x10b: {  	vm10 =	vgt.f32 v5, v3  }
0x10c: {  	v6 =	vsel vm10, $0x1, v0  }
0x10d: {  	(xrf0) =	vadd.scan.msk.s32 $0xffff, v6;
	_ =	sdelay $0x2  }
0x10e: {  	v6 =	vmpcnt.ones.xlane vm8;
	_ =	sdelay $0x1  }
0x10f: {  	v4 =	vadd.s32 v4, v6;
	v6 =	vsel vm10, $0xFFFFFFFF, v0  }
0x110: {  	v6 =	vadd.s32 v6, v4;
	v7, _, _ =	vpop (xrf0)  }
0x111: {  	v6 =	vadd.s32 v7, v6  }
0x112: {  	vm11 =	vlt.s32 v6, $0x67FF  }
0x113: {  	v6 =	vnsel vm11, $0x67FF, v6;
	_ =	sdelay $0x3  }
0x114: {  	s16 =	sadd.s32 $0xFFFFFF20, s0  }
0x115: {  	[tilespmem:v6+s13+$0x0] =	vst.idx.msk vm10, v5;
	v5 =	vor.u32 s16, v1  }
0x116: {  	[tilespmem:v6+s14+$0x0] =	vst.idx.msk vm10, v5  }
0x117: {  	v5 =	vld [tilespmem:s31+$0xFFFFFFF0];
	_ =	sdelay $0x4  }
0x118: {  	vm12 =	vgt.f32 v5, v3  }
0x119: {  	v6 =	vsel vm12, $0x1, v0  }
0x11a: {  	(xrf0) =	vadd.scan.msk.s32 $0xffff, v6;
	_ =	sdelay $0x2  }
0x11b: {  	v6 =	vmpcnt.ones.xlane vm10;
	_ =	sdelay $0x1  }
0x11c: {  	v4 =	vadd.s32 v4, v6;
	v6 =	vsel vm12, $0xFFFFFFFF, v0  }
0x11d: {  	v6 =	vadd.s32 v6, v4;
	v7, _, _ =	vpop (xrf0)  }
0x11e: {  	v6 =	vadd.s32 v7, v6  }
0x11f: {  	vm13 =	vlt.s32 v6, $0x67FF  }
0x120: {  	v6 =	vnsel vm13, $0x67FF, v6;
	_ =	sdelay $0x3  }
0x121: {  	s17 =	sadd.s32 $0xFFFFFF30, s0  }
0x122: {  	[tilespmem:v6+s13+$0x0] =	vst.idx.msk vm12, v5;
	v5 =	vor.u32 s17, v1  }
0x123: {  	[tilespmem:v6+s14+$0x0] =	vst.idx.msk vm12, v5  }
0x124: {  	v5 =	vld [tilespmem:s31+$0x0];
	_ =	sdelay $0x4  }
0x125: {  	vm14 =	vgt.f32 v5, v3  }
0x126: {  	v6 =	vsel vm14, $0x1, v0  }
0x127: {  	(xrf0) =	vadd.scan.msk.s32 $0xffff, v6;
	_ =	sdelay $0x2  }
0x128: {  	v6 =	vmpcnt.ones.xlane vm12;
	_ =	sdelay $0x1  }
0x129: {  	v4 =	vadd.s32 v4, v6;
	v6 =	vsel vm14, $0xFFFFFFFF, v0  }
0x12a: {  	v6 =	vadd.s32 v6, v4;
	v7, _, _ =	vpop (xrf0)  }
0x12b: {  	v6 =	vadd.s32 v7, v6  }
0x12c: {  	vm15 =	vlt.s32 v6, $0x67FF  }
0x12d: {  	v6 =	vnsel vm15, $0x67FF, v6;
	_ =	sdelay $0x3  }
0x12e: {  	s18 =	sadd.s32 $0xFFFFFF40, s0  }
0x12f: {  	[tilespmem:v6+s13+$0x0] =	vst.idx.msk vm14, v5;
	v5 =	vor.u32 s18, v1  }
0x130: {  	[tilespmem:v6+s14+$0x0] =	vst.idx.msk vm14, v5  }
0x131: {  	v5 =	vld [tilespmem:s31+$0x10];
	_ =	sdelay $0x4  }
0x132: {  	vm4 =	vgt.f32 v5, v3  }
0x133: {  	v6 =	vsel vm4, $0x1, v0  }
0x134: {  	(xrf0) =	vadd.scan.msk.s32 $0xffff, v6;
	_ =	sdelay $0x2  }
0x135: {  	v6 =	vmpcnt.ones.xlane vm14;
	_ =	sdelay $0x1  }
0x136: {  	v4 =	vadd.s32 v4, v6;
	v6 =	vsel vm4, $0xFFFFFFFF, v0  }
0x137: {  	v6 =	vadd.s32 v6, v4;
	v7, _, _ =	vpop (xrf0)  }
0x138: {  	v6 =	vadd.s32 v7, v6  }
0x139: {  	vm5 =	vlt.s32 v6, $0x67FF  }
0x13a: {  	v6 =	vnsel vm5, $0x67FF, v6;
	_ =	sdelay $0x3  }
0x13b: {  	s5 =	sadd.s32 $0xFFFFFF50, s0  }
0x13c: {  	[tilespmem:v6+s13+$0x0] =	vst.idx.msk vm4, v5;
	v5 =	vor.u32 s5, v1  }
0x13d: {  	[tilespmem:v6+s14+$0x0] =	vst.idx.msk vm4, v5  }
0x13e: {  	v5 =	vld [tilespmem:s31+$0x20];
	_ =	sdelay $0x4  }
0x13f: {  	vm6 =	vgt.f32 v5, v3  }
0x140: {  	v6 =	vsel vm6, $0x1, v0  }
0x141: {  	(xrf0) =	vadd.scan.msk.s32 $0xffff, v6;
	_ =	sdelay $0x2  }
0x142: {  	v6 =	vmpcnt.ones.xlane vm4;
	_ =	sdelay $0x1  }
0x143: {  	v4 =	vadd.s32 v4, v6;
	v6 =	vsel vm6, $0xFFFFFFFF, v0  }
0x144: {  	v6 =	vadd.s32 v6, v4;
	v7, _, _ =	vpop (xrf0)  }
0x145: {  	v6 =	vadd.s32 v7, v6  }
0x146: {  	vm7 =	vlt.s32 v6, $0x67FF  }
0x147: {  	v6 =	vnsel vm7, $0x67FF, v6;
	_ =	sdelay $0x3  }
0x148: {  	s6 =	sadd.s32 $0xFFFFFF60, s0  }
0x149: {  	[tilespmem:v6+s13+$0x0] =	vst.idx.msk vm6, v5;
	v5 =	vor.u32 s6, v1  }
0x14a: {  	[tilespmem:v6+s14+$0x0] =	vst.idx.msk vm6, v5  }
0x14b: {  	v5 =	vld [tilespmem:s31+$0x30];
	_ =	sdelay $0x4  }
0x14c: {  	vm8 =	vgt.f32 v5, v3  }
0x14d: {  	v6 =	vsel vm8, $0x1, v0  }
0x14e: {  	(xrf0) =	vadd.scan.msk.s32 $0xffff, v6;
	_ =	sdelay $0x2  }
0x14f: {  	v6 =	vmpcnt.ones.xlane vm6;
	_ =	sdelay $0x1  }
0x150: {  	v4 =	vadd.s32 v4, v6;
	v6 =	vsel vm8, $0xFFFFFFFF, v0  }
0x151: {  	v6 =	vadd.s32 v6, v4;
	v7, _, _ =	vpop (xrf0)  }
0x152: {  	v6 =	vadd.s32 v7, v6  }
0x153: {  	vm9 =	vlt.s32 v6, $0x67FF  }
0x154: {  	v6 =	vnsel vm9, $0x67FF, v6;
	_ =	sdelay $0x3  }
0x155: {  	s8 =	sadd.s32 $0xFFFFFF70, s0;
	s9 =	sadd.s32 $0xFFFFFF80, s30  }
0x156: {  	s16 =	sand.u32 $0x7F80, s9;
	v7 =	vor.u32 s8, v1;
	[tilespmem:v6+s13+$0x0] =	vst.idx.msk vm8, v5  }
0x157: {  	s2 =	sor.u32 s4, s16;
	[tilespmem:v6+s14+$0x0] =	vst.idx.msk vm8, v7  }
0x158: {  	v5 =	vld [tilespmem:s2+$0x0];
	_ =	sdelay $0x4  }
0x159: {  	vm10 =	vgt.f32 v5, v3  }
0x15a: {  	v6 =	vsel vm10, $0x1, v0  }
0x15b: {  	(xrf0) =	vadd.scan.msk.s32 $0xffff, v6;
	_ =	sdelay $0x2  }
0x15c: {  	v6 =	vmpcnt.ones.xlane vm8;
	_ =	sdelay $0x1  }
0x15d: {  	v4 =	vadd.s32 v4, v6;
	v6 =	vsel vm10, $0xFFFFFFFF, v0  }
0x15e: {  	v6 =	vadd.s32 v6, v4;
	v7, _, _ =	vpop (xrf0)  }
0x15f: {  	v6 =	vadd.s32 v7, v6  }
0x160: {  	vm11 =	vlt.s32 v6, $0x67FF  }
0x161: {  	v6 =	vnsel vm11, $0x67FF, v6;
	_ =	sdelay $0x3  }
0x162: {  	s17 =	sadd.s32 $0xFFFFFF80, s0  }
0x163: {  	[tilespmem:v6+s13+$0x0] =	vst.idx.msk vm10, v5;
	v5 =	vor.u32 s17, v1  }
0x164: {  	[tilespmem:v6+s14+$0x0] =	vst.idx.msk vm10, v5  }
0x165: {  	v5 =	vld [tilespmem:s31+$0x50];
	_ =	sdelay $0x4  }
0x166: {  	vm12 =	vgt.f32 v5, v3  }
0x167: {  	v6 =	vsel vm12, $0x1, v0  }
0x168: {  	(xrf0) =	vadd.scan.msk.s32 $0xffff, v6;
	_ =	sdelay $0x2  }
0x169: {  	v6 =	vmpcnt.ones.xlane vm10;
	_ =	sdelay $0x1  }
0x16a: {  	v4 =	vadd.s32 v4, v6;
	v6 =	vsel vm12, $0xFFFFFFFF, v0  }
0x16b: {  	v6 =	vadd.s32 v6, v4;
	v7, _, _ =	vpop (xrf0)  }
0x16c: {  	v6 =	vadd.s32 v7, v6  }
0x16d: {  	vm13 =	vlt.s32 v6, $0x67FF  }
0x16e: {  	v6 =	vnsel vm13, $0x67FF, v6;
	_ =	sdelay $0x3  }
0x16f: {  	s18 =	sadd.s32 $0xFFFFFF90, s0  }
0x170: {  	[tilespmem:v6+s13+$0x0] =	vst.idx.msk vm12, v5;
	v5 =	vor.u32 s18, v1  }
0x171: {  	[tilespmem:v6+s14+$0x0] =	vst.idx.msk vm12, v5  }
0x172: {  	v5 =	vld [tilespmem:s31+$0x60];
	_ =	sdelay $0x4  }
0x173: {  	vm14 =	vgt.f32 v5, v3  }
0x174: {  	v6 =	vsel vm14, $0x1, v0  }
0x175: {  	(xrf0) =	vadd.scan.msk.s32 $0xffff, v6;
	_ =	sdelay $0x2  }
0x176: {  	v6 =	vmpcnt.ones.xlane vm12;
	_ =	sdelay $0x1  }
0x177: {  	v4 =	vadd.s32 v4, v6;
	v6 =	vsel vm14, $0xFFFFFFFF, v0  }
0x178: {  	v6 =	vadd.s32 v6, v4;
	v7, _, _ =	vpop (xrf0)  }
0x179: {  	v6 =	vadd.s32 v7, v6  }
0x17a: {  	vm15 =	vlt.s32 v6, $0x67FF  }
0x17b: {  	v6 =	vnsel vm15, $0x67FF, v6;
	_ =	sdelay $0x3  }
0x17c: {  	s5 =	sadd.s32 $0xFFFFFFA0, s0  }
0x17d: {  	[tilespmem:v6+s13+$0x0] =	vst.idx.msk vm14, v5;
	v5 =	vor.u32 s5, v1  }
0x17e: {  	[tilespmem:v6+s14+$0x0] =	vst.idx.msk vm14, v5  }
0x17f: {  	v5 =	vld [tilespmem:s31+$0x70];
	_ =	sdelay $0x4  }
0x180: {  	vm4 =	vgt.f32 v5, v3  }
0x181: {  	v6 =	vsel vm4, $0x1, v0  }
0x182: {  	(xrf0) =	vadd.scan.msk.s32 $0xffff, v6;
	_ =	sdelay $0x2  }
0x183: {  	v6 =	vmpcnt.ones.xlane vm14;
	_ =	sdelay $0x1  }
0x184: {  	v4 =	vadd.s32 v4, v6;
	v6 =	vsel vm4, $0xFFFFFFFF, v0  }
0x185: {  	v6 =	vadd.s32 v6, v4;
	v7, _, _ =	vpop (xrf0)  }
0x186: {  	v6 =	vadd.s32 v7, v6  }
0x187: {  	vm5 =	vlt.s32 v6, $0x67FF  }
0x188: {  	v6 =	vnsel vm5, $0x67FF, v6;
	_ =	sdelay $0x3  }
0x189: {  	s6 =	sadd.s32 $0xFFFFFFB0, s0  }
0x18a: {  	[tilespmem:v6+s13+$0x0] =	vst.idx.msk vm4, v5;
	v5 =	vor.u32 s6, v1  }
0x18b: {  	[tilespmem:v6+s14+$0x0] =	vst.idx.msk vm4, v5  }
0x18c: {  	v5 =	vld [tilespmem:s31+$0x80];
	_ =	sdelay $0x4  }
0x18d: {  	vm6 =	vgt.f32 v5, v3  }
0x18e: {  	v6 =	vsel vm6, $0x1, v0  }
0x18f: {  	(xrf0) =	vadd.scan.msk.s32 $0xffff, v6;
	_ =	sdelay $0x2  }
0x190: {  	v6 =	vmpcnt.ones.xlane vm4;
	_ =	sdelay $0x1  }
0x191: {  	v4 =	vadd.s32 v4, v6;
	v6 =	vsel vm6, $0xFFFFFFFF, v0  }
0x192: {  	v6 =	vadd.s32 v6, v4;
	v7, _, _ =	vpop (xrf0)  }
0x193: {  	v6 =	vadd.s32 v7, v6  }
0x194: {  	vm7 =	vlt.s32 v6, $0x67FF  }
0x195: {  	v6 =	vnsel vm7, $0x67FF, v6;
	_ =	sdelay $0x3  }
0x196: {  	s8 =	sadd.s32 $0xFFFFFFC0, s0  }
0x197: {  	[tilespmem:v6+s13+$0x0] =	vst.idx.msk vm6, v5;
	v5 =	vor.u32 s8, v1  }
0x198: {  	[tilespmem:v6+s14+$0x0] =	vst.idx.msk vm6, v5  }
0x199: {  	v5 =	vld [tilespmem:s31+$0x90];
	_ =	sdelay $0x4  }
0x19a: {  	vm8 =	vgt.f32 v5, v3  }
0x19b: {  	v6 =	vsel vm8, $0x1, v0  }
0x19c: {  	(xrf0) =	vadd.scan.msk.s32 $0xffff, v6;
	_ =	sdelay $0x2  }
0x19d: {  	v6 =	vmpcnt.ones.xlane vm6;
	_ =	sdelay $0x1  }
0x19e: {  	v4 =	vadd.s32 v4, v6;
	v6 =	vsel vm8, $0xFFFFFFFF, v0  }
0x19f: {  	v6 =	vadd.s32 v6, v4;
	v7, _, _ =	vpop (xrf0)  }
0x1a0: {  	v6 =	vadd.s32 v7, v6  }
0x1a1: {  	vm9 =	vlt.s32 v6, $0x67FF  }
0x1a2: {  	v6 =	vnsel vm9, $0x67FF, v6;
	_ =	sdelay $0x3  }
0x1a3: {  	s9 =	sadd.s32 $0xFFFFFFD0, s0  }
0x1a4: {  	[tilespmem:v6+s13+$0x0] =	vst.idx.msk vm8, v5;
	v5 =	vor.u32 s9, v1  }
0x1a5: {  	[tilespmem:v6+s14+$0x0] =	vst.idx.msk vm8, v5  }
0x1a6: {  	v5 =	vld [tilespmem:s31+$0xA0];
	_ =	sdelay $0x4  }
0x1a7: {  	vm10 =	vgt.f32 v5, v3  }
0x1a8: {  	v6 =	vsel vm10, $0x1, v0  }
0x1a9: {  	(xrf0) =	vadd.scan.msk.s32 $0xffff, v6;
	_ =	sdelay $0x2  }
0x1aa: {  	v6 =	vmpcnt.ones.xlane vm8;
	_ =	sdelay $0x1  }
0x1ab: {  	v4 =	vadd.s32 v4, v6;
	v6 =	vsel vm10, $0xFFFFFFFF, v0  }
0x1ac: {  	v6 =	vadd.s32 v6, v4;
	v7, _, _ =	vpop (xrf0)  }
0x1ad: {  	v6 =	vadd.s32 v7, v6  }
0x1ae: {  	vm11 =	vlt.s32 v6, $0x67FF  }
0x1af: {  	v6 =	vnsel vm11, $0x67FF, v6;
	_ =	sdelay $0x3  }
0x1b0: {  	s16 =	sadd.s32 $0xFFFFFFE0, s0  }
0x1b1: {  	[tilespmem:v6+s13+$0x0] =	vst.idx.msk vm10, v5;
	v5 =	vor.u32 s16, v1  }
0x1b2: {  	[tilespmem:v6+s14+$0x0] =	vst.idx.msk vm10, v5  }
0x1b3: {  	v5 =	vld [tilespmem:s31+$0xB0];
	_ =	sdelay $0x4  }
0x1b4: {  	vm12 =	vgt.f32 v5, v3  }
0x1b5: {  	v6 =	vsel vm12, $0x1, v0  }
0x1b6: {  	(xrf0) =	vadd.scan.msk.s32 $0xffff, v6;
	_ =	sdelay $0x2  }
0x1b7: {  	v6 =	vmpcnt.ones.xlane vm10;
	_ =	sdelay $0x1  }
0x1b8: {  	v4 =	vadd.s32 v4, v6;
	v6 =	vsel vm12, $0xFFFFFFFF, v0  }
0x1b9: {  	v6 =	vadd.s32 v6, v4;
	v7, _, _ =	vpop (xrf0)  }
0x1ba: {  	v6 =	vadd.s32 v7, v6  }
0x1bb: {  	vm13 =	vlt.s32 v6, $0x67FF  }
0x1bc: {  	v6 =	vnsel vm13, $0x67FF, v6;
	_ =	sdelay $0x3  }
0x1bd: {  	s17 =	sadd.s32 $0xFFFFFFF0, s0  }
0x1be: {  	s18 =	sand.u32 $0x7F80, s30;
	[tilespmem:v6+s13+$0x0] =	vst.idx.msk vm12, v5;
	v5 =	vor.u32 s17, v1  }
0x1bf: {  	s2 =	sor.u32 s4, s18;
	[tilespmem:v6+s14+$0x0] =	vst.idx.msk vm12, v5  }
0x1c0: {  	v5 =	vld [tilespmem:s2+$0x0];
	_ =	sdelay $0x4  }
0x1c1: {  	vm14 =	vgt.f32 v5, v3  }
0x1c2: {  	v6 =	vsel vm14, $0x1, v0  }
0x1c3: {  	(xrf0) =	vadd.scan.msk.s32 $0xffff, v6;
	_ =	sdelay $0x2  }
0x1c4: {  	v6 =	vmpcnt.ones.xlane vm12;
	_ =	sdelay $0x1  }
0x1c5: {  	v4 =	vadd.s32 v4, v6;
	v6 =	vsel vm14, $0xFFFFFFFF, v0  }
0x1c6: {  	v6 =	vadd.s32 v6, v4;
	v7, _, _ =	vpop (xrf0)  }
0x1c7: {  	v6 =	vadd.s32 v7, v6  }
0x1c8: {  	vm15 =	vlt.s32 v6, $0x67FF  }
0x1c9: {  	v6 =	vnsel vm15, $0x67FF, v6  }
0x1ca: {  	p0 =	sne.s32 s30, $0x2700  }
.Ltmp9:
0x1cb: {  	_ = 	snop;
	(pc) =	sbr.rel @p0 .LBB2_10-.Ltmp9, $4  }
0x1cc: {  	_ = 	snop  }
0x1cd: {  	v7 =	vmpcnt.ones.xlane vm14  }
0x1ce: {  	[tilespmem:v6+s13+$0x0] =	vst.idx.msk vm14, v5;
	v5 =	vor.u32 s0, v1  }
0x1cf: {  	s30 =	sadd.s32 $0x190, s30;
	s31 =	sadd.s32 $0x190, s31;
	v4 =	vadd.s32 v4, v7;
	[tilespmem:v6+s14+$0x0] =	vst.idx.msk vm14, v5  }
0x1d0: {  	v3 =	vxor.u32 $0x80000000, v4  }
0x1d1: {  	(xrf0) =	vmax.scan.msk.u32 $0xffff, v3;
	_ =	sdelay $0x5  }
0x1d2: {  	v3, _, _ =	vpop (xrf0)  }
0x1d3: {  	(v2sf) =	vpush v3, $0xF;
	_ =	sdelay $0xe  }
0x1d4: {  	s4 =	spop (v2sf)  }
0x1d5: {  	s0 =	sxor.u32 $0x80000000, s4  }
0x1d6: {  	p0 =	slt.s32 s0, $0x1001  }
.Ltmp10:
0x1d7: {  	_ = 	snop;
	(pc) =	sbr.rel @p0 .LBB2_26-.Ltmp10, $1  }
0x1d8: {  	_ =	sdelay $0x3  }
0x1d9: {  	s30 =	simm.s32 $0x0  }
0x1da: {  	v3 =	vmov s0;
	s0 =	simm.f32 $-6.400000000e+01;
	s5 =	simm.f32 $6.400000000e+01;
	s31 =	simm.s32 $0x0  }
.LBB2_13:
0x1db: {  	s8 =	simm.s32 $0x4EA0  }
0x1dc: {  	v5 =	vld [tilespmem:s8+$0x10]  }
0x1dd: {  	s2 =	sadd.f32 s5, s0;
	v6 =	vld [tilespmem:s8+$0xFFFFFFE0]  }
0x1de: {  	v7 =	vld [tilespmem:s8+$0xFFFFFFF0]  }
0x1df: {  	v8 =	vimm.s32 $0x0;
	s16 =	simm.s32 $0x20;
	s17 =	simm.s32 $0x30;
	v10 =	vor.u32 s30, v1;
	v9 =	vld [tilespmem:s8+$0x0];
	s9 =	smul.f32 $5.000000000e-01, s2  }
0x1e0: {  	s18 =	simm.s32 $0x10;
	v11 =	vor.u32 s16, v1;
	v12 =	vor.u32 s17, v1;
	vm1 =	vlt.s32 v10, v3  }
0x1e1: {  	v10 =	vor.u32 s18, v1;
	vm0 =	vlt.s32 v12, v3;
	v4 =	vmov s9  }
0x1e2: {  	vm3 =	vlt.s32 v10, v3;
	vm4 =	vlt.s32 v11, v3;
	vm2 =	vgt.f32 v6, v4  }
0x1e3: {  	s8 =	simm.s32 $0x4EE0;
	vm5 =	vgt.f32 v7, v4;
	vm2 =	vmand vm1, vm2;
	vm1 =	vgt.f32 v5, v4  }
0x1e4: {  	v6 =	vld [tilespmem:s8+$0xFFFFFFE0];
	v7 =	vsel vm2, $0x1, v0;
	vm2 =	vmand vm3, vm5;
	vm3 =	vgt.f32 v9, v4  }
0x1e5: {  	s18 =	simm.s32 $0x40;
	s2 =	simm.s32 $0x80;
	v5 =	vld [tilespmem:s8+$0x10];
	v7 =	vadd.s32 v7, v8;
	v8 =	vsel vm2, $0x1, v0;
	vm2 =	vmand vm4, vm3  }
.LBB2_14:
0x1e6: {  	p0 =	sne.s32 s2, $0x7C0;
	v9 =	vld [tilespmem:s8+$0xFFFFFFF0];
	v7 =	vadd.s32 v8, v7;
	v8 =	vsel vm2, $0x1, v0;
	vm0 =	vmand vm0, vm1  }
0x1e7: {  	v10 =	vor.u32 s18, v1;
	s16 =	sadd.s32 $0x20, s18;
	s17 =	sadd.s32 $0x30, s18;
	v11 =	vld [tilespmem:s8+$0x0];
	v7 =	vadd.s32 v8, v7;
	v8 =	vsel vm0, $0x1, v0  }
0x1e8: {  	s6 =	sadd.s32 $0x10, s18;
	s18 =	smov.u32 s2;
	v12 =	vor.u32 s16, v1;
	v13 =	vor.u32 s17, v1;
	v7 =	vadd.s32 v8, v7  }
.Ltmp11:
0x1e9: {  	vm1 =	vlt.s32 v10, v3;
	v8 =	vor.u32 s6, v1;
	vm0 =	vlt.s32 v13, v3;
	(pc) =	sbr.rel @p0 .LBB2_14-.Ltmp11, $4  }
0x1ea: {  	vm4 =	vlt.s32 v12, v3;
	vm3 =	vlt.s32 v8, v3;
	vm2 =	vgt.f32 v6, v4  }
0x1eb: {  	s8 =	sadd.s32 $0x40, s8;
	vm2 =	vmand vm1, vm2;
	vm5 =	vgt.f32 v9, v4;
	vm1 =	vgt.f32 v5, v4  }
0x1ec: {  	v5 =	vld [tilespmem:s8+$0x10];
	v8 =	vsel vm2, $0x1, v0;
	vm2 =	vmand vm3, vm5;
	vm3 =	vgt.f32 v11, v4  }
0x1ed: {  	s2 =	sadd.s32 $0x40, s2;
	v6 =	vld [tilespmem:s8+$0xFFFFFFE0];
	v7 =	vadd.s32 v8, v7;
	v8 =	vsel vm2, $0x1, v0;
	vm2 =	vmand vm4, vm3  }
0x1ee: {  	v9 =	vld [tilespmem:s8+$0xFFFFFFF0];
	v7 =	vadd.s32 v8, v7;
	v61 =	vsel vm2, $0x1, v0;
	vm0 =	vmand vm0, vm1  }
0x1ef: {  	v10 =	vor.u32 s18, v1;
	s2 =	sadd.s32 $0x20, s18;
	v11 =	vld [tilespmem:s8+$0x0];
	s6 =	sadd.s32 $0x30, s18;
	v7 =	vadd.s32 v61, v7;
	v62 =	vsel vm0, $0x1, v0  }
0x1f0: {  	s17 =	sadd.s32 $0x10, s18;
	v12 =	vor.u32 s2, v1;
	v13 =	vor.u32 s6, v1;
	vm8 =	vlt.s32 v10, v3  }
0x1f1: {  	v63 =	vor.u32 s17, v1;
	v7 =	vadd.s32 v62, v7;
	vm9 =	vlt.s32 v13, v3  }
0x1f2: {  	vm3 =	vlt.s32 v63, v3;
	vm4 =	vlt.s32 v12, v3;
	vm10 =	vgt.f32 v6, v4  }
0x1f3: {  	vm5 =	vgt.f32 v5, v4;
	vm0 =	vmand vm8, vm10;
	vm11 =	vgt.f32 v9, v4  }
0x1f4: {  	vm13 =	vgt.f32 v11, v4;
	v5 =	vsel vm0, $0x1, v0;
	vm12 =	vmand vm3, vm11  }
0x1f5: {  	vm14 =	vmand vm4, vm13;
	v4 =	vadd.s32 v5, v7;
	v5 =	vsel vm12, $0x1, v0  }
0x1f6: {  	vm15 =	vmand vm9, vm5;
	v4 =	vadd.s32 v5, v4;
	v5 =	vsel vm14, $0x1, v0  }
0x1f7: {  	v4 =	vadd.s32 v5, v4;
	v5 =	vsel vm15, $0x1, v0  }
0x1f8: {  	v4 =	vadd.s32 v5, v4  }
0x1f9: {  	(xrf0) =	vadd.scan.msk.s32 $0xffff, v4;
	_ =	sdelay $0x5  }
0x1fa: {  	v4, _, _ =	vpop (xrf0)  }
0x1fb: {  	(v2sf) =	vpush v4, $0xF;
	_ =	sdelay $0xe  }
0x1fc: {  	s18 =	spop (v2sf)  }
0x1fd: {  	s31 =	sadd.s32 $0x1, s31;
	p0 =	sgt.s32 s18, $0x7F  }
0x1fe: {  	s0 =	smov.u32 @p0 s9;
	s9 =	smov.u32 @p0 s5;
	p0 =	sne.s32 s31, $0x15  }
.Ltmp12:
0x1ff: {  	_ = 	snop;
	(pc) =	sbr.rel @p0 .LBB2_13-.Ltmp12, $2  }
0x200: {  	_ =	sdelay $0x2  }
0x201: {  	s5 =	smov.u32 s9  }
0x202: {  	s2 =	sadd.s32 $0x8000000F, s4  }
0x203: {  	s4 =	sand.u32 $0xF, s2  }
0x204: {  	s5 =	sshra.s32 s2, $0x1F;
	p0 =	slt.s32 s2, $0x1;
	p1 =	sne.s32 s4, $0x0  }
0x205: {  	s31 =	sshrl.u32 s5, $0x1C;
	p0 =	por !p0, !p1  }
0x206: {  	s4 =	simm.s32 $0x1;
	s2 =	sadd.s32 s31, s2;
	p0 =	por !p0, !p0  }
0x207: {  	s2 =	sshra.s32 s2, $0x4;
	s4 =	simm.s32 @!p0 $0x0  }
0x208: {  	s2 =	ssub.s32 s2, s4  }
0x209: {  	p0 =	slt.s32 s2, $0x1  }
.Ltmp13:
0x20a: {  	_ = 	snop;
	(pc) =	sbr.rel @p0 .LBB2_17-.Ltmp13, $2  }
0x20b: {  	_ =	sdelay $0x2  }
0x20c: {  	s22 =	smax.f32 s22, s0  }
0x20d: {  	p1 =	sne.s32 s2, $0x1  }
.Ltmp14:
0x20e: {  	_ = 	snop;
	(pc) =	sbr.rel @!p1 .LBB2_19-.Ltmp14, $3  }
0x20f: {  	_ =	sdelay $0x1  }
0x210: {  	s5 =	simm.s32 $0x4E80;
	s0 =	simm.s32 $0xB680  }
0x211: {  	v4 =	vmov s22;
	v8 =	vimm.s32 $0x0;
	s4 =	simm.s32 $0x0;
	s2 =	sadd.s32 $0xFFFFFFFF, s2;
	p0 =	por $0x0, $0x0;
	v5 =	vld [tilespmem:s5+$0x0]  }
0x212: {  	_ =	sdelay $0x2  }
0x213: {  	v6 =	vor.u32 s4, v1  }
0x214: {  	vm0 =	vlt.s32 v6, v3;
	vm1 =	vgt.f32 v5, v4  }
0x215: {  	vm0 =	vmand vm0, vm1  }
0x216: {  	v6 =	vsel vm0, $0x1, v0  }
0x217: {  	(xrf0) =	vadd.scan.msk.s32 $0xffff, v6;
	_ =	sdelay $0x5  }
0x218: {  	v7, _, _ =	vpop (xrf0)  }
0x219: {  	v6 =	vsub.s32 v7, v6  }
0x21a: {  	v6 =	vadd.s32 v8, v6  }
0x21b: {  	v9 =	vld [tilespmem:s0+$0x0];
	_ =	sdelay $0x1  }
0x21c: {  	p1 =	sne.s32 s2, $0x1  }
.Ltmp15:
0x21d: {  	_ = 	snop;
	(pc) =	sbr.rel @!p1 .LBB2_21-.Ltmp15, $4  }
0x21e: {  	v7 =	vmpcnt.ones.xlane vm0;
	[tilespmem:v6+s13+$0x0] =	vst.idx.msk vm0, v5  }
0x21f: {  	s9 =	simm.s32 $0x4E90;
	[tilespmem:v6+s14+$0x0] =	vst.idx.msk vm0, v9  }
0x220: {  	s18 =	sadd.s32 $0xFFFFFFFF, s2;
	v7 =	vadd.s32 v8, v7;
	v5 =	vld [tilespmem:s9+$0x0]  }
0x221: {  	p0 =	por $0x1, $0x1;
	s8 =	simm.s32 $0x0;
	s5 =	simm.s32 $0xB680;
	v6 =	vmov v7  }
.LBB2_22:
0x222: {  	p1 =	sne.s32 s18, $0x1  }
0x223: {  	s8 =	sadd.s32 $0x10, s8  }
0x224: {  	v8 =	vor.u32 s8, v1  }
0x225: {  	vm0 =	vlt.s32 v8, v3;
	vm1 =	vgt.f32 v5, v4  }
0x226: {  	vm0 =	vmand vm0, vm1  }
0x227: {  	v8 =	vsel vm0, $0x1, v0;
	v9 =	vmpcnt.ones.xlane vm0  }
0x228: {  	(xrf0) =	vadd.scan.msk.s32 $0xffff, v8  }
0x229: {  	v7 =	vadd.s32 v7, v9;
	_ =	sdelay $0x4  }
0x22a: {  	v9, _, _ =	vpop (xrf0)  }
0x22b: {  	v8 =	vsub.s32 v9, v8  }
0x22c: {  	s5 =	sadd.s32 $0x10, s5;
	v8 =	vadd.s32 v6, v8;
	v6 =	vmov v7  }
0x22d: {  	v9 =	vld [tilespmem:s5+$0x0];
	_ =	sdelay $0x2  }
.Ltmp16:
0x22e: {  	(pc) =	sbr.rel @p1 .LBB2_22-.Ltmp16, $4  }
0x22f: {  	[tilespmem:v8+s13+$0x0] =	vst.idx.msk vm0, v5  }
0x230: {  	s9 =	sadd.s32 $0x10, s9;
	[tilespmem:v8+s14+$0x0] =	vst.idx.msk vm0, v9  }
0x231: {  	v5 =	vld [tilespmem:s9+$0x0]  }
0x232: {  	s18 =	sadd.s32 $0xFFFFFFFF, s18  }
0x233: {  	v8 =	vmov v7  }
.LBB2_24:
0x234: {  	s2 =	sadd.s32 @p0 $0x10, s8  }
0x235: {  	s4 =	smov.u32 @p0 s2  }
0x236: {  	v7 =	vor.u32 s4, v1  }
0x237: {  	vm1 =	vgt.f32 v5, v4;
	vm0 =	vlt.s32 v7, v3  }
0x238: {  	vm0 =	vmand vm0, vm1  }
0x239: {  	v3 =	vsel vm0, $0x1, v0  }
0x23a: {  	(xrf0) =	vadd.scan.msk.s32 $0xffff, v3;
	_ =	sdelay $0x5  }
0x23b: {  	v4, _, _ =	vpop (xrf0)  }
0x23c: {  	s2 =	sadd.s32 @p0 $0x10, s5;
	v3 =	vsub.s32 v4, v3  }
0x23d: {  	s0 =	smov.u32 @p0 s2;
	v3 =	vadd.s32 v6, v3  }
0x23e: {  	v4 =	vld [tilespmem:s0+$0x0]  }
.Ltmp17:
0x23f: {  	_ = 	snop;
	(pc) =	sbr.rel .LBB2_25-.Ltmp17, $3  }
0x240: {  	v63 =	vmpcnt.ones.xlane vm0;
	_ =	sdelay $0x1  }
0x241: {  	v6 =	vadd.s32 v8, v63;
	[tilespmem:v3+s13+$0x0] =	vst.idx.msk vm0, v5  }
0x242: {  	[tilespmem:v3+s14+$0x0] =	vst.idx.msk vm0, v4;
	v3 =	vxor.u32 $0x80000000, v6  }
.LBB2_17:
0x243: {  	v3 =	vimm.s32 $0x80000000  }
.LBB2_25:
0x244: {  	(xrf0) =	vmax.scan.msk.u32 $0xffff, v3;
	_ =	sdelay $0x5  }
0x245: {  	v3, _, _ =	vpop (xrf0)  }
0x246: {  	(v2sf) =	vpush v3, $0xF;
	_ =	sdelay $0xe  }
0x247: {  	s0 =	spop (v2sf)  }
0x248: {  	s0 =	sxor.u32 $0x80000000, s0  }
.LBB2_26:
0x249: {  	p0 =	seq.s32 s28, $0x4  }
0x24a: {  	s2 =	sadd.s32 @!p0 s29, s25  }
0x24b: {  	s2 =	sshrl.u32 @!p0 s2, $0x3  }
0x24c: {  	s4 =	simm.s32 @!p0 $0x0;
	s2 =	sadd.s32 @!p0 s1, s2  }
0x24d: {  	[tilespmem:s4], [sflag:$0x1] =	stream.linear.gather @!p0 [hbm4b:s2+s4], $0x2710, $0x38;
	[tilespmem:$0x12100] =	vst v63  }
0x24e: {  	_ =	swait.ge [sflag:s15], $0x2710  }
0x24f: {  	[sflag:s15] =	ssyncset.done $0x0  }
0x250: {  	v4 =	vmov s0;
	v3 =	vmov s22;
	s30 =	simm.s32 $0x2890;
	s29 =	simm.s32 $0x0;
	[sflag:s15] =	ssyncadd.s32 $0xFFFFD8F0  }
.LBB2_27:
0x251: {  	v5 =	vld [tilespmem:s30+$0xFFFFFE80];
	_ =	sdelay $0x4  }
0x252: {  	vm0 =	vgt.f32 v5, v3  }
0x253: {  	v6 =	vsel vm0, $0x1, v0  }
0x254: {  	(xrf0) =	vadd.scan.msk.s32 $0xffff, v6;
	_ =	sdelay $0x4  }
0x255: {  	v6 =	vsel vm0, $0xFFFFFFFF, v0  }
0x256: {  	v6 =	vadd.s32 v6, v4;
	v7, _, _ =	vpop (xrf0)  }
0x257: {  	v6 =	vadd.s32 v7, v6  }
0x258: {  	vm1 =	vlt.s32 v6, $0x67FF  }
0x259: {  	v6 =	vnsel vm1, $0x67FF, v6;
	_ =	sdelay $0x2  }
0x25a: {  	s0 =	sadd.s32 s29, s26  }
0x25b: {  	s2 =	sadd.s32 $0x2710, s0  }
0x25c: {  	[tilespmem:v6+s13+$0x0] =	vst.idx.msk vm0, v5;
	v5 =	vor.u32 s2, v1  }
0x25d: {  	[tilespmem:v6+s14+$0x0] =	vst.idx.msk vm0, v5  }
0x25e: {  	v5 =	vld [tilespmem:s30+$0xFFFFFE90];
	_ =	sdelay $0x4  }
0x25f: {  	vm4 =	vgt.f32 v5, v3  }
0x260: {  	v6 =	vsel vm4, $0x1, v0  }
0x261: {  	(xrf0) =	vadd.scan.msk.s32 $0xffff, v6;
	_ =	sdelay $0x2  }
0x262: {  	v6 =	vmpcnt.ones.xlane vm0;
	_ =	sdelay $0x1  }
0x263: {  	v4 =	vadd.s32 v4, v6;
	v6 =	vsel vm4, $0xFFFFFFFF, v0  }
0x264: {  	v6 =	vadd.s32 v6, v4;
	v7, _, _ =	vpop (xrf0)  }
0x265: {  	v6 =	vadd.s32 v7, v6  }
0x266: {  	vm5 =	vlt.s32 v6, $0x67FF  }
0x267: {  	v6 =	vnsel vm5, $0x67FF, v6;
	_ =	sdelay $0x3  }
0x268: {  	s6 =	sadd.s32 $0x2720, s0  }
0x269: {  	[tilespmem:v6+s13+$0x0] =	vst.idx.msk vm4, v5;
	v5 =	vor.u32 s6, v1  }
0x26a: {  	[tilespmem:v6+s14+$0x0] =	vst.idx.msk vm4, v5  }
0x26b: {  	v5 =	vld [tilespmem:s30+$0xFFFFFEA0];
	_ =	sdelay $0x4  }
0x26c: {  	vm6 =	vgt.f32 v5, v3  }
0x26d: {  	v6 =	vsel vm6, $0x1, v0  }
0x26e: {  	(xrf0) =	vadd.scan.msk.s32 $0xffff, v6;
	_ =	sdelay $0x2  }
0x26f: {  	v6 =	vmpcnt.ones.xlane vm4;
	_ =	sdelay $0x1  }
0x270: {  	v4 =	vadd.s32 v4, v6;
	v6 =	vsel vm6, $0xFFFFFFFF, v0  }
0x271: {  	v6 =	vadd.s32 v6, v4;
	v7, _, _ =	vpop (xrf0)  }
0x272: {  	v6 =	vadd.s32 v7, v6  }
0x273: {  	vm7 =	vlt.s32 v6, $0x67FF  }
0x274: {  	v6 =	vnsel vm7, $0x67FF, v6;
	_ =	sdelay $0x3  }
0x275: {  	s8 =	sadd.s32 $0x2730, s0  }
0x276: {  	[tilespmem:v6+s13+$0x0] =	vst.idx.msk vm6, v5;
	v5 =	vor.u32 s8, v1  }
0x277: {  	[tilespmem:v6+s14+$0x0] =	vst.idx.msk vm6, v5  }
0x278: {  	v5 =	vld [tilespmem:s30+$0xFFFFFEB0];
	_ =	sdelay $0x4  }
0x279: {  	vm8 =	vgt.f32 v5, v3  }
0x27a: {  	v6 =	vsel vm8, $0x1, v0  }
0x27b: {  	(xrf0) =	vadd.scan.msk.s32 $0xffff, v6;
	_ =	sdelay $0x2  }
0x27c: {  	v6 =	vmpcnt.ones.xlane vm6;
	_ =	sdelay $0x1  }
0x27d: {  	v4 =	vadd.s32 v4, v6;
	v6 =	vsel vm8, $0xFFFFFFFF, v0  }
0x27e: {  	v6 =	vadd.s32 v6, v4;
	v7, _, _ =	vpop (xrf0)  }
0x27f: {  	v6 =	vadd.s32 v7, v6  }
0x280: {  	vm9 =	vlt.s32 v6, $0x67FF  }
0x281: {  	v6 =	vnsel vm9, $0x67FF, v6;
	_ =	sdelay $0x3  }
0x282: {  	s9 =	sadd.s32 $0x2740, s0  }
0x283: {  	[tilespmem:v6+s13+$0x0] =	vst.idx.msk vm8, v5;
	v5 =	vor.u32 s9, v1  }
0x284: {  	[tilespmem:v6+s14+$0x0] =	vst.idx.msk vm8, v5  }
0x285: {  	v5 =	vld [tilespmem:s30+$0xFFFFFEC0];
	_ =	sdelay $0x4  }
0x286: {  	vm10 =	vgt.f32 v5, v3  }
0x287: {  	v6 =	vsel vm10, $0x1, v0  }
0x288: {  	(xrf0) =	vadd.scan.msk.s32 $0xffff, v6;
	_ =	sdelay $0x2  }
0x289: {  	v6 =	vmpcnt.ones.xlane vm8;
	_ =	sdelay $0x1  }
0x28a: {  	v4 =	vadd.s32 v4, v6;
	v6 =	vsel vm10, $0xFFFFFFFF, v0  }
0x28b: {  	v6 =	vadd.s32 v6, v4;
	v7, _, _ =	vpop (xrf0)  }
0x28c: {  	v6 =	vadd.s32 v7, v6  }
0x28d: {  	vm11 =	vlt.s32 v6, $0x67FF  }
0x28e: {  	v6 =	vnsel vm11, $0x67FF, v6;
	_ =	sdelay $0x3  }
0x28f: {  	s16 =	sadd.s32 $0x2750, s0  }
0x290: {  	[tilespmem:v6+s13+$0x0] =	vst.idx.msk vm10, v5;
	v5 =	vor.u32 s16, v1  }
0x291: {  	[tilespmem:v6+s14+$0x0] =	vst.idx.msk vm10, v5  }
0x292: {  	v5 =	vld [tilespmem:s30+$0xFFFFFED0];
	_ =	sdelay $0x4  }
0x293: {  	vm12 =	vgt.f32 v5, v3  }
0x294: {  	v6 =	vsel vm12, $0x1, v0  }
0x295: {  	(xrf0) =	vadd.scan.msk.s32 $0xffff, v6;
	_ =	sdelay $0x2  }
0x296: {  	v6 =	vmpcnt.ones.xlane vm10;
	_ =	sdelay $0x1  }
0x297: {  	v4 =	vadd.s32 v4, v6;
	v6 =	vsel vm12, $0xFFFFFFFF, v0  }
0x298: {  	v6 =	vadd.s32 v6, v4;
	v7, _, _ =	vpop (xrf0)  }
0x299: {  	v6 =	vadd.s32 v7, v6  }
0x29a: {  	vm13 =	vlt.s32 v6, $0x67FF  }
0x29b: {  	v6 =	vnsel vm13, $0x67FF, v6;
	_ =	sdelay $0x3  }
0x29c: {  	s17 =	sadd.s32 $0x2760, s0  }
0x29d: {  	[tilespmem:v6+s13+$0x0] =	vst.idx.msk vm12, v5;
	v5 =	vor.u32 s17, v1  }
0x29e: {  	[tilespmem:v6+s14+$0x0] =	vst.idx.msk vm12, v5  }
0x29f: {  	v5 =	vld [tilespmem:s30+$0xFFFFFEE0];
	_ =	sdelay $0x4  }
0x2a0: {  	vm14 =	vgt.f32 v5, v3  }
0x2a1: {  	v6 =	vsel vm14, $0x1, v0  }
0x2a2: {  	(xrf0) =	vadd.scan.msk.s32 $0xffff, v6;
	_ =	sdelay $0x2  }
0x2a3: {  	v6 =	vmpcnt.ones.xlane vm12;
	_ =	sdelay $0x1  }
0x2a4: {  	v4 =	vadd.s32 v4, v6;
	v6 =	vsel vm14, $0xFFFFFFFF, v0  }
0x2a5: {  	v6 =	vadd.s32 v6, v4;
	v7, _, _ =	vpop (xrf0)  }
0x2a6: {  	v6 =	vadd.s32 v7, v6  }
0x2a7: {  	vm15 =	vlt.s32 v6, $0x67FF  }
0x2a8: {  	v6 =	vnsel vm15, $0x67FF, v6;
	_ =	sdelay $0x3  }
0x2a9: {  	s18 =	sadd.s32 $0x2770, s0  }
0x2aa: {  	[tilespmem:v6+s13+$0x0] =	vst.idx.msk vm14, v5;
	v5 =	vor.u32 s18, v1  }
0x2ab: {  	s4 =	sand.u32 $0x3FF0, s29;
	[tilespmem:v6+s14+$0x0] =	vst.idx.msk vm14, v5  }
0x2ac: {  	v5 =	vld [tilespmem:s4+$0x2780];
	_ =	sdelay $0x4  }
0x2ad: {  	vm4 =	vgt.f32 v5, v3  }
0x2ae: {  	v6 =	vsel vm4, $0x1, v0  }
0x2af: {  	(xrf0) =	vadd.scan.msk.s32 $0xffff, v6;
	_ =	sdelay $0x2  }
0x2b0: {  	v6 =	vmpcnt.ones.xlane vm14;
	_ =	sdelay $0x1  }
0x2b1: {  	v4 =	vadd.s32 v4, v6;
	v6 =	vsel vm4, $0xFFFFFFFF, v0  }
0x2b2: {  	v6 =	vadd.s32 v6, v4;
	v7, _, _ =	vpop (xrf0)  }
0x2b3: {  	v6 =	vadd.s32 v7, v6  }
0x2b4: {  	vm5 =	vlt.s32 v6, $0x67FF  }
0x2b5: {  	v6 =	vnsel vm5, $0x67FF, v6;
	_ =	sdelay $0x3  }
0x2b6: {  	s31 =	sadd.s32 $0x2780, s0  }
0x2b7: {  	[tilespmem:v6+s13+$0x0] =	vst.idx.msk vm4, v5;
	v5 =	vor.u32 s31, v1  }
0x2b8: {  	[tilespmem:v6+s14+$0x0] =	vst.idx.msk vm4, v5  }
0x2b9: {  	v5 =	vld [tilespmem:s30+$0xFFFFFF00];
	_ =	sdelay $0x4  }
0x2ba: {  	vm6 =	vgt.f32 v5, v3  }
0x2bb: {  	v6 =	vsel vm6, $0x1, v0  }
0x2bc: {  	(xrf0) =	vadd.scan.msk.s32 $0xffff, v6;
	_ =	sdelay $0x2  }
0x2bd: {  	v6 =	vmpcnt.ones.xlane vm4;
	_ =	sdelay $0x1  }
0x2be: {  	v4 =	vadd.s32 v4, v6;
	v6 =	vsel vm6, $0xFFFFFFFF, v0  }
0x2bf: {  	v6 =	vadd.s32 v6, v4;
	v7, _, _ =	vpop (xrf0)  }
0x2c0: {  	v6 =	vadd.s32 v7, v6  }
0x2c1: {  	vm7 =	vlt.s32 v6, $0x67FF  }
0x2c2: {  	v6 =	vnsel vm7, $0x67FF, v6;
	_ =	sdelay $0x3  }
0x2c3: {  	s5 =	sadd.s32 $0x2790, s0  }
0x2c4: {  	[tilespmem:v6+s13+$0x0] =	vst.idx.msk vm6, v5;
	v5 =	vor.u32 s5, v1  }
0x2c5: {  	[tilespmem:v6+s14+$0x0] =	vst.idx.msk vm6, v5  }
0x2c6: {  	v5 =	vld [tilespmem:s30+$0xFFFFFF10];
	_ =	sdelay $0x4  }
0x2c7: {  	vm8 =	vgt.f32 v5, v3  }
0x2c8: {  	v6 =	vsel vm8, $0x1, v0  }
0x2c9: {  	(xrf0) =	vadd.scan.msk.s32 $0xffff, v6;
	_ =	sdelay $0x2  }
0x2ca: {  	v6 =	vmpcnt.ones.xlane vm6;
	_ =	sdelay $0x1  }
0x2cb: {  	v4 =	vadd.s32 v4, v6;
	v6 =	vsel vm8, $0xFFFFFFFF, v0  }
0x2cc: {  	v6 =	vadd.s32 v6, v4;
	v7, _, _ =	vpop (xrf0)  }
0x2cd: {  	v6 =	vadd.s32 v7, v6  }
0x2ce: {  	vm9 =	vlt.s32 v6, $0x67FF  }
0x2cf: {  	v6 =	vnsel vm9, $0x67FF, v6;
	_ =	sdelay $0x3  }
0x2d0: {  	s6 =	sadd.s32 $0x27A0, s0  }
0x2d1: {  	[tilespmem:v6+s13+$0x0] =	vst.idx.msk vm8, v5;
	v5 =	vor.u32 s6, v1  }
0x2d2: {  	[tilespmem:v6+s14+$0x0] =	vst.idx.msk vm8, v5  }
0x2d3: {  	v5 =	vld [tilespmem:s30+$0xFFFFFF20];
	_ =	sdelay $0x4  }
0x2d4: {  	vm10 =	vgt.f32 v5, v3  }
0x2d5: {  	v6 =	vsel vm10, $0x1, v0  }
0x2d6: {  	(xrf0) =	vadd.scan.msk.s32 $0xffff, v6;
	_ =	sdelay $0x2  }
0x2d7: {  	v6 =	vmpcnt.ones.xlane vm8;
	_ =	sdelay $0x1  }
0x2d8: {  	v4 =	vadd.s32 v4, v6;
	v6 =	vsel vm10, $0xFFFFFFFF, v0  }
0x2d9: {  	v6 =	vadd.s32 v6, v4;
	v7, _, _ =	vpop (xrf0)  }
0x2da: {  	v6 =	vadd.s32 v7, v6  }
0x2db: {  	vm11 =	vlt.s32 v6, $0x67FF  }
0x2dc: {  	v6 =	vnsel vm11, $0x67FF, v6;
	_ =	sdelay $0x3  }
0x2dd: {  	s8 =	sadd.s32 $0x27B0, s0  }
0x2de: {  	[tilespmem:v6+s13+$0x0] =	vst.idx.msk vm10, v5;
	v5 =	vor.u32 s8, v1  }
0x2df: {  	[tilespmem:v6+s14+$0x0] =	vst.idx.msk vm10, v5  }
0x2e0: {  	v5 =	vld [tilespmem:s30+$0xFFFFFF30];
	_ =	sdelay $0x4  }
0x2e1: {  	vm12 =	vgt.f32 v5, v3  }
0x2e2: {  	v6 =	vsel vm12, $0x1, v0  }
0x2e3: {  	(xrf0) =	vadd.scan.msk.s32 $0xffff, v6;
	_ =	sdelay $0x2  }
0x2e4: {  	v6 =	vmpcnt.ones.xlane vm10;
	_ =	sdelay $0x1  }
0x2e5: {  	v4 =	vadd.s32 v4, v6;
	v6 =	vsel vm12, $0xFFFFFFFF, v0  }
0x2e6: {  	v6 =	vadd.s32 v6, v4;
	v7, _, _ =	vpop (xrf0)  }
0x2e7: {  	v6 =	vadd.s32 v7, v6  }
0x2e8: {  	vm13 =	vlt.s32 v6, $0x67FF  }
0x2e9: {  	v6 =	vnsel vm13, $0x67FF, v6;
	_ =	sdelay $0x3  }
0x2ea: {  	s9 =	sadd.s32 $0x27C0, s0  }
0x2eb: {  	[tilespmem:v6+s13+$0x0] =	vst.idx.msk vm12, v5;
	v5 =	vor.u32 s9, v1  }
0x2ec: {  	[tilespmem:v6+s14+$0x0] =	vst.idx.msk vm12, v5  }
0x2ed: {  	v5 =	vld [tilespmem:s30+$0xFFFFFF40];
	_ =	sdelay $0x4  }
0x2ee: {  	vm14 =	vgt.f32 v5, v3  }
0x2ef: {  	v6 =	vsel vm14, $0x1, v0  }
0x2f0: {  	(xrf0) =	vadd.scan.msk.s32 $0xffff, v6;
	_ =	sdelay $0x2  }
0x2f1: {  	v6 =	vmpcnt.ones.xlane vm12;
	_ =	sdelay $0x1  }
0x2f2: {  	v4 =	vadd.s32 v4, v6;
	v6 =	vsel vm14, $0xFFFFFFFF, v0  }
0x2f3: {  	v6 =	vadd.s32 v6, v4;
	v7, _, _ =	vpop (xrf0)  }
0x2f4: {  	v6 =	vadd.s32 v7, v6  }
0x2f5: {  	vm15 =	vlt.s32 v6, $0x67FF  }
0x2f6: {  	v6 =	vnsel vm15, $0x67FF, v6;
	_ =	sdelay $0x3  }
0x2f7: {  	s16 =	sadd.s32 $0x27D0, s0  }
0x2f8: {  	[tilespmem:v6+s13+$0x0] =	vst.idx.msk vm14, v5;
	v5 =	vor.u32 s16, v1  }
0x2f9: {  	[tilespmem:v6+s14+$0x0] =	vst.idx.msk vm14, v5  }
0x2fa: {  	v5 =	vld [tilespmem:s30+$0xFFFFFF50];
	_ =	sdelay $0x4  }
0x2fb: {  	vm4 =	vgt.f32 v5, v3  }
0x2fc: {  	v6 =	vsel vm4, $0x1, v0  }
0x2fd: {  	(xrf0) =	vadd.scan.msk.s32 $0xffff, v6;
	_ =	sdelay $0x2  }
0x2fe: {  	v6 =	vmpcnt.ones.xlane vm14;
	_ =	sdelay $0x1  }
0x2ff: {  	v4 =	vadd.s32 v4, v6;
	v6 =	vsel vm4, $0xFFFFFFFF, v0  }
0x300: {  	v6 =	vadd.s32 v6, v4;
	v7, _, _ =	vpop (xrf0)  }
0x301: {  	v6 =	vadd.s32 v7, v6  }
0x302: {  	vm5 =	vlt.s32 v6, $0x67FF  }
0x303: {  	v6 =	vnsel vm5, $0x67FF, v6;
	_ =	sdelay $0x3  }
0x304: {  	s17 =	sadd.s32 $0x27E0, s0  }
0x305: {  	[tilespmem:v6+s13+$0x0] =	vst.idx.msk vm4, v5;
	v5 =	vor.u32 s17, v1  }
0x306: {  	[tilespmem:v6+s14+$0x0] =	vst.idx.msk vm4, v5  }
0x307: {  	v5 =	vld [tilespmem:s30+$0xFFFFFF60];
	_ =	sdelay $0x4  }
0x308: {  	vm6 =	vgt.f32 v5, v3  }
0x309: {  	v6 =	vsel vm6, $0x1, v0  }
0x30a: {  	(xrf0) =	vadd.scan.msk.s32 $0xffff, v6;
	_ =	sdelay $0x2  }
0x30b: {  	v6 =	vmpcnt.ones.xlane vm4;
	_ =	sdelay $0x1  }
0x30c: {  	v4 =	vadd.s32 v4, v6;
	v6 =	vsel vm6, $0xFFFFFFFF, v0  }
0x30d: {  	v6 =	vadd.s32 v6, v4;
	v7, _, _ =	vpop (xrf0)  }
0x30e: {  	v6 =	vadd.s32 v7, v6  }
0x30f: {  	vm7 =	vlt.s32 v6, $0x67FF  }
0x310: {  	v6 =	vnsel vm7, $0x67FF, v6;
	_ =	sdelay $0x3  }
0x311: {  	s18 =	sadd.s32 $0x27F0, s0  }
0x312: {  	[tilespmem:v6+s13+$0x0] =	vst.idx.msk vm6, v5;
	v5 =	vor.u32 s18, v1  }
0x313: {  	[tilespmem:v6+s14+$0x0] =	vst.idx.msk vm6, v5  }
0x314: {  	v5 =	vld [tilespmem:s4+$0x2800];
	_ =	sdelay $0x4  }
0x315: {  	vm8 =	vgt.f32 v5, v3  }
0x316: {  	v6 =	vsel vm8, $0x1, v0  }
0x317: {  	(xrf0) =	vadd.scan.msk.s32 $0xffff, v6;
	_ =	sdelay $0x2  }
0x318: {  	v6 =	vmpcnt.ones.xlane vm6;
	_ =	sdelay $0x1  }
0x319: {  	v4 =	vadd.s32 v4, v6;
	v6 =	vsel vm8, $0xFFFFFFFF, v0  }
0x31a: {  	v6 =	vadd.s32 v6, v4;
	v7, _, _ =	vpop (xrf0)  }
0x31b: {  	v6 =	vadd.s32 v7, v6  }
0x31c: {  	vm9 =	vlt.s32 v6, $0x67FF  }
0x31d: {  	v6 =	vnsel vm9, $0x67FF, v6;
	_ =	sdelay $0x3  }
0x31e: {  	s31 =	sadd.s32 $0x2800, s0  }
0x31f: {  	[tilespmem:v6+s13+$0x0] =	vst.idx.msk vm8, v5;
	v5 =	vor.u32 s31, v1  }
0x320: {  	[tilespmem:v6+s14+$0x0] =	vst.idx.msk vm8, v5  }
0x321: {  	v5 =	vld [tilespmem:s30+$0xFFFFFF80];
	_ =	sdelay $0x4  }
0x322: {  	vm10 =	vgt.f32 v5, v3  }
0x323: {  	v6 =	vsel vm10, $0x1, v0  }
0x324: {  	(xrf0) =	vadd.scan.msk.s32 $0xffff, v6;
	_ =	sdelay $0x2  }
0x325: {  	v6 =	vmpcnt.ones.xlane vm8;
	_ =	sdelay $0x1  }
0x326: {  	v4 =	vadd.s32 v4, v6;
	v6 =	vsel vm10, $0xFFFFFFFF, v0  }
0x327: {  	v6 =	vadd.s32 v6, v4;
	v7, _, _ =	vpop (xrf0)  }
0x328: {  	v6 =	vadd.s32 v7, v6  }
0x329: {  	vm11 =	vlt.s32 v6, $0x67FF  }
0x32a: {  	v6 =	vnsel vm11, $0x67FF, v6;
	_ =	sdelay $0x3  }
0x32b: {  	s5 =	sadd.s32 $0x2810, s0  }
0x32c: {  	[tilespmem:v6+s13+$0x0] =	vst.idx.msk vm10, v5;
	v5 =	vor.u32 s5, v1  }
0x32d: {  	[tilespmem:v6+s14+$0x0] =	vst.idx.msk vm10, v5  }
0x32e: {  	v5 =	vld [tilespmem:s30+$0xFFFFFF90];
	_ =	sdelay $0x4  }
0x32f: {  	vm12 =	vgt.f32 v5, v3  }
0x330: {  	v6 =	vsel vm12, $0x1, v0  }
0x331: {  	(xrf0) =	vadd.scan.msk.s32 $0xffff, v6;
	_ =	sdelay $0x2  }
0x332: {  	v6 =	vmpcnt.ones.xlane vm10;
	_ =	sdelay $0x1  }
0x333: {  	v4 =	vadd.s32 v4, v6;
	v6 =	vsel vm12, $0xFFFFFFFF, v0  }
0x334: {  	v6 =	vadd.s32 v6, v4;
	v7, _, _ =	vpop (xrf0)  }
0x335: {  	v6 =	vadd.s32 v7, v6  }
0x336: {  	vm13 =	vlt.s32 v6, $0x67FF  }
0x337: {  	v6 =	vnsel vm13, $0x67FF, v6;
	_ =	sdelay $0x3  }
0x338: {  	s6 =	sadd.s32 $0x2820, s0  }
0x339: {  	[tilespmem:v6+s13+$0x0] =	vst.idx.msk vm12, v5;
	v5 =	vor.u32 s6, v1  }
0x33a: {  	[tilespmem:v6+s14+$0x0] =	vst.idx.msk vm12, v5  }
0x33b: {  	v5 =	vld [tilespmem:s30+$0xFFFFFFA0];
	_ =	sdelay $0x4  }
0x33c: {  	vm14 =	vgt.f32 v5, v3  }
0x33d: {  	v6 =	vsel vm14, $0x1, v0  }
0x33e: {  	(xrf0) =	vadd.scan.msk.s32 $0xffff, v6;
	_ =	sdelay $0x2  }
0x33f: {  	v6 =	vmpcnt.ones.xlane vm12;
	_ =	sdelay $0x1  }
0x340: {  	v4 =	vadd.s32 v4, v6;
	v6 =	vsel vm14, $0xFFFFFFFF, v0  }
0x341: {  	v6 =	vadd.s32 v6, v4;
	v7, _, _ =	vpop (xrf0)  }
0x342: {  	v6 =	vadd.s32 v7, v6  }
0x343: {  	vm15 =	vlt.s32 v6, $0x67FF  }
0x344: {  	v6 =	vnsel vm15, $0x67FF, v6;
	_ =	sdelay $0x3  }
0x345: {  	s8 =	sadd.s32 $0x2830, s0  }
0x346: {  	[tilespmem:v6+s13+$0x0] =	vst.idx.msk vm14, v5;
	v5 =	vor.u32 s8, v1  }
0x347: {  	[tilespmem:v6+s14+$0x0] =	vst.idx.msk vm14, v5  }
0x348: {  	v5 =	vld [tilespmem:s30+$0xFFFFFFB0];
	_ =	sdelay $0x4  }
0x349: {  	vm4 =	vgt.f32 v5, v3  }
0x34a: {  	v6 =	vsel vm4, $0x1, v0  }
0x34b: {  	(xrf0) =	vadd.scan.msk.s32 $0xffff, v6;
	_ =	sdelay $0x2  }
0x34c: {  	v6 =	vmpcnt.ones.xlane vm14;
	_ =	sdelay $0x1  }
0x34d: {  	v4 =	vadd.s32 v4, v6;
	v6 =	vsel vm4, $0xFFFFFFFF, v0  }
0x34e: {  	v6 =	vadd.s32 v6, v4;
	v7, _, _ =	vpop (xrf0)  }
0x34f: {  	v6 =	vadd.s32 v7, v6  }
0x350: {  	vm5 =	vlt.s32 v6, $0x67FF  }
0x351: {  	v6 =	vnsel vm5, $0x67FF, v6;
	_ =	sdelay $0x3  }
0x352: {  	s9 =	sadd.s32 $0x2840, s0  }
0x353: {  	[tilespmem:v6+s13+$0x0] =	vst.idx.msk vm4, v5;
	v5 =	vor.u32 s9, v1  }
0x354: {  	[tilespmem:v6+s14+$0x0] =	vst.idx.msk vm4, v5  }
0x355: {  	v5 =	vld [tilespmem:s30+$0xFFFFFFC0];
	_ =	sdelay $0x4  }
0x356: {  	vm6 =	vgt.f32 v5, v3  }
0x357: {  	v6 =	vsel vm6, $0x1, v0  }
0x358: {  	(xrf0) =	vadd.scan.msk.s32 $0xffff, v6;
	_ =	sdelay $0x2  }
0x359: {  	v6 =	vmpcnt.ones.xlane vm4;
	_ =	sdelay $0x1  }
0x35a: {  	v4 =	vadd.s32 v4, v6;
	v6 =	vsel vm6, $0xFFFFFFFF, v0  }
0x35b: {  	v6 =	vadd.s32 v6, v4;
	v7, _, _ =	vpop (xrf0)  }
0x35c: {  	v6 =	vadd.s32 v7, v6  }
0x35d: {  	vm7 =	vlt.s32 v6, $0x67FF  }
0x35e: {  	v6 =	vnsel vm7, $0x67FF, v6;
	_ =	sdelay $0x3  }
0x35f: {  	s16 =	sadd.s32 $0x2850, s0  }
0x360: {  	[tilespmem:v6+s13+$0x0] =	vst.idx.msk vm6, v5;
	v5 =	vor.u32 s16, v1  }
0x361: {  	[tilespmem:v6+s14+$0x0] =	vst.idx.msk vm6, v5  }
0x362: {  	v5 =	vld [tilespmem:s30+$0xFFFFFFD0];
	_ =	sdelay $0x4  }
0x363: {  	vm8 =	vgt.f32 v5, v3  }
0x364: {  	v6 =	vsel vm8, $0x1, v0  }
0x365: {  	(xrf0) =	vadd.scan.msk.s32 $0xffff, v6;
	_ =	sdelay $0x2  }
0x366: {  	v6 =	vmpcnt.ones.xlane vm6;
	_ =	sdelay $0x1  }
0x367: {  	v4 =	vadd.s32 v4, v6;
	v6 =	vsel vm8, $0xFFFFFFFF, v0  }
0x368: {  	v6 =	vadd.s32 v6, v4;
	v7, _, _ =	vpop (xrf0)  }
0x369: {  	v6 =	vadd.s32 v7, v6  }
0x36a: {  	vm9 =	vlt.s32 v6, $0x67FF  }
0x36b: {  	v6 =	vnsel vm9, $0x67FF, v6;
	_ =	sdelay $0x3  }
0x36c: {  	s17 =	sadd.s32 $0x2860, s0  }
0x36d: {  	[tilespmem:v6+s13+$0x0] =	vst.idx.msk vm8, v5;
	v5 =	vor.u32 s17, v1  }
0x36e: {  	[tilespmem:v6+s14+$0x0] =	vst.idx.msk vm8, v5  }
0x36f: {  	v5 =	vld [tilespmem:s30+$0xFFFFFFE0];
	_ =	sdelay $0x4  }
0x370: {  	vm10 =	vgt.f32 v5, v3  }
0x371: {  	v6 =	vsel vm10, $0x1, v0  }
0x372: {  	(xrf0) =	vadd.scan.msk.s32 $0xffff, v6;
	_ =	sdelay $0x2  }
0x373: {  	v6 =	vmpcnt.ones.xlane vm8;
	_ =	sdelay $0x1  }
0x374: {  	v4 =	vadd.s32 v4, v6;
	v6 =	vsel vm10, $0xFFFFFFFF, v0  }
0x375: {  	v6 =	vadd.s32 v6, v4;
	v7, _, _ =	vpop (xrf0)  }
0x376: {  	v6 =	vadd.s32 v7, v6  }
0x377: {  	vm11 =	vlt.s32 v6, $0x67FF  }
0x378: {  	v6 =	vnsel vm11, $0x67FF, v6;
	_ =	sdelay $0x3  }
0x379: {  	s18 =	sadd.s32 $0x2870, s0  }
0x37a: {  	[tilespmem:v6+s13+$0x0] =	vst.idx.msk vm10, v5;
	v5 =	vor.u32 s18, v1  }
0x37b: {  	[tilespmem:v6+s14+$0x0] =	vst.idx.msk vm10, v5  }
0x37c: {  	v5 =	vld [tilespmem:s4+$0x2880];
	_ =	sdelay $0x4  }
0x37d: {  	vm12 =	vgt.f32 v5, v3  }
0x37e: {  	v6 =	vsel vm12, $0x1, v0  }
0x37f: {  	(xrf0) =	vadd.scan.msk.s32 $0xffff, v6;
	_ =	sdelay $0x2  }
0x380: {  	v6 =	vmpcnt.ones.xlane vm10;
	_ =	sdelay $0x1  }
0x381: {  	v4 =	vadd.s32 v4, v6;
	v6 =	vsel vm12, $0xFFFFFFFF, v0  }
0x382: {  	v6 =	vadd.s32 v6, v4;
	v7, _, _ =	vpop (xrf0)  }
0x383: {  	v6 =	vadd.s32 v7, v6  }
0x384: {  	vm13 =	vlt.s32 v6, $0x67FF  }
0x385: {  	v6 =	vnsel vm13, $0x67FF, v6;
	_ =	sdelay $0x3  }
0x386: {  	s31 =	sadd.s32 $0x2880, s0  }
0x387: {  	[tilespmem:v6+s13+$0x0] =	vst.idx.msk vm12, v5;
	v5 =	vor.u32 s31, v1  }
0x388: {  	[tilespmem:v6+s14+$0x0] =	vst.idx.msk vm12, v5  }
0x389: {  	v5 =	vld [tilespmem:s30+$0x0];
	_ =	sdelay $0x4  }
0x38a: {  	vm14 =	vgt.f32 v5, v3  }
0x38b: {  	v6 =	vsel vm14, $0x1, v0  }
0x38c: {  	(xrf0) =	vadd.scan.msk.s32 $0xffff, v6;
	_ =	sdelay $0x2  }
0x38d: {  	v6 =	vmpcnt.ones.xlane vm12;
	_ =	sdelay $0x1  }
0x38e: {  	v4 =	vadd.s32 v4, v6;
	v6 =	vsel vm14, $0xFFFFFFFF, v0  }
0x38f: {  	v6 =	vadd.s32 v6, v4;
	v7, _, _ =	vpop (xrf0)  }
0x390: {  	v6 =	vadd.s32 v7, v6  }
0x391: {  	vm15 =	vlt.s32 v6, $0x67FF  }
0x392: {  	v6 =	vnsel vm15, $0x67FF, v6  }
0x393: {  	p0 =	sne.s32 s29, $0x2580  }
.Ltmp18:
0x394: {  	_ = 	snop;
	(pc) =	sbr.rel @p0 .LBB2_27-.Ltmp18, $4  }
0x395: {  	_ = 	snop  }
0x396: {  	s0 =	sadd.s32 $0x2890, s0;
	v7 =	vmpcnt.ones.xlane vm14  }
0x397: {  	[tilespmem:v6+s13+$0x0] =	vst.idx.msk vm14, v5;
	v5 =	vor.u32 s0, v1  }
0x398: {  	s29 =	sadd.s32 $0x190, s29;
	s30 =	sadd.s32 $0x190, s30;
	v4 =	vadd.s32 v4, v7;
	[tilespmem:v6+s14+$0x0] =	vst.idx.msk vm14, v5  }
0x399: {  	v3 =	vxor.u32 $0x80000000, v4  }
0x39a: {  	(xrf0) =	vmax.scan.msk.u32 $0xffff, v3;
	_ =	sdelay $0x5  }
0x39b: {  	v3, _, _ =	vpop (xrf0)  }
0x39c: {  	(v2sf) =	vpush v3, $0xF;
	_ =	sdelay $0xe  }
0x39d: {  	s4 =	spop (v2sf)  }
0x39e: {  	s0 =	sxor.u32 $0x80000000, s4  }
0x39f: {  	p0 =	slt.s32 s0, $0x1001  }
.Ltmp19:
0x3a0: {  	_ = 	snop;
	(pc) =	sbr.rel @p0 .LBB2_43-.Ltmp19, $1  }
0x3a1: {  	_ =	sdelay $0x3  }
0x3a2: {  	s29 =	simm.s32 $0x0  }
0x3a3: {  	v3 =	vmov s0;
	s0 =	simm.f32 $-6.400000000e+01;
	s9 =	simm.f32 $6.400000000e+01;
	s30 =	simm.s32 $0x0  }
.LBB2_30:
0x3a4: {  	s6 =	simm.s32 $0x4EA0  }
0x3a5: {  	v5 =	vld [tilespmem:s6+$0x10]  }
0x3a6: {  	s2 =	sadd.f32 s9, s0;
	v6 =	vld [tilespmem:s6+$0xFFFFFFE0]  }
0x3a7: {  	v7 =	vld [tilespmem:s6+$0xFFFFFFF0]  }
0x3a8: {  	v8 =	vimm.s32 $0x0;
	s18 =	simm.s32 $0x20;
	s31 =	simm.s32 $0x30;
	v10 =	vor.u32 s29, v1;
	v9 =	vld [tilespmem:s6+$0x0];
	s5 =	smul.f32 $5.000000000e-01, s2  }
0x3a9: {  	s8 =	simm.s32 $0x10;
	v11 =	vor.u32 s18, v1;
	v12 =	vor.u32 s31, v1;
	vm1 =	vlt.s32 v10, v3  }
0x3aa: {  	v10 =	vor.u32 s8, v1;
	vm0 =	vlt.s32 v12, v3;
	v4 =	vmov s5  }
0x3ab: {  	vm3 =	vlt.s32 v10, v3;
	vm4 =	vlt.s32 v11, v3;
	vm2 =	vgt.f32 v6, v4  }
0x3ac: {  	s8 =	simm.s32 $0x4EE0;
	vm5 =	vgt.f32 v7, v4;
	vm2 =	vmand vm1, vm2;
	vm1 =	vgt.f32 v5, v4  }
0x3ad: {  	v6 =	vld [tilespmem:s8+$0xFFFFFFE0];
	v7 =	vsel vm2, $0x1, v0;
	vm2 =	vmand vm3, vm5;
	vm3 =	vgt.f32 v9, v4  }
0x3ae: {  	s18 =	simm.s32 $0x40;
	s2 =	simm.s32 $0x80;
	v5 =	vld [tilespmem:s8+$0x10];
	v7 =	vadd.s32 v7, v8;
	v8 =	vsel vm2, $0x1, v0;
	vm2 =	vmand vm4, vm3  }
.LBB2_31:
0x3af: {  	p0 =	sne.s32 s2, $0x7C0;
	v9 =	vld [tilespmem:s8+$0xFFFFFFF0];
	v7 =	vadd.s32 v8, v7;
	v8 =	vsel vm2, $0x1, v0;
	vm0 =	vmand vm0, vm1  }
0x3b0: {  	v10 =	vor.u32 s18, v1;
	s6 =	sadd.s32 $0x20, s18;
	s16 =	sadd.s32 $0x30, s18;
	v11 =	vld [tilespmem:s8+$0x0];
	v7 =	vadd.s32 v8, v7;
	v8 =	vsel vm0, $0x1, v0  }
0x3b1: {  	s17 =	sadd.s32 $0x10, s18;
	s18 =	smov.u32 s2;
	v12 =	vor.u32 s6, v1;
	v13 =	vor.u32 s16, v1;
	v7 =	vadd.s32 v8, v7  }
.Ltmp20:
0x3b2: {  	vm1 =	vlt.s32 v10, v3;
	v8 =	vor.u32 s17, v1;
	vm0 =	vlt.s32 v13, v3;
	(pc) =	sbr.rel @p0 .LBB2_31-.Ltmp20, $4  }
0x3b3: {  	vm4 =	vlt.s32 v12, v3;
	vm3 =	vlt.s32 v8, v3;
	vm2 =	vgt.f32 v6, v4  }
0x3b4: {  	s8 =	sadd.s32 $0x40, s8;
	vm2 =	vmand vm1, vm2;
	vm5 =	vgt.f32 v9, v4;
	vm1 =	vgt.f32 v5, v4  }
0x3b5: {  	v5 =	vld [tilespmem:s8+$0x10];
	v8 =	vsel vm2, $0x1, v0;
	vm2 =	vmand vm3, vm5;
	vm3 =	vgt.f32 v11, v4  }
0x3b6: {  	s2 =	sadd.s32 $0x40, s2;
	v6 =	vld [tilespmem:s8+$0xFFFFFFE0];
	v7 =	vadd.s32 v8, v7;
	v8 =	vsel vm2, $0x1, v0;
	vm2 =	vmand vm4, vm3  }
0x3b7: {  	v9 =	vld [tilespmem:s8+$0xFFFFFFF0];
	v7 =	vadd.s32 v8, v7;
	v61 =	vsel vm2, $0x1, v0;
	vm0 =	vmand vm0, vm1  }
0x3b8: {  	v10 =	vor.u32 s18, v1;
	s2 =	sadd.s32 $0x20, s18;
	v11 =	vld [tilespmem:s8+$0x0];
	s6 =	sadd.s32 $0x30, s18;
	v7 =	vadd.s32 v61, v7;
	v62 =	vsel vm0, $0x1, v0  }
0x3b9: {  	s18 =	sadd.s32 $0x10, s18;
	v12 =	vor.u32 s2, v1;
	v13 =	vor.u32 s6, v1;
	vm8 =	vlt.s32 v10, v3  }
0x3ba: {  	v63 =	vor.u32 s18, v1;
	v7 =	vadd.s32 v62, v7;
	vm9 =	vlt.s32 v13, v3  }
0x3bb: {  	vm3 =	vlt.s32 v63, v3;
	vm4 =	vlt.s32 v12, v3;
	vm10 =	vgt.f32 v6, v4  }
0x3bc: {  	vm5 =	vgt.f32 v5, v4;
	vm0 =	vmand vm8, vm10;
	vm11 =	vgt.f32 v9, v4  }
0x3bd: {  	vm13 =	vgt.f32 v11, v4;
	v5 =	vsel vm0, $0x1, v0;
	vm12 =	vmand vm3, vm11  }
0x3be: {  	vm14 =	vmand vm4, vm13;
	v4 =	vadd.s32 v5, v7;
	v5 =	vsel vm12, $0x1, v0  }
0x3bf: {  	vm15 =	vmand vm9, vm5;
	v4 =	vadd.s32 v5, v4;
	v5 =	vsel vm14, $0x1, v0  }
0x3c0: {  	v4 =	vadd.s32 v5, v4;
	v5 =	vsel vm15, $0x1, v0  }
0x3c1: {  	v4 =	vadd.s32 v5, v4  }
0x3c2: {  	(xrf0) =	vadd.scan.msk.s32 $0xffff, v4;
	_ =	sdelay $0x5  }
0x3c3: {  	v4, _, _ =	vpop (xrf0)  }
0x3c4: {  	(v2sf) =	vpush v4, $0xF;
	_ =	sdelay $0xe  }
0x3c5: {  	s31 =	spop (v2sf)  }
0x3c6: {  	s30 =	sadd.s32 $0x1, s30;
	p0 =	sgt.s32 s31, $0x7F  }
0x3c7: {  	s0 =	smov.u32 @p0 s5;
	s5 =	smov.u32 @p0 s9;
	p0 =	sne.s32 s30, $0x15  }
.Ltmp21:
0x3c8: {  	_ = 	snop;
	(pc) =	sbr.rel @p0 .LBB2_30-.Ltmp21, $2  }
0x3c9: {  	_ =	sdelay $0x2  }
0x3ca: {  	s9 =	smov.u32 s5  }
0x3cb: {  	s2 =	sadd.s32 $0x8000000F, s4  }
0x3cc: {  	s4 =	sand.u32 $0xF, s2  }
0x3cd: {  	s5 =	sshra.s32 s2, $0x1F;
	p0 =	slt.s32 s2, $0x1;
	p1 =	sne.s32 s4, $0x0  }
0x3ce: {  	s31 =	sshrl.u32 s5, $0x1C;
	p0 =	por !p0, !p1  }
0x3cf: {  	s4 =	simm.s32 $0x1;
	s2 =	sadd.s32 s31, s2;
	p0 =	por !p0, !p0  }
0x3d0: {  	s2 =	sshra.s32 s2, $0x4;
	s4 =	simm.s32 @!p0 $0x0  }
0x3d1: {  	s2 =	ssub.s32 s2, s4  }
0x3d2: {  	p0 =	slt.s32 s2, $0x1  }
.Ltmp22:
0x3d3: {  	_ = 	snop;
	(pc) =	sbr.rel @p0 .LBB2_34-.Ltmp22, $2  }
0x3d4: {  	_ =	sdelay $0x2  }
0x3d5: {  	s22 =	smax.f32 s22, s0  }
0x3d6: {  	p1 =	sne.s32 s2, $0x1  }
.Ltmp23:
0x3d7: {  	_ = 	snop;
	(pc) =	sbr.rel @!p1 .LBB2_36-.Ltmp23, $3  }
0x3d8: {  	_ =	sdelay $0x1  }
0x3d9: {  	s5 =	simm.s32 $0x4E80;
	s0 =	simm.s32 $0xB680  }
0x3da: {  	v4 =	vmov s22;
	v8 =	vimm.s32 $0x0;
	s4 =	simm.s32 $0x0;
	s2 =	sadd.s32 $0xFFFFFFFF, s2;
	p0 =	por $0x0, $0x0;
	v5 =	vld [tilespmem:s5+$0x0]  }
0x3db: {  	_ =	sdelay $0x2  }
0x3dc: {  	v6 =	vor.u32 s4, v1  }
0x3dd: {  	vm0 =	vlt.s32 v6, v3;
	vm1 =	vgt.f32 v5, v4  }
0x3de: {  	vm0 =	vmand vm0, vm1  }
0x3df: {  	v6 =	vsel vm0, $0x1, v0  }
0x3e0: {  	(xrf0) =	vadd.scan.msk.s32 $0xffff, v6;
	_ =	sdelay $0x5  }
0x3e1: {  	v7, _, _ =	vpop (xrf0)  }
0x3e2: {  	v6 =	vsub.s32 v7, v6  }
0x3e3: {  	v6 =	vadd.s32 v8, v6  }
0x3e4: {  	v9 =	vld [tilespmem:s0+$0x0];
	_ =	sdelay $0x1  }
0x3e5: {  	p1 =	sne.s32 s2, $0x1  }
.Ltmp24:
0x3e6: {  	_ = 	snop;
	(pc) =	sbr.rel @!p1 .LBB2_38-.Ltmp24, $4  }
0x3e7: {  	v7 =	vmpcnt.ones.xlane vm0;
	[tilespmem:v6+s13+$0x0] =	vst.idx.msk vm0, v5  }
0x3e8: {  	s9 =	simm.s32 $0x4E90;
	[tilespmem:v6+s14+$0x0] =	vst.idx.msk vm0, v9  }
0x3e9: {  	s18 =	sadd.s32 $0xFFFFFFFF, s2;
	v7 =	vadd.s32 v8, v7;
	v5 =	vld [tilespmem:s9+$0x0]  }
0x3ea: {  	p0 =	por $0x1, $0x1;
	s8 =	simm.s32 $0x0;
	s5 =	simm.s32 $0xB680;
	v6 =	vmov v7  }
.LBB2_39:
0x3eb: {  	p1 =	sne.s32 s18, $0x1  }
0x3ec: {  	s8 =	sadd.s32 $0x10, s8  }
0x3ed: {  	v8 =	vor.u32 s8, v1  }
0x3ee: {  	vm0 =	vlt.s32 v8, v3;
	vm1 =	vgt.f32 v5, v4  }
0x3ef: {  	vm0 =	vmand vm0, vm1  }
0x3f0: {  	v8 =	vsel vm0, $0x1, v0;
	v9 =	vmpcnt.ones.xlane vm0  }
0x3f1: {  	(xrf0) =	vadd.scan.msk.s32 $0xffff, v8  }
0x3f2: {  	v7 =	vadd.s32 v7, v9;
	_ =	sdelay $0x4  }
0x3f3: {  	v9, _, _ =	vpop (xrf0)  }
0x3f4: {  	v8 =	vsub.s32 v9, v8  }
0x3f5: {  	s5 =	sadd.s32 $0x10, s5;
	v8 =	vadd.s32 v6, v8;
	v6 =	vmov v7  }
0x3f6: {  	v9 =	vld [tilespmem:s5+$0x0];
	_ =	sdelay $0x2  }
.Ltmp25:
0x3f7: {  	(pc) =	sbr.rel @p1 .LBB2_39-.Ltmp25, $4  }
0x3f8: {  	[tilespmem:v8+s13+$0x0] =	vst.idx.msk vm0, v5  }
0x3f9: {  	s9 =	sadd.s32 $0x10, s9;
	[tilespmem:v8+s14+$0x0] =	vst.idx.msk vm0, v9  }
0x3fa: {  	v5 =	vld [tilespmem:s9+$0x0]  }
0x3fb: {  	s18 =	sadd.s32 $0xFFFFFFFF, s18  }
0x3fc: {  	v8 =	vmov v7  }
.LBB2_41:
0x3fd: {  	s2 =	sadd.s32 @p0 $0x10, s8  }
0x3fe: {  	s4 =	smov.u32 @p0 s2  }
0x3ff: {  	v7 =	vor.u32 s4, v1  }
0x400: {  	vm1 =	vgt.f32 v5, v4;
	vm0 =	vlt.s32 v7, v3  }
0x401: {  	vm0 =	vmand vm0, vm1  }
0x402: {  	v3 =	vsel vm0, $0x1, v0  }
0x403: {  	(xrf0) =	vadd.scan.msk.s32 $0xffff, v3;
	_ =	sdelay $0x5  }
0x404: {  	v4, _, _ =	vpop (xrf0)  }
0x405: {  	s2 =	sadd.s32 @p0 $0x10, s5;
	v3 =	vsub.s32 v4, v3  }
0x406: {  	s0 =	smov.u32 @p0 s2;
	v3 =	vadd.s32 v6, v3  }
0x407: {  	v4 =	vld [tilespmem:s0+$0x0]  }
.Ltmp26:
0x408: {  	_ = 	snop;
	(pc) =	sbr.rel .LBB2_42-.Ltmp26, $3  }
0x409: {  	v63 =	vmpcnt.ones.xlane vm0;
	_ =	sdelay $0x1  }
0x40a: {  	v6 =	vadd.s32 v8, v63;
	[tilespmem:v3+s13+$0x0] =	vst.idx.msk vm0, v5  }
0x40b: {  	[tilespmem:v3+s14+$0x0] =	vst.idx.msk vm0, v4;
	v3 =	vxor.u32 $0x80000000, v6  }
.LBB2_19:
.Ltmp27:
0x40c: {  	(pc) =	sbr.rel .LBB2_24-.Ltmp27, $2  }
0x40d: {  	_ =	sdelay $0x2  }
0x40e: {  	s8 =	simm.s32 $0x0;
	v6 =	vimm.s32 $0x0;
	s5 =	simm.s32 $0xB680  }
.LBB2_36:
.Ltmp28:
0x40f: {  	(pc) =	sbr.rel .LBB2_41-.Ltmp28, $2  }
0x410: {  	_ =	sdelay $0x2  }
0x411: {  	s8 =	simm.s32 $0x0;
	v6 =	vimm.s32 $0x0;
	s5 =	simm.s32 $0xB680  }
.LBB2_21:
.Ltmp29:
0x412: {  	(pc) =	sbr.rel .LBB2_24-.Ltmp29, $2  }
0x413: {  	_ =	sdelay $0x2  }
0x414: {  	s8 =	simm.s32 $0x0;
	v8 =	vmov v7;
	v6 =	vmov v7;
	s5 =	simm.s32 $0xB680  }
.LBB2_38:
.Ltmp30:
0x415: {  	(pc) =	sbr.rel .LBB2_41-.Ltmp30, $2  }
0x416: {  	_ =	sdelay $0x2  }
0x417: {  	s8 =	simm.s32 $0x0;
	v8 =	vmov v7;
	v6 =	vmov v7;
	s5 =	simm.s32 $0xB680  }
.LBB2_44:
0x418: {  	p0 =	slt.s32 s0, $0x101  }
.Ltmp31:
0x419: {  	_ = 	snop;
	(pc) =	sbr.rel @p0 .LBB2_65-.Ltmp31, $1  }
0x41a: {  	_ =	sdelay $0x3  }
0x41b: {  	s2 =	sadd.s32 $0x3F, s0  }
0x41c: {  	s4 =	sand.u32 $0x3F, s2  }
0x41d: {  	s5 =	sshra.s32 s2, $0x1F;
	p0 =	slt.s32 s2, $0x0;
	p1 =	sne.s32 s4, $0x0  }
.Ltmp32:
0x41e: {  	s31 =	sshrl.u32 s5, $0x1A;
	p0 =	por !p0, !p1;
	(pc) =	sbr.rel .LBB2_46-.Ltmp32, $4  }
0x41f: {  	s4 =	simm.s32 $0x1;
	s2 =	sadd.s32 s31, s2;
	p0 =	por !p0, !p0  }
0x420: {  	s2 =	sshra.s32 s2, $0x6;
	s4 =	simm.s32 @!p0 $0x0  }
0x421: {  	s24 =	simm.s32 $0x0;
	s23 =	ssub.s32 s2, s4  }
0x422: {  	v3 =	vmov s0;
	s25 =	simm.f32 $6.400000000e+01;
	s4 =	simm.f32 $-6.400000000e+01;
	p0 =	slt.s32 s23, $0x1  }
.LBB2_47:
0x423: {  	v4 =	vimm.s32 $0x0  }
.LBB2_54:
0x424: {  	(xrf0) =	vadd.scan.msk.s32 $0xffff, v4;
	_ =	sdelay $0x5  }
0x425: {  	v4, _, _ =	vpop (xrf0)  }
0x426: {  	(v2sf) =	vpush v4, $0xF;
	_ =	sdelay $0xe  }
0x427: {  	s2 =	spop (v2sf)  }
0x428: {  	s24 =	sadd.s32 $0x1, s24;
	p1 =	sgt.s32 s2, $0x7F  }
0x429: {  	s4 =	smov.u32 @p1 s26;
	s26 =	smov.u32 @p1 s25;
	p1 =	sne.s32 s24, $0x15  }
.Ltmp33:
0x42a: {  	_ = 	snop;
	(pc) =	sbr.rel @!p1 .LBB2_55-.Ltmp33, $2  }
0x42b: {  	_ =	sdelay $0x2  }
0x42c: {  	s25 =	smov.u32 s26  }
.LBB2_46:
.Ltmp34:
0x42d: {  	(pc) =	sbr.rel @p0 .LBB2_47-.Ltmp34, $3  }
0x42e: {  	_ = 	snop  }
0x42f: {  	s2 =	sadd.f32 s25, s4;
	_ =	sdelay $0x1  }
0x430: {  	s26 =	smul.f32 $5.000000000e-01, s2  }
0x431: {  	p2 =	sne.s32 s23, $0x1  }
.Ltmp35:
0x432: {  	_ = 	snop;
	(pc) =	sbr.rel @!p2 .LBB2_49-.Ltmp35, $4  }
0x433: {  	_ = 	snop  }
0x434: {  	s9 =	simm.s32 $0x4EA0  }
0x435: {  	v6 =	vld [tilespmem:s9+$0x10]  }
0x436: {  	v5 =	vimm.s32 $0x0;
	s5 =	simm.s32 $0x0;
	s2 =	sadd.s32 $0xFFFFFFFF, s23;
	p1 =	por $0x0, $0x0;
	v4 =	vmov s26;
	v7 =	vld [tilespmem:s9+$0xFFFFFFE0]  }
0x437: {  	v8 =	vld [tilespmem:s9+$0xFFFFFFF0]  }
0x438: {  	s6 =	simm.s32 $0x20;
	v9 =	vld [tilespmem:s9+$0x0];
	s8 =	simm.s32 $0x30  }
0x439: {  	v10 =	vor.u32 s5, v1;
	s31 =	simm.s32 $0x10;
	p2 =	sne.s32 s2, $0x1;
	v11 =	vor.u32 s6, v1;
	v12 =	vor.u32 s8, v1  }
.Ltmp36:
0x43a: {  	vm1 =	vlt.s32 v10, v3;
	v10 =	vor.u32 s31, v1;
	vm0 =	vlt.s32 v12, v3;
	(pc) =	sbr.rel @!p2 .LBB2_51-.Ltmp36, $4  }
0x43b: {  	vm3 =	vlt.s32 v10, v3;
	vm4 =	vlt.s32 v11, v3;
	vm2 =	vgt.f32 v7, v4  }
0x43c: {  	s9 =	simm.s32 $0x4EE0;
	vm2 =	vmand vm1, vm2;
	vm5 =	vgt.f32 v8, v4;
	vm1 =	vgt.f32 v6, v4  }
0x43d: {  	v7 =	vld [tilespmem:s9+$0xFFFFFFE0];
	v8 =	vsel vm2, $0x1, v0;
	vm2 =	vmand vm3, vm5;
	vm3 =	vgt.f32 v9, v4  }
0x43e: {  	s18 =	sadd.s32 $0xFFFFFFFF, s2;
	p1 =	por $0x1, $0x1;
	s8 =	simm.s32 $0x0;
	v6 =	vld [tilespmem:s9+$0x10];
	v8 =	vadd.s32 v8, v5;
	v9 =	vsel vm2, $0x1, v0;
	vm2 =	vmand vm4, vm3  }
.LBB2_52:
0x43f: {  	p2 =	sne.s32 s18, $0x1;
	v10 =	vld [tilespmem:s9+$0xFFFFFFF0];
	v8 =	vadd.s32 v9, v8;
	v9 =	vsel vm2, $0x1, v0;
	vm0 =	vmand vm0, vm1;
	s8 =	sadd.s32 $0x40, s8  }
0x440: {  	v11 =	vor.u32 s8, v1;
	s2 =	sadd.s32 $0x20, s8;
	v12 =	vld [tilespmem:s9+$0x0];
	s6 =	sadd.s32 $0x30, s8;
	v8 =	vadd.s32 v9, v8;
	v9 =	vsel vm0, $0x1, v0  }
0x441: {  	s16 =	sadd.s32 $0x10, s8;
	v13 =	vor.u32 s2, v1;
	v14 =	vor.u32 s6, v1;
	v8 =	vadd.s32 v9, v8  }
.Ltmp37:
0x442: {  	vm1 =	vlt.s32 v11, v3;
	v9 =	vor.u32 s16, v1;
	vm0 =	vlt.s32 v14, v3;
	(pc) =	sbr.rel @p2 .LBB2_52-.Ltmp37, $4  }
0x443: {  	vm3 =	vlt.s32 v9, v3;
	vm4 =	vlt.s32 v13, v3;
	vm2 =	vgt.f32 v7, v4  }
0x444: {  	s9 =	sadd.s32 $0x40, s9;
	vm2 =	vmand vm1, vm2;
	vm5 =	vgt.f32 v10, v4;
	vm1 =	vgt.f32 v6, v4  }
0x445: {  	v6 =	vld [tilespmem:s9+$0x10];
	v9 =	vsel vm2, $0x1, v0;
	vm2 =	vmand vm3, vm5;
	vm3 =	vgt.f32 v12, v4  }
0x446: {  	s18 =	sadd.s32 $0xFFFFFFFF, s18;
	v7 =	vld [tilespmem:s9+$0xFFFFFFE0];
	v8 =	vadd.s32 v9, v8;
	v9 =	vsel vm2, $0x1, v0;
	vm2 =	vmand vm4, vm3  }
.LBB2_53:
0x447: {  	s2 =	sadd.s32 @p1 $0x40, s8;
	v8 =	vadd.s32 @p1 v9, v8;
	v62 =	vld [tilespmem:s9+$0xFFFFFFF0];
	v10 =	vsel @p1 vm2, $0x1, v0;
	vm0 =	vmand @p1 vm0, vm1  }
0x448: {  	v12 =	vld [tilespmem:s9+$0x0];
	s5 =	smov.u32 @p1 s2;
	v8 =	vadd.s32 @p1 v10, v8;
	v10 =	vsel @p1 vm0, $0x1, v0  }
0x449: {  	v11 =	vor.u32 s5, v1;
	s2 =	sadd.s32 $0x20, s5;
	s6 =	sadd.s32 $0x30, s5;
	v8 =	vadd.s32 @p1 v10, v8  }
0x44a: {  	s31 =	sadd.s32 $0x10, s5;
	v13 =	vor.u32 s2, v1;
	v14 =	vor.u32 s6, v1;
	vm8 =	vlt.s32 v11, v3  }
0x44b: {  	v63 =	vor.u32 s31, v1;
	vm5 =	vgt.f32 v6, v4;
	vm9 =	vlt.s32 v14, v3  }
0x44c: {  	vm10 =	vgt.f32 v7, v4;
	vm3 =	vlt.s32 v63, v3;
	vm4 =	vlt.s32 v13, v3  }
0x44d: {  	vm0 =	vmand vm8, vm10;
	vm11 =	vgt.f32 v62, v4;
	vm13 =	vgt.f32 v12, v4  }
.Ltmp38:
0x44e: {  	v4 =	vpsel p1, v8, v5;
	v6 =	vsel vm0, $0x1, v0;
	vm12 =	vmand vm3, vm11;
	(pc) =	sbr.rel .LBB2_54-.Ltmp38, $4  }
0x44f: {  	vm14 =	vmand vm4, vm13;
	v4 =	vadd.s32 v6, v4;
	v5 =	vsel vm12, $0x1, v0  }
0x450: {  	vm15 =	vmand vm9, vm5;
	v4 =	vadd.s32 v5, v4;
	v5 =	vsel vm14, $0x1, v0  }
0x451: {  	v4 =	vadd.s32 v5, v4;
	v5 =	vsel vm15, $0x1, v0  }
0x452: {  	v4 =	vadd.s32 v5, v4  }
.LBB2_49:
.Ltmp39:
0x453: {  	(pc) =	sbr.rel .LBB2_53-.Ltmp39, $2  }
0x454: {  	_ =	sdelay $0x2  }
0x455: {  	s8 =	simm.s32 $0x0  }
.LBB2_51:
.Ltmp40:
0x456: {  	(pc) =	sbr.rel .LBB2_53-.Ltmp40, $2  }
0x457: {  	_ =	sdelay $0x2  }
0x458: {  	s8 =	simm.s32 $0x0  }
.LBB2_55:
0x459: {  	s0 =	sadd.s32 $0xF, s0  }
0x45a: {  	s2 =	sand.u32 $0xF, s0  }
0x45b: {  	s5 =	sshra.s32 s0, $0x1F;
	p0 =	slt.s32 s0, $0x0;
	p1 =	sne.s32 s2, $0x0  }
0x45c: {  	s31 =	sshrl.u32 s5, $0x1C;
	p0 =	por !p0, !p1  }
0x45d: {  	s2 =	simm.s32 $0x1;
	s0 =	sadd.s32 s31, s0;
	p0 =	por !p0, !p0  }
0x45e: {  	s0 =	sshra.s32 s0, $0x4;
	s2 =	simm.s32 @!p0 $0x0  }
0x45f: {  	s2 =	ssub.s32 s0, s2  }
0x460: {  	p0 =	slt.s32 s2, $0x1  }
.Ltmp41:
0x461: {  	_ = 	snop;
	(pc) =	sbr.rel @p0 .LBB2_56-.Ltmp41, $1  }
0x462: {  	_ =	sdelay $0x3  }
0x463: {  	p1 =	sne.s32 s2, $0x1  }
.Ltmp42:
0x464: {  	_ = 	snop;
	(pc) =	sbr.rel @!p1 .LBB2_58-.Ltmp42, $3  }
0x465: {  	_ =	sdelay $0x1  }
0x466: {  	s4 =	smax.f32 s22, s4;
	s5 =	simm.s32 $0x4E80;
	s0 =	simm.s32 $0xB680  }
0x467: {  	v8 =	vimm.s32 $0x0;
	s2 =	sadd.s32 $0xFFFFFFFF, s2;
	p0 =	por $0x0, $0x0;
	v4 =	vmov s4;
	s4 =	simm.s32 $0x0;
	v5 =	vld [tilespmem:s5+$0x0]  }
0x468: {  	_ =	sdelay $0x2  }
0x469: {  	v6 =	vor.u32 s4, v1  }
0x46a: {  	vm0 =	vlt.s32 v6, v3;
	vm1 =	vgt.f32 v5, v4  }
0x46b: {  	vm0 =	vmand vm0, vm1  }
0x46c: {  	v6 =	vsel vm0, $0x1, v0  }
0x46d: {  	(xrf0) =	vadd.scan.msk.s32 $0xffff, v6;
	_ =	sdelay $0x5  }
0x46e: {  	v7, _, _ =	vpop (xrf0)  }
0x46f: {  	v6 =	vsub.s32 v7, v6  }
0x470: {  	v6 =	vadd.s32 v8, v6  }
0x471: {  	v9 =	vld [tilespmem:s0+$0x0];
	_ =	sdelay $0x1  }
0x472: {  	p1 =	sne.s32 s2, $0x1  }
.Ltmp43:
0x473: {  	_ = 	snop;
	(pc) =	sbr.rel @!p1 .LBB2_60-.Ltmp43, $4  }
0x474: {  	v7 =	vmpcnt.ones.xlane vm0;
	[tilespmem:v6+s13+$0x0] =	vst.idx.msk vm0, v5  }
0x475: {  	s9 =	simm.s32 $0x4E90;
	[tilespmem:v6+s14+$0x0] =	vst.idx.msk vm0, v9  }
0x476: {  	s18 =	sadd.s32 $0xFFFFFFFF, s2;
	v7 =	vadd.s32 v8, v7;
	v5 =	vld [tilespmem:s9+$0x0]  }
0x477: {  	p0 =	por $0x1, $0x1;
	s8 =	simm.s32 $0x0;
	s5 =	simm.s32 $0xB680;
	v6 =	vmov v7  }
.LBB2_61:
0x478: {  	p1 =	sne.s32 s18, $0x1  }
0x479: {  	s8 =	sadd.s32 $0x10, s8  }
0x47a: {  	v8 =	vor.u32 s8, v1  }
0x47b: {  	vm0 =	vlt.s32 v8, v3;
	vm1 =	vgt.f32 v5, v4  }
0x47c: {  	vm0 =	vmand vm0, vm1  }
0x47d: {  	v8 =	vsel vm0, $0x1, v0;
	v9 =	vmpcnt.ones.xlane vm0  }
0x47e: {  	(xrf0) =	vadd.scan.msk.s32 $0xffff, v8  }
0x47f: {  	v7 =	vadd.s32 v7, v9;
	_ =	sdelay $0x4  }
0x480: {  	v9, _, _ =	vpop (xrf0)  }
0x481: {  	v8 =	vsub.s32 v9, v8  }
0x482: {  	s5 =	sadd.s32 $0x10, s5;
	v8 =	vadd.s32 v6, v8;
	v6 =	vmov v7  }
0x483: {  	v9 =	vld [tilespmem:s5+$0x0];
	_ =	sdelay $0x2  }
.Ltmp44:
0x484: {  	(pc) =	sbr.rel @p1 .LBB2_61-.Ltmp44, $4  }
0x485: {  	[tilespmem:v8+s13+$0x0] =	vst.idx.msk vm0, v5  }
0x486: {  	s9 =	sadd.s32 $0x10, s9;
	[tilespmem:v8+s14+$0x0] =	vst.idx.msk vm0, v9  }
0x487: {  	v5 =	vld [tilespmem:s9+$0x0]  }
0x488: {  	s18 =	sadd.s32 $0xFFFFFFFF, s18  }
0x489: {  	v8 =	vmov v7  }
.LBB2_63:
0x48a: {  	s2 =	sadd.s32 @p0 $0x10, s8  }
0x48b: {  	s4 =	smov.u32 @p0 s2  }
0x48c: {  	v7 =	vor.u32 s4, v1  }
0x48d: {  	vm1 =	vgt.f32 v5, v4;
	vm0 =	vlt.s32 v7, v3  }
0x48e: {  	vm0 =	vmand vm0, vm1  }
0x48f: {  	v3 =	vsel vm0, $0x1, v0  }
0x490: {  	(xrf0) =	vadd.scan.msk.s32 $0xffff, v3;
	_ =	sdelay $0x5  }
0x491: {  	v4, _, _ =	vpop (xrf0)  }
0x492: {  	s2 =	sadd.s32 @p0 $0x10, s5;
	v3 =	vsub.s32 v4, v3  }
0x493: {  	s0 =	smov.u32 @p0 s2;
	v3 =	vadd.s32 v6, v3  }
0x494: {  	v4 =	vld [tilespmem:s0+$0x0]  }
.Ltmp45:
0x495: {  	_ = 	snop;
	(pc) =	sbr.rel .LBB2_64-.Ltmp45, $3  }
0x496: {  	v63 =	vmpcnt.ones.xlane vm0;
	_ =	sdelay $0x1  }
0x497: {  	v6 =	vadd.s32 v8, v63;
	[tilespmem:v3+s13+$0x0] =	vst.idx.msk vm0, v5  }
0x498: {  	[tilespmem:v3+s14+$0x0] =	vst.idx.msk vm0, v4;
	v3 =	vxor.u32 $0x80000000, v6  }
.LBB2_58:
.Ltmp46:
0x499: {  	(pc) =	sbr.rel .LBB2_63-.Ltmp46, $2  }
0x49a: {  	_ =	sdelay $0x2  }
0x49b: {  	s8 =	simm.s32 $0x0;
	v6 =	vimm.s32 $0x0;
	s5 =	simm.s32 $0xB680  }
.LBB2_60:
.Ltmp47:
0x49c: {  	(pc) =	sbr.rel .LBB2_63-.Ltmp47, $2  }
0x49d: {  	_ =	sdelay $0x2  }
0x49e: {  	s8 =	simm.s32 $0x0;
	v8 =	vmov v7;
	v6 =	vmov v7;
	s5 =	simm.s32 $0xB680  }
.LBB2_67:
0x49f: {  	_ =	sfence.sel $0x180000  }
0x4a0: {  	[bflag:$0x0] =	sbarrier.arrive $0xFFFF  }
0x4a1: {  	_ =	strace $0x90000047  }
0x4a2: {  	s0 =	stileid.u32;
	[bflag:$0x2] =	sbarrier.arrive $0xFFFF  }
0x4a3: {  	p0 =	sne.s32 s0, $0x0;
	s0 =	rddreg [dreg:$0x3]  }
0x4a4: {  	s0 =	sadd.s32 @!p0 $0x100000, s0  }
0x4a5: {  	[sflag:s0] =	ssyncadd.tile.s32 @!p0 $0x1;
	_ =	shalt  }
.Lfunc_end2:
_tile_overlayer_lowered:
.L_overlay_start_2:
0x4a6: {  	(tag) =	ssettag $0x2  }
0x4a7: {  	s0 =	rddreg [dreg:$0x0];
	s2 =	stileid.u32  }
0x4a8: {  	s1 =	rddreg [dreg:$0x1];
	p0 =	sne.s32 s2, $0x0  }
0x4a9: {  	s3 =	rddreg [dreg:$0x2];
	[bflag:$0x3] =	sbarrier.arrive $0xFFFF;
	s2 =	simm.s32 @!p0 $0x1C03  }
0x4aa: {  	[timem:s3], [sflag:s2] =	dma.local @!p0 [hbm:s0], s1  }
0x4ab: {  	s0 =	simm.s32 @!p0 $0x3  }
0x4ac: {  	_ =	swait.ge @!p0 [sflag:s0], s1  }
0x4ad: {  	s1 =	ssub.s32 @!p0 $0x0, s1;
	[sflag:s0] =	ssyncset.done @!p0 $0x0  }
0x4ae: {  	[sflag:s0] =	ssyncadd.s32 @!p0 s1  }
0x4af: {  	[bflag:$0x3] =	sbarrier.arrive $0xFFFF  }
0x4b0: {  	_ =	shalt  }

</sc_bundles>
